<compile_context>
chip_gen: v7x
topology: tpu7x:2x2x1
jax: 0.10.2.dev20260603
libtpu: 0.0.44.dev20260713+nightly
codegen_flags: <defaults>
</compile_context>

<pallas_src>
import functools
import jax
import jax.numpy as jnp
from jax import lax
from jax.experimental import pallas as pl
from jax.experimental.pallas import tpu as pltpu
from jax.experimental.pallas import tpu_sc as plsc

VOCAB = 1000000
D = 32
B = 4096
S = 200
NC = 2
NS = 16
NW = NC * NS
ROWS_PER_W = B // NW
L = 16

CH = 512
N_FULL = VOCAB // CH
TAIL = VOCAB - N_FULL * CH
T_PER_W = N_FULL // NW


def _tr_body(tabT_hbm, tail_hbm, out_hbm, bufA, bufB, outA, outB,
             siA, siB, soA, soB):
    wid = lax.axis_index("s") * NC + lax.axis_index("c")
    lanes = lax.iota(jnp.int32, L)

    def start_in(c, buf, sem):
        pltpu.make_async_copy(
            tabT_hbm.at[:, pl.ds(c * CH, CH)], buf, sem).start()

    def wait_in(buf, sem):
        pltpu.make_async_copy(
            tabT_hbm.at[:, pl.ds(0, CH)], buf, sem).wait()

    def start_out(outb, c, sem):
        pltpu.make_async_copy(outb, out_hbm.at[pl.ds(c * CH * D, CH * D)],
                              sem).start()

    def wait_out(outb, sem):
        pltpu.make_async_copy(outb, out_hbm.at[pl.ds(0, CH * D)], sem).wait()

    iotaD = lanes * D

    def transpose_chunk(buf, outb):
        @plsc.parallel_loop(0, CH, L, unroll=4)
        def grp(j0):
            base = j0 * D
            vs = [buf[f, pl.ds(j0, L)] for f in range(D)]
            for f in range(D):
                plsc.store_scatter(outb, [iotaD + (base + f)], vs[f])

    tmax = T_PER_W - 1

    def chunk_of(t):
        return wid + NW * jnp.minimum(t, tmax)

    start_in(chunk_of(0), bufA, siA)

    def body2(tt, _):
        t0 = 2 * tt
        t1 = t0 + 1
        start_in(chunk_of(t1), bufB, siB)
        wait_in(bufA, siA)

        @pl.when(tt > 0)
        def _():
            wait_out(outA, soA)

        transpose_chunk(bufA, outA)
        start_out(outA, chunk_of(t0), soA)

        start_in(chunk_of(t0 + 2), bufA, siA)
        wait_in(bufB, siB)

        @pl.when(tt > 0)
        def _():
            wait_out(outB, soB)

        transpose_chunk(bufB, outB)
        start_out(outB, chunk_of(t1), soB)
        return 0

    lax.fori_loop(0, (T_PER_W + 1) // 2, body2, 0)
    wait_in(bufA, siA)
    wait_out(outA, soA)
    wait_out(outB, soB)

    @pl.when(wid == 0)
    def _tail():
        pltpu.sync_copy(tabT_hbm.at[:, pl.ds((N_FULL - 1) * CH, CH)], bufA)
        transpose_chunk(bufA, outA)
        pltpu.sync_copy(outA,
                        out_hbm.at[pl.ds((N_FULL - 1) * CH * D, CH * D)])
        pltpu.sync_copy(tail_hbm, outB.at[pl.ds(0, TAIL * D)])
        pltpu.sync_copy(outB.at[pl.ds(0, TAIL * D)],
                        out_hbm.at[pl.ds(N_FULL * CH * D, TAIL * D)])


def _body(premise_hbm, hypothesis_hbm, table_hbm, wb_hbm, out_hbm,
          idx_p, idx_h, rows_p0, rows_h0, rows_p1, rows_h1,
          wb_v, out_v, sem0, sem1):
    wid = lax.axis_index("s") * NC + lax.axis_index("c")
    base = wid * ROWS_PER_W

    pltpu.sync_copy(premise_hbm.at[pl.ds(base, ROWS_PER_W)], idx_p)
    pltpu.sync_copy(hypothesis_hbm.at[pl.ds(base, ROWS_PER_W)], idx_h)
    pltpu.sync_copy(wb_hbm, wb_v)

    w0 = wb_v[pl.ds(0, L)]
    w1 = wb_v[pl.ds(16, L)]
    w2 = wb_v[pl.ds(32, L)]
    w3 = wb_v[pl.ds(48, L)]
    bv = wb_v[pl.ds(64, L)]
    lanes = lax.iota(jnp.int32, L)
    neg = jnp.full((L,), -jnp.inf, jnp.float32)
    dnums = lax.GatherDimensionNumbers(
        offset_dims=(), collapsed_slice_dims=(0,), start_index_map=(0,))

    def start_pair(r, rows_pb, rows_hb, sem):
        pltpu.make_async_copy(table_hbm.at[idx_p.at[r]], rows_pb, sem).start()
        pltpu.make_async_copy(table_hbm.at[idx_h.at[r]], rows_hb, sem).start()

    def wait_pair(rows_pb, rows_hb, sem):
        pltpu.make_async_copy(table_hbm.at[idx_p.at[0]], rows_pb, sem).wait()
        pltpu.make_async_copy(table_hbm.at[idx_h.at[0]], rows_hb, sem).wait()

    def compute_row(rows_pb, rows_hb):
        def mx(j, carry):
            m0, m1, m2, m3 = carry
            m0 = jnp.maximum(m0, rows_pb[j, pl.ds(0, L)])
            m1 = jnp.maximum(m1, rows_pb[j, pl.ds(16, L)])
            m2 = jnp.maximum(m2, rows_hb[j, pl.ds(0, L)])
            m3 = jnp.maximum(m3, rows_hb[j, pl.ds(16, L)])
            return (m0, m1, m2, m3)

        m0, m1, m2, m3 = lax.fori_loop(0, S, mx, (neg, neg, neg, neg),
                                       unroll=8)
        part = m0 * w0 + m1 * w1 + m2 * w2 + m3 * w3
        for off in (8, 4, 2, 1):
            perm = lax.gather(
                part, (lanes ^ off)[:, None], dnums, (1,),
                mode=lax.GatherScatterMode.PROMISE_IN_BOUNDS)
            part = part + perm
        return part

    start_pair(0, rows_p0, rows_h0, sem0)

    def body2(g, acc):
        r0 = 2 * g
        r1 = r0 + 1
        start_pair(r1, rows_p1, rows_h1, sem1)
        wait_pair(rows_p0, rows_h0, sem0)
        v = compute_row(rows_p0, rows_h0)
        acc = jnp.where(lanes == (r0 & 15), v, acc)
        start_pair(jnp.minimum(r1 + 1, ROWS_PER_W - 1), rows_p0, rows_h0,
                   sem0)
        wait_pair(rows_p1, rows_h1, sem1)
        v = compute_row(rows_p1, rows_h1)
        acc = jnp.where(lanes == (r1 & 15), v, acc)

        @pl.when((r1 & 15) == 15)
        def _flush():
            out_v[pl.ds((r1 >> 4) * L, L)] = 1.0 / (1.0 + jnp.exp(-(acc + bv)))

        return acc

    lax.fori_loop(0, ROWS_PER_W // 2, body2, jnp.zeros((L,), jnp.float32))
    wait_pair(rows_p0, rows_h0, sem0)
    pltpu.sync_copy(out_v, out_hbm.at[pl.ds(base, ROWS_PER_W)])


@jax.jit
def _run(premise, hypothesis, table, W, b):
    premise = premise.astype(jnp.int32)
    hypothesis = hypothesis.astype(jnp.int32)
    wb = jnp.concatenate(
        [W.reshape(2 * D).astype(jnp.float32),
         jnp.broadcast_to(b.astype(jnp.float32), (L,))])
    mesh = plsc.VectorSubcoreMesh(core_axis_name="c", subcore_axis_name="s")

    transpose = functools.partial(
        pl.kernel,
        mesh=mesh,
        out_type=jax.ShapeDtypeStruct((VOCAB * D,), jnp.float32),
        compiler_params=pltpu.CompilerParams(use_tc_tiling_on_sc=True,
                                             needs_layout_passes=False),
        scratch_types=[
            pltpu.VMEM((D, CH), jnp.float32),
            pltpu.VMEM((D, CH), jnp.float32),
            pltpu.VMEM((CH * D,), jnp.float32),
            pltpu.VMEM((CH * D,), jnp.float32),
            pltpu.SemaphoreType.DMA,
            pltpu.SemaphoreType.DMA,
            pltpu.SemaphoreType.DMA,
            pltpu.SemaphoreType.DMA,
        ],
    )(_tr_body)
    table_rm = transpose(table.T,
                         table[N_FULL * CH:].reshape(-1)).reshape(VOCAB, D)

    gather = functools.partial(
        pl.kernel,
        mesh=mesh,
        out_type=jax.ShapeDtypeStruct((B,), jnp.float32),
        compiler_params=pltpu.CompilerParams(use_tc_tiling_on_sc=False),
        scratch_types=[
            pltpu.VMEM((ROWS_PER_W, S), jnp.int32),
            pltpu.VMEM((ROWS_PER_W, S), jnp.int32),
            pltpu.VMEM((S, D), jnp.float32),
            pltpu.VMEM((S, D), jnp.float32),
            pltpu.VMEM((S, D), jnp.float32),
            pltpu.VMEM((S, D), jnp.float32),
            pltpu.VMEM((80,), jnp.float32),
            pltpu.VMEM((ROWS_PER_W,), jnp.float32),
            pltpu.SemaphoreType.DMA,
            pltpu.SemaphoreType.DMA,
        ],
    )(_body)
    return gather(premise, hypothesis, table_rm, wb)


def kernel(premise, hypothesis, table, W, b):
    return _run(premise, hypothesis, table, W, b)

# --- scband reference (transcript-rebuilt; emitter-appended) ---
"""Pipeline reference for scband-pooled-logistic-regression-29446295781664 (READ-ONLY COPY).

The authoritative reference and input builder live on the scoring server;
editing this copy changes nothing except your own understanding.
"""

import jax, jax.numpy as jnp
import numpy as np

VOCAB = 1000000
EMBED_DIM = 32
BATCH = 4096
SEQ = 200

def setup_inputs(seed: int = 0) -> dict:
    key = jax.random.key(seed)
    k1, k2, k3, k4, k5 = jax.random.split(key, 5)
    premise = jax.random.randint(k1, (BATCH, SEQ), 0, VOCAB, dtype=jnp.int64 if jax.config.jax_enable_x64 else jnp.int32)
    hypothesis = jax.random.randint(k2, (BATCH, SEQ), 0, VOCAB, dtype=jnp.int64 if jax.config.jax_enable_x64 else jnp.int32)
    table = jax.random.normal(k3, (VOCAB, EMBED_DIM), dtype=jnp.float32)
    W = jax.random.normal(k4, (2 * EMBED_DIM, 1), dtype=jnp.float32) * (1.0 / np.sqrt(2 * EMBED_DIM))
    b = jax.random.normal(k5, (1,), dtype=jnp.float32) * 0.01
    return {"premise": premise, "hypothesis": hypothesis, "table": table, "W": W, "b": b}

def reference(premise, hypothesis, table, W, b):
    embedded_premise = jnp.take(table, premise, axis=0)
    embedded_hypothesis = jnp.take(table, hypothesis, axis=0)
    pooled_premise = jnp.max(embedded_premise, axis=1)
    pooled_hypothesis = jnp.max(embedded_hypothesis, axis=1)
    concatenated = jnp.concatenate((pooled_premise, pooled_hypothesis), axis=1)
    predictions = concatenated @ W + b
    probabilities = jnp.squeeze(jax.nn.sigmoid(predictions), axis=1)
    return probabilities

if __name__ == "__main__":
    import jax
    _d = setup_inputs()
    print(jax.jit(kernel)(*tuple(_d.values())))

</pallas_src>

<mosaic_0001>
#map = affine_map<(d0, d1) -> (0, 0)>
#map1 = affine_map<(d0, d1) -> (0)>
module attributes {stable_mosaic.version = 14 : i64} {
  func.func @_tr_body(%arg0: i32, %arg1: i32, %arg2: memref<32x1000000xf32, #tpu.memory_space<hbm>>, %arg3: memref<2048xf32, #tpu.memory_space<hbm>>, %arg4: memref<32000000xf32, #tpu.memory_space<hbm>>, %arg5: memref<32x512xf32, #tpu.memory_space<vmem>>, %arg6: memref<32x512xf32, #tpu.memory_space<vmem>>, %arg7: memref<16384xf32, #tpu.memory_space<vmem>>, %arg8: memref<16384xf32, #tpu.memory_space<vmem>>, %arg9: memref<!tpu.dma_semaphore, #tpu.memory_space<semaphore_mem>>, %arg10: memref<!tpu.dma_semaphore, #tpu.memory_space<semaphore_mem>>, %arg11: memref<!tpu.dma_semaphore, #tpu.memory_space<semaphore_mem>>, %arg12: memref<!tpu.dma_semaphore, #tpu.memory_space<semaphore_mem>>) attributes {dimension_semantics = [#tpu.dimension_semantics<core_parallel>, #tpu.dimension_semantics<subcore_parallel>], iteration_bounds = array<i64: 2, 16>, scalar_prefetch = 0 : i64, scratch_operands = 8 : i64, tpu.core_type = #tpu.core_type<sc_vector_subcore>, window_params = [{transform_indices = #map}, {transform_indices = #map1}, {transform_indices = #map1}]} {
    %mul3A = arith.constant 2 : i32
    %mul3A_0 = arith.muli %arg1, %mul3A : i32
    %add3A = arith.addi %mul3A_0, %arg0 : i32
    %iota3A = tpu.iota {dimensions = array<i32: 0>} : vector<16xi32>
    %mul3A_1 = arith.constant 32 : i32
    %mul3A_2 = vector.broadcast %mul3A_1 : i32 to vector<16xi32>
    %mul3A_3 = arith.muli %iota3A, %mul3A_2 : vector<16xi32>
    %min3A = arith.constant 0 : i32
    %min3A_4 = arith.constant 60 : i32
    %min3A_5 = arith.minsi %min3A, %min3A_4 : i32
    %mul3A_6 = arith.constant 32 : i32
    %mul3A_7 = arith.muli %mul3A_6, %min3A_5 : i32
    %add3A_8 = arith.addi %add3A, %mul3A_7 : i32
    %mul3A_9 = arith.constant 512 : i32
    %mul3A_10 = arith.muli %add3A_8, %mul3A_9 : i32
    %dma_start3A = arith.constant 0 : i32
    %dma_start3A_11 = tpu.memref_slice %arg2[%dma_start3A, %mul3A_10] : memref<32x1000000xf32, #tpu.memory_space<hbm>> -> memref<32x512xf32, #tpu.memory_space<hbm>>
    %dma_start3A_12 = arith.constant 0 : i32
    %dma_start3A_13 = tpu.memref_slice %arg2[%dma_start3A_12, %mul3A_10] : memref<32x1000000xf32, #tpu.memory_space<hbm>> -> memref<32x512xf32, #tpu.memory_space<hbm>>
    tpu.enqueue_dma source(%dma_start3A_13 : memref<32x512xf32, #tpu.memory_space<hbm>>) target(%arg5 : memref<32x512xf32, #tpu.memory_space<vmem>>) target_semaphore(%arg9 : memref<!tpu.dma_semaphore, #tpu.memory_space<semaphore_mem>>)
    %scan3A = arith.constant 0 : i32
    %scan3A_14 = arith.constant 0 : i32
    %scan3A_15 = arith.constant 31 : i32
    %scan3A_16 = arith.addi %scan3A_14, %scan3A_15 : i32
    %scan3A_17 = arith.constant 1 : i32
    %scan3A_18 = scf.for %scan3A_35 = %scan3A_14 to %scan3A_16 step %scan3A_17 iter_args(%scan3A_36 = %scan3A) -> (i32)  : i32 {
      %mul3A_37 = arith.constant 2 : i32
      %mul3A_38 = arith.muli %mul3A_37, %scan3A_35 : i32
      %add3A_39 = arith.constant 1 : i32
      %add3A_40 = arith.addi %mul3A_38, %add3A_39 : i32
      %min3A_41 = arith.constant 60 : i32
      %min3A_42 = arith.minsi %add3A_40, %min3A_41 : i32
      %mul3A_43 = arith.constant 32 : i32
      %mul3A_44 = arith.muli %mul3A_43, %min3A_42 : i32
      %add3A_45 = arith.addi %add3A, %mul3A_44 : i32
      %mul3A_46 = arith.constant 512 : i32
      %mul3A_47 = arith.muli %add3A_45, %mul3A_46 : i32
      %dma_start3A_48 = arith.constant 0 : i32
      %dma_start3A_49 = tpu.memref_slice %arg2[%dma_start3A_48, %mul3A_47] : memref<32x1000000xf32, #tpu.memory_space<hbm>> -> memref<32x512xf32, #tpu.memory_space<hbm>>
      %dma_start3A_50 = arith.constant 0 : i32
      %dma_start3A_51 = tpu.memref_slice %arg2[%dma_start3A_50, %mul3A_47] : memref<32x1000000xf32, #tpu.memory_space<hbm>> -> memref<32x512xf32, #tpu.memory_space<hbm>>
      tpu.enqueue_dma source(%dma_start3A_51 : memref<32x512xf32, #tpu.memory_space<hbm>>) target(%arg6 : memref<32x512xf32, #tpu.memory_space<vmem>>) target_semaphore(%arg10 : memref<!tpu.dma_semaphore, #tpu.memory_space<semaphore_mem>>)
      %dma_wait3A_52 = arith.constant 0 : i32
      %dma_wait3A_53 = arith.constant 0 : i32
      %dma_wait3A_54 = tpu.memref_slice %arg2[%dma_wait3A_52, %dma_wait3A_53] : memref<32x1000000xf32, #tpu.memory_space<hbm>> -> memref<32x512xf32, #tpu.memory_space<hbm>>
      %dma_wait3A_55 = arith.constant 0 : i32
      %dma_wait3A_56 = arith.constant 0 : i32
      %dma_wait3A_57 = tpu.memref_slice %arg2[%dma_wait3A_55, %dma_wait3A_56] : memref<32x1000000xf32, #tpu.memory_space<hbm>> -> memref<32x512xf32, #tpu.memory_space<hbm>>
      tpu.wait_dma2 semaphore(%arg9 : memref<!tpu.dma_semaphore, #tpu.memory_space<semaphore_mem>>) src(%dma_wait3A_57 : memref<32x512xf32, #tpu.memory_space<hbm>>) dst(%arg5 : memref<32x512xf32, #tpu.memory_space<vmem>>)
      %gt3A = arith.constant 0 : i32
      %gt3A_58 = arith.cmpi sgt, %scan3A_35, %gt3A : i32
      %convert_element_type3A_59 = arith.extui %gt3A_58 : i1 to i32
      %cond3A_60 = arith.constant 0 : i32
      %cond3A_61 = arith.cmpi ne, %convert_element_type3A_59, %cond3A_60 : i32
      scf.if %cond3A_61 {
        %dma_wait3A_114 = arith.constant 0 : i32
        %dma_wait3A_115 = tpu.memref_slice %arg4[%dma_wait3A_114] : memref<32000000xf32, #tpu.memory_space<hbm>> -> memref<16384xf32, #tpu.memory_space<hbm>>
        %dma_wait3A_116 = arith.constant 0 : i32
        %dma_wait3A_117 = tpu.memref_slice %arg4[%dma_wait3A_116] : memref<32000000xf32, #tpu.memory_space<hbm>> -> memref<16384xf32, #tpu.memory_space<hbm>>
        tpu.wait_dma2 semaphore(%arg11 : memref<!tpu.dma_semaphore, #tpu.memory_space<semaphore_mem>>) src(%arg7 : memref<16384xf32, #tpu.memory_space<vmem>>) dst(%dma_wait3A_117 : memref<16384xf32, #tpu.memory_space<hbm>>)
      } else {
      }
      %parallel_loop3A = arith.constant 0 : i32
      %parallel_loop3A_62 = arith.constant 512 : i32
      %parallel_loop3A_63 = arith.constant 16 : i32
      scf.for %parallel_loop3A_114 = %parallel_loop3A to %parallel_loop3A_62 step %parallel_loop3A_63  : i32 {
        %parallel_loop3A_115 = arith.constant 32 : i32
        %parallel_loop3A_116 = arith.muli %parallel_loop3A_114, %parallel_loop3A_115 : i32
        %parallel_loop3A_117 = arith.constant 0 : i32
        %parallel_loop3A_118 = arith.index_cast %parallel_loop3A_117 : i32 to index
        %parallel_loop3A_119 = arith.index_cast %parallel_loop3A_114 : i32 to index
        %parallel_loop3A_120 = tpu.vector_load %arg5[%parallel_loop3A_118, %parallel_loop3A_119] {strides = array<i32>} : memref<32x512xf32, #tpu.memory_space<vmem>>, vector<16xf32>,
        %parallel_loop3A_121 = arith.constant 1 : i32
        %parallel_loop3A_122 = arith.index_cast %parallel_loop3A_121 : i32 to index
        %parallel_loop3A_123 = arith.index_cast %parallel_loop3A_114 : i32 to index
        %parallel_loop3A_124 = tpu.vector_load %arg5[%parallel_loop3A_122, %parallel_loop3A_123] {strides = array<i32>} : memref<32x512xf32, #tpu.memory_space<vmem>>, vector<16xf32>,
        %parallel_loop3A_125 = arith.constant 2 : i32
        %parallel_loop3A_126 = arith.index_cast %parallel_loop3A_125 : i32 to index
        %parallel_loop3A_127 = arith.index_cast %parallel_loop3A_114 : i32 to index
        %parallel_loop3A_128 = tpu.vector_load %arg5[%parallel_loop3A_126, %parallel_loop3A_127] {strides = array<i32>} : memref<32x512xf32, #tpu.memory_space<vmem>>, vector<16xf32>,
        %parallel_loop3A_129 = arith.constant 3 : i32
        %parallel_loop3A_130 = arith.index_cast %parallel_loop3A_129 : i32 to index
        %parallel_loop3A_131 = arith.index_cast %parallel_loop3A_114 : i32 to index
        %parallel_loop3A_132 = tpu.vector_load %arg5[%parallel_loop3A_130, %parallel_loop3A_131] {strides = array<i32>} : memref<32x512xf32, #tpu.memory_space<vmem>>, vector<16xf32>,
        %parallel_loop3A_133 = arith.constant 4 : i32
        %parallel_loop3A_134 = arith.index_cast %parallel_loop3A_133 : i32 to index
        %parallel_loop3A_135 = arith.index_cast %parallel_loop3A_114 : i32 to index
        %parallel_loop3A_136 = tpu.vector_load %arg5[%parallel_loop3A_134, %parallel_loop3A_135] {strides = array<i32>} : memref<32x512xf32, #tpu.memory_space<vmem>>, vector<16xf32>,
        %parallel_loop3A_137 = arith.constant 5 : i32
        %parallel_loop3A_138 = arith.index_cast %parallel_loop3A_137 : i32 to index
        %parallel_loop3A_139 = arith.index_cast %parallel_loop3A_114 : i32 to index
        %parallel_loop3A_140 = tpu.vector_load %arg5[%parallel_loop3A_138, %parallel_loop3A_139] {strides = array<i32>} : memref<32x512xf32, #tpu.memory_space<vmem>>, vector<16xf32>,
        %parallel_loop3A_141 = arith.constant 6 : i32
        %parallel_loop3A_142 = arith.index_cast %parallel_loop3A_141 : i32 to index
        %parallel_loop3A_143 = arith.index_cast %parallel_loop3A_114 : i32 to index
        %parallel_loop3A_144 = tpu.vector_load %arg5[%parallel_loop3A_142, %parallel_loop3A_143] {strides = array<i32>} : memref<32x512xf32, #tpu.memory_space<vmem>>, vector<16xf32>,
        %parallel_loop3A_145 = arith.constant 7 : i32
        %parallel_loop3A_146 = arith.index_cast %parallel_loop3A_145 : i32 to index
        %parallel_loop3A_147 = arith.index_cast %parallel_loop3A_114 : i32 to index
        %parallel_loop3A_148 = tpu.vector_load %arg5[%parallel_loop3A_146, %parallel_loop3A_147] {strides = array<i32>} : memref<32x512xf32, #tpu.memory_space<vmem>>, vector<16xf32>,
        %parallel_loop3A_149 = arith.constant 8 : i32
        %parallel_loop3A_150 = arith.index_cast %parallel_loop3A_149 : i32 to index
        %parallel_loop3A_151 = arith.index_cast %parallel_loop3A_114 : i32 to index
        %parallel_loop3A_152 = tpu.vector_load %arg5[%parallel_loop3A_150, %parallel_loop3A_151] {strides = array<i32>} : memref<32x512xf32, #tpu.memory_space<vmem>>, vector<16xf32>,
        %parallel_loop3A_153 = arith.constant 9 : i32
        %parallel_loop3A_154 = arith.index_cast %parallel_loop3A_153 : i32 to index
        %parallel_loop3A_155 = arith.index_cast %parallel_loop3A_114 : i32 to index
        %parallel_loop3A_156 = tpu.vector_load %arg5[%parallel_loop3A_154, %parallel_loop3A_155] {strides = array<i32>} : memref<32x512xf32, #tpu.memory_space<vmem>>, vector<16xf32>,
        %parallel_loop3A_157 = arith.constant 10 : i32
        %parallel_loop3A_158 = arith.index_cast %parallel_loop3A_157 : i32 to index
        %parallel_loop3A_159 = arith.index_cast %parallel_loop3A_114 : i32 to index
        %parallel_loop3A_160 = tpu.vector_load %arg5[%parallel_loop3A_158, %parallel_loop3A_159] {strides = array<i32>} : memref<32x512xf32, #tpu.memory_space<vmem>>, vector<16xf32>,
        %parallel_loop3A_161 = arith.constant 11 : i32
        %parallel_loop3A_162 = arith.index_cast %parallel_loop3A_161 : i32 to index
        %parallel_loop3A_163 = arith.index_cast %parallel_loop3A_114 : i32 to index
        %parallel_loop3A_164 = tpu.vector_load %arg5[%parallel_loop3A_162, %parallel_loop3A_163] {strides = array<i32>} : memref<32x512xf32, #tpu.memory_space<vmem>>, vector<16xf32>,
        %parallel_loop3A_165 = arith.constant 12 : i32
        %parallel_loop3A_166 = arith.index_cast %parallel_loop3A_165 : i32 to index
        %parallel_loop3A_167 = arith.index_cast %parallel_loop3A_114 : i32 to index
        %parallel_loop3A_168 = tpu.vector_load %arg5[%parallel_loop3A_166, %parallel_loop3A_167] {strides = array<i32>} : memref<32x512xf32, #tpu.memory_space<vmem>>, vector<16xf32>,
        %parallel_loop3A_169 = arith.constant 13 : i32
        %parallel_loop3A_170 = arith.index_cast %parallel_loop3A_169 : i32 to index
        %parallel_loop3A_171 = arith.index_cast %parallel_loop3A_114 : i32 to index
        %parallel_loop3A_172 = tpu.vector_load %arg5[%parallel_loop3A_170, %parallel_loop3A_171] {strides = array<i32>} : memref<32x512xf32, #tpu.memory_space<vmem>>, vector<16xf32>,
        %parallel_loop3A_173 = arith.constant 14 : i32
        %parallel_loop3A_174 = arith.index_cast %parallel_loop3A_173 : i32 to index
        %parallel_loop3A_175 = arith.index_cast %parallel_loop3A_114 : i32 to index
        %parallel_loop3A_176 = tpu.vector_load %arg5[%parallel_loop3A_174, %parallel_loop3A_175] {strides = array<i32>} : memref<32x512xf32, #tpu.memory_space<vmem>>, vector<16xf32>,
        %parallel_loop3A_177 = arith.constant 15 : i32
        %parallel_loop3A_178 = arith.index_cast %parallel_loop3A_177 : i32 to index
        %parallel_loop3A_179 = arith.index_cast %parallel_loop3A_114 : i32 to index
        %parallel_loop3A_180 = tpu.vector_load %arg5[%parallel_loop3A_178, %parallel_loop3A_179] {strides = array<i32>} : memref<32x512xf32, #tpu.memory_space<vmem>>, vector<16xf32>,
        %parallel_loop3A_181 = arith.constant 16 : i32
        %parallel_loop3A_182 = arith.index_cast %parallel_loop3A_181 : i32 to index
        %parallel_loop3A_183 = arith.index_cast %parallel_loop3A_114 : i32 to index
        %parallel_loop3A_184 = tpu.vector_load %arg5[%parallel_loop3A_182, %parallel_loop3A_183] {strides = array<i32>} : memref<32x512xf32, #tpu.memory_space<vmem>>, vector<16xf32>,
        %parallel_loop3A_185 = arith.constant 17 : i32
        %parallel_loop3A_186 = arith.index_cast %parallel_loop3A_185 : i32 to index
        %parallel_loop3A_187 = arith.index_cast %parallel_loop3A_114 : i32 to index
        %parallel_loop3A_188 = tpu.vector_load %arg5[%parallel_loop3A_186, %parallel_loop3A_187] {strides = array<i32>} : memref<32x512xf32, #tpu.memory_space<vmem>>, vector<16xf32>,
        %parallel_loop3A_189 = arith.constant 18 : i32
        %parallel_loop3A_190 = arith.index_cast %parallel_loop3A_189 : i32 to index
        %parallel_loop3A_191 = arith.index_cast %parallel_loop3A_114 : i32 to index
        %parallel_loop3A_192 = tpu.vector_load %arg5[%parallel_loop3A_190, %parallel_loop3A_191] {strides = array<i32>} : memref<32x512xf32, #tpu.memory_space<vmem>>, vector<16xf32>,
        %parallel_loop3A_193 = arith.constant 19 : i32
        %parallel_loop3A_194 = arith.index_cast %parallel_loop3A_193 : i32 to index
        %parallel_loop3A_195 = arith.index_cast %parallel_loop3A_114 : i32 to index
        %parallel_loop3A_196 = tpu.vector_load %arg5[%parallel_loop3A_194, %parallel_loop3A_195] {strides = array<i32>} : memref<32x512xf32, #tpu.memory_space<vmem>>, vector<16xf32>,
        %parallel_loop3A_197 = arith.constant 20 : i32
        %parallel_loop3A_198 = arith.index_cast %parallel_loop3A_197 : i32 to index
        %parallel_loop3A_199 = arith.index_cast %parallel_loop3A_114 : i32 to index
        %parallel_loop3A_200 = tpu.vector_load %arg5[%parallel_loop3A_198, %parallel_loop3A_199] {strides = array<i32>} : memref<32x512xf32, #tpu.memory_space<vmem>>, vector<16xf32>,
        %parallel_loop3A_201 = arith.constant 21 : i32
        %parallel_loop3A_202 = arith.index_cast %parallel_loop3A_201 : i32 to index
        %parallel_loop3A_203 = arith.index_cast %parallel_loop3A_114 : i32 to index
        %parallel_loop3A_204 = tpu.vector_load %arg5[%parallel_loop3A_202, %parallel_loop3A_203] {strides = array<i32>} : memref<32x512xf32, #tpu.memory_space<vmem>>, vector<16xf32>,
        %parallel_loop3A_205 = arith.constant 22 : i32
        %parallel_loop3A_206 = arith.index_cast %parallel_loop3A_205 : i32 to index
        %parallel_loop3A_207 = arith.index_cast %parallel_loop3A_114 : i32 to index
        %parallel_loop3A_208 = tpu.vector_load %arg5[%parallel_loop3A_206, %parallel_loop3A_207] {strides = array<i32>} : memref<32x512xf32, #tpu.memory_space<vmem>>, vector<16xf32>,
        %parallel_loop3A_209 = arith.constant 23 : i32
        %parallel_loop3A_210 = arith.index_cast %parallel_loop3A_209 : i32 to index
        %parallel_loop3A_211 = arith.index_cast %parallel_loop3A_114 : i32 to index
        %parallel_loop3A_212 = tpu.vector_load %arg5[%parallel_loop3A_210, %parallel_loop3A_211] {strides = array<i32>} : memref<32x512xf32, #tpu.memory_space<vmem>>, vector<16xf32>,
        %parallel_loop3A_213 = arith.constant 24 : i32
        %parallel_loop3A_214 = arith.index_cast %parallel_loop3A_213 : i32 to index
        %parallel_loop3A_215 = arith.index_cast %parallel_loop3A_114 : i32 to index
        %parallel_loop3A_216 = tpu.vector_load %arg5[%parallel_loop3A_214, %parallel_loop3A_215] {strides = array<i32>} : memref<32x512xf32, #tpu.memory_space<vmem>>, vector<16xf32>,
        %parallel_loop3A_217 = arith.constant 25 : i32
        %parallel_loop3A_218 = arith.index_cast %parallel_loop3A_217 : i32 to index
        %parallel_loop3A_219 = arith.index_cast %parallel_loop3A_114 : i32 to index
        %parallel_loop3A_220 = tpu.vector_load %arg5[%parallel_loop3A_218, %parallel_loop3A_219] {strides = array<i32>} : memref<32x512xf32, #tpu.memory_space<vmem>>, vector<16xf32>,
        %parallel_loop3A_221 = arith.constant 26 : i32
        %parallel_loop3A_222 = arith.index_cast %parallel_loop3A_221 : i32 to index
        %parallel_loop3A_223 = arith.index_cast %parallel_loop3A_114 : i32 to index
        %parallel_loop3A_224 = tpu.vector_load %arg5[%parallel_loop3A_222, %parallel_loop3A_223] {strides = array<i32>} : memref<32x512xf32, #tpu.memory_space<vmem>>, vector<16xf32>,
        %parallel_loop3A_225 = arith.constant 27 : i32
        %parallel_loop3A_226 = arith.index_cast %parallel_loop3A_225 : i32 to index
        %parallel_loop3A_227 = arith.index_cast %parallel_loop3A_114 : i32 to index
        %parallel_loop3A_228 = tpu.vector_load %arg5[%parallel_loop3A_226, %parallel_loop3A_227] {strides = array<i32>} : memref<32x512xf32, #tpu.memory_space<vmem>>, vector<16xf32>,
        %parallel_loop3A_229 = arith.constant 28 : i32
        %parallel_loop3A_230 = arith.index_cast %parallel_loop3A_229 : i32 to index
        %parallel_loop3A_231 = arith.index_cast %parallel_loop3A_114 : i32 to index
        %parallel_loop3A_232 = tpu.vector_load %arg5[%parallel_loop3A_230, %parallel_loop3A_231] {strides = array<i32>} : memref<32x512xf32, #tpu.memory_space<vmem>>, vector<16xf32>,
        %parallel_loop3A_233 = arith.constant 29 : i32
        %parallel_loop3A_234 = arith.index_cast %parallel_loop3A_233 : i32 to index
        %parallel_loop3A_235 = arith.index_cast %parallel_loop3A_114 : i32 to index
        %parallel_loop3A_236 = tpu.vector_load %arg5[%parallel_loop3A_234, %parallel_loop3A_235] {strides = array<i32>} : memref<32x512xf32, #tpu.memory_space<vmem>>, vector<16xf32>,
        %parallel_loop3A_237 = arith.constant 30 : i32
        %parallel_loop3A_238 = arith.index_cast %parallel_loop3A_237 : i32 to index
        %parallel_loop3A_239 = arith.index_cast %parallel_loop3A_114 : i32 to index
        %parallel_loop3A_240 = tpu.vector_load %arg5[%parallel_loop3A_238, %parallel_loop3A_239] {strides = array<i32>} : memref<32x512xf32, #tpu.memory_space<vmem>>, vector<16xf32>,
        %parallel_loop3A_241 = arith.constant 31 : i32
        %parallel_loop3A_242 = arith.index_cast %parallel_loop3A_241 : i32 to index
        %parallel_loop3A_243 = arith.index_cast %parallel_loop3A_114 : i32 to index
        %parallel_loop3A_244 = tpu.vector_load %arg5[%parallel_loop3A_242, %parallel_loop3A_243] {strides = array<i32>} : memref<32x512xf32, #tpu.memory_space<vmem>>, vector<16xf32>,
        %parallel_loop3A_245 = arith.constant 0 : i32
        %parallel_loop3A_246 = arith.addi %parallel_loop3A_116, %parallel_loop3A_245 : i32
        %parallel_loop3A_247 = vector.broadcast %parallel_loop3A_246 : i32 to vector<16xi32>
        %parallel_loop3A_248 = arith.addi %mul3A_3, %parallel_loop3A_247 : vector<16xi32>
        tpu.vector_store_idx %arg7[%parallel_loop3A_248], %parallel_loop3A_120 : memref<16384xf32, #tpu.memory_space<vmem>>[vector<16xi32>], vector<16xf32>,
        %parallel_loop3A_249 = arith.constant 1 : i32
        %parallel_loop3A_250 = arith.addi %parallel_loop3A_116, %parallel_loop3A_249 : i32
        %parallel_loop3A_251 = vector.broadcast %parallel_loop3A_250 : i32 to vector<16xi32>
        %parallel_loop3A_252 = arith.addi %mul3A_3, %parallel_loop3A_251 : vector<16xi32>
        tpu.vector_store_idx %arg7[%parallel_loop3A_252], %parallel_loop3A_124 : memref<16384xf32, #tpu.memory_space<vmem>>[vector<16xi32>], vector<16xf32>,
        %parallel_loop3A_253 = arith.constant 2 : i32
        %parallel_loop3A_254 = arith.addi %parallel_loop3A_116, %parallel_loop3A_253 : i32
        %parallel_loop3A_255 = vector.broadcast %parallel_loop3A_254 : i32 to vector<16xi32>
        %parallel_loop3A_256 = arith.addi %mul3A_3, %parallel_loop3A_255 : vector<16xi32>
        tpu.vector_store_idx %arg7[%parallel_loop3A_256], %parallel_loop3A_128 : memref<16384xf32, #tpu.memory_space<vmem>>[vector<16xi32>], vector<16xf32>,
        %parallel_loop3A_257 = arith.constant 3 : i32
        %parallel_loop3A_258 = arith.addi %parallel_loop3A_116, %parallel_loop3A_257 : i32
        %parallel_loop3A_259 = vector.broadcast %parallel_loop3A_258 : i32 to vector<16xi32>
        %parallel_loop3A_260 = arith.addi %mul3A_3, %parallel_loop3A_259 : vector<16xi32>
        tpu.vector_store_idx %arg7[%parallel_loop3A_260], %parallel_loop3A_132 : memref<16384xf32, #tpu.memory_space<vmem>>[vector<16xi32>], vector<16xf32>,
        %parallel_loop3A_261 = arith.constant 4 : i32
        %parallel_loop3A_262 = arith.addi %parallel_loop3A_116, %parallel_loop3A_261 : i32
        %parallel_loop3A_263 = vector.broadcast %parallel_loop3A_262 : i32 to vector<16xi32>
        %parallel_loop3A_264 = arith.addi %mul3A_3, %parallel_loop3A_263 : vector<16xi32>
        tpu.vector_store_idx %arg7[%parallel_loop3A_264], %parallel_loop3A_136 : memref<16384xf32, #tpu.memory_space<vmem>>[vector<16xi32>], vector<16xf32>,
        %parallel_loop3A_265 = arith.constant 5 : i32
        %parallel_loop3A_266 = arith.addi %parallel_loop3A_116, %parallel_loop3A_265 : i32
        %parallel_loop3A_267 = vector.broadcast %parallel_loop3A_266 : i32 to vector<16xi32>
        %parallel_loop3A_268 = arith.addi %mul3A_3, %parallel_loop3A_267 : vector<16xi32>
        tpu.vector_store_idx %arg7[%parallel_loop3A_268], %parallel_loop3A_140 : memref<16384xf32, #tpu.memory_space<vmem>>[vector<16xi32>], vector<16xf32>,
        %parallel_loop3A_269 = arith.constant 6 : i32
        %parallel_loop3A_270 = arith.addi %parallel_loop3A_116, %parallel_loop3A_269 : i32
        %parallel_loop3A_271 = vector.broadcast %parallel_loop3A_270 : i32 to vector<16xi32>
        %parallel_loop3A_272 = arith.addi %mul3A_3, %parallel_loop3A_271 : vector<16xi32>
        tpu.vector_store_idx %arg7[%parallel_loop3A_272], %parallel_loop3A_144 : memref<16384xf32, #tpu.memory_space<vmem>>[vector<16xi32>], vector<16xf32>,
        %parallel_loop3A_273 = arith.constant 7 : i32
        %parallel_loop3A_274 = arith.addi %parallel_loop3A_116, %parallel_loop3A_273 : i32
        %parallel_loop3A_275 = vector.broadcast %parallel_loop3A_274 : i32 to vector<16xi32>
        %parallel_loop3A_276 = arith.addi %mul3A_3, %parallel_loop3A_275 : vector<16xi32>
        tpu.vector_store_idx %arg7[%parallel_loop3A_276], %parallel_loop3A_148 : memref<16384xf32, #tpu.memory_space<vmem>>[vector<16xi32>], vector<16xf32>,
        %parallel_loop3A_277 = arith.constant 8 : i32
        %parallel_loop3A_278 = arith.addi %parallel_loop3A_116, %parallel_loop3A_277 : i32
        %parallel_loop3A_279 = vector.broadcast %parallel_loop3A_278 : i32 to vector<16xi32>
        %parallel_loop3A_280 = arith.addi %mul3A_3, %parallel_loop3A_279 : vector<16xi32>
        tpu.vector_store_idx %arg7[%parallel_loop3A_280], %parallel_loop3A_152 : memref<16384xf32, #tpu.memory_space<vmem>>[vector<16xi32>], vector<16xf32>,
        %parallel_loop3A_281 = arith.constant 9 : i32
        %parallel_loop3A_282 = arith.addi %parallel_loop3A_116, %parallel_loop3A_281 : i32
        %parallel_loop3A_283 = vector.broadcast %parallel_loop3A_282 : i32 to vector<16xi32>
        %parallel_loop3A_284 = arith.addi %mul3A_3, %parallel_loop3A_283 : vector<16xi32>
        tpu.vector_store_idx %arg7[%parallel_loop3A_284], %parallel_loop3A_156 : memref<16384xf32, #tpu.memory_space<vmem>>[vector<16xi32>], vector<16xf32>,
        %parallel_loop3A_285 = arith.constant 10 : i32
        %parallel_loop3A_286 = arith.addi %parallel_loop3A_116, %parallel_loop3A_285 : i32
        %parallel_loop3A_287 = vector.broadcast %parallel_loop3A_286 : i32 to vector<16xi32>
        %parallel_loop3A_288 = arith.addi %mul3A_3, %parallel_loop3A_287 : vector<16xi32>
        tpu.vector_store_idx %arg7[%parallel_loop3A_288], %parallel_loop3A_160 : memref<16384xf32, #tpu.memory_space<vmem>>[vector<16xi32>], vector<16xf32>,
        %parallel_loop3A_289 = arith.constant 11 : i32
        %parallel_loop3A_290 = arith.addi %parallel_loop3A_116, %parallel_loop3A_289 : i32
        %parallel_loop3A_291 = vector.broadcast %parallel_loop3A_290 : i32 to vector<16xi32>
        %parallel_loop3A_292 = arith.addi %mul3A_3, %parallel_loop3A_291 : vector<16xi32>
        tpu.vector_store_idx %arg7[%parallel_loop3A_292], %parallel_loop3A_164 : memref<16384xf32, #tpu.memory_space<vmem>>[vector<16xi32>], vector<16xf32>,
        %parallel_loop3A_293 = arith.constant 12 : i32
        %parallel_loop3A_294 = arith.addi %parallel_loop3A_116, %parallel_loop3A_293 : i32
        %parallel_loop3A_295 = vector.broadcast %parallel_loop3A_294 : i32 to vector<16xi32>
        %parallel_loop3A_296 = arith.addi %mul3A_3, %parallel_loop3A_295 : vector<16xi32>
        tpu.vector_store_idx %arg7[%parallel_loop3A_296], %parallel_loop3A_168 : memref<16384xf32, #tpu.memory_space<vmem>>[vector<16xi32>], vector<16xf32>,
        %parallel_loop3A_297 = arith.constant 13 : i32
        %parallel_loop3A_298 = arith.addi %parallel_loop3A_116, %parallel_loop3A_297 : i32
        %parallel_loop3A_299 = vector.broadcast %parallel_loop3A_298 : i32 to vector<16xi32>
        %parallel_loop3A_300 = arith.addi %mul3A_3, %parallel_loop3A_299 : vector<16xi32>
        tpu.vector_store_idx %arg7[%parallel_loop3A_300], %parallel_loop3A_172 : memref<16384xf32, #tpu.memory_space<vmem>>[vector<16xi32>], vector<16xf32>,
        %parallel_loop3A_301 = arith.constant 14 : i32
        %parallel_loop3A_302 = arith.addi %parallel_loop3A_116, %parallel_loop3A_301 : i32
        %parallel_loop3A_303 = vector.broadcast %parallel_loop3A_302 : i32 to vector<16xi32>
        %parallel_loop3A_304 = arith.addi %mul3A_3, %parallel_loop3A_303 : vector<16xi32>
        tpu.vector_store_idx %arg7[%parallel_loop3A_304], %parallel_loop3A_176 : memref<16384xf32, #tpu.memory_space<vmem>>[vector<16xi32>], vector<16xf32>,
        %parallel_loop3A_305 = arith.constant 15 : i32
        %parallel_loop3A_306 = arith.addi %parallel_loop3A_116, %parallel_loop3A_305 : i32
        %parallel_loop3A_307 = vector.broadcast %parallel_loop3A_306 : i32 to vector<16xi32>
        %parallel_loop3A_308 = arith.addi %mul3A_3, %parallel_loop3A_307 : vector<16xi32>
        tpu.vector_store_idx %arg7[%parallel_loop3A_308], %parallel_loop3A_180 : memref<16384xf32, #tpu.memory_space<vmem>>[vector<16xi32>], vector<16xf32>,
        %parallel_loop3A_309 = arith.constant 16 : i32
        %parallel_loop3A_310 = arith.addi %parallel_loop3A_116, %parallel_loop3A_309 : i32
        %parallel_loop3A_311 = vector.broadcast %parallel_loop3A_310 : i32 to vector<16xi32>
        %parallel_loop3A_312 = arith.addi %mul3A_3, %parallel_loop3A_311 : vector<16xi32>
        tpu.vector_store_idx %arg7[%parallel_loop3A_312], %parallel_loop3A_184 : memref<16384xf32, #tpu.memory_space<vmem>>[vector<16xi32>], vector<16xf32>,
        %parallel_loop3A_313 = arith.constant 17 : i32
        %parallel_loop3A_314 = arith.addi %parallel_loop3A_116, %parallel_loop3A_313 : i32
        %parallel_loop3A_315 = vector.broadcast %parallel_loop3A_314 : i32 to vector<16xi32>
        %parallel_loop3A_316 = arith.addi %mul3A_3, %parallel_loop3A_315 : vector<16xi32>
        tpu.vector_store_idx %arg7[%parallel_loop3A_316], %parallel_loop3A_188 : memref<16384xf32, #tpu.memory_space<vmem>>[vector<16xi32>], vector<16xf32>,
        %parallel_loop3A_317 = arith.constant 18 : i32
        %parallel_loop3A_318 = arith.addi %parallel_loop3A_116, %parallel_loop3A_317 : i32
        %parallel_loop3A_319 = vector.broadcast %parallel_loop3A_318 : i32 to vector<16xi32>
        %parallel_loop3A_320 = arith.addi %mul3A_3, %parallel_loop3A_319 : vector<16xi32>
        tpu.vector_store_idx %arg7[%parallel_loop3A_320], %parallel_loop3A_192 : memref<16384xf32, #tpu.memory_space<vmem>>[vector<16xi32>], vector<16xf32>,
        %parallel_loop3A_321 = arith.constant 19 : i32
        %parallel_loop3A_322 = arith.addi %parallel_loop3A_116, %parallel_loop3A_321 : i32
        %parallel_loop3A_323 = vector.broadcast %parallel_loop3A_322 : i32 to vector<16xi32>
        %parallel_loop3A_324 = arith.addi %mul3A_3, %parallel_loop3A_323 : vector<16xi32>
        tpu.vector_store_idx %arg7[%parallel_loop3A_324], %parallel_loop3A_196 : memref<16384xf32, #tpu.memory_space<vmem>>[vector<16xi32>], vector<16xf32>,
        %parallel_loop3A_325 = arith.constant 20 : i32
        %parallel_loop3A_326 = arith.addi %parallel_loop3A_116, %parallel_loop3A_325 : i32
        %parallel_loop3A_327 = vector.broadcast %parallel_loop3A_326 : i32 to vector<16xi32>
        %parallel_loop3A_328 = arith.addi %mul3A_3, %parallel_loop3A_327 : vector<16xi32>
        tpu.vector_store_idx %arg7[%parallel_loop3A_328], %parallel_loop3A_200 : memref<16384xf32, #tpu.memory_space<vmem>>[vector<16xi32>], vector<16xf32>,
        %parallel_loop3A_329 = arith.constant 21 : i32
        %parallel_loop3A_330 = arith.addi %parallel_loop3A_116, %parallel_loop3A_329 : i32
        %parallel_loop3A_331 = vector.broadcast %parallel_loop3A_330 : i32 to vector<16xi32>
        %parallel_loop3A_332 = arith.addi %mul3A_3, %parallel_loop3A_331 : vector<16xi32>
        tpu.vector_store_idx %arg7[%parallel_loop3A_332], %parallel_loop3A_204 : memref<16384xf32, #tpu.memory_space<vmem>>[vector<16xi32>], vector<16xf32>,
        %parallel_loop3A_333 = arith.constant 22 : i32
        %parallel_loop3A_334 = arith.addi %parallel_loop3A_116, %parallel_loop3A_333 : i32
        %parallel_loop3A_335 = vector.broadcast %parallel_loop3A_334 : i32 to vector<16xi32>
        %parallel_loop3A_336 = arith.addi %mul3A_3, %parallel_loop3A_335 : vector<16xi32>
        tpu.vector_store_idx %arg7[%parallel_loop3A_336], %parallel_loop3A_208 : memref<16384xf32, #tpu.memory_space<vmem>>[vector<16xi32>], vector<16xf32>,
        %parallel_loop3A_337 = arith.constant 23 : i32
        %parallel_loop3A_338 = arith.addi %parallel_loop3A_116, %parallel_loop3A_337 : i32
        %parallel_loop3A_339 = vector.broadcast %parallel_loop3A_338 : i32 to vector<16xi32>
        %parallel_loop3A_340 = arith.addi %mul3A_3, %parallel_loop3A_339 : vector<16xi32>
        tpu.vector_store_idx %arg7[%parallel_loop3A_340], %parallel_loop3A_212 : memref<16384xf32, #tpu.memory_space<vmem>>[vector<16xi32>], vector<16xf32>,
        %parallel_loop3A_341 = arith.constant 24 : i32
        %parallel_loop3A_342 = arith.addi %parallel_loop3A_116, %parallel_loop3A_341 : i32
        %parallel_loop3A_343 = vector.broadcast %parallel_loop3A_342 : i32 to vector<16xi32>
        %parallel_loop3A_344 = arith.addi %mul3A_3, %parallel_loop3A_343 : vector<16xi32>
        tpu.vector_store_idx %arg7[%parallel_loop3A_344], %parallel_loop3A_216 : memref<16384xf32, #tpu.memory_space<vmem>>[vector<16xi32>], vector<16xf32>,
        %parallel_loop3A_345 = arith.constant 25 : i32
        %parallel_loop3A_346 = arith.addi %parallel_loop3A_116, %parallel_loop3A_345 : i32
        %parallel_loop3A_347 = vector.broadcast %parallel_loop3A_346 : i32 to vector<16xi32>
        %parallel_loop3A_348 = arith.addi %mul3A_3, %parallel_loop3A_347 : vector<16xi32>
        tpu.vector_store_idx %arg7[%parallel_loop3A_348], %parallel_loop3A_220 : memref<16384xf32, #tpu.memory_space<vmem>>[vector<16xi32>], vector<16xf32>,
        %parallel_loop3A_349 = arith.constant 26 : i32
        %parallel_loop3A_350 = arith.addi %parallel_loop3A_116, %parallel_loop3A_349 : i32
        %parallel_loop3A_351 = vector.broadcast %parallel_loop3A_350 : i32 to vector<16xi32>
        %parallel_loop3A_352 = arith.addi %mul3A_3, %parallel_loop3A_351 : vector<16xi32>
        tpu.vector_store_idx %arg7[%parallel_loop3A_352], %parallel_loop3A_224 : memref<16384xf32, #tpu.memory_space<vmem>>[vector<16xi32>], vector<16xf32>,
        %parallel_loop3A_353 = arith.constant 27 : i32
        %parallel_loop3A_354 = arith.addi %parallel_loop3A_116, %parallel_loop3A_353 : i32
        %parallel_loop3A_355 = vector.broadcast %parallel_loop3A_354 : i32 to vector<16xi32>
        %parallel_loop3A_356 = arith.addi %mul3A_3, %parallel_loop3A_355 : vector<16xi32>
        tpu.vector_store_idx %arg7[%parallel_loop3A_356], %parallel_loop3A_228 : memref<16384xf32, #tpu.memory_space<vmem>>[vector<16xi32>], vector<16xf32>,
        %parallel_loop3A_357 = arith.constant 28 : i32
        %parallel_loop3A_358 = arith.addi %parallel_loop3A_116, %parallel_loop3A_357 : i32
        %parallel_loop3A_359 = vector.broadcast %parallel_loop3A_358 : i32 to vector<16xi32>
        %parallel_loop3A_360 = arith.addi %mul3A_3, %parallel_loop3A_359 : vector<16xi32>
        tpu.vector_store_idx %arg7[%parallel_loop3A_360], %parallel_loop3A_232 : memref<16384xf32, #tpu.memory_space<vmem>>[vector<16xi32>], vector<16xf32>,
        %parallel_loop3A_361 = arith.constant 29 : i32
        %parallel_loop3A_362 = arith.addi %parallel_loop3A_116, %parallel_loop3A_361 : i32
        %parallel_loop3A_363 = vector.broadcast %parallel_loop3A_362 : i32 to vector<16xi32>
        %parallel_loop3A_364 = arith.addi %mul3A_3, %parallel_loop3A_363 : vector<16xi32>
        tpu.vector_store_idx %arg7[%parallel_loop3A_364], %parallel_loop3A_236 : memref<16384xf32, #tpu.memory_space<vmem>>[vector<16xi32>], vector<16xf32>,
        %parallel_loop3A_365 = arith.constant 30 : i32
        %parallel_loop3A_366 = arith.addi %parallel_loop3A_116, %parallel_loop3A_365 : i32
        %parallel_loop3A_367 = vector.broadcast %parallel_loop3A_366 : i32 to vector<16xi32>
        %parallel_loop3A_368 = arith.addi %mul3A_3, %parallel_loop3A_367 : vector<16xi32>
        tpu.vector_store_idx %arg7[%parallel_loop3A_368], %parallel_loop3A_240 : memref<16384xf32, #tpu.memory_space<vmem>>[vector<16xi32>], vector<16xf32>,
        %parallel_loop3A_369 = arith.constant 31 : i32
        %parallel_loop3A_370 = arith.addi %parallel_loop3A_116, %parallel_loop3A_369 : i32
        %parallel_loop3A_371 = vector.broadcast %parallel_loop3A_370 : i32 to vector<16xi32>
        %parallel_loop3A_372 = arith.addi %mul3A_3, %parallel_loop3A_371 : vector<16xi32>
        tpu.vector_store_idx %arg7[%parallel_loop3A_372], %parallel_loop3A_244 : memref<16384xf32, #tpu.memory_space<vmem>>[vector<16xi32>], vector<16xf32>,
      } {sc.loop_unroll_factor = 4 : i64, sc.parallel_access}
      %min3A_64 = arith.constant 60 : i32
      %min3A_65 = arith.minsi %mul3A_38, %min3A_64 : i32
      %mul3A_66 = arith.constant 32 : i32
      %mul3A_67 = arith.muli %mul3A_66, %min3A_65 : i32
      %add3A_68 = arith.addi %add3A, %mul3A_67 : i32
      %mul3A_69 = arith.constant 512 : i32
      %mul3A_70 = arith.muli %add3A_68, %mul3A_69 : i32
      %mul3A_71 = arith.constant 32 : i32
      %mul3A_72 = arith.muli %mul3A_70, %mul3A_71 : i32
      %dma_start3A_73 = tpu.memref_slice %arg4[%mul3A_72] : memref<32000000xf32, #tpu.memory_space<hbm>> -> memref<16384xf32, #tpu.memory_space<hbm>>
      %dma_start3A_74 = tpu.memref_slice %arg4[%mul3A_72] : memref<32000000xf32, #tpu.memory_space<hbm>> -> memref<16384xf32, #tpu.memory_space<hbm>>
      tpu.enqueue_dma source(%arg7 : memref<16384xf32, #tpu.memory_space<vmem>>) target(%dma_start3A_74 : memref<16384xf32, #tpu.memory_space<hbm>>) target_semaphore(%arg11 : memref<!tpu.dma_semaphore, #tpu.memory_space<semaphore_mem>>)
      %add3A_75 = arith.constant 2 : i32
      %add3A_76 = arith.addi %mul3A_38, %add3A_75 : i32
      %min3A_77 = arith.constant 60 : i32
      %min3A_78 = arith.minsi %add3A_76, %min3A_77 : i32
      %mul3A_79 = arith.constant 32 : i32
      %mul3A_80 = arith.muli %mul3A_79, %min3A_78 : i32
      %add3A_81 = arith.addi %add3A, %mul3A_80 : i32
      %mul3A_82 = arith.constant 512 : i32
      %mul3A_83 = arith.muli %add3A_81, %mul3A_82 : i32
      %dma_start3A_84 = arith.constant 0 : i32
      %dma_start3A_85 = tpu.memref_slice %arg2[%dma_start3A_84, %mul3A_83] : memref<32x1000000xf32, #tpu.memory_space<hbm>> -> memref<32x512xf32, #tpu.memory_space<hbm>>
      %dma_start3A_86 = arith.constant 0 : i32
      %dma_start3A_87 = tpu.memref_slice %arg2[%dma_start3A_86, %mul3A_83] : memref<32x1000000xf32, #tpu.memory_space<hbm>> -> memref<32x512xf32, #tpu.memory_space<hbm>>
      tpu.enqueue_dma source(%dma_start3A_87 : memref<32x512xf32, #tpu.memory_space<hbm>>) target(%arg5 : memref<32x512xf32, #tpu.memory_space<vmem>>) target_semaphore(%arg9 : memref<!tpu.dma_semaphore, #tpu.memory_space<semaphore_mem>>)
      %dma_wait3A_88 = arith.constant 0 : i32
      %dma_wait3A_89 = arith.constant 0 : i32
      %dma_wait3A_90 = tpu.memref_slice %arg2[%dma_wait3A_88, %dma_wait3A_89] : memref<32x1000000xf32, #tpu.memory_space<hbm>> -> memref<32x512xf32, #tpu.memory_space<hbm>>
      %dma_wait3A_91 = arith.constant 0 : i32
      %dma_wait3A_92 = arith.constant 0 : i32
      %dma_wait3A_93 = tpu.memref_slice %arg2[%dma_wait3A_91, %dma_wait3A_92] : memref<32x1000000xf32, #tpu.memory_space<hbm>> -> memref<32x512xf32, #tpu.memory_space<hbm>>
      tpu.wait_dma2 semaphore(%arg10 : memref<!tpu.dma_semaphore, #tpu.memory_space<semaphore_mem>>) src(%dma_wait3A_93 : memref<32x512xf32, #tpu.memory_space<hbm>>) dst(%arg6 : memref<32x512xf32, #tpu.memory_space<vmem>>)
      %gt3A_94 = arith.constant 0 : i32
      %gt3A_95 = arith.cmpi sgt, %scan3A_35, %gt3A_94 : i32
      %convert_element_type3A_96 = arith.extui %gt3A_95 : i1 to i32
      %cond3A_97 = arith.constant 0 : i32
      %cond3A_98 = arith.cmpi ne, %convert_element_type3A_96, %cond3A_97 : i32
      scf.if %cond3A_98 {
        %dma_wait3A_114 = arith.constant 0 : i32
        %dma_wait3A_115 = tpu.memref_slice %arg4[%dma_wait3A_114] : memref<32000000xf32, #tpu.memory_space<hbm>> -> memref<16384xf32, #tpu.memory_space<hbm>>
        %dma_wait3A_116 = arith.constant 0 : i32
        %dma_wait3A_117 = tpu.memref_slice %arg4[%dma_wait3A_116] : memref<32000000xf32, #tpu.memory_space<hbm>> -> memref<16384xf32, #tpu.memory_space<hbm>>
        tpu.wait_dma2 semaphore(%arg12 : memref<!tpu.dma_semaphore, #tpu.memory_space<semaphore_mem>>) src(%arg8 : memref<16384xf32, #tpu.memory_space<vmem>>) dst(%dma_wait3A_117 : memref<16384xf32, #tpu.memory_space<hbm>>)
      } else {
      }
      %parallel_loop3A_99 = arith.constant 0 : i32
      %parallel_loop3A_100 = arith.constant 512 : i32
      %parallel_loop3A_101 = arith.constant 16 : i32
      scf.for %parallel_loop3A_114 = %parallel_loop3A_99 to %parallel_loop3A_100 step %parallel_loop3A_101  : i32 {
        %parallel_loop3A_115 = arith.constant 32 : i32
        %parallel_loop3A_116 = arith.muli %parallel_loop3A_114, %parallel_loop3A_115 : i32
        %parallel_loop3A_117 = arith.constant 0 : i32
        %parallel_loop3A_118 = arith.index_cast %parallel_loop3A_117 : i32 to index
        %parallel_loop3A_119 = arith.index_cast %parallel_loop3A_114 : i32 to index
        %parallel_loop3A_120 = tpu.vector_load %arg6[%parallel_loop3A_118, %parallel_loop3A_119] {strides = array<i32>} : memref<32x512xf32, #tpu.memory_space<vmem>>, vector<16xf32>,
        %parallel_loop3A_121 = arith.constant 1 : i32
        %parallel_loop3A_122 = arith.index_cast %parallel_loop3A_121 : i32 to index
        %parallel_loop3A_123 = arith.index_cast %parallel_loop3A_114 : i32 to index
        %parallel_loop3A_124 = tpu.vector_load %arg6[%parallel_loop3A_122, %parallel_loop3A_123] {strides = array<i32>} : memref<32x512xf32, #tpu.memory_space<vmem>>, vector<16xf32>,
        %parallel_loop3A_125 = arith.constant 2 : i32
        %parallel_loop3A_126 = arith.index_cast %parallel_loop3A_125 : i32 to index
        %parallel_loop3A_127 = arith.index_cast %parallel_loop3A_114 : i32 to index
        %parallel_loop3A_128 = tpu.vector_load %arg6[%parallel_loop3A_126, %parallel_loop3A_127] {strides = array<i32>} : memref<32x512xf32, #tpu.memory_space<vmem>>, vector<16xf32>,
        %parallel_loop3A_129 = arith.constant 3 : i32
        %parallel_loop3A_130 = arith.index_cast %parallel_loop3A_129 : i32 to index
        %parallel_loop3A_131 = arith.index_cast %parallel_loop3A_114 : i32 to index
        %parallel_loop3A_132 = tpu.vector_load %arg6[%parallel_loop3A_130, %parallel_loop3A_131] {strides = array<i32>} : memref<32x512xf32, #tpu.memory_space<vmem>>, vector<16xf32>,
        %parallel_loop3A_133 = arith.constant 4 : i32
        %parallel_loop3A_134 = arith.index_cast %parallel_loop3A_133 : i32 to index
        %parallel_loop3A_135 = arith.index_cast %parallel_loop3A_114 : i32 to index
        %parallel_loop3A_136 = tpu.vector_load %arg6[%parallel_loop3A_134, %parallel_loop3A_135] {strides = array<i32>} : memref<32x512xf32, #tpu.memory_space<vmem>>, vector<16xf32>,
        %parallel_loop3A_137 = arith.constant 5 : i32
        %parallel_loop3A_138 = arith.index_cast %parallel_loop3A_137 : i32 to index
        %parallel_loop3A_139 = arith.index_cast %parallel_loop3A_114 : i32 to index
        %parallel_loop3A_140 = tpu.vector_load %arg6[%parallel_loop3A_138, %parallel_loop3A_139] {strides = array<i32>} : memref<32x512xf32, #tpu.memory_space<vmem>>, vector<16xf32>,
        %parallel_loop3A_141 = arith.constant 6 : i32
        %parallel_loop3A_142 = arith.index_cast %parallel_loop3A_141 : i32 to index
        %parallel_loop3A_143 = arith.index_cast %parallel_loop3A_114 : i32 to index
        %parallel_loop3A_144 = tpu.vector_load %arg6[%parallel_loop3A_142, %parallel_loop3A_143] {strides = array<i32>} : memref<32x512xf32, #tpu.memory_space<vmem>>, vector<16xf32>,
        %parallel_loop3A_145 = arith.constant 7 : i32
        %parallel_loop3A_146 = arith.index_cast %parallel_loop3A_145 : i32 to index
        %parallel_loop3A_147 = arith.index_cast %parallel_loop3A_114 : i32 to index
        %parallel_loop3A_148 = tpu.vector_load %arg6[%parallel_loop3A_146, %parallel_loop3A_147] {strides = array<i32>} : memref<32x512xf32, #tpu.memory_space<vmem>>, vector<16xf32>,
        %parallel_loop3A_149 = arith.constant 8 : i32
        %parallel_loop3A_150 = arith.index_cast %parallel_loop3A_149 : i32 to index
        %parallel_loop3A_151 = arith.index_cast %parallel_loop3A_114 : i32 to index
        %parallel_loop3A_152 = tpu.vector_load %arg6[%parallel_loop3A_150, %parallel_loop3A_151] {strides = array<i32>} : memref<32x512xf32, #tpu.memory_space<vmem>>, vector<16xf32>,
        %parallel_loop3A_153 = arith.constant 9 : i32
        %parallel_loop3A_154 = arith.index_cast %parallel_loop3A_153 : i32 to index
        %parallel_loop3A_155 = arith.index_cast %parallel_loop3A_114 : i32 to index
        %parallel_loop3A_156 = tpu.vector_load %arg6[%parallel_loop3A_154, %parallel_loop3A_155] {strides = array<i32>} : memref<32x512xf32, #tpu.memory_space<vmem>>, vector<16xf32>,
        %parallel_loop3A_157 = arith.constant 10 : i32
        %parallel_loop3A_158 = arith.index_cast %parallel_loop3A_157 : i32 to index
        %parallel_loop3A_159 = arith.index_cast %parallel_loop3A_114 : i32 to index
        %parallel_loop3A_160 = tpu.vector_load %arg6[%parallel_loop3A_158, %parallel_loop3A_159] {strides = array<i32>} : memref<32x512xf32, #tpu.memory_space<vmem>>, vector<16xf32>,
        %parallel_loop3A_161 = arith.constant 11 : i32
        %parallel_loop3A_162 = arith.index_cast %parallel_loop3A_161 : i32 to index
        %parallel_loop3A_163 = arith.index_cast %parallel_loop3A_114 : i32 to index
        %parallel_loop3A_164 = tpu.vector_load %arg6[%parallel_loop3A_162, %parallel_loop3A_163] {strides = array<i32>} : memref<32x512xf32, #tpu.memory_space<vmem>>, vector<16xf32>,
        %parallel_loop3A_165 = arith.constant 12 : i32
        %parallel_loop3A_166 = arith.index_cast %parallel_loop3A_165 : i32 to index
        %parallel_loop3A_167 = arith.index_cast %parallel_loop3A_114 : i32 to index
        %parallel_loop3A_168 = tpu.vector_load %arg6[%parallel_loop3A_166, %parallel_loop3A_167] {strides = array<i32>} : memref<32x512xf32, #tpu.memory_space<vmem>>, vector<16xf32>,
        %parallel_loop3A_169 = arith.constant 13 : i32
        %parallel_loop3A_170 = arith.index_cast %parallel_loop3A_169 : i32 to index
        %parallel_loop3A_171 = arith.index_cast %parallel_loop3A_114 : i32 to index
        %parallel_loop3A_172 = tpu.vector_load %arg6[%parallel_loop3A_170, %parallel_loop3A_171] {strides = array<i32>} : memref<32x512xf32, #tpu.memory_space<vmem>>, vector<16xf32>,
        %parallel_loop3A_173 = arith.constant 14 : i32
        %parallel_loop3A_174 = arith.index_cast %parallel_loop3A_173 : i32 to index
        %parallel_loop3A_175 = arith.index_cast %parallel_loop3A_114 : i32 to index
        %parallel_loop3A_176 = tpu.vector_load %arg6[%parallel_loop3A_174, %parallel_loop3A_175] {strides = array<i32>} : memref<32x512xf32, #tpu.memory_space<vmem>>, vector<16xf32>,
        %parallel_loop3A_177 = arith.constant 15 : i32
        %parallel_loop3A_178 = arith.index_cast %parallel_loop3A_177 : i32 to index
        %parallel_loop3A_179 = arith.index_cast %parallel_loop3A_114 : i32 to index
        %parallel_loop3A_180 = tpu.vector_load %arg6[%parallel_loop3A_178, %parallel_loop3A_179] {strides = array<i32>} : memref<32x512xf32, #tpu.memory_space<vmem>>, vector<16xf32>,
        %parallel_loop3A_181 = arith.constant 16 : i32
        %parallel_loop3A_182 = arith.index_cast %parallel_loop3A_181 : i32 to index
        %parallel_loop3A_183 = arith.index_cast %parallel_loop3A_114 : i32 to index
        %parallel_loop3A_184 = tpu.vector_load %arg6[%parallel_loop3A_182, %parallel_loop3A_183] {strides = array<i32>} : memref<32x512xf32, #tpu.memory_space<vmem>>, vector<16xf32>,
        %parallel_loop3A_185 = arith.constant 17 : i32
        %parallel_loop3A_186 = arith.index_cast %parallel_loop3A_185 : i32 to index
        %parallel_loop3A_187 = arith.index_cast %parallel_loop3A_114 : i32 to index
        %parallel_loop3A_188 = tpu.vector_load %arg6[%parallel_loop3A_186, %parallel_loop3A_187] {strides = array<i32>} : memref<32x512xf32, #tpu.memory_space<vmem>>, vector<16xf32>,
        %parallel_loop3A_189 = arith.constant 18 : i32
        %parallel_loop3A_190 = arith.index_cast %parallel_loop3A_189 : i32 to index
        %parallel_loop3A_191 = arith.index_cast %parallel_loop3A_114 : i32 to index
        %parallel_loop3A_192 = tpu.vector_load %arg6[%parallel_loop3A_190, %parallel_loop3A_191] {strides = array<i32>} : memref<32x512xf32, #tpu.memory_space<vmem>>, vector<16xf32>,
        %parallel_loop3A_193 = arith.constant 19 : i32
        %parallel_loop3A_194 = arith.index_cast %parallel_loop3A_193 : i32 to index
        %parallel_loop3A_195 = arith.index_cast %parallel_loop3A_114 : i32 to index
        %parallel_loop3A_196 = tpu.vector_load %arg6[%parallel_loop3A_194, %parallel_loop3A_195] {strides = array<i32>} : memref<32x512xf32, #tpu.memory_space<vmem>>, vector<16xf32>,
        %parallel_loop3A_197 = arith.constant 20 : i32
        %parallel_loop3A_198 = arith.index_cast %parallel_loop3A_197 : i32 to index
        %parallel_loop3A_199 = arith.index_cast %parallel_loop3A_114 : i32 to index
        %parallel_loop3A_200 = tpu.vector_load %arg6[%parallel_loop3A_198, %parallel_loop3A_199] {strides = array<i32>} : memref<32x512xf32, #tpu.memory_space<vmem>>, vector<16xf32>,
        %parallel_loop3A_201 = arith.constant 21 : i32
        %parallel_loop3A_202 = arith.index_cast %parallel_loop3A_201 : i32 to index
        %parallel_loop3A_203 = arith.index_cast %parallel_loop3A_114 : i32 to index
        %parallel_loop3A_204 = tpu.vector_load %arg6[%parallel_loop3A_202, %parallel_loop3A_203] {strides = array<i32>} : memref<32x512xf32, #tpu.memory_space<vmem>>, vector<16xf32>,
        %parallel_loop3A_205 = arith.constant 22 : i32
        %parallel_loop3A_206 = arith.index_cast %parallel_loop3A_205 : i32 to index
        %parallel_loop3A_207 = arith.index_cast %parallel_loop3A_114 : i32 to index
        %parallel_loop3A_208 = tpu.vector_load %arg6[%parallel_loop3A_206, %parallel_loop3A_207] {strides = array<i32>} : memref<32x512xf32, #tpu.memory_space<vmem>>, vector<16xf32>,
        %parallel_loop3A_209 = arith.constant 23 : i32
        %parallel_loop3A_210 = arith.index_cast %parallel_loop3A_209 : i32 to index
        %parallel_loop3A_211 = arith.index_cast %parallel_loop3A_114 : i32 to index
        %parallel_loop3A_212 = tpu.vector_load %arg6[%parallel_loop3A_210, %parallel_loop3A_211] {strides = array<i32>} : memref<32x512xf32, #tpu.memory_space<vmem>>, vector<16xf32>,
        %parallel_loop3A_213 = arith.constant 24 : i32
        %parallel_loop3A_214 = arith.index_cast %parallel_loop3A_213 : i32 to index
        %parallel_loop3A_215 = arith.index_cast %parallel_loop3A_114 : i32 to index
        %parallel_loop3A_216 = tpu.vector_load %arg6[%parallel_loop3A_214, %parallel_loop3A_215] {strides = array<i32>} : memref<32x512xf32, #tpu.memory_space<vmem>>, vector<16xf32>,
        %parallel_loop3A_217 = arith.constant 25 : i32
        %parallel_loop3A_218 = arith.index_cast %parallel_loop3A_217 : i32 to index
        %parallel_loop3A_219 = arith.index_cast %parallel_loop3A_114 : i32 to index
        %parallel_loop3A_220 = tpu.vector_load %arg6[%parallel_loop3A_218, %parallel_loop3A_219] {strides = array<i32>} : memref<32x512xf32, #tpu.memory_space<vmem>>, vector<16xf32>,
        %parallel_loop3A_221 = arith.constant 26 : i32
        %parallel_loop3A_222 = arith.index_cast %parallel_loop3A_221 : i32 to index
        %parallel_loop3A_223 = arith.index_cast %parallel_loop3A_114 : i32 to index
        %parallel_loop3A_224 = tpu.vector_load %arg6[%parallel_loop3A_222, %parallel_loop3A_223] {strides = array<i32>} : memref<32x512xf32, #tpu.memory_space<vmem>>, vector<16xf32>,
        %parallel_loop3A_225 = arith.constant 27 : i32
        %parallel_loop3A_226 = arith.index_cast %parallel_loop3A_225 : i32 to index
        %parallel_loop3A_227 = arith.index_cast %parallel_loop3A_114 : i32 to index
        %parallel_loop3A_228 = tpu.vector_load %arg6[%parallel_loop3A_226, %parallel_loop3A_227] {strides = array<i32>} : memref<32x512xf32, #tpu.memory_space<vmem>>, vector<16xf32>,
        %parallel_loop3A_229 = arith.constant 28 : i32
        %parallel_loop3A_230 = arith.index_cast %parallel_loop3A_229 : i32 to index
        %parallel_loop3A_231 = arith.index_cast %parallel_loop3A_114 : i32 to index
        %parallel_loop3A_232 = tpu.vector_load %arg6[%parallel_loop3A_230, %parallel_loop3A_231] {strides = array<i32>} : memref<32x512xf32, #tpu.memory_space<vmem>>, vector<16xf32>,
        %parallel_loop3A_233 = arith.constant 29 : i32
        %parallel_loop3A_234 = arith.index_cast %parallel_loop3A_233 : i32 to index
        %parallel_loop3A_235 = arith.index_cast %parallel_loop3A_114 : i32 to index
        %parallel_loop3A_236 = tpu.vector_load %arg6[%parallel_loop3A_234, %parallel_loop3A_235] {strides = array<i32>} : memref<32x512xf32, #tpu.memory_space<vmem>>, vector<16xf32>,
        %parallel_loop3A_237 = arith.constant 30 : i32
        %parallel_loop3A_238 = arith.index_cast %parallel_loop3A_237 : i32 to index
        %parallel_loop3A_239 = arith.index_cast %parallel_loop3A_114 : i32 to index
        %parallel_loop3A_240 = tpu.vector_load %arg6[%parallel_loop3A_238, %parallel_loop3A_239] {strides = array<i32>} : memref<32x512xf32, #tpu.memory_space<vmem>>, vector<16xf32>,
        %parallel_loop3A_241 = arith.constant 31 : i32
        %parallel_loop3A_242 = arith.index_cast %parallel_loop3A_241 : i32 to index
        %parallel_loop3A_243 = arith.index_cast %parallel_loop3A_114 : i32 to index
        %parallel_loop3A_244 = tpu.vector_load %arg6[%parallel_loop3A_242, %parallel_loop3A_243] {strides = array<i32>} : memref<32x512xf32, #tpu.memory_space<vmem>>, vector<16xf32>,
        %parallel_loop3A_245 = arith.constant 0 : i32
        %parallel_loop3A_246 = arith.addi %parallel_loop3A_116, %parallel_loop3A_245 : i32
        %parallel_loop3A_247 = vector.broadcast %parallel_loop3A_246 : i32 to vector<16xi32>
        %parallel_loop3A_248 = arith.addi %mul3A_3, %parallel_loop3A_247 : vector<16xi32>
        tpu.vector_store_idx %arg8[%parallel_loop3A_248], %parallel_loop3A_120 : memref<16384xf32, #tpu.memory_space<vmem>>[vector<16xi32>], vector<16xf32>,
        %parallel_loop3A_249 = arith.constant 1 : i32
        %parallel_loop3A_250 = arith.addi %parallel_loop3A_116, %parallel_loop3A_249 : i32
        %parallel_loop3A_251 = vector.broadcast %parallel_loop3A_250 : i32 to vector<16xi32>
        %parallel_loop3A_252 = arith.addi %mul3A_3, %parallel_loop3A_251 : vector<16xi32>
        tpu.vector_store_idx %arg8[%parallel_loop3A_252], %parallel_loop3A_124 : memref<16384xf32, #tpu.memory_space<vmem>>[vector<16xi32>], vector<16xf32>,
        %parallel_loop3A_253 = arith.constant 2 : i32
        %parallel_loop3A_254 = arith.addi %parallel_loop3A_116, %parallel_loop3A_253 : i32
        %parallel_loop3A_255 = vector.broadcast %parallel_loop3A_254 : i32 to vector<16xi32>
        %parallel_loop3A_256 = arith.addi %mul3A_3, %parallel_loop3A_255 : vector<16xi32>
        tpu.vector_store_idx %arg8[%parallel_loop3A_256], %parallel_loop3A_128 : memref<16384xf32, #tpu.memory_space<vmem>>[vector<16xi32>], vector<16xf32>,
        %parallel_loop3A_257 = arith.constant 3 : i32
        %parallel_loop3A_258 = arith.addi %parallel_loop3A_116, %parallel_loop3A_257 : i32
        %parallel_loop3A_259 = vector.broadcast %parallel_loop3A_258 : i32 to vector<16xi32>
        %parallel_loop3A_260 = arith.addi %mul3A_3, %parallel_loop3A_259 : vector<16xi32>
        tpu.vector_store_idx %arg8[%parallel_loop3A_260], %parallel_loop3A_132 : memref<16384xf32, #tpu.memory_space<vmem>>[vector<16xi32>], vector<16xf32>,
        %parallel_loop3A_261 = arith.constant 4 : i32
        %parallel_loop3A_262 = arith.addi %parallel_loop3A_116, %parallel_loop3A_261 : i32
        %parallel_loop3A_263 = vector.broadcast %parallel_loop3A_262 : i32 to vector<16xi32>
        %parallel_loop3A_264 = arith.addi %mul3A_3, %parallel_loop3A_263 : vector<16xi32>
        tpu.vector_store_idx %arg8[%parallel_loop3A_264], %parallel_loop3A_136 : memref<16384xf32, #tpu.memory_space<vmem>>[vector<16xi32>], vector<16xf32>,
        %parallel_loop3A_265 = arith.constant 5 : i32
        %parallel_loop3A_266 = arith.addi %parallel_loop3A_116, %parallel_loop3A_265 : i32
        %parallel_loop3A_267 = vector.broadcast %parallel_loop3A_266 : i32 to vector<16xi32>
        %parallel_loop3A_268 = arith.addi %mul3A_3, %parallel_loop3A_267 : vector<16xi32>
        tpu.vector_store_idx %arg8[%parallel_loop3A_268], %parallel_loop3A_140 : memref<16384xf32, #tpu.memory_space<vmem>>[vector<16xi32>], vector<16xf32>,
        %parallel_loop3A_269 = arith.constant 6 : i32
        %parallel_loop3A_270 = arith.addi %parallel_loop3A_116, %parallel_loop3A_269 : i32
        %parallel_loop3A_271 = vector.broadcast %parallel_loop3A_270 : i32 to vector<16xi32>
        %parallel_loop3A_272 = arith.addi %mul3A_3, %parallel_loop3A_271 : vector<16xi32>
        tpu.vector_store_idx %arg8[%parallel_loop3A_272], %parallel_loop3A_144 : memref<16384xf32, #tpu.memory_space<vmem>>[vector<16xi32>], vector<16xf32>,
        %parallel_loop3A_273 = arith.constant 7 : i32
        %parallel_loop3A_274 = arith.addi %parallel_loop3A_116, %parallel_loop3A_273 : i32
        %parallel_loop3A_275 = vector.broadcast %parallel_loop3A_274 : i32 to vector<16xi32>
        %parallel_loop3A_276 = arith.addi %mul3A_3, %parallel_loop3A_275 : vector<16xi32>
        tpu.vector_store_idx %arg8[%parallel_loop3A_276], %parallel_loop3A_148 : memref<16384xf32, #tpu.memory_space<vmem>>[vector<16xi32>], vector<16xf32>,
        %parallel_loop3A_277 = arith.constant 8 : i32
        %parallel_loop3A_278 = arith.addi %parallel_loop3A_116, %parallel_loop3A_277 : i32
        %parallel_loop3A_279 = vector.broadcast %parallel_loop3A_278 : i32 to vector<16xi32>
        %parallel_loop3A_280 = arith.addi %mul3A_3, %parallel_loop3A_279 : vector<16xi32>
        tpu.vector_store_idx %arg8[%parallel_loop3A_280], %parallel_loop3A_152 : memref<16384xf32, #tpu.memory_space<vmem>>[vector<16xi32>], vector<16xf32>,
        %parallel_loop3A_281 = arith.constant 9 : i32
        %parallel_loop3A_282 = arith.addi %parallel_loop3A_116, %parallel_loop3A_281 : i32
        %parallel_loop3A_283 = vector.broadcast %parallel_loop3A_282 : i32 to vector<16xi32>
        %parallel_loop3A_284 = arith.addi %mul3A_3, %parallel_loop3A_283 : vector<16xi32>
        tpu.vector_store_idx %arg8[%parallel_loop3A_284], %parallel_loop3A_156 : memref<16384xf32, #tpu.memory_space<vmem>>[vector<16xi32>], vector<16xf32>,
        %parallel_loop3A_285 = arith.constant 10 : i32
        %parallel_loop3A_286 = arith.addi %parallel_loop3A_116, %parallel_loop3A_285 : i32
        %parallel_loop3A_287 = vector.broadcast %parallel_loop3A_286 : i32 to vector<16xi32>
        %parallel_loop3A_288 = arith.addi %mul3A_3, %parallel_loop3A_287 : vector<16xi32>
        tpu.vector_store_idx %arg8[%parallel_loop3A_288], %parallel_loop3A_160 : memref<16384xf32, #tpu.memory_space<vmem>>[vector<16xi32>], vector<16xf32>,
        %parallel_loop3A_289 = arith.constant 11 : i32
        %parallel_loop3A_290 = arith.addi %parallel_loop3A_116, %parallel_loop3A_289 : i32
        %parallel_loop3A_291 = vector.broadcast %parallel_loop3A_290 : i32 to vector<16xi32>
        %parallel_loop3A_292 = arith.addi %mul3A_3, %parallel_loop3A_291 : vector<16xi32>
        tpu.vector_store_idx %arg8[%parallel_loop3A_292], %parallel_loop3A_164 : memref<16384xf32, #tpu.memory_space<vmem>>[vector<16xi32>], vector<16xf32>,
        %parallel_loop3A_293 = arith.constant 12 : i32
        %parallel_loop3A_294 = arith.addi %parallel_loop3A_116, %parallel_loop3A_293 : i32
        %parallel_loop3A_295 = vector.broadcast %parallel_loop3A_294 : i32 to vector<16xi32>
        %parallel_loop3A_296 = arith.addi %mul3A_3, %parallel_loop3A_295 : vector<16xi32>
        tpu.vector_store_idx %arg8[%parallel_loop3A_296], %parallel_loop3A_168 : memref<16384xf32, #tpu.memory_space<vmem>>[vector<16xi32>], vector<16xf32>,
        %parallel_loop3A_297 = arith.constant 13 : i32
        %parallel_loop3A_298 = arith.addi %parallel_loop3A_116, %parallel_loop3A_297 : i32
        %parallel_loop3A_299 = vector.broadcast %parallel_loop3A_298 : i32 to vector<16xi32>
        %parallel_loop3A_300 = arith.addi %mul3A_3, %parallel_loop3A_299 : vector<16xi32>
        tpu.vector_store_idx %arg8[%parallel_loop3A_300], %parallel_loop3A_172 : memref<16384xf32, #tpu.memory_space<vmem>>[vector<16xi32>], vector<16xf32>,
        %parallel_loop3A_301 = arith.constant 14 : i32
        %parallel_loop3A_302 = arith.addi %parallel_loop3A_116, %parallel_loop3A_301 : i32
        %parallel_loop3A_303 = vector.broadcast %parallel_loop3A_302 : i32 to vector<16xi32>
        %parallel_loop3A_304 = arith.addi %mul3A_3, %parallel_loop3A_303 : vector<16xi32>
        tpu.vector_store_idx %arg8[%parallel_loop3A_304], %parallel_loop3A_176 : memref<16384xf32, #tpu.memory_space<vmem>>[vector<16xi32>], vector<16xf32>,
        %parallel_loop3A_305 = arith.constant 15 : i32
        %parallel_loop3A_306 = arith.addi %parallel_loop3A_116, %parallel_loop3A_305 : i32
        %parallel_loop3A_307 = vector.broadcast %parallel_loop3A_306 : i32 to vector<16xi32>
        %parallel_loop3A_308 = arith.addi %mul3A_3, %parallel_loop3A_307 : vector<16xi32>
        tpu.vector_store_idx %arg8[%parallel_loop3A_308], %parallel_loop3A_180 : memref<16384xf32, #tpu.memory_space<vmem>>[vector<16xi32>], vector<16xf32>,
        %parallel_loop3A_309 = arith.constant 16 : i32
        %parallel_loop3A_310 = arith.addi %parallel_loop3A_116, %parallel_loop3A_309 : i32
        %parallel_loop3A_311 = vector.broadcast %parallel_loop3A_310 : i32 to vector<16xi32>
        %parallel_loop3A_312 = arith.addi %mul3A_3, %parallel_loop3A_311 : vector<16xi32>
        tpu.vector_store_idx %arg8[%parallel_loop3A_312], %parallel_loop3A_184 : memref<16384xf32, #tpu.memory_space<vmem>>[vector<16xi32>], vector<16xf32>,
        %parallel_loop3A_313 = arith.constant 17 : i32
        %parallel_loop3A_314 = arith.addi %parallel_loop3A_116, %parallel_loop3A_313 : i32
        %parallel_loop3A_315 = vector.broadcast %parallel_loop3A_314 : i32 to vector<16xi32>
        %parallel_loop3A_316 = arith.addi %mul3A_3, %parallel_loop3A_315 : vector<16xi32>
        tpu.vector_store_idx %arg8[%parallel_loop3A_316], %parallel_loop3A_188 : memref<16384xf32, #tpu.memory_space<vmem>>[vector<16xi32>], vector<16xf32>,
        %parallel_loop3A_317 = arith.constant 18 : i32
        %parallel_loop3A_318 = arith.addi %parallel_loop3A_116, %parallel_loop3A_317 : i32
        %parallel_loop3A_319 = vector.broadcast %parallel_loop3A_318 : i32 to vector<16xi32>
        %parallel_loop3A_320 = arith.addi %mul3A_3, %parallel_loop3A_319 : vector<16xi32>
        tpu.vector_store_idx %arg8[%parallel_loop3A_320], %parallel_loop3A_192 : memref<16384xf32, #tpu.memory_space<vmem>>[vector<16xi32>], vector<16xf32>,
        %parallel_loop3A_321 = arith.constant 19 : i32
        %parallel_loop3A_322 = arith.addi %parallel_loop3A_116, %parallel_loop3A_321 : i32
        %parallel_loop3A_323 = vector.broadcast %parallel_loop3A_322 : i32 to vector<16xi32>
        %parallel_loop3A_324 = arith.addi %mul3A_3, %parallel_loop3A_323 : vector<16xi32>
        tpu.vector_store_idx %arg8[%parallel_loop3A_324], %parallel_loop3A_196 : memref<16384xf32, #tpu.memory_space<vmem>>[vector<16xi32>], vector<16xf32>,
        %parallel_loop3A_325 = arith.constant 20 : i32
        %parallel_loop3A_326 = arith.addi %parallel_loop3A_116, %parallel_loop3A_325 : i32
        %parallel_loop3A_327 = vector.broadcast %parallel_loop3A_326 : i32 to vector<16xi32>
        %parallel_loop3A_328 = arith.addi %mul3A_3, %parallel_loop3A_327 : vector<16xi32>
        tpu.vector_store_idx %arg8[%parallel_loop3A_328], %parallel_loop3A_200 : memref<16384xf32, #tpu.memory_space<vmem>>[vector<16xi32>], vector<16xf32>,
        %parallel_loop3A_329 = arith.constant 21 : i32
        %parallel_loop3A_330 = arith.addi %parallel_loop3A_116, %parallel_loop3A_329 : i32
        %parallel_loop3A_331 = vector.broadcast %parallel_loop3A_330 : i32 to vector<16xi32>
        %parallel_loop3A_332 = arith.addi %mul3A_3, %parallel_loop3A_331 : vector<16xi32>
        tpu.vector_store_idx %arg8[%parallel_loop3A_332], %parallel_loop3A_204 : memref<16384xf32, #tpu.memory_space<vmem>>[vector<16xi32>], vector<16xf32>,
        %parallel_loop3A_333 = arith.constant 22 : i32
        %parallel_loop3A_334 = arith.addi %parallel_loop3A_116, %parallel_loop3A_333 : i32
        %parallel_loop3A_335 = vector.broadcast %parallel_loop3A_334 : i32 to vector<16xi32>
        %parallel_loop3A_336 = arith.addi %mul3A_3, %parallel_loop3A_335 : vector<16xi32>
        tpu.vector_store_idx %arg8[%parallel_loop3A_336], %parallel_loop3A_208 : memref<16384xf32, #tpu.memory_space<vmem>>[vector<16xi32>], vector<16xf32>,
        %parallel_loop3A_337 = arith.constant 23 : i32
        %parallel_loop3A_338 = arith.addi %parallel_loop3A_116, %parallel_loop3A_337 : i32
        %parallel_loop3A_339 = vector.broadcast %parallel_loop3A_338 : i32 to vector<16xi32>
        %parallel_loop3A_340 = arith.addi %mul3A_3, %parallel_loop3A_339 : vector<16xi32>
        tpu.vector_store_idx %arg8[%parallel_loop3A_340], %parallel_loop3A_212 : memref<16384xf32, #tpu.memory_space<vmem>>[vector<16xi32>], vector<16xf32>,
        %parallel_loop3A_341 = arith.constant 24 : i32
        %parallel_loop3A_342 = arith.addi %parallel_loop3A_116, %parallel_loop3A_341 : i32
        %parallel_loop3A_343 = vector.broadcast %parallel_loop3A_342 : i32 to vector<16xi32>
        %parallel_loop3A_344 = arith.addi %mul3A_3, %parallel_loop3A_343 : vector<16xi32>
        tpu.vector_store_idx %arg8[%parallel_loop3A_344], %parallel_loop3A_216 : memref<16384xf32, #tpu.memory_space<vmem>>[vector<16xi32>], vector<16xf32>,
        %parallel_loop3A_345 = arith.constant 25 : i32
        %parallel_loop3A_346 = arith.addi %parallel_loop3A_116, %parallel_loop3A_345 : i32
        %parallel_loop3A_347 = vector.broadcast %parallel_loop3A_346 : i32 to vector<16xi32>
        %parallel_loop3A_348 = arith.addi %mul3A_3, %parallel_loop3A_347 : vector<16xi32>
        tpu.vector_store_idx %arg8[%parallel_loop3A_348], %parallel_loop3A_220 : memref<16384xf32, #tpu.memory_space<vmem>>[vector<16xi32>], vector<16xf32>,
        %parallel_loop3A_349 = arith.constant 26 : i32
        %parallel_loop3A_350 = arith.addi %parallel_loop3A_116, %parallel_loop3A_349 : i32
        %parallel_loop3A_351 = vector.broadcast %parallel_loop3A_350 : i32 to vector<16xi32>
        %parallel_loop3A_352 = arith.addi %mul3A_3, %parallel_loop3A_351 : vector<16xi32>
        tpu.vector_store_idx %arg8[%parallel_loop3A_352], %parallel_loop3A_224 : memref<16384xf32, #tpu.memory_space<vmem>>[vector<16xi32>], vector<16xf32>,
        %parallel_loop3A_353 = arith.constant 27 : i32
        %parallel_loop3A_354 = arith.addi %parallel_loop3A_116, %parallel_loop3A_353 : i32
        %parallel_loop3A_355 = vector.broadcast %parallel_loop3A_354 : i32 to vector<16xi32>
        %parallel_loop3A_356 = arith.addi %mul3A_3, %parallel_loop3A_355 : vector<16xi32>
        tpu.vector_store_idx %arg8[%parallel_loop3A_356], %parallel_loop3A_228 : memref<16384xf32, #tpu.memory_space<vmem>>[vector<16xi32>], vector<16xf32>,
        %parallel_loop3A_357 = arith.constant 28 : i32
        %parallel_loop3A_358 = arith.addi %parallel_loop3A_116, %parallel_loop3A_357 : i32
        %parallel_loop3A_359 = vector.broadcast %parallel_loop3A_358 : i32 to vector<16xi32>
        %parallel_loop3A_360 = arith.addi %mul3A_3, %parallel_loop3A_359 : vector<16xi32>
        tpu.vector_store_idx %arg8[%parallel_loop3A_360], %parallel_loop3A_232 : memref<16384xf32, #tpu.memory_space<vmem>>[vector<16xi32>], vector<16xf32>,
        %parallel_loop3A_361 = arith.constant 29 : i32
        %parallel_loop3A_362 = arith.addi %parallel_loop3A_116, %parallel_loop3A_361 : i32
        %parallel_loop3A_363 = vector.broadcast %parallel_loop3A_362 : i32 to vector<16xi32>
        %parallel_loop3A_364 = arith.addi %mul3A_3, %parallel_loop3A_363 : vector<16xi32>
        tpu.vector_store_idx %arg8[%parallel_loop3A_364], %parallel_loop3A_236 : memref<16384xf32, #tpu.memory_space<vmem>>[vector<16xi32>], vector<16xf32>,
        %parallel_loop3A_365 = arith.constant 30 : i32
        %parallel_loop3A_366 = arith.addi %parallel_loop3A_116, %parallel_loop3A_365 : i32
        %parallel_loop3A_367 = vector.broadcast %parallel_loop3A_366 : i32 to vector<16xi32>
        %parallel_loop3A_368 = arith.addi %mul3A_3, %parallel_loop3A_367 : vector<16xi32>
        tpu.vector_store_idx %arg8[%parallel_loop3A_368], %parallel_loop3A_240 : memref<16384xf32, #tpu.memory_space<vmem>>[vector<16xi32>], vector<16xf32>,
        %parallel_loop3A_369 = arith.constant 31 : i32
        %parallel_loop3A_370 = arith.addi %parallel_loop3A_116, %parallel_loop3A_369 : i32
        %parallel_loop3A_371 = vector.broadcast %parallel_loop3A_370 : i32 to vector<16xi32>
        %parallel_loop3A_372 = arith.addi %mul3A_3, %parallel_loop3A_371 : vector<16xi32>
        tpu.vector_store_idx %arg8[%parallel_loop3A_372], %parallel_loop3A_244 : memref<16384xf32, #tpu.memory_space<vmem>>[vector<16xi32>], vector<16xf32>,
      } {sc.loop_unroll_factor = 4 : i64, sc.parallel_access}
      %min3A_102 = arith.constant 60 : i32
      %min3A_103 = arith.minsi %add3A_40, %min3A_102 : i32
      %mul3A_104 = arith.constant 32 : i32
      %mul3A_105 = arith.muli %mul3A_104, %min3A_103 : i32
      %add3A_106 = arith.addi %add3A, %mul3A_105 : i32
      %mul3A_107 = arith.constant 512 : i32
      %mul3A_108 = arith.muli %add3A_106, %mul3A_107 : i32
      %mul3A_109 = arith.constant 32 : i32
      %mul3A_110 = arith.muli %mul3A_108, %mul3A_109 : i32
      %dma_start3A_111 = tpu.memref_slice %arg4[%mul3A_110] : memref<32000000xf32, #tpu.memory_space<hbm>> -> memref<16384xf32, #tpu.memory_space<hbm>>
      %dma_start3A_112 = tpu.memref_slice %arg4[%mul3A_110] : memref<32000000xf32, #tpu.memory_space<hbm>> -> memref<16384xf32, #tpu.memory_space<hbm>>
      tpu.enqueue_dma source(%arg8 : memref<16384xf32, #tpu.memory_space<vmem>>) target(%dma_start3A_112 : memref<16384xf32, #tpu.memory_space<hbm>>) target_semaphore(%arg12 : memref<!tpu.dma_semaphore, #tpu.memory_space<semaphore_mem>>)
      %scan3A_113 = arith.constant 0 : i32
      scf.yield %scan3A_113 : i32
    }
    %scan3A_19 = arith.constant 31 : i32
    %dma_wait3A = arith.constant 0 : i32
    %dma_wait3A_20 = arith.constant 0 : i32
    %dma_wait3A_21 = tpu.memref_slice %arg2[%dma_wait3A, %dma_wait3A_20] : memref<32x1000000xf32, #tpu.memory_space<hbm>> -> memref<32x512xf32, #tpu.memory_space<hbm>>
    %dma_wait3A_22 = arith.constant 0 : i32
    %dma_wait3A_23 = arith.constant 0 : i32
    %dma_wait3A_24 = tpu.memref_slice %arg2[%dma_wait3A_22, %dma_wait3A_23] : memref<32x1000000xf32, #tpu.memory_space<hbm>> -> memref<32x512xf32, #tpu.memory_space<hbm>>
    tpu.wait_dma2 semaphore(%arg9 : memref<!tpu.dma_semaphore, #tpu.memory_space<semaphore_mem>>) src(%dma_wait3A_24 : memref<32x512xf32, #tpu.memory_space<hbm>>) dst(%arg5 : memref<32x512xf32, #tpu.memory_space<vmem>>)
    %dma_wait3A_25 = arith.constant 0 : i32
    %dma_wait3A_26 = tpu.memref_slice %arg4[%dma_wait3A_25] : memref<32000000xf32, #tpu.memory_space<hbm>> -> memref<16384xf32, #tpu.memory_space<hbm>>
    %dma_wait3A_27 = arith.constant 0 : i32
    %dma_wait3A_28 = tpu.memref_slice %arg4[%dma_wait3A_27] : memref<32000000xf32, #tpu.memory_space<hbm>> -> memref<16384xf32, #tpu.memory_space<hbm>>
    tpu.wait_dma2 semaphore(%arg11 : memref<!tpu.dma_semaphore, #tpu.memory_space<semaphore_mem>>) src(%arg7 : memref<16384xf32, #tpu.memory_space<vmem>>) dst(%dma_wait3A_28 : memref<16384xf32, #tpu.memory_space<hbm>>)
    %dma_wait3A_29 = arith.constant 0 : i32
    %dma_wait3A_30 = tpu.memref_slice %arg4[%dma_wait3A_29] : memref<32000000xf32, #tpu.memory_space<hbm>> -> memref<16384xf32, #tpu.memory_space<hbm>>
    %dma_wait3A_31 = arith.constant 0 : i32
    %dma_wait3A_32 = tpu.memref_slice %arg4[%dma_wait3A_31] : memref<32000000xf32, #tpu.memory_space<hbm>> -> memref<16384xf32, #tpu.memory_space<hbm>>
    tpu.wait_dma2 semaphore(%arg12 : memref<!tpu.dma_semaphore, #tpu.memory_space<semaphore_mem>>) src(%arg8 : memref<16384xf32, #tpu.memory_space<vmem>>) dst(%dma_wait3A_32 : memref<16384xf32, #tpu.memory_space<hbm>>)
    %eq3A = arith.constant 0 : i32
    %eq3A_33 = arith.cmpi eq, %add3A, %eq3A : i32
    %convert_element_type3A = arith.extui %eq3A_33 : i1 to i32
    %cond3A = arith.constant 0 : i32
    %cond3A_34 = arith.cmpi ne, %convert_element_type3A, %cond3A : i32
    scf.if %cond3A_34 {
      "tpu.region"() ({
        %run_scoped3A = tpu.sem_alloc : memref<!tpu.dma_semaphore, #tpu.memory_space<semaphore_mem>>
        %dma_start3A_37 = arith.constant 0 : i32
        %dma_start3A_38 = arith.constant 999424 : i32
        %dma_start3A_39 = tpu.memref_slice %arg2[%dma_start3A_37, %dma_start3A_38] : memref<32x1000000xf32, #tpu.memory_space<hbm>> -> memref<32x512xf32, #tpu.memory_space<hbm>>
        %dma_start3A_40 = arith.constant 0 : i32
        %dma_start3A_41 = arith.constant 999424 : i32
        %dma_start3A_42 = tpu.memref_slice %arg2[%dma_start3A_40, %dma_start3A_41] : memref<32x1000000xf32, #tpu.memory_space<hbm>> -> memref<32x512xf32, #tpu.memory_space<hbm>>
        tpu.enqueue_dma source(%dma_start3A_42 : memref<32x512xf32, #tpu.memory_space<hbm>>) target(%arg5 : memref<32x512xf32, #tpu.memory_space<vmem>>) target_semaphore(%run_scoped3A : memref<!tpu.dma_semaphore, #tpu.memory_space<semaphore_mem>>)
        %dma_wait3A_43 = arith.constant 0 : i32
        %dma_wait3A_44 = arith.constant 999424 : i32
        %dma_wait3A_45 = tpu.memref_slice %arg2[%dma_wait3A_43, %dma_wait3A_44] : memref<32x1000000xf32, #tpu.memory_space<hbm>> -> memref<32x512xf32, #tpu.memory_space<hbm>>
        %dma_wait3A_46 = arith.constant 0 : i32
        %dma_wait3A_47 = arith.constant 999424 : i32
        %dma_wait3A_48 = tpu.memref_slice %arg2[%dma_wait3A_46, %dma_wait3A_47] : memref<32x1000000xf32, #tpu.memory_space<hbm>> -> memref<32x512xf32, #tpu.memory_space<hbm>>
        tpu.wait_dma2 semaphore(%run_scoped3A : memref<!tpu.dma_semaphore, #tpu.memory_space<semaphore_mem>>) src(%dma_wait3A_48 : memref<32x512xf32, #tpu.memory_space<hbm>>) dst(%arg5 : memref<32x512xf32, #tpu.memory_space<vmem>>)
        tpu.yield
      }) : () -> ()
      %parallel_loop3A = arith.constant 0 : i32
      %parallel_loop3A_35 = arith.constant 512 : i32
      %parallel_loop3A_36 = arith.constant 16 : i32
      scf.for %parallel_loop3A_37 = %parallel_loop3A to %parallel_loop3A_35 step %parallel_loop3A_36  : i32 {
        %parallel_loop3A_38 = arith.constant 32 : i32
        %parallel_loop3A_39 = arith.muli %parallel_loop3A_37, %parallel_loop3A_38 : i32
        %parallel_loop3A_40 = arith.constant 0 : i32
        %parallel_loop3A_41 = arith.index_cast %parallel_loop3A_40 : i32 to index
        %parallel_loop3A_42 = arith.index_cast %parallel_loop3A_37 : i32 to index
        %parallel_loop3A_43 = tpu.vector_load %arg5[%parallel_loop3A_41, %parallel_loop3A_42] {strides = array<i32>} : memref<32x512xf32, #tpu.memory_space<vmem>>, vector<16xf32>,
        %parallel_loop3A_44 = arith.constant 1 : i32
        %parallel_loop3A_45 = arith.index_cast %parallel_loop3A_44 : i32 to index
        %parallel_loop3A_46 = arith.index_cast %parallel_loop3A_37 : i32 to index
        %parallel_loop3A_47 = tpu.vector_load %arg5[%parallel_loop3A_45, %parallel_loop3A_46] {strides = array<i32>} : memref<32x512xf32, #tpu.memory_space<vmem>>, vector<16xf32>,
        %parallel_loop3A_48 = arith.constant 2 : i32
        %parallel_loop3A_49 = arith.index_cast %parallel_loop3A_48 : i32 to index
        %parallel_loop3A_50 = arith.index_cast %parallel_loop3A_37 : i32 to index
        %parallel_loop3A_51 = tpu.vector_load %arg5[%parallel_loop3A_49, %parallel_loop3A_50] {strides = array<i32>} : memref<32x512xf32, #tpu.memory_space<vmem>>, vector<16xf32>,
        %parallel_loop3A_52 = arith.constant 3 : i32
        %parallel_loop3A_53 = arith.index_cast %parallel_loop3A_52 : i32 to index
        %parallel_loop3A_54 = arith.index_cast %parallel_loop3A_37 : i32 to index
        %parallel_loop3A_55 = tpu.vector_load %arg5[%parallel_loop3A_53, %parallel_loop3A_54] {strides = array<i32>} : memref<32x512xf32, #tpu.memory_space<vmem>>, vector<16xf32>,
        %parallel_loop3A_56 = arith.constant 4 : i32
        %parallel_loop3A_57 = arith.index_cast %parallel_loop3A_56 : i32 to index
        %parallel_loop3A_58 = arith.index_cast %parallel_loop3A_37 : i32 to index
        %parallel_loop3A_59 = tpu.vector_load %arg5[%parallel_loop3A_57, %parallel_loop3A_58] {strides = array<i32>} : memref<32x512xf32, #tpu.memory_space<vmem>>, vector<16xf32>,
        %parallel_loop3A_60 = arith.constant 5 : i32
        %parallel_loop3A_61 = arith.index_cast %parallel_loop3A_60 : i32 to index
        %parallel_loop3A_62 = arith.index_cast %parallel_loop3A_37 : i32 to index
        %parallel_loop3A_63 = tpu.vector_load %arg5[%parallel_loop3A_61, %parallel_loop3A_62] {strides = array<i32>} : memref<32x512xf32, #tpu.memory_space<vmem>>, vector<16xf32>,
        %parallel_loop3A_64 = arith.constant 6 : i32
        %parallel_loop3A_65 = arith.index_cast %parallel_loop3A_64 : i32 to index
        %parallel_loop3A_66 = arith.index_cast %parallel_loop3A_37 : i32 to index
        %parallel_loop3A_67 = tpu.vector_load %arg5[%parallel_loop3A_65, %parallel_loop3A_66] {strides = array<i32>} : memref<32x512xf32, #tpu.memory_space<vmem>>, vector<16xf32>,
        %parallel_loop3A_68 = arith.constant 7 : i32
        %parallel_loop3A_69 = arith.index_cast %parallel_loop3A_68 : i32 to index
        %parallel_loop3A_70 = arith.index_cast %parallel_loop3A_37 : i32 to index
        %parallel_loop3A_71 = tpu.vector_load %arg5[%parallel_loop3A_69, %parallel_loop3A_70] {strides = array<i32>} : memref<32x512xf32, #tpu.memory_space<vmem>>, vector<16xf32>,
        %parallel_loop3A_72 = arith.constant 8 : i32
        %parallel_loop3A_73 = arith.index_cast %parallel_loop3A_72 : i32 to index
        %parallel_loop3A_74 = arith.index_cast %parallel_loop3A_37 : i32 to index
        %parallel_loop3A_75 = tpu.vector_load %arg5[%parallel_loop3A_73, %parallel_loop3A_74] {strides = array<i32>} : memref<32x512xf32, #tpu.memory_space<vmem>>, vector<16xf32>,
        %parallel_loop3A_76 = arith.constant 9 : i32
        %parallel_loop3A_77 = arith.index_cast %parallel_loop3A_76 : i32 to index
        %parallel_loop3A_78 = arith.index_cast %parallel_loop3A_37 : i32 to index
        %parallel_loop3A_79 = tpu.vector_load %arg5[%parallel_loop3A_77, %parallel_loop3A_78] {strides = array<i32>} : memref<32x512xf32, #tpu.memory_space<vmem>>, vector<16xf32>,
        %parallel_loop3A_80 = arith.constant 10 : i32
        %parallel_loop3A_81 = arith.index_cast %parallel_loop3A_80 : i32 to index
        %parallel_loop3A_82 = arith.index_cast %parallel_loop3A_37 : i32 to index
        %parallel_loop3A_83 = tpu.vector_load %arg5[%parallel_loop3A_81, %parallel_loop3A_82] {strides = array<i32>} : memref<32x512xf32, #tpu.memory_space<vmem>>, vector<16xf32>,
        %parallel_loop3A_84 = arith.constant 11 : i32
        %parallel_loop3A_85 = arith.index_cast %parallel_loop3A_84 : i32 to index
        %parallel_loop3A_86 = arith.index_cast %parallel_loop3A_37 : i32 to index
        %parallel_loop3A_87 = tpu.vector_load %arg5[%parallel_loop3A_85, %parallel_loop3A_86] {strides = array<i32>} : memref<32x512xf32, #tpu.memory_space<vmem>>, vector<16xf32>,
        %parallel_loop3A_88 = arith.constant 12 : i32
        %parallel_loop3A_89 = arith.index_cast %parallel_loop3A_88 : i32 to index
        %parallel_loop3A_90 = arith.index_cast %parallel_loop3A_37 : i32 to index
        %parallel_loop3A_91 = tpu.vector_load %arg5[%parallel_loop3A_89, %parallel_loop3A_90] {strides = array<i32>} : memref<32x512xf32, #tpu.memory_space<vmem>>, vector<16xf32>,
        %parallel_loop3A_92 = arith.constant 13 : i32
        %parallel_loop3A_93 = arith.index_cast %parallel_loop3A_92 : i32 to index
        %parallel_loop3A_94 = arith.index_cast %parallel_loop3A_37 : i32 to index
        %parallel_loop3A_95 = tpu.vector_load %arg5[%parallel_loop3A_93, %parallel_loop3A_94] {strides = array<i32>} : memref<32x512xf32, #tpu.memory_space<vmem>>, vector<16xf32>,
        %parallel_loop3A_96 = arith.constant 14 : i32
        %parallel_loop3A_97 = arith.index_cast %parallel_loop3A_96 : i32 to index
        %parallel_loop3A_98 = arith.index_cast %parallel_loop3A_37 : i32 to index
        %parallel_loop3A_99 = tpu.vector_load %arg5[%parallel_loop3A_97, %parallel_loop3A_98] {strides = array<i32>} : memref<32x512xf32, #tpu.memory_space<vmem>>, vector<16xf32>,
        %parallel_loop3A_100 = arith.constant 15 : i32
        %parallel_loop3A_101 = arith.index_cast %parallel_loop3A_100 : i32 to index
        %parallel_loop3A_102 = arith.index_cast %parallel_loop3A_37 : i32 to index
        %parallel_loop3A_103 = tpu.vector_load %arg5[%parallel_loop3A_101, %parallel_loop3A_102] {strides = array<i32>} : memref<32x512xf32, #tpu.memory_space<vmem>>, vector<16xf32>,
        %parallel_loop3A_104 = arith.constant 16 : i32
        %parallel_loop3A_105 = arith.index_cast %parallel_loop3A_104 : i32 to index
        %parallel_loop3A_106 = arith.index_cast %parallel_loop3A_37 : i32 to index
        %parallel_loop3A_107 = tpu.vector_load %arg5[%parallel_loop3A_105, %parallel_loop3A_106] {strides = array<i32>} : memref<32x512xf32, #tpu.memory_space<vmem>>, vector<16xf32>,
        %parallel_loop3A_108 = arith.constant 17 : i32
        %parallel_loop3A_109 = arith.index_cast %parallel_loop3A_108 : i32 to index
        %parallel_loop3A_110 = arith.index_cast %parallel_loop3A_37 : i32 to index
        %parallel_loop3A_111 = tpu.vector_load %arg5[%parallel_loop3A_109, %parallel_loop3A_110] {strides = array<i32>} : memref<32x512xf32, #tpu.memory_space<vmem>>, vector<16xf32>,
        %parallel_loop3A_112 = arith.constant 18 : i32
        %parallel_loop3A_113 = arith.index_cast %parallel_loop3A_112 : i32 to index
        %parallel_loop3A_114 = arith.index_cast %parallel_loop3A_37 : i32 to index
        %parallel_loop3A_115 = tpu.vector_load %arg5[%parallel_loop3A_113, %parallel_loop3A_114] {strides = array<i32>} : memref<32x512xf32, #tpu.memory_space<vmem>>, vector<16xf32>,
        %parallel_loop3A_116 = arith.constant 19 : i32
        %parallel_loop3A_117 = arith.index_cast %parallel_loop3A_116 : i32 to index
        %parallel_loop3A_118 = arith.index_cast %parallel_loop3A_37 : i32 to index
        %parallel_loop3A_119 = tpu.vector_load %arg5[%parallel_loop3A_117, %parallel_loop3A_118] {strides = array<i32>} : memref<32x512xf32, #tpu.memory_space<vmem>>, vector<16xf32>,
        %parallel_loop3A_120 = arith.constant 20 : i32
        %parallel_loop3A_121 = arith.index_cast %parallel_loop3A_120 : i32 to index
        %parallel_loop3A_122 = arith.index_cast %parallel_loop3A_37 : i32 to index
        %parallel_loop3A_123 = tpu.vector_load %arg5[%parallel_loop3A_121, %parallel_loop3A_122] {strides = array<i32>} : memref<32x512xf32, #tpu.memory_space<vmem>>, vector<16xf32>,
        %parallel_loop3A_124 = arith.constant 21 : i32
        %parallel_loop3A_125 = arith.index_cast %parallel_loop3A_124 : i32 to index
        %parallel_loop3A_126 = arith.index_cast %parallel_loop3A_37 : i32 to index
        %parallel_loop3A_127 = tpu.vector_load %arg5[%parallel_loop3A_125, %parallel_loop3A_126] {strides = array<i32>} : memref<32x512xf32, #tpu.memory_space<vmem>>, vector<16xf32>,
        %parallel_loop3A_128 = arith.constant 22 : i32
        %parallel_loop3A_129 = arith.index_cast %parallel_loop3A_128 : i32 to index
        %parallel_loop3A_130 = arith.index_cast %parallel_loop3A_37 : i32 to index
        %parallel_loop3A_131 = tpu.vector_load %arg5[%parallel_loop3A_129, %parallel_loop3A_130] {strides = array<i32>} : memref<32x512xf32, #tpu.memory_space<vmem>>, vector<16xf32>,
        %parallel_loop3A_132 = arith.constant 23 : i32
        %parallel_loop3A_133 = arith.index_cast %parallel_loop3A_132 : i32 to index
        %parallel_loop3A_134 = arith.index_cast %parallel_loop3A_37 : i32 to index
        %parallel_loop3A_135 = tpu.vector_load %arg5[%parallel_loop3A_133, %parallel_loop3A_134] {strides = array<i32>} : memref<32x512xf32, #tpu.memory_space<vmem>>, vector<16xf32>,
        %parallel_loop3A_136 = arith.constant 24 : i32
        %parallel_loop3A_137 = arith.index_cast %parallel_loop3A_136 : i32 to index
        %parallel_loop3A_138 = arith.index_cast %parallel_loop3A_37 : i32 to index
        %parallel_loop3A_139 = tpu.vector_load %arg5[%parallel_loop3A_137, %parallel_loop3A_138] {strides = array<i32>} : memref<32x512xf32, #tpu.memory_space<vmem>>, vector<16xf32>,
        %parallel_loop3A_140 = arith.constant 25 : i32
        %parallel_loop3A_141 = arith.index_cast %parallel_loop3A_140 : i32 to index
        %parallel_loop3A_142 = arith.index_cast %parallel_loop3A_37 : i32 to index
        %parallel_loop3A_143 = tpu.vector_load %arg5[%parallel_loop3A_141, %parallel_loop3A_142] {strides = array<i32>} : memref<32x512xf32, #tpu.memory_space<vmem>>, vector<16xf32>,
        %parallel_loop3A_144 = arith.constant 26 : i32
        %parallel_loop3A_145 = arith.index_cast %parallel_loop3A_144 : i32 to index
        %parallel_loop3A_146 = arith.index_cast %parallel_loop3A_37 : i32 to index
        %parallel_loop3A_147 = tpu.vector_load %arg5[%parallel_loop3A_145, %parallel_loop3A_146] {strides = array<i32>} : memref<32x512xf32, #tpu.memory_space<vmem>>, vector<16xf32>,
        %parallel_loop3A_148 = arith.constant 27 : i32
        %parallel_loop3A_149 = arith.index_cast %parallel_loop3A_148 : i32 to index
        %parallel_loop3A_150 = arith.index_cast %parallel_loop3A_37 : i32 to index
        %parallel_loop3A_151 = tpu.vector_load %arg5[%parallel_loop3A_149, %parallel_loop3A_150] {strides = array<i32>} : memref<32x512xf32, #tpu.memory_space<vmem>>, vector<16xf32>,
        %parallel_loop3A_152 = arith.constant 28 : i32
        %parallel_loop3A_153 = arith.index_cast %parallel_loop3A_152 : i32 to index
        %parallel_loop3A_154 = arith.index_cast %parallel_loop3A_37 : i32 to index
        %parallel_loop3A_155 = tpu.vector_load %arg5[%parallel_loop3A_153, %parallel_loop3A_154] {strides = array<i32>} : memref<32x512xf32, #tpu.memory_space<vmem>>, vector<16xf32>,
        %parallel_loop3A_156 = arith.constant 29 : i32
        %parallel_loop3A_157 = arith.index_cast %parallel_loop3A_156 : i32 to index
        %parallel_loop3A_158 = arith.index_cast %parallel_loop3A_37 : i32 to index
        %parallel_loop3A_159 = tpu.vector_load %arg5[%parallel_loop3A_157, %parallel_loop3A_158] {strides = array<i32>} : memref<32x512xf32, #tpu.memory_space<vmem>>, vector<16xf32>,
        %parallel_loop3A_160 = arith.constant 30 : i32
        %parallel_loop3A_161 = arith.index_cast %parallel_loop3A_160 : i32 to index
        %parallel_loop3A_162 = arith.index_cast %parallel_loop3A_37 : i32 to index
        %parallel_loop3A_163 = tpu.vector_load %arg5[%parallel_loop3A_161, %parallel_loop3A_162] {strides = array<i32>} : memref<32x512xf32, #tpu.memory_space<vmem>>, vector<16xf32>,
        %parallel_loop3A_164 = arith.constant 31 : i32
        %parallel_loop3A_165 = arith.index_cast %parallel_loop3A_164 : i32 to index
        %parallel_loop3A_166 = arith.index_cast %parallel_loop3A_37 : i32 to index
        %parallel_loop3A_167 = tpu.vector_load %arg5[%parallel_loop3A_165, %parallel_loop3A_166] {strides = array<i32>} : memref<32x512xf32, #tpu.memory_space<vmem>>, vector<16xf32>,
        %parallel_loop3A_168 = arith.constant 0 : i32
        %parallel_loop3A_169 = arith.addi %parallel_loop3A_39, %parallel_loop3A_168 : i32
        %parallel_loop3A_170 = vector.broadcast %parallel_loop3A_169 : i32 to vector<16xi32>
        %parallel_loop3A_171 = arith.addi %mul3A_3, %parallel_loop3A_170 : vector<16xi32>
        tpu.vector_store_idx %arg7[%parallel_loop3A_171], %parallel_loop3A_43 : memref<16384xf32, #tpu.memory_space<vmem>>[vector<16xi32>], vector<16xf32>,
        %parallel_loop3A_172 = arith.constant 1 : i32
        %parallel_loop3A_173 = arith.addi %parallel_loop3A_39, %parallel_loop3A_172 : i32
        %parallel_loop3A_174 = vector.broadcast %parallel_loop3A_173 : i32 to vector<16xi32>
        %parallel_loop3A_175 = arith.addi %mul3A_3, %parallel_loop3A_174 : vector<16xi32>
        tpu.vector_store_idx %arg7[%parallel_loop3A_175], %parallel_loop3A_47 : memref<16384xf32, #tpu.memory_space<vmem>>[vector<16xi32>], vector<16xf32>,
        %parallel_loop3A_176 = arith.constant 2 : i32
        %parallel_loop3A_177 = arith.addi %parallel_loop3A_39, %parallel_loop3A_176 : i32
        %parallel_loop3A_178 = vector.broadcast %parallel_loop3A_177 : i32 to vector<16xi32>
        %parallel_loop3A_179 = arith.addi %mul3A_3, %parallel_loop3A_178 : vector<16xi32>
        tpu.vector_store_idx %arg7[%parallel_loop3A_179], %parallel_loop3A_51 : memref<16384xf32, #tpu.memory_space<vmem>>[vector<16xi32>], vector<16xf32>,
        %parallel_loop3A_180 = arith.constant 3 : i32
        %parallel_loop3A_181 = arith.addi %parallel_loop3A_39, %parallel_loop3A_180 : i32
        %parallel_loop3A_182 = vector.broadcast %parallel_loop3A_181 : i32 to vector<16xi32>
        %parallel_loop3A_183 = arith.addi %mul3A_3, %parallel_loop3A_182 : vector<16xi32>
        tpu.vector_store_idx %arg7[%parallel_loop3A_183], %parallel_loop3A_55 : memref<16384xf32, #tpu.memory_space<vmem>>[vector<16xi32>], vector<16xf32>,
        %parallel_loop3A_184 = arith.constant 4 : i32
        %parallel_loop3A_185 = arith.addi %parallel_loop3A_39, %parallel_loop3A_184 : i32
        %parallel_loop3A_186 = vector.broadcast %parallel_loop3A_185 : i32 to vector<16xi32>
        %parallel_loop3A_187 = arith.addi %mul3A_3, %parallel_loop3A_186 : vector<16xi32>
        tpu.vector_store_idx %arg7[%parallel_loop3A_187], %parallel_loop3A_59 : memref<16384xf32, #tpu.memory_space<vmem>>[vector<16xi32>], vector<16xf32>,
        %parallel_loop3A_188 = arith.constant 5 : i32
        %parallel_loop3A_189 = arith.addi %parallel_loop3A_39, %parallel_loop3A_188 : i32
        %parallel_loop3A_190 = vector.broadcast %parallel_loop3A_189 : i32 to vector<16xi32>
        %parallel_loop3A_191 = arith.addi %mul3A_3, %parallel_loop3A_190 : vector<16xi32>
        tpu.vector_store_idx %arg7[%parallel_loop3A_191], %parallel_loop3A_63 : memref<16384xf32, #tpu.memory_space<vmem>>[vector<16xi32>], vector<16xf32>,
        %parallel_loop3A_192 = arith.constant 6 : i32
        %parallel_loop3A_193 = arith.addi %parallel_loop3A_39, %parallel_loop3A_192 : i32
        %parallel_loop3A_194 = vector.broadcast %parallel_loop3A_193 : i32 to vector<16xi32>
        %parallel_loop3A_195 = arith.addi %mul3A_3, %parallel_loop3A_194 : vector<16xi32>
        tpu.vector_store_idx %arg7[%parallel_loop3A_195], %parallel_loop3A_67 : memref<16384xf32, #tpu.memory_space<vmem>>[vector<16xi32>], vector<16xf32>,
        %parallel_loop3A_196 = arith.constant 7 : i32
        %parallel_loop3A_197 = arith.addi %parallel_loop3A_39, %parallel_loop3A_196 : i32
        %parallel_loop3A_198 = vector.broadcast %parallel_loop3A_197 : i32 to vector<16xi32>
        %parallel_loop3A_199 = arith.addi %mul3A_3, %parallel_loop3A_198 : vector<16xi32>
        tpu.vector_store_idx %arg7[%parallel_loop3A_199], %parallel_loop3A_71 : memref<16384xf32, #tpu.memory_space<vmem>>[vector<16xi32>], vector<16xf32>,
        %parallel_loop3A_200 = arith.constant 8 : i32
        %parallel_loop3A_201 = arith.addi %parallel_loop3A_39, %parallel_loop3A_200 : i32
        %parallel_loop3A_202 = vector.broadcast %parallel_loop3A_201 : i32 to vector<16xi32>
        %parallel_loop3A_203 = arith.addi %mul3A_3, %parallel_loop3A_202 : vector<16xi32>
        tpu.vector_store_idx %arg7[%parallel_loop3A_203], %parallel_loop3A_75 : memref<16384xf32, #tpu.memory_space<vmem>>[vector<16xi32>], vector<16xf32>,
        %parallel_loop3A_204 = arith.constant 9 : i32
        %parallel_loop3A_205 = arith.addi %parallel_loop3A_39, %parallel_loop3A_204 : i32
        %parallel_loop3A_206 = vector.broadcast %parallel_loop3A_205 : i32 to vector<16xi32>
        %parallel_loop3A_207 = arith.addi %mul3A_3, %parallel_loop3A_206 : vector<16xi32>
        tpu.vector_store_idx %arg7[%parallel_loop3A_207], %parallel_loop3A_79 : memref<16384xf32, #tpu.memory_space<vmem>>[vector<16xi32>], vector<16xf32>,
        %parallel_loop3A_208 = arith.constant 10 : i32
        %parallel_loop3A_209 = arith.addi %parallel_loop3A_39, %parallel_loop3A_208 : i32
        %parallel_loop3A_210 = vector.broadcast %parallel_loop3A_209 : i32 to vector<16xi32>
        %parallel_loop3A_211 = arith.addi %mul3A_3, %parallel_loop3A_210 : vector<16xi32>
        tpu.vector_store_idx %arg7[%parallel_loop3A_211], %parallel_loop3A_83 : memref<16384xf32, #tpu.memory_space<vmem>>[vector<16xi32>], vector<16xf32>,
        %parallel_loop3A_212 = arith.constant 11 : i32
        %parallel_loop3A_213 = arith.addi %parallel_loop3A_39, %parallel_loop3A_212 : i32
        %parallel_loop3A_214 = vector.broadcast %parallel_loop3A_213 : i32 to vector<16xi32>
        %parallel_loop3A_215 = arith.addi %mul3A_3, %parallel_loop3A_214 : vector<16xi32>
        tpu.vector_store_idx %arg7[%parallel_loop3A_215], %parallel_loop3A_87 : memref<16384xf32, #tpu.memory_space<vmem>>[vector<16xi32>], vector<16xf32>,
        %parallel_loop3A_216 = arith.constant 12 : i32
        %parallel_loop3A_217 = arith.addi %parallel_loop3A_39, %parallel_loop3A_216 : i32
        %parallel_loop3A_218 = vector.broadcast %parallel_loop3A_217 : i32 to vector<16xi32>
        %parallel_loop3A_219 = arith.addi %mul3A_3, %parallel_loop3A_218 : vector<16xi32>
        tpu.vector_store_idx %arg7[%parallel_loop3A_219], %parallel_loop3A_91 : memref<16384xf32, #tpu.memory_space<vmem>>[vector<16xi32>], vector<16xf32>,
        %parallel_loop3A_220 = arith.constant 13 : i32
        %parallel_loop3A_221 = arith.addi %parallel_loop3A_39, %parallel_loop3A_220 : i32
        %parallel_loop3A_222 = vector.broadcast %parallel_loop3A_221 : i32 to vector<16xi32>
        %parallel_loop3A_223 = arith.addi %mul3A_3, %parallel_loop3A_222 : vector<16xi32>
        tpu.vector_store_idx %arg7[%parallel_loop3A_223], %parallel_loop3A_95 : memref<16384xf32, #tpu.memory_space<vmem>>[vector<16xi32>], vector<16xf32>,
        %parallel_loop3A_224 = arith.constant 14 : i32
        %parallel_loop3A_225 = arith.addi %parallel_loop3A_39, %parallel_loop3A_224 : i32
        %parallel_loop3A_226 = vector.broadcast %parallel_loop3A_225 : i32 to vector<16xi32>
        %parallel_loop3A_227 = arith.addi %mul3A_3, %parallel_loop3A_226 : vector<16xi32>
        tpu.vector_store_idx %arg7[%parallel_loop3A_227], %parallel_loop3A_99 : memref<16384xf32, #tpu.memory_space<vmem>>[vector<16xi32>], vector<16xf32>,
        %parallel_loop3A_228 = arith.constant 15 : i32
        %parallel_loop3A_229 = arith.addi %parallel_loop3A_39, %parallel_loop3A_228 : i32
        %parallel_loop3A_230 = vector.broadcast %parallel_loop3A_229 : i32 to vector<16xi32>
        %parallel_loop3A_231 = arith.addi %mul3A_3, %parallel_loop3A_230 : vector<16xi32>
        tpu.vector_store_idx %arg7[%parallel_loop3A_231], %parallel_loop3A_103 : memref<16384xf32, #tpu.memory_space<vmem>>[vector<16xi32>], vector<16xf32>,
        %parallel_loop3A_232 = arith.constant 16 : i32
        %parallel_loop3A_233 = arith.addi %parallel_loop3A_39, %parallel_loop3A_232 : i32
        %parallel_loop3A_234 = vector.broadcast %parallel_loop3A_233 : i32 to vector<16xi32>
        %parallel_loop3A_235 = arith.addi %mul3A_3, %parallel_loop3A_234 : vector<16xi32>
        tpu.vector_store_idx %arg7[%parallel_loop3A_235], %parallel_loop3A_107 : memref<16384xf32, #tpu.memory_space<vmem>>[vector<16xi32>], vector<16xf32>,
        %parallel_loop3A_236 = arith.constant 17 : i32
        %parallel_loop3A_237 = arith.addi %parallel_loop3A_39, %parallel_loop3A_236 : i32
        %parallel_loop3A_238 = vector.broadcast %parallel_loop3A_237 : i32 to vector<16xi32>
        %parallel_loop3A_239 = arith.addi %mul3A_3, %parallel_loop3A_238 : vector<16xi32>
        tpu.vector_store_idx %arg7[%parallel_loop3A_239], %parallel_loop3A_111 : memref<16384xf32, #tpu.memory_space<vmem>>[vector<16xi32>], vector<16xf32>,
        %parallel_loop3A_240 = arith.constant 18 : i32
        %parallel_loop3A_241 = arith.addi %parallel_loop3A_39, %parallel_loop3A_240 : i32
        %parallel_loop3A_242 = vector.broadcast %parallel_loop3A_241 : i32 to vector<16xi32>
        %parallel_loop3A_243 = arith.addi %mul3A_3, %parallel_loop3A_242 : vector<16xi32>
        tpu.vector_store_idx %arg7[%parallel_loop3A_243], %parallel_loop3A_115 : memref<16384xf32, #tpu.memory_space<vmem>>[vector<16xi32>], vector<16xf32>,
        %parallel_loop3A_244 = arith.constant 19 : i32
        %parallel_loop3A_245 = arith.addi %parallel_loop3A_39, %parallel_loop3A_244 : i32
        %parallel_loop3A_246 = vector.broadcast %parallel_loop3A_245 : i32 to vector<16xi32>
        %parallel_loop3A_247 = arith.addi %mul3A_3, %parallel_loop3A_246 : vector<16xi32>
        tpu.vector_store_idx %arg7[%parallel_loop3A_247], %parallel_loop3A_119 : memref<16384xf32, #tpu.memory_space<vmem>>[vector<16xi32>], vector<16xf32>,
        %parallel_loop3A_248 = arith.constant 20 : i32
        %parallel_loop3A_249 = arith.addi %parallel_loop3A_39, %parallel_loop3A_248 : i32
        %parallel_loop3A_250 = vector.broadcast %parallel_loop3A_249 : i32 to vector<16xi32>
        %parallel_loop3A_251 = arith.addi %mul3A_3, %parallel_loop3A_250 : vector<16xi32>
        tpu.vector_store_idx %arg7[%parallel_loop3A_251], %parallel_loop3A_123 : memref<16384xf32, #tpu.memory_space<vmem>>[vector<16xi32>], vector<16xf32>,
        %parallel_loop3A_252 = arith.constant 21 : i32
        %parallel_loop3A_253 = arith.addi %parallel_loop3A_39, %parallel_loop3A_252 : i32
        %parallel_loop3A_254 = vector.broadcast %parallel_loop3A_253 : i32 to vector<16xi32>
        %parallel_loop3A_255 = arith.addi %mul3A_3, %parallel_loop3A_254 : vector<16xi32>
        tpu.vector_store_idx %arg7[%parallel_loop3A_255], %parallel_loop3A_127 : memref<16384xf32, #tpu.memory_space<vmem>>[vector<16xi32>], vector<16xf32>,
        %parallel_loop3A_256 = arith.constant 22 : i32
        %parallel_loop3A_257 = arith.addi %parallel_loop3A_39, %parallel_loop3A_256 : i32
        %parallel_loop3A_258 = vector.broadcast %parallel_loop3A_257 : i32 to vector<16xi32>
        %parallel_loop3A_259 = arith.addi %mul3A_3, %parallel_loop3A_258 : vector<16xi32>
        tpu.vector_store_idx %arg7[%parallel_loop3A_259], %parallel_loop3A_131 : memref<16384xf32, #tpu.memory_space<vmem>>[vector<16xi32>], vector<16xf32>,
        %parallel_loop3A_260 = arith.constant 23 : i32
        %parallel_loop3A_261 = arith.addi %parallel_loop3A_39, %parallel_loop3A_260 : i32
        %parallel_loop3A_262 = vector.broadcast %parallel_loop3A_261 : i32 to vector<16xi32>
        %parallel_loop3A_263 = arith.addi %mul3A_3, %parallel_loop3A_262 : vector<16xi32>
        tpu.vector_store_idx %arg7[%parallel_loop3A_263], %parallel_loop3A_135 : memref<16384xf32, #tpu.memory_space<vmem>>[vector<16xi32>], vector<16xf32>,
        %parallel_loop3A_264 = arith.constant 24 : i32
        %parallel_loop3A_265 = arith.addi %parallel_loop3A_39, %parallel_loop3A_264 : i32
        %parallel_loop3A_266 = vector.broadcast %parallel_loop3A_265 : i32 to vector<16xi32>
        %parallel_loop3A_267 = arith.addi %mul3A_3, %parallel_loop3A_266 : vector<16xi32>
        tpu.vector_store_idx %arg7[%parallel_loop3A_267], %parallel_loop3A_139 : memref<16384xf32, #tpu.memory_space<vmem>>[vector<16xi32>], vector<16xf32>,
        %parallel_loop3A_268 = arith.constant 25 : i32
        %parallel_loop3A_269 = arith.addi %parallel_loop3A_39, %parallel_loop3A_268 : i32
        %parallel_loop3A_270 = vector.broadcast %parallel_loop3A_269 : i32 to vector<16xi32>
        %parallel_loop3A_271 = arith.addi %mul3A_3, %parallel_loop3A_270 : vector<16xi32>
        tpu.vector_store_idx %arg7[%parallel_loop3A_271], %parallel_loop3A_143 : memref<16384xf32, #tpu.memory_space<vmem>>[vector<16xi32>], vector<16xf32>,
        %parallel_loop3A_272 = arith.constant 26 : i32
        %parallel_loop3A_273 = arith.addi %parallel_loop3A_39, %parallel_loop3A_272 : i32
        %parallel_loop3A_274 = vector.broadcast %parallel_loop3A_273 : i32 to vector<16xi32>
        %parallel_loop3A_275 = arith.addi %mul3A_3, %parallel_loop3A_274 : vector<16xi32>
        tpu.vector_store_idx %arg7[%parallel_loop3A_275], %parallel_loop3A_147 : memref<16384xf32, #tpu.memory_space<vmem>>[vector<16xi32>], vector<16xf32>,
        %parallel_loop3A_276 = arith.constant 27 : i32
        %parallel_loop3A_277 = arith.addi %parallel_loop3A_39, %parallel_loop3A_276 : i32
        %parallel_loop3A_278 = vector.broadcast %parallel_loop3A_277 : i32 to vector<16xi32>
        %parallel_loop3A_279 = arith.addi %mul3A_3, %parallel_loop3A_278 : vector<16xi32>
        tpu.vector_store_idx %arg7[%parallel_loop3A_279], %parallel_loop3A_151 : memref<16384xf32, #tpu.memory_space<vmem>>[vector<16xi32>], vector<16xf32>,
        %parallel_loop3A_280 = arith.constant 28 : i32
        %parallel_loop3A_281 = arith.addi %parallel_loop3A_39, %parallel_loop3A_280 : i32
        %parallel_loop3A_282 = vector.broadcast %parallel_loop3A_281 : i32 to vector<16xi32>
        %parallel_loop3A_283 = arith.addi %mul3A_3, %parallel_loop3A_282 : vector<16xi32>
        tpu.vector_store_idx %arg7[%parallel_loop3A_283], %parallel_loop3A_155 : memref<16384xf32, #tpu.memory_space<vmem>>[vector<16xi32>], vector<16xf32>,
        %parallel_loop3A_284 = arith.constant 29 : i32
        %parallel_loop3A_285 = arith.addi %parallel_loop3A_39, %parallel_loop3A_284 : i32
        %parallel_loop3A_286 = vector.broadcast %parallel_loop3A_285 : i32 to vector<16xi32>
        %parallel_loop3A_287 = arith.addi %mul3A_3, %parallel_loop3A_286 : vector<16xi32>
        tpu.vector_store_idx %arg7[%parallel_loop3A_287], %parallel_loop3A_159 : memref<16384xf32, #tpu.memory_space<vmem>>[vector<16xi32>], vector<16xf32>,
        %parallel_loop3A_288 = arith.constant 30 : i32
        %parallel_loop3A_289 = arith.addi %parallel_loop3A_39, %parallel_loop3A_288 : i32
        %parallel_loop3A_290 = vector.broadcast %parallel_loop3A_289 : i32 to vector<16xi32>
        %parallel_loop3A_291 = arith.addi %mul3A_3, %parallel_loop3A_290 : vector<16xi32>
        tpu.vector_store_idx %arg7[%parallel_loop3A_291], %parallel_loop3A_163 : memref<16384xf32, #tpu.memory_space<vmem>>[vector<16xi32>], vector<16xf32>,
        %parallel_loop3A_292 = arith.constant 31 : i32
        %parallel_loop3A_293 = arith.addi %parallel_loop3A_39, %parallel_loop3A_292 : i32
        %parallel_loop3A_294 = vector.broadcast %parallel_loop3A_293 : i32 to vector<16xi32>
        %parallel_loop3A_295 = arith.addi %mul3A_3, %parallel_loop3A_294 : vector<16xi32>
        tpu.vector_store_idx %arg7[%parallel_loop3A_295], %parallel_loop3A_167 : memref<16384xf32, #tpu.memory_space<vmem>>[vector<16xi32>], vector<16xf32>,
      } {sc.loop_unroll_factor = 4 : i64, sc.parallel_access}
      "tpu.region"() ({
        %run_scoped3A = tpu.sem_alloc : memref<!tpu.dma_semaphore, #tpu.memory_space<semaphore_mem>>
        %dma_start3A_37 = arith.constant 31981568 : i32
        %dma_start3A_38 = tpu.memref_slice %arg4[%dma_start3A_37] : memref<32000000xf32, #tpu.memory_space<hbm>> -> memref<16384xf32, #tpu.memory_space<hbm>>
        %dma_start3A_39 = arith.constant 31981568 : i32
        %dma_start3A_40 = tpu.memref_slice %arg4[%dma_start3A_39] : memref<32000000xf32, #tpu.memory_space<hbm>> -> memref<16384xf32, #tpu.memory_space<hbm>>
        tpu.enqueue_dma source(%arg7 : memref<16384xf32, #tpu.memory_space<vmem>>) target(%dma_start3A_40 : memref<16384xf32, #tpu.memory_space<hbm>>) target_semaphore(%run_scoped3A : memref<!tpu.dma_semaphore, #tpu.memory_space<semaphore_mem>>)
        %dma_wait3A_41 = arith.constant 31981568 : i32
        %dma_wait3A_42 = tpu.memref_slice %arg4[%dma_wait3A_41] : memref<32000000xf32, #tpu.memory_space<hbm>> -> memref<16384xf32, #tpu.memory_space<hbm>>
        %dma_wait3A_43 = arith.constant 31981568 : i32
        %dma_wait3A_44 = tpu.memref_slice %arg4[%dma_wait3A_43] : memref<32000000xf32, #tpu.memory_space<hbm>> -> memref<16384xf32, #tpu.memory_space<hbm>>
        tpu.wait_dma2 semaphore(%run_scoped3A : memref<!tpu.dma_semaphore, #tpu.memory_space<semaphore_mem>>) src(%arg7 : memref<16384xf32, #tpu.memory_space<vmem>>) dst(%dma_wait3A_44 : memref<16384xf32, #tpu.memory_space<hbm>>)
        tpu.yield
      }) : () -> ()
      "tpu.region"() ({
        %run_scoped3A = tpu.sem_alloc : memref<!tpu.dma_semaphore, #tpu.memory_space<semaphore_mem>>
        %dma_start3A_37 = arith.constant 0 : i32
        %dma_start3A_38 = tpu.memref_slice %arg8[%dma_start3A_37] : memref<16384xf32, #tpu.memory_space<vmem>> -> memref<2048xf32, #tpu.memory_space<vmem>>
        %dma_start3A_39 = arith.constant 0 : i32
        %dma_start3A_40 = tpu.memref_slice %arg8[%dma_start3A_39] : memref<16384xf32, #tpu.memory_space<vmem>> -> memref<2048xf32, #tpu.memory_space<vmem>>
        tpu.enqueue_dma source(%arg3 : memref<2048xf32, #tpu.memory_space<hbm>>) target(%dma_start3A_40 : memref<2048xf32, #tpu.memory_space<vmem>>) target_semaphore(%run_scoped3A : memref<!tpu.dma_semaphore, #tpu.memory_space<semaphore_mem>>)
        %dma_wait3A_41 = arith.constant 0 : i32
        %dma_wait3A_42 = tpu.memref_slice %arg8[%dma_wait3A_41] : memref<16384xf32, #tpu.memory_space<vmem>> -> memref<2048xf32, #tpu.memory_space<vmem>>
        %dma_wait3A_43 = arith.constant 0 : i32
        %dma_wait3A_44 = tpu.memref_slice %arg8[%dma_wait3A_43] : memref<16384xf32, #tpu.memory_space<vmem>> -> memref<2048xf32, #tpu.memory_space<vmem>>
        tpu.wait_dma2 semaphore(%run_scoped3A : memref<!tpu.dma_semaphore, #tpu.memory_space<semaphore_mem>>) src(%arg3 : memref<2048xf32, #tpu.memory_space<hbm>>) dst(%dma_wait3A_44 : memref<2048xf32, #tpu.memory_space<vmem>>)
        tpu.yield
      }) : () -> ()
      "tpu.region"() ({
        %run_scoped3A = tpu.sem_alloc : memref<!tpu.dma_semaphore, #tpu.memory_space<semaphore_mem>>
        %dma_start3A_37 = arith.constant 0 : i32
        %dma_start3A_38 = tpu.memref_slice %arg8[%dma_start3A_37] : memref<16384xf32, #tpu.memory_space<vmem>> -> memref<2048xf32, #tpu.memory_space<vmem>>
        %dma_start3A_39 = arith.constant 31997952 : i32
        %dma_start3A_40 = tpu.memref_slice %arg4[%dma_start3A_39] : memref<32000000xf32, #tpu.memory_space<hbm>> -> memref<2048xf32, #tpu.memory_space<hbm>>
        %dma_start3A_41 = arith.constant 31997952 : i32
        %dma_start3A_42 = tpu.memref_slice %arg4[%dma_start3A_41] : memref<32000000xf32, #tpu.memory_space<hbm>> -> memref<2048xf32, #tpu.memory_space<hbm>>
        %dma_start3A_43 = arith.constant 0 : i32
        %dma_start3A_44 = tpu.memref_slice %arg8[%dma_start3A_43] : memref<16384xf32, #tpu.memory_space<vmem>> -> memref<2048xf32, #tpu.memory_space<vmem>>
        tpu.enqueue_dma source(%dma_start3A_44 : memref<2048xf32, #tpu.memory_space<vmem>>) target(%dma_start3A_42 : memref<2048xf32, #tpu.memory_space<hbm>>) target_semaphore(%run_scoped3A : memref<!tpu.dma_semaphore, #tpu.memory_space<semaphore_mem>>)
        %dma_wait3A_45 = arith.constant 0 : i32
        %dma_wait3A_46 = tpu.memref_slice %arg8[%dma_wait3A_45] : memref<16384xf32, #tpu.memory_space<vmem>> -> memref<2048xf32, #tpu.memory_space<vmem>>
        %dma_wait3A_47 = arith.constant 31997952 : i32
        %dma_wait3A_48 = tpu.memref_slice %arg4[%dma_wait3A_47] : memref<32000000xf32, #tpu.memory_space<hbm>> -> memref<2048xf32, #tpu.memory_space<hbm>>
        %dma_wait3A_49 = arith.constant 31997952 : i32
        %dma_wait3A_50 = tpu.memref_slice %arg4[%dma_wait3A_49] : memref<32000000xf32, #tpu.memory_space<hbm>> -> memref<2048xf32, #tpu.memory_space<hbm>>
        %dma_wait3A_51 = arith.constant 0 : i32
        %dma_wait3A_52 = tpu.memref_slice %arg8[%dma_wait3A_51] : memref<16384xf32, #tpu.memory_space<vmem>> -> memref<2048xf32, #tpu.memory_space<vmem>>
        tpu.wait_dma2 semaphore(%run_scoped3A : memref<!tpu.dma_semaphore, #tpu.memory_space<semaphore_mem>>) src(%dma_wait3A_52 : memref<2048xf32, #tpu.memory_space<vmem>>) dst(%dma_wait3A_50 : memref<2048xf32, #tpu.memory_space<hbm>>)
        tpu.yield
      }) : () -> ()
    } else {
    }
    return
  }
}

#map = affine_map<(d0, d1) -> (0, 0)>
#map1 = affine_map<(d0, d1) -> (0)>
module attributes {stable_mosaic.version = 14 : i64} {
  func.func @_body(%arg0: i32, %arg1: i32, %arg2: memref<4096x200xi32, #tpu.memory_space<hbm>>, %arg3: memref<4096x200xi32, #tpu.memory_space<hbm>>, %arg4: memref<1000000x32xf32, #tpu.memory_space<hbm>>, %arg5: memref<80xf32, #tpu.memory_space<hbm>>, %arg6: memref<4096xf32, #tpu.memory_space<hbm>>, %arg7: memref<128x200xi32, #tpu.memory_space<vmem>>, %arg8: memref<128x200xi32, #tpu.memory_space<vmem>>, %arg9: memref<200x32xf32, #tpu.memory_space<vmem>>, %arg10: memref<200x32xf32, #tpu.memory_space<vmem>>, %arg11: memref<200x32xf32, #tpu.memory_space<vmem>>, %arg12: memref<200x32xf32, #tpu.memory_space<vmem>>, %arg13: memref<80xf32, #tpu.memory_space<vmem>>, %arg14: memref<128xf32, #tpu.memory_space<vmem>>, %arg15: memref<!tpu.dma_semaphore, #tpu.memory_space<semaphore_mem>>, %arg16: memref<!tpu.dma_semaphore, #tpu.memory_space<semaphore_mem>>) attributes {dimension_semantics = [#tpu.dimension_semantics<core_parallel>, #tpu.dimension_semantics<subcore_parallel>], iteration_bounds = array<i64: 2, 16>, scalar_prefetch = 0 : i64, scratch_operands = 10 : i64, tpu.core_type = #tpu.core_type<sc_vector_subcore>, window_params = [{transform_indices = #map}, {transform_indices = #map}, {transform_indices = #map}, {transform_indices = #map1}, {transform_indices = #map1}]} {
    %mul3A = arith.constant 2 : i32
    %mul3A_0 = arith.muli %arg1, %mul3A : i32
    %add3A = arith.addi %mul3A_0, %arg0 : i32
    %mul3A_1 = arith.constant 128 : i32
    %mul3A_2 = arith.muli %add3A, %mul3A_1 : i32
    "tpu.region"() ({
      %run_scoped3A = tpu.sem_alloc : memref<!tpu.dma_semaphore, #tpu.memory_space<semaphore_mem>>
      %dma_start3A_51 = arith.constant 0 : i32
      %dma_start3A_52 = tpu.memref_slice %arg2[%mul3A_2, %dma_start3A_51] : memref<4096x200xi32, #tpu.memory_space<hbm>> -> memref<128x200xi32, #tpu.memory_space<hbm>>
      %dma_start3A_53 = arith.constant 0 : i32
      %dma_start3A_54 = tpu.memref_slice %arg2[%mul3A_2, %dma_start3A_53] : memref<4096x200xi32, #tpu.memory_space<hbm>> -> memref<128x200xi32, #tpu.memory_space<hbm>>
      tpu.enqueue_dma source(%dma_start3A_54 : memref<128x200xi32, #tpu.memory_space<hbm>>) target(%arg7 : memref<128x200xi32, #tpu.memory_space<vmem>>) target_semaphore(%run_scoped3A : memref<!tpu.dma_semaphore, #tpu.memory_space<semaphore_mem>>)
      %dma_wait3A_55 = arith.constant 0 : i32
      %dma_wait3A_56 = tpu.memref_slice %arg2[%mul3A_2, %dma_wait3A_55] : memref<4096x200xi32, #tpu.memory_space<hbm>> -> memref<128x200xi32, #tpu.memory_space<hbm>>
      %dma_wait3A_57 = arith.constant 0 : i32
      %dma_wait3A_58 = tpu.memref_slice %arg2[%mul3A_2, %dma_wait3A_57] : memref<4096x200xi32, #tpu.memory_space<hbm>> -> memref<128x200xi32, #tpu.memory_space<hbm>>
      tpu.wait_dma2 semaphore(%run_scoped3A : memref<!tpu.dma_semaphore, #tpu.memory_space<semaphore_mem>>) src(%dma_wait3A_58 : memref<128x200xi32, #tpu.memory_space<hbm>>) dst(%arg7 : memref<128x200xi32, #tpu.memory_space<vmem>>)
      tpu.yield
    }) : () -> ()
    "tpu.region"() ({
      %run_scoped3A = tpu.sem_alloc : memref<!tpu.dma_semaphore, #tpu.memory_space<semaphore_mem>>
      %dma_start3A_51 = arith.constant 0 : i32
      %dma_start3A_52 = tpu.memref_slice %arg3[%mul3A_2, %dma_start3A_51] : memref<4096x200xi32, #tpu.memory_space<hbm>> -> memref<128x200xi32, #tpu.memory_space<hbm>>
      %dma_start3A_53 = arith.constant 0 : i32
      %dma_start3A_54 = tpu.memref_slice %arg3[%mul3A_2, %dma_start3A_53] : memref<4096x200xi32, #tpu.memory_space<hbm>> -> memref<128x200xi32, #tpu.memory_space<hbm>>
      tpu.enqueue_dma source(%dma_start3A_54 : memref<128x200xi32, #tpu.memory_space<hbm>>) target(%arg8 : memref<128x200xi32, #tpu.memory_space<vmem>>) target_semaphore(%run_scoped3A : memref<!tpu.dma_semaphore, #tpu.memory_space<semaphore_mem>>)
      %dma_wait3A_55 = arith.constant 0 : i32
      %dma_wait3A_56 = tpu.memref_slice %arg3[%mul3A_2, %dma_wait3A_55] : memref<4096x200xi32, #tpu.memory_space<hbm>> -> memref<128x200xi32, #tpu.memory_space<hbm>>
      %dma_wait3A_57 = arith.constant 0 : i32
      %dma_wait3A_58 = tpu.memref_slice %arg3[%mul3A_2, %dma_wait3A_57] : memref<4096x200xi32, #tpu.memory_space<hbm>> -> memref<128x200xi32, #tpu.memory_space<hbm>>
      tpu.wait_dma2 semaphore(%run_scoped3A : memref<!tpu.dma_semaphore, #tpu.memory_space<semaphore_mem>>) src(%dma_wait3A_58 : memref<128x200xi32, #tpu.memory_space<hbm>>) dst(%arg8 : memref<128x200xi32, #tpu.memory_space<vmem>>)
      tpu.yield
    }) : () -> ()
    "tpu.region"() ({
      %run_scoped3A = tpu.sem_alloc : memref<!tpu.dma_semaphore, #tpu.memory_space<semaphore_mem>>
      tpu.enqueue_dma source(%arg5 : memref<80xf32, #tpu.memory_space<hbm>>) target(%arg13 : memref<80xf32, #tpu.memory_space<vmem>>) target_semaphore(%run_scoped3A : memref<!tpu.dma_semaphore, #tpu.memory_space<semaphore_mem>>)
      tpu.wait_dma2 semaphore(%run_scoped3A : memref<!tpu.dma_semaphore, #tpu.memory_space<semaphore_mem>>) src(%arg5 : memref<80xf32, #tpu.memory_space<hbm>>) dst(%arg13 : memref<80xf32, #tpu.memory_space<vmem>>)
      tpu.yield
    }) : () -> ()
    %get3A = arith.constant 0 : index
    %get3A_3 = tpu.vector_load %arg13[%get3A] {strides = array<i32>} : memref<80xf32, #tpu.memory_space<vmem>>, vector<16xf32>,
    %get3A_4 = vector.shape_cast %get3A_3 : vector<16xf32> to vector<16xf32>
    %get3A_5 = arith.constant 16 : index
    %get3A_6 = tpu.vector_load %arg13[%get3A_5] {strides = array<i32>} : memref<80xf32, #tpu.memory_space<vmem>>, vector<16xf32>,
    %get3A_7 = vector.shape_cast %get3A_6 : vector<16xf32> to vector<16xf32>
    %get3A_8 = arith.constant 32 : index
    %get3A_9 = tpu.vector_load %arg13[%get3A_8] {strides = array<i32>} : memref<80xf32, #tpu.memory_space<vmem>>, vector<16xf32>,
    %get3A_10 = vector.shape_cast %get3A_9 : vector<16xf32> to vector<16xf32>
    %get3A_11 = arith.constant 48 : index
    %get3A_12 = tpu.vector_load %arg13[%get3A_11] {strides = array<i32>} : memref<80xf32, #tpu.memory_space<vmem>>, vector<16xf32>,
    %get3A_13 = vector.shape_cast %get3A_12 : vector<16xf32> to vector<16xf32>
    %get3A_14 = arith.constant 64 : index
    %get3A_15 = tpu.vector_load %arg13[%get3A_14] {strides = array<i32>} : memref<80xf32, #tpu.memory_space<vmem>>, vector<16xf32>,
    %get3A_16 = vector.shape_cast %get3A_15 : vector<16xf32> to vector<16xf32>
    %iota3A = tpu.iota {dimensions = array<i32: 0>} : vector<16xi32>
    %broadcast_in_dim3A = arith.constant 0xFF800000 : f32
    %broadcast_in_dim3A_17 = vector.broadcast %broadcast_in_dim3A : f32 to vector<16xf32>
    %dma_start3A = arith.constant 0 : i32
    %dma_start3A_18 = arith.constant 0 : i32
    %dma_start3A_19 = tpu.memref_slice %arg7[%dma_start3A, %dma_start3A_18] : memref<128x200xi32, #tpu.memory_space<vmem>> -> memref<1x200xi32, #tpu.memory_space<vmem>>
    %dma_start3A_20 = tpu.memref_squeeze %dma_start3A_19 : memref<1x200xi32, #tpu.memory_space<vmem>> -> memref<200xi32, #tpu.memory_space<vmem>>
    %dma_start3A_21 = arith.constant 0 : i32
    %dma_start3A_22 = arith.constant 0 : i32
    %dma_start3A_23 = tpu.memref_slice %arg4[%dma_start3A_21, %dma_start3A_22] : memref<1000000x32xf32, #tpu.memory_space<hbm>> -> memref<1000000x32xf32, #tpu.memory_space<hbm>>
    tpu.enqueue_indirect_dma source(%dma_start3A_23 : memref<1000000x32xf32, #tpu.memory_space<hbm>>) target(%arg9 : memref<200x32xf32, #tpu.memory_space<vmem>>) offsets(%dma_start3A_20 : memref<200xi32, #tpu.memory_space<vmem>>) semaphore(%arg15 : memref<!tpu.dma_semaphore, #tpu.memory_space<semaphore_mem>>)
    %dma_start3A_24 = arith.constant 0 : i32
    %dma_start3A_25 = arith.constant 0 : i32
    %dma_start3A_26 = tpu.memref_slice %arg8[%dma_start3A_24, %dma_start3A_25] : memref<128x200xi32, #tpu.memory_space<vmem>> -> memref<1x200xi32, #tpu.memory_space<vmem>>
    %dma_start3A_27 = tpu.memref_squeeze %dma_start3A_26 : memref<1x200xi32, #tpu.memory_space<vmem>> -> memref<200xi32, #tpu.memory_space<vmem>>
    %dma_start3A_28 = arith.constant 0 : i32
    %dma_start3A_29 = arith.constant 0 : i32
    %dma_start3A_30 = tpu.memref_slice %arg4[%dma_start3A_28, %dma_start3A_29] : memref<1000000x32xf32, #tpu.memory_space<hbm>> -> memref<1000000x32xf32, #tpu.memory_space<hbm>>
    tpu.enqueue_indirect_dma source(%dma_start3A_30 : memref<1000000x32xf32, #tpu.memory_space<hbm>>) target(%arg10 : memref<200x32xf32, #tpu.memory_space<vmem>>) offsets(%dma_start3A_27 : memref<200xi32, #tpu.memory_space<vmem>>) semaphore(%arg15 : memref<!tpu.dma_semaphore, #tpu.memory_space<semaphore_mem>>)
    %broadcast_in_dim3A_31 = arith.constant 0.000000e+00 : f32
    %broadcast_in_dim3A_32 = vector.broadcast %broadcast_in_dim3A_31 : f32 to vector<16xf32>
    %scan3A = arith.constant 0 : i32
    %scan3A_33 = arith.constant 64 : i32
    %scan3A_34 = arith.addi %scan3A, %scan3A_33 : i32
    %scan3A_35 = arith.constant 1 : i32
    %scan3A_36 = scf.for %scan3A_51 = %scan3A to %scan3A_34 step %scan3A_35 iter_args(%scan3A_52 = %broadcast_in_dim3A_32) -> (vector<16xf32>)  : i32 {
      %mul3A_53 = arith.constant 2 : i32
      %mul3A_54 = arith.muli %mul3A_53, %scan3A_51 : i32
      %add3A_55 = arith.constant 1 : i32
      %add3A_56 = arith.addi %mul3A_54, %add3A_55 : i32
      %dma_start3A_57 = arith.constant 0 : i32
      %dma_start3A_58 = tpu.memref_slice %arg7[%add3A_56, %dma_start3A_57] : memref<128x200xi32, #tpu.memory_space<vmem>> -> memref<1x200xi32, #tpu.memory_space<vmem>>
      %dma_start3A_59 = tpu.memref_squeeze %dma_start3A_58 : memref<1x200xi32, #tpu.memory_space<vmem>> -> memref<200xi32, #tpu.memory_space<vmem>>
      %dma_start3A_60 = arith.constant 0 : i32
      %dma_start3A_61 = arith.constant 0 : i32
      %dma_start3A_62 = tpu.memref_slice %arg4[%dma_start3A_60, %dma_start3A_61] : memref<1000000x32xf32, #tpu.memory_space<hbm>> -> memref<1000000x32xf32, #tpu.memory_space<hbm>>
      tpu.enqueue_indirect_dma source(%dma_start3A_62 : memref<1000000x32xf32, #tpu.memory_space<hbm>>) target(%arg11 : memref<200x32xf32, #tpu.memory_space<vmem>>) offsets(%dma_start3A_59 : memref<200xi32, #tpu.memory_space<vmem>>) semaphore(%arg16 : memref<!tpu.dma_semaphore, #tpu.memory_space<semaphore_mem>>)
      %dma_start3A_63 = arith.constant 0 : i32
      %dma_start3A_64 = tpu.memref_slice %arg8[%add3A_56, %dma_start3A_63] : memref<128x200xi32, #tpu.memory_space<vmem>> -> memref<1x200xi32, #tpu.memory_space<vmem>>
      %dma_start3A_65 = tpu.memref_squeeze %dma_start3A_64 : memref<1x200xi32, #tpu.memory_space<vmem>> -> memref<200xi32, #tpu.memory_space<vmem>>
      %dma_start3A_66 = arith.constant 0 : i32
      %dma_start3A_67 = arith.constant 0 : i32
      %dma_start3A_68 = tpu.memref_slice %arg4[%dma_start3A_66, %dma_start3A_67] : memref<1000000x32xf32, #tpu.memory_space<hbm>> -> memref<1000000x32xf32, #tpu.memory_space<hbm>>
      tpu.enqueue_indirect_dma source(%dma_start3A_68 : memref<1000000x32xf32, #tpu.memory_space<hbm>>) target(%arg12 : memref<200x32xf32, #tpu.memory_space<vmem>>) offsets(%dma_start3A_65 : memref<200xi32, #tpu.memory_space<vmem>>) semaphore(%arg16 : memref<!tpu.dma_semaphore, #tpu.memory_space<semaphore_mem>>)
      %dma_wait3A_69 = arith.constant 0 : i32
      %dma_wait3A_70 = arith.constant 0 : i32
      %dma_wait3A_71 = tpu.memref_slice %arg7[%dma_wait3A_69, %dma_wait3A_70] : memref<128x200xi32, #tpu.memory_space<vmem>> -> memref<1x200xi32, #tpu.memory_space<vmem>>
      %dma_wait3A_72 = tpu.memref_squeeze %dma_wait3A_71 : memref<1x200xi32, #tpu.memory_space<vmem>> -> memref<200xi32, #tpu.memory_space<vmem>>
      %dma_wait3A_73 = arith.constant 0 : i32
      %dma_wait3A_74 = arith.constant 0 : i32
      %dma_wait3A_75 = tpu.memref_slice %arg4[%dma_wait3A_73, %dma_wait3A_74] : memref<1000000x32xf32, #tpu.memory_space<hbm>> -> memref<1000000x32xf32, #tpu.memory_space<hbm>>
      tpu.wait_indirect_dma semaphore(%arg15 : memref<!tpu.dma_semaphore, #tpu.memory_space<semaphore_mem>>) src(%dma_wait3A_75 : memref<1000000x32xf32, #tpu.memory_space<hbm>>) dst(%arg9 : memref<200x32xf32, #tpu.memory_space<vmem>>)
      %dma_wait3A_76 = arith.constant 0 : i32
      %dma_wait3A_77 = arith.constant 0 : i32
      %dma_wait3A_78 = tpu.memref_slice %arg8[%dma_wait3A_76, %dma_wait3A_77] : memref<128x200xi32, #tpu.memory_space<vmem>> -> memref<1x200xi32, #tpu.memory_space<vmem>>
      %dma_wait3A_79 = tpu.memref_squeeze %dma_wait3A_78 : memref<1x200xi32, #tpu.memory_space<vmem>> -> memref<200xi32, #tpu.memory_space<vmem>>
      %dma_wait3A_80 = arith.constant 0 : i32
      %dma_wait3A_81 = arith.constant 0 : i32
      %dma_wait3A_82 = tpu.memref_slice %arg4[%dma_wait3A_80, %dma_wait3A_81] : memref<1000000x32xf32, #tpu.memory_space<hbm>> -> memref<1000000x32xf32, #tpu.memory_space<hbm>>
      tpu.wait_indirect_dma semaphore(%arg15 : memref<!tpu.dma_semaphore, #tpu.memory_space<semaphore_mem>>) src(%dma_wait3A_82 : memref<1000000x32xf32, #tpu.memory_space<hbm>>) dst(%arg10 : memref<200x32xf32, #tpu.memory_space<vmem>>)
      %scan3A_83 = arith.constant 0 : i32
      %scan3A_84 = arith.constant 200 : i32
      %scan3A_85 = arith.addi %scan3A_83, %scan3A_84 : i32
      %scan3A_86 = arith.constant 8 : i32
      %scan3A_87:4 = scf.for %scan3A_204 = %scan3A_83 to %scan3A_85 step %scan3A_86 iter_args(%scan3A_205 = %broadcast_in_dim3A_17, %scan3A_206 = %broadcast_in_dim3A_17, %scan3A_207 = %broadcast_in_dim3A_17, %scan3A_208 = %broadcast_in_dim3A_17) -> (vector<16xf32>, vector<16xf32>, vector<16xf32>, vector<16xf32>)  : i32 {
        %get3A_209 = arith.index_cast %scan3A_204 : i32 to index
        %get3A_210 = arith.constant 0 : index
        %get3A_211 = tpu.vector_load %arg9[%get3A_209, %get3A_210] {strides = array<i32>} : memref<200x32xf32, #tpu.memory_space<vmem>>, vector<1x16xf32>,
        %get3A_212 = vector.shape_cast %get3A_211 : vector<1x16xf32> to vector<16xf32>
        %max3A = arith.maximumf %scan3A_205, %get3A_212 : vector<16xf32>
        %get3A_213 = arith.index_cast %scan3A_204 : i32 to index
        %get3A_214 = arith.constant 16 : index
        %get3A_215 = tpu.vector_load %arg9[%get3A_213, %get3A_214] {strides = array<i32>} : memref<200x32xf32, #tpu.memory_space<vmem>>, vector<1x16xf32>,
        %get3A_216 = vector.shape_cast %get3A_215 : vector<1x16xf32> to vector<16xf32>
        %max3A_217 = arith.maximumf %scan3A_206, %get3A_216 : vector<16xf32>
        %get3A_218 = arith.index_cast %scan3A_204 : i32 to index
        %get3A_219 = arith.constant 0 : index
        %get3A_220 = tpu.vector_load %arg10[%get3A_218, %get3A_219] {strides = array<i32>} : memref<200x32xf32, #tpu.memory_space<vmem>>, vector<1x16xf32>,
        %get3A_221 = vector.shape_cast %get3A_220 : vector<1x16xf32> to vector<16xf32>
        %max3A_222 = arith.maximumf %scan3A_207, %get3A_221 : vector<16xf32>
        %get3A_223 = arith.index_cast %scan3A_204 : i32 to index
        %get3A_224 = arith.constant 16 : index
        %get3A_225 = tpu.vector_load %arg10[%get3A_223, %get3A_224] {strides = array<i32>} : memref<200x32xf32, #tpu.memory_space<vmem>>, vector<1x16xf32>,
        %get3A_226 = vector.shape_cast %get3A_225 : vector<1x16xf32> to vector<16xf32>
        %max3A_227 = arith.maximumf %scan3A_208, %get3A_226 : vector<16xf32>
        %scan3A_228 = arith.constant 1 : i32
        %scan3A_229 = arith.addi %scan3A_204, %scan3A_228 : i32
        %get3A_230 = arith.index_cast %scan3A_229 : i32 to index
        %get3A_231 = arith.constant 0 : index
        %get3A_232 = tpu.vector_load %arg9[%get3A_230, %get3A_231] {strides = array<i32>} : memref<200x32xf32, #tpu.memory_space<vmem>>, vector<1x16xf32>,
        %get3A_233 = vector.shape_cast %get3A_232 : vector<1x16xf32> to vector<16xf32>
        %max3A_234 = arith.maximumf %max3A, %get3A_233 : vector<16xf32>
        %get3A_235 = arith.index_cast %scan3A_229 : i32 to index
        %get3A_236 = arith.constant 16 : index
        %get3A_237 = tpu.vector_load %arg9[%get3A_235, %get3A_236] {strides = array<i32>} : memref<200x32xf32, #tpu.memory_space<vmem>>, vector<1x16xf32>,
        %get3A_238 = vector.shape_cast %get3A_237 : vector<1x16xf32> to vector<16xf32>
        %max3A_239 = arith.maximumf %max3A_217, %get3A_238 : vector<16xf32>
        %get3A_240 = arith.index_cast %scan3A_229 : i32 to index
        %get3A_241 = arith.constant 0 : index
        %get3A_242 = tpu.vector_load %arg10[%get3A_240, %get3A_241] {strides = array<i32>} : memref<200x32xf32, #tpu.memory_space<vmem>>, vector<1x16xf32>,
        %get3A_243 = vector.shape_cast %get3A_242 : vector<1x16xf32> to vector<16xf32>
        %max3A_244 = arith.maximumf %max3A_222, %get3A_243 : vector<16xf32>
        %get3A_245 = arith.index_cast %scan3A_229 : i32 to index
        %get3A_246 = arith.constant 16 : index
        %get3A_247 = tpu.vector_load %arg10[%get3A_245, %get3A_246] {strides = array<i32>} : memref<200x32xf32, #tpu.memory_space<vmem>>, vector<1x16xf32>,
        %get3A_248 = vector.shape_cast %get3A_247 : vector<1x16xf32> to vector<16xf32>
        %max3A_249 = arith.maximumf %max3A_227, %get3A_248 : vector<16xf32>
        %scan3A_250 = arith.constant 2 : i32
        %scan3A_251 = arith.addi %scan3A_204, %scan3A_250 : i32
        %get3A_252 = arith.index_cast %scan3A_251 : i32 to index
        %get3A_253 = arith.constant 0 : index
        %get3A_254 = tpu.vector_load %arg9[%get3A_252, %get3A_253] {strides = array<i32>} : memref<200x32xf32, #tpu.memory_space<vmem>>, vector<1x16xf32>,
        %get3A_255 = vector.shape_cast %get3A_254 : vector<1x16xf32> to vector<16xf32>
        %max3A_256 = arith.maximumf %max3A_234, %get3A_255 : vector<16xf32>
        %get3A_257 = arith.index_cast %scan3A_251 : i32 to index
        %get3A_258 = arith.constant 16 : index
        %get3A_259 = tpu.vector_load %arg9[%get3A_257, %get3A_258] {strides = array<i32>} : memref<200x32xf32, #tpu.memory_space<vmem>>, vector<1x16xf32>,
        %get3A_260 = vector.shape_cast %get3A_259 : vector<1x16xf32> to vector<16xf32>
        %max3A_261 = arith.maximumf %max3A_239, %get3A_260 : vector<16xf32>
        %get3A_262 = arith.index_cast %scan3A_251 : i32 to index
        %get3A_263 = arith.constant 0 : index
        %get3A_264 = tpu.vector_load %arg10[%get3A_262, %get3A_263] {strides = array<i32>} : memref<200x32xf32, #tpu.memory_space<vmem>>, vector<1x16xf32>,
        %get3A_265 = vector.shape_cast %get3A_264 : vector<1x16xf32> to vector<16xf32>
        %max3A_266 = arith.maximumf %max3A_244, %get3A_265 : vector<16xf32>
        %get3A_267 = arith.index_cast %scan3A_251 : i32 to index
        %get3A_268 = arith.constant 16 : index
        %get3A_269 = tpu.vector_load %arg10[%get3A_267, %get3A_268] {strides = array<i32>} : memref<200x32xf32, #tpu.memory_space<vmem>>, vector<1x16xf32>,
        %get3A_270 = vector.shape_cast %get3A_269 : vector<1x16xf32> to vector<16xf32>
        %max3A_271 = arith.maximumf %max3A_249, %get3A_270 : vector<16xf32>
        %scan3A_272 = arith.constant 3 : i32
        %scan3A_273 = arith.addi %scan3A_204, %scan3A_272 : i32
        %get3A_274 = arith.index_cast %scan3A_273 : i32 to index
        %get3A_275 = arith.constant 0 : index
        %get3A_276 = tpu.vector_load %arg9[%get3A_274, %get3A_275] {strides = array<i32>} : memref<200x32xf32, #tpu.memory_space<vmem>>, vector<1x16xf32>,
        %get3A_277 = vector.shape_cast %get3A_276 : vector<1x16xf32> to vector<16xf32>
        %max3A_278 = arith.maximumf %max3A_256, %get3A_277 : vector<16xf32>
        %get3A_279 = arith.index_cast %scan3A_273 : i32 to index
        %get3A_280 = arith.constant 16 : index
        %get3A_281 = tpu.vector_load %arg9[%get3A_279, %get3A_280] {strides = array<i32>} : memref<200x32xf32, #tpu.memory_space<vmem>>, vector<1x16xf32>,
        %get3A_282 = vector.shape_cast %get3A_281 : vector<1x16xf32> to vector<16xf32>
        %max3A_283 = arith.maximumf %max3A_261, %get3A_282 : vector<16xf32>
        %get3A_284 = arith.index_cast %scan3A_273 : i32 to index
        %get3A_285 = arith.constant 0 : index
        %get3A_286 = tpu.vector_load %arg10[%get3A_284, %get3A_285] {strides = array<i32>} : memref<200x32xf32, #tpu.memory_space<vmem>>, vector<1x16xf32>,
        %get3A_287 = vector.shape_cast %get3A_286 : vector<1x16xf32> to vector<16xf32>
        %max3A_288 = arith.maximumf %max3A_266, %get3A_287 : vector<16xf32>
        %get3A_289 = arith.index_cast %scan3A_273 : i32 to index
        %get3A_290 = arith.constant 16 : index
        %get3A_291 = tpu.vector_load %arg10[%get3A_289, %get3A_290] {strides = array<i32>} : memref<200x32xf32, #tpu.memory_space<vmem>>, vector<1x16xf32>,
        %get3A_292 = vector.shape_cast %get3A_291 : vector<1x16xf32> to vector<16xf32>
        %max3A_293 = arith.maximumf %max3A_271, %get3A_292 : vector<16xf32>
        %scan3A_294 = arith.constant 4 : i32
        %scan3A_295 = arith.addi %scan3A_204, %scan3A_294 : i32
        %get3A_296 = arith.index_cast %scan3A_295 : i32 to index
        %get3A_297 = arith.constant 0 : index
        %get3A_298 = tpu.vector_load %arg9[%get3A_296, %get3A_297] {strides = array<i32>} : memref<200x32xf32, #tpu.memory_space<vmem>>, vector<1x16xf32>,
        %get3A_299 = vector.shape_cast %get3A_298 : vector<1x16xf32> to vector<16xf32>
        %max3A_300 = arith.maximumf %max3A_278, %get3A_299 : vector<16xf32>
        %get3A_301 = arith.index_cast %scan3A_295 : i32 to index
        %get3A_302 = arith.constant 16 : index
        %get3A_303 = tpu.vector_load %arg9[%get3A_301, %get3A_302] {strides = array<i32>} : memref<200x32xf32, #tpu.memory_space<vmem>>, vector<1x16xf32>,
        %get3A_304 = vector.shape_cast %get3A_303 : vector<1x16xf32> to vector<16xf32>
        %max3A_305 = arith.maximumf %max3A_283, %get3A_304 : vector<16xf32>
        %get3A_306 = arith.index_cast %scan3A_295 : i32 to index
        %get3A_307 = arith.constant 0 : index
        %get3A_308 = tpu.vector_load %arg10[%get3A_306, %get3A_307] {strides = array<i32>} : memref<200x32xf32, #tpu.memory_space<vmem>>, vector<1x16xf32>,
        %get3A_309 = vector.shape_cast %get3A_308 : vector<1x16xf32> to vector<16xf32>
        %max3A_310 = arith.maximumf %max3A_288, %get3A_309 : vector<16xf32>
        %get3A_311 = arith.index_cast %scan3A_295 : i32 to index
        %get3A_312 = arith.constant 16 : index
        %get3A_313 = tpu.vector_load %arg10[%get3A_311, %get3A_312] {strides = array<i32>} : memref<200x32xf32, #tpu.memory_space<vmem>>, vector<1x16xf32>,
        %get3A_314 = vector.shape_cast %get3A_313 : vector<1x16xf32> to vector<16xf32>
        %max3A_315 = arith.maximumf %max3A_293, %get3A_314 : vector<16xf32>
        %scan3A_316 = arith.constant 5 : i32
        %scan3A_317 = arith.addi %scan3A_204, %scan3A_316 : i32
        %get3A_318 = arith.index_cast %scan3A_317 : i32 to index
        %get3A_319 = arith.constant 0 : index
        %get3A_320 = tpu.vector_load %arg9[%get3A_318, %get3A_319] {strides = array<i32>} : memref<200x32xf32, #tpu.memory_space<vmem>>, vector<1x16xf32>,
        %get3A_321 = vector.shape_cast %get3A_320 : vector<1x16xf32> to vector<16xf32>
        %max3A_322 = arith.maximumf %max3A_300, %get3A_321 : vector<16xf32>
        %get3A_323 = arith.index_cast %scan3A_317 : i32 to index
        %get3A_324 = arith.constant 16 : index
        %get3A_325 = tpu.vector_load %arg9[%get3A_323, %get3A_324] {strides = array<i32>} : memref<200x32xf32, #tpu.memory_space<vmem>>, vector<1x16xf32>,
        %get3A_326 = vector.shape_cast %get3A_325 : vector<1x16xf32> to vector<16xf32>
        %max3A_327 = arith.maximumf %max3A_305, %get3A_326 : vector<16xf32>
        %get3A_328 = arith.index_cast %scan3A_317 : i32 to index
        %get3A_329 = arith.constant 0 : index
        %get3A_330 = tpu.vector_load %arg10[%get3A_328, %get3A_329] {strides = array<i32>} : memref<200x32xf32, #tpu.memory_space<vmem>>, vector<1x16xf32>,
        %get3A_331 = vector.shape_cast %get3A_330 : vector<1x16xf32> to vector<16xf32>
        %max3A_332 = arith.maximumf %max3A_310, %get3A_331 : vector<16xf32>
        %get3A_333 = arith.index_cast %scan3A_317 : i32 to index
        %get3A_334 = arith.constant 16 : index
        %get3A_335 = tpu.vector_load %arg10[%get3A_333, %get3A_334] {strides = array<i32>} : memref<200x32xf32, #tpu.memory_space<vmem>>, vector<1x16xf32>,
        %get3A_336 = vector.shape_cast %get3A_335 : vector<1x16xf32> to vector<16xf32>
        %max3A_337 = arith.maximumf %max3A_315, %get3A_336 : vector<16xf32>
        %scan3A_338 = arith.constant 6 : i32
        %scan3A_339 = arith.addi %scan3A_204, %scan3A_338 : i32
        %get3A_340 = arith.index_cast %scan3A_339 : i32 to index
        %get3A_341 = arith.constant 0 : index
        %get3A_342 = tpu.vector_load %arg9[%get3A_340, %get3A_341] {strides = array<i32>} : memref<200x32xf32, #tpu.memory_space<vmem>>, vector<1x16xf32>,
        %get3A_343 = vector.shape_cast %get3A_342 : vector<1x16xf32> to vector<16xf32>
        %max3A_344 = arith.maximumf %max3A_322, %get3A_343 : vector<16xf32>
        %get3A_345 = arith.index_cast %scan3A_339 : i32 to index
        %get3A_346 = arith.constant 16 : index
        %get3A_347 = tpu.vector_load %arg9[%get3A_345, %get3A_346] {strides = array<i32>} : memref<200x32xf32, #tpu.memory_space<vmem>>, vector<1x16xf32>,
        %get3A_348 = vector.shape_cast %get3A_347 : vector<1x16xf32> to vector<16xf32>
        %max3A_349 = arith.maximumf %max3A_327, %get3A_348 : vector<16xf32>
        %get3A_350 = arith.index_cast %scan3A_339 : i32 to index
        %get3A_351 = arith.constant 0 : index
        %get3A_352 = tpu.vector_load %arg10[%get3A_350, %get3A_351] {strides = array<i32>} : memref<200x32xf32, #tpu.memory_space<vmem>>, vector<1x16xf32>,
        %get3A_353 = vector.shape_cast %get3A_352 : vector<1x16xf32> to vector<16xf32>
        %max3A_354 = arith.maximumf %max3A_332, %get3A_353 : vector<16xf32>
        %get3A_355 = arith.index_cast %scan3A_339 : i32 to index
        %get3A_356 = arith.constant 16 : index
        %get3A_357 = tpu.vector_load %arg10[%get3A_355, %get3A_356] {strides = array<i32>} : memref<200x32xf32, #tpu.memory_space<vmem>>, vector<1x16xf32>,
        %get3A_358 = vector.shape_cast %get3A_357 : vector<1x16xf32> to vector<16xf32>
        %max3A_359 = arith.maximumf %max3A_337, %get3A_358 : vector<16xf32>
        %scan3A_360 = arith.constant 7 : i32
        %scan3A_361 = arith.addi %scan3A_204, %scan3A_360 : i32
        %get3A_362 = arith.index_cast %scan3A_361 : i32 to index
        %get3A_363 = arith.constant 0 : index
        %get3A_364 = tpu.vector_load %arg9[%get3A_362, %get3A_363] {strides = array<i32>} : memref<200x32xf32, #tpu.memory_space<vmem>>, vector<1x16xf32>,
        %get3A_365 = vector.shape_cast %get3A_364 : vector<1x16xf32> to vector<16xf32>
        %max3A_366 = arith.maximumf %max3A_344, %get3A_365 : vector<16xf32>
        %get3A_367 = arith.index_cast %scan3A_361 : i32 to index
        %get3A_368 = arith.constant 16 : index
        %get3A_369 = tpu.vector_load %arg9[%get3A_367, %get3A_368] {strides = array<i32>} : memref<200x32xf32, #tpu.memory_space<vmem>>, vector<1x16xf32>,
        %get3A_370 = vector.shape_cast %get3A_369 : vector<1x16xf32> to vector<16xf32>
        %max3A_371 = arith.maximumf %max3A_349, %get3A_370 : vector<16xf32>
        %get3A_372 = arith.index_cast %scan3A_361 : i32 to index
        %get3A_373 = arith.constant 0 : index
        %get3A_374 = tpu.vector_load %arg10[%get3A_372, %get3A_373] {strides = array<i32>} : memref<200x32xf32, #tpu.memory_space<vmem>>, vector<1x16xf32>,
        %get3A_375 = vector.shape_cast %get3A_374 : vector<1x16xf32> to vector<16xf32>
        %max3A_376 = arith.maximumf %max3A_354, %get3A_375 : vector<16xf32>
        %get3A_377 = arith.index_cast %scan3A_361 : i32 to index
        %get3A_378 = arith.constant 16 : index
        %get3A_379 = tpu.vector_load %arg10[%get3A_377, %get3A_378] {strides = array<i32>} : memref<200x32xf32, #tpu.memory_space<vmem>>, vector<1x16xf32>,
        %get3A_380 = vector.shape_cast %get3A_379 : vector<1x16xf32> to vector<16xf32>
        %max3A_381 = arith.maximumf %max3A_359, %get3A_380 : vector<16xf32>
        scf.yield %max3A_366, %max3A_371, %max3A_376, %max3A_381 : vector<16xf32>, vector<16xf32>, vector<16xf32>, vector<16xf32>
      }
      %scan3A_88 = arith.constant 200 : i32
      %mul3A_89 = arith.mulf %scan3A_87#0, %get3A_4 : vector<16xf32>
      %mul3A_90 = arith.mulf %scan3A_87#1, %get3A_7 : vector<16xf32>
      %add3A_91 = arith.addf %mul3A_89, %mul3A_90 : vector<16xf32>
      %mul3A_92 = arith.mulf %scan3A_87#2, %get3A_10 : vector<16xf32>
      %add3A_93 = arith.addf %add3A_91, %mul3A_92 : vector<16xf32>
      %mul3A_94 = arith.mulf %scan3A_87#3, %get3A_13 : vector<16xf32>
      %add3A_95 = arith.addf %add3A_93, %mul3A_94 : vector<16xf32>
      %xor3A = arith.constant 8 : i32
      %xor3A_96 = vector.broadcast %xor3A : i32 to vector<16xi32>
      %xor3A_97 = arith.xori %iota3A, %xor3A_96 : vector<16xi32>
      %broadcast_in_dim3A_98 = vector.shape_cast %xor3A_97 : vector<16xi32> to vector<16x1xi32>
      %gather3A = vector.shape_cast %broadcast_in_dim3A_98 : vector<16x1xi32> to vector<16xi32>
      %gather3A_99 = tpu.dynamic_gather %add3A_95[%gather3A] in [0] : vector<16xf32>, vector<16xi32> -> vector<16xf32>
      %add3A_100 = arith.addf %add3A_95, %gather3A_99 : vector<16xf32>
      %xor3A_101 = arith.constant 4 : i32
      %xor3A_102 = vector.broadcast %xor3A_101 : i32 to vector<16xi32>
      %xor3A_103 = arith.xori %iota3A, %xor3A_102 : vector<16xi32>
      %broadcast_in_dim3A_104 = vector.shape_cast %xor3A_103 : vector<16xi32> to vector<16x1xi32>
      %gather3A_105 = vector.shape_cast %broadcast_in_dim3A_104 : vector<16x1xi32> to vector<16xi32>
      %gather3A_106 = tpu.dynamic_gather %add3A_100[%gather3A_105] in [0] : vector<16xf32>, vector<16xi32> -> vector<16xf32>
      %add3A_107 = arith.addf %add3A_100, %gather3A_106 : vector<16xf32>
      %xor3A_108 = arith.constant 2 : i32
      %xor3A_109 = vector.broadcast %xor3A_108 : i32 to vector<16xi32>
      %xor3A_110 = arith.xori %iota3A, %xor3A_109 : vector<16xi32>
      %broadcast_in_dim3A_111 = vector.shape_cast %xor3A_110 : vector<16xi32> to vector<16x1xi32>
      %gather3A_112 = vector.shape_cast %broadcast_in_dim3A_111 : vector<16x1xi32> to vector<16xi32>
      %gather3A_113 = tpu.dynamic_gather %add3A_107[%gather3A_112] in [0] : vector<16xf32>, vector<16xi32> -> vector<16xf32>
      %add3A_114 = arith.addf %add3A_107, %gather3A_113 : vector<16xf32>
      %xor3A_115 = arith.constant 1 : i32
      %xor3A_116 = vector.broadcast %xor3A_115 : i32 to vector<16xi32>
      %xor3A_117 = arith.xori %iota3A, %xor3A_116 : vector<16xi32>
      %broadcast_in_dim3A_118 = vector.shape_cast %xor3A_117 : vector<16xi32> to vector<16x1xi32>
      %gather3A_119 = vector.shape_cast %broadcast_in_dim3A_118 : vector<16x1xi32> to vector<16xi32>
      %gather3A_120 = tpu.dynamic_gather %add3A_114[%gather3A_119] in [0] : vector<16xf32>, vector<16xi32> -> vector<16xf32>
      %add3A_121 = arith.addf %add3A_114, %gather3A_120 : vector<16xf32>
      %and3A = arith.constant 15 : i32
      %and3A_122 = arith.andi %mul3A_54, %and3A : i32
      %eq3A = vector.broadcast %and3A_122 : i32 to vector<16xi32>
      %eq3A_123 = arith.cmpi eq, %iota3A, %eq3A : vector<16xi32>
      %select_n3A = arith.select %eq3A_123, %add3A_121, %scan3A_52 : vector<16xi1>, vector<16xf32>
      %add3A_124 = arith.constant 1 : i32
      %add3A_125 = arith.addi %add3A_56, %add3A_124 : i32
      %min3A = arith.constant 127 : i32
      %min3A_126 = arith.minsi %add3A_125, %min3A : i32
      %dma_start3A_127 = arith.constant 0 : i32
      %dma_start3A_128 = tpu.memref_slice %arg7[%min3A_126, %dma_start3A_127] : memref<128x200xi32, #tpu.memory_space<vmem>> -> memref<1x200xi32, #tpu.memory_space<vmem>>
      %dma_start3A_129 = tpu.memref_squeeze %dma_start3A_128 : memref<1x200xi32, #tpu.memory_space<vmem>> -> memref<200xi32, #tpu.memory_space<vmem>>
      %dma_start3A_130 = arith.constant 0 : i32
      %dma_start3A_131 = arith.constant 0 : i32
      %dma_start3A_132 = tpu.memref_slice %arg4[%dma_start3A_130, %dma_start3A_131] : memref<1000000x32xf32, #tpu.memory_space<hbm>> -> memref<1000000x32xf32, #tpu.memory_space<hbm>>
      tpu.enqueue_indirect_dma source(%dma_start3A_132 : memref<1000000x32xf32, #tpu.memory_space<hbm>>) target(%arg9 : memref<200x32xf32, #tpu.memory_space<vmem>>) offsets(%dma_start3A_129 : memref<200xi32, #tpu.memory_space<vmem>>) semaphore(%arg15 : memref<!tpu.dma_semaphore, #tpu.memory_space<semaphore_mem>>)
      %dma_start3A_133 = arith.constant 0 : i32
      %dma_start3A_134 = tpu.memref_slice %arg8[%min3A_126, %dma_start3A_133] : memref<128x200xi32, #tpu.memory_space<vmem>> -> memref<1x200xi32, #tpu.memory_space<vmem>>
      %dma_start3A_135 = tpu.memref_squeeze %dma_start3A_134 : memref<1x200xi32, #tpu.memory_space<vmem>> -> memref<200xi32, #tpu.memory_space<vmem>>
      %dma_start3A_136 = arith.constant 0 : i32
      %dma_start3A_137 = arith.constant 0 : i32
      %dma_start3A_138 = tpu.memref_slice %arg4[%dma_start3A_136, %dma_start3A_137] : memref<1000000x32xf32, #tpu.memory_space<hbm>> -> memref<1000000x32xf32, #tpu.memory_space<hbm>>
      tpu.enqueue_indirect_dma source(%dma_start3A_138 : memref<1000000x32xf32, #tpu.memory_space<hbm>>) target(%arg10 : memref<200x32xf32, #tpu.memory_space<vmem>>) offsets(%dma_start3A_135 : memref<200xi32, #tpu.memory_space<vmem>>) semaphore(%arg15 : memref<!tpu.dma_semaphore, #tpu.memory_space<semaphore_mem>>)
      %dma_wait3A_139 = arith.constant 0 : i32
      %dma_wait3A_140 = arith.constant 0 : i32
      %dma_wait3A_141 = tpu.memref_slice %arg7[%dma_wait3A_139, %dma_wait3A_140] : memref<128x200xi32, #tpu.memory_space<vmem>> -> memref<1x200xi32, #tpu.memory_space<vmem>>
      %dma_wait3A_142 = tpu.memref_squeeze %dma_wait3A_141 : memref<1x200xi32, #tpu.memory_space<vmem>> -> memref<200xi32, #tpu.memory_space<vmem>>
      %dma_wait3A_143 = arith.constant 0 : i32
      %dma_wait3A_144 = arith.constant 0 : i32
      %dma_wait3A_145 = tpu.memref_slice %arg4[%dma_wait3A_143, %dma_wait3A_144] : memref<1000000x32xf32, #tpu.memory_space<hbm>> -> memref<1000000x32xf32, #tpu.memory_space<hbm>>
      tpu.wait_indirect_dma semaphore(%arg16 : memref<!tpu.dma_semaphore, #tpu.memory_space<semaphore_mem>>) src(%dma_wait3A_145 : memref<1000000x32xf32, #tpu.memory_space<hbm>>) dst(%arg11 : memref<200x32xf32, #tpu.memory_space<vmem>>)
      %dma_wait3A_146 = arith.constant 0 : i32
      %dma_wait3A_147 = arith.constant 0 : i32
      %dma_wait3A_148 = tpu.memref_slice %arg8[%dma_wait3A_146, %dma_wait3A_147] : memref<128x200xi32, #tpu.memory_space<vmem>> -> memref<1x200xi32, #tpu.memory_space<vmem>>
      %dma_wait3A_149 = tpu.memref_squeeze %dma_wait3A_148 : memref<1x200xi32, #tpu.memory_space<vmem>> -> memref<200xi32, #tpu.memory_space<vmem>>
      %dma_wait3A_150 = arith.constant 0 : i32
      %dma_wait3A_151 = arith.constant 0 : i32
      %dma_wait3A_152 = tpu.memref_slice %arg4[%dma_wait3A_150, %dma_wait3A_151] : memref<1000000x32xf32, #tpu.memory_space<hbm>> -> memref<1000000x32xf32, #tpu.memory_space<hbm>>
      tpu.wait_indirect_dma semaphore(%arg16 : memref<!tpu.dma_semaphore, #tpu.memory_space<semaphore_mem>>) src(%dma_wait3A_152 : memref<1000000x32xf32, #tpu.memory_space<hbm>>) dst(%arg12 : memref<200x32xf32, #tpu.memory_space<vmem>>)
      %scan3A_153 = arith.constant 0 : i32
      %scan3A_154 = arith.constant 200 : i32
      %scan3A_155 = arith.addi %scan3A_153, %scan3A_154 : i32
      %scan3A_156 = arith.constant 8 : i32
      %scan3A_157:4 = scf.for %scan3A_204 = %scan3A_153 to %scan3A_155 step %scan3A_156 iter_args(%scan3A_205 = %broadcast_in_dim3A_17, %scan3A_206 = %broadcast_in_dim3A_17, %scan3A_207 = %broadcast_in_dim3A_17, %scan3A_208 = %broadcast_in_dim3A_17) -> (vector<16xf32>, vector<16xf32>, vector<16xf32>, vector<16xf32>)  : i32 {
        %get3A_209 = arith.index_cast %scan3A_204 : i32 to index
        %get3A_210 = arith.constant 0 : index
        %get3A_211 = tpu.vector_load %arg11[%get3A_209, %get3A_210] {strides = array<i32>} : memref<200x32xf32, #tpu.memory_space<vmem>>, vector<1x16xf32>,
        %get3A_212 = vector.shape_cast %get3A_211 : vector<1x16xf32> to vector<16xf32>
        %max3A = arith.maximumf %scan3A_205, %get3A_212 : vector<16xf32>
        %get3A_213 = arith.index_cast %scan3A_204 : i32 to index
        %get3A_214 = arith.constant 16 : index
        %get3A_215 = tpu.vector_load %arg11[%get3A_213, %get3A_214] {strides = array<i32>} : memref<200x32xf32, #tpu.memory_space<vmem>>, vector<1x16xf32>,
        %get3A_216 = vector.shape_cast %get3A_215 : vector<1x16xf32> to vector<16xf32>
        %max3A_217 = arith.maximumf %scan3A_206, %get3A_216 : vector<16xf32>
        %get3A_218 = arith.index_cast %scan3A_204 : i32 to index
        %get3A_219 = arith.constant 0 : index
        %get3A_220 = tpu.vector_load %arg12[%get3A_218, %get3A_219] {strides = array<i32>} : memref<200x32xf32, #tpu.memory_space<vmem>>, vector<1x16xf32>,
        %get3A_221 = vector.shape_cast %get3A_220 : vector<1x16xf32> to vector<16xf32>
        %max3A_222 = arith.maximumf %scan3A_207, %get3A_221 : vector<16xf32>
        %get3A_223 = arith.index_cast %scan3A_204 : i32 to index
        %get3A_224 = arith.constant 16 : index
        %get3A_225 = tpu.vector_load %arg12[%get3A_223, %get3A_224] {strides = array<i32>} : memref<200x32xf32, #tpu.memory_space<vmem>>, vector<1x16xf32>,
        %get3A_226 = vector.shape_cast %get3A_225 : vector<1x16xf32> to vector<16xf32>
        %max3A_227 = arith.maximumf %scan3A_208, %get3A_226 : vector<16xf32>
        %scan3A_228 = arith.constant 1 : i32
        %scan3A_229 = arith.addi %scan3A_204, %scan3A_228 : i32
        %get3A_230 = arith.index_cast %scan3A_229 : i32 to index
        %get3A_231 = arith.constant 0 : index
        %get3A_232 = tpu.vector_load %arg11[%get3A_230, %get3A_231] {strides = array<i32>} : memref<200x32xf32, #tpu.memory_space<vmem>>, vector<1x16xf32>,
        %get3A_233 = vector.shape_cast %get3A_232 : vector<1x16xf32> to vector<16xf32>
        %max3A_234 = arith.maximumf %max3A, %get3A_233 : vector<16xf32>
        %get3A_235 = arith.index_cast %scan3A_229 : i32 to index
        %get3A_236 = arith.constant 16 : index
        %get3A_237 = tpu.vector_load %arg11[%get3A_235, %get3A_236] {strides = array<i32>} : memref<200x32xf32, #tpu.memory_space<vmem>>, vector<1x16xf32>,
        %get3A_238 = vector.shape_cast %get3A_237 : vector<1x16xf32> to vector<16xf32>
        %max3A_239 = arith.maximumf %max3A_217, %get3A_238 : vector<16xf32>
        %get3A_240 = arith.index_cast %scan3A_229 : i32 to index
        %get3A_241 = arith.constant 0 : index
        %get3A_242 = tpu.vector_load %arg12[%get3A_240, %get3A_241] {strides = array<i32>} : memref<200x32xf32, #tpu.memory_space<vmem>>, vector<1x16xf32>,
        %get3A_243 = vector.shape_cast %get3A_242 : vector<1x16xf32> to vector<16xf32>
        %max3A_244 = arith.maximumf %max3A_222, %get3A_243 : vector<16xf32>
        %get3A_245 = arith.index_cast %scan3A_229 : i32 to index
        %get3A_246 = arith.constant 16 : index
        %get3A_247 = tpu.vector_load %arg12[%get3A_245, %get3A_246] {strides = array<i32>} : memref<200x32xf32, #tpu.memory_space<vmem>>, vector<1x16xf32>,
        %get3A_248 = vector.shape_cast %get3A_247 : vector<1x16xf32> to vector<16xf32>
        %max3A_249 = arith.maximumf %max3A_227, %get3A_248 : vector<16xf32>
        %scan3A_250 = arith.constant 2 : i32
        %scan3A_251 = arith.addi %scan3A_204, %scan3A_250 : i32
        %get3A_252 = arith.index_cast %scan3A_251 : i32 to index
        %get3A_253 = arith.constant 0 : index
        %get3A_254 = tpu.vector_load %arg11[%get3A_252, %get3A_253] {strides = array<i32>} : memref<200x32xf32, #tpu.memory_space<vmem>>, vector<1x16xf32>,
        %get3A_255 = vector.shape_cast %get3A_254 : vector<1x16xf32> to vector<16xf32>
        %max3A_256 = arith.maximumf %max3A_234, %get3A_255 : vector<16xf32>
        %get3A_257 = arith.index_cast %scan3A_251 : i32 to index
        %get3A_258 = arith.constant 16 : index
        %get3A_259 = tpu.vector_load %arg11[%get3A_257, %get3A_258] {strides = array<i32>} : memref<200x32xf32, #tpu.memory_space<vmem>>, vector<1x16xf32>,
        %get3A_260 = vector.shape_cast %get3A_259 : vector<1x16xf32> to vector<16xf32>
        %max3A_261 = arith.maximumf %max3A_239, %get3A_260 : vector<16xf32>
        %get3A_262 = arith.index_cast %scan3A_251 : i32 to index
        %get3A_263 = arith.constant 0 : index
        %get3A_264 = tpu.vector_load %arg12[%get3A_262, %get3A_263] {strides = array<i32>} : memref<200x32xf32, #tpu.memory_space<vmem>>, vector<1x16xf32>,
        %get3A_265 = vector.shape_cast %get3A_264 : vector<1x16xf32> to vector<16xf32>
        %max3A_266 = arith.maximumf %max3A_244, %get3A_265 : vector<16xf32>
        %get3A_267 = arith.index_cast %scan3A_251 : i32 to index
        %get3A_268 = arith.constant 16 : index
        %get3A_269 = tpu.vector_load %arg12[%get3A_267, %get3A_268] {strides = array<i32>} : memref<200x32xf32, #tpu.memory_space<vmem>>, vector<1x16xf32>,
        %get3A_270 = vector.shape_cast %get3A_269 : vector<1x16xf32> to vector<16xf32>
        %max3A_271 = arith.maximumf %max3A_249, %get3A_270 : vector<16xf32>
        %scan3A_272 = arith.constant 3 : i32
        %scan3A_273 = arith.addi %scan3A_204, %scan3A_272 : i32
        %get3A_274 = arith.index_cast %scan3A_273 : i32 to index
        %get3A_275 = arith.constant 0 : index
        %get3A_276 = tpu.vector_load %arg11[%get3A_274, %get3A_275] {strides = array<i32>} : memref<200x32xf32, #tpu.memory_space<vmem>>, vector<1x16xf32>,
        %get3A_277 = vector.shape_cast %get3A_276 : vector<1x16xf32> to vector<16xf32>
        %max3A_278 = arith.maximumf %max3A_256, %get3A_277 : vector<16xf32>
        %get3A_279 = arith.index_cast %scan3A_273 : i32 to index
        %get3A_280 = arith.constant 16 : index
        %get3A_281 = tpu.vector_load %arg11[%get3A_279, %get3A_280] {strides = array<i32>} : memref<200x32xf32, #tpu.memory_space<vmem>>, vector<1x16xf32>,
        %get3A_282 = vector.shape_cast %get3A_281 : vector<1x16xf32> to vector<16xf32>
        %max3A_283 = arith.maximumf %max3A_261, %get3A_282 : vector<16xf32>
        %get3A_284 = arith.index_cast %scan3A_273 : i32 to index
        %get3A_285 = arith.constant 0 : index
        %get3A_286 = tpu.vector_load %arg12[%get3A_284, %get3A_285] {strides = array<i32>} : memref<200x32xf32, #tpu.memory_space<vmem>>, vector<1x16xf32>,
        %get3A_287 = vector.shape_cast %get3A_286 : vector<1x16xf32> to vector<16xf32>
        %max3A_288 = arith.maximumf %max3A_266, %get3A_287 : vector<16xf32>
        %get3A_289 = arith.index_cast %scan3A_273 : i32 to index
        %get3A_290 = arith.constant 16 : index
        %get3A_291 = tpu.vector_load %arg12[%get3A_289, %get3A_290] {strides = array<i32>} : memref<200x32xf32, #tpu.memory_space<vmem>>, vector<1x16xf32>,
        %get3A_292 = vector.shape_cast %get3A_291 : vector<1x16xf32> to vector<16xf32>
        %max3A_293 = arith.maximumf %max3A_271, %get3A_292 : vector<16xf32>
        %scan3A_294 = arith.constant 4 : i32
        %scan3A_295 = arith.addi %scan3A_204, %scan3A_294 : i32
        %get3A_296 = arith.index_cast %scan3A_295 : i32 to index
        %get3A_297 = arith.constant 0 : index
        %get3A_298 = tpu.vector_load %arg11[%get3A_296, %get3A_297] {strides = array<i32>} : memref<200x32xf32, #tpu.memory_space<vmem>>, vector<1x16xf32>,
        %get3A_299 = vector.shape_cast %get3A_298 : vector<1x16xf32> to vector<16xf32>
        %max3A_300 = arith.maximumf %max3A_278, %get3A_299 : vector<16xf32>
        %get3A_301 = arith.index_cast %scan3A_295 : i32 to index
        %get3A_302 = arith.constant 16 : index
        %get3A_303 = tpu.vector_load %arg11[%get3A_301, %get3A_302] {strides = array<i32>} : memref<200x32xf32, #tpu.memory_space<vmem>>, vector<1x16xf32>,
        %get3A_304 = vector.shape_cast %get3A_303 : vector<1x16xf32> to vector<16xf32>
        %max3A_305 = arith.maximumf %max3A_283, %get3A_304 : vector<16xf32>
        %get3A_306 = arith.index_cast %scan3A_295 : i32 to index
        %get3A_307 = arith.constant 0 : index
        %get3A_308 = tpu.vector_load %arg12[%get3A_306, %get3A_307] {strides = array<i32>} : memref<200x32xf32, #tpu.memory_space<vmem>>, vector<1x16xf32>,
        %get3A_309 = vector.shape_cast %get3A_308 : vector<1x16xf32> to vector<16xf32>
        %max3A_310 = arith.maximumf %max3A_288, %get3A_309 : vector<16xf32>
        %get3A_311 = arith.index_cast %scan3A_295 : i32 to index
        %get3A_312 = arith.constant 16 : index
        %get3A_313 = tpu.vector_load %arg12[%get3A_311, %get3A_312] {strides = array<i32>} : memref<200x32xf32, #tpu.memory_space<vmem>>, vector<1x16xf32>,
        %get3A_314 = vector.shape_cast %get3A_313 : vector<1x16xf32> to vector<16xf32>
        %max3A_315 = arith.maximumf %max3A_293, %get3A_314 : vector<16xf32>
        %scan3A_316 = arith.constant 5 : i32
        %scan3A_317 = arith.addi %scan3A_204, %scan3A_316 : i32
        %get3A_318 = arith.index_cast %scan3A_317 : i32 to index
        %get3A_319 = arith.constant 0 : index
        %get3A_320 = tpu.vector_load %arg11[%get3A_318, %get3A_319] {strides = array<i32>} : memref<200x32xf32, #tpu.memory_space<vmem>>, vector<1x16xf32>,
        %get3A_321 = vector.shape_cast %get3A_320 : vector<1x16xf32> to vector<16xf32>
        %max3A_322 = arith.maximumf %max3A_300, %get3A_321 : vector<16xf32>
        %get3A_323 = arith.index_cast %scan3A_317 : i32 to index
        %get3A_324 = arith.constant 16 : index
        %get3A_325 = tpu.vector_load %arg11[%get3A_323, %get3A_324] {strides = array<i32>} : memref<200x32xf32, #tpu.memory_space<vmem>>, vector<1x16xf32>,
        %get3A_326 = vector.shape_cast %get3A_325 : vector<1x16xf32> to vector<16xf32>
        %max3A_327 = arith.maximumf %max3A_305, %get3A_326 : vector<16xf32>
        %get3A_328 = arith.index_cast %scan3A_317 : i32 to index
        %get3A_329 = arith.constant 0 : index
        %get3A_330 = tpu.vector_load %arg12[%get3A_328, %get3A_329] {strides = array<i32>} : memref<200x32xf32, #tpu.memory_space<vmem>>, vector<1x16xf32>,
        %get3A_331 = vector.shape_cast %get3A_330 : vector<1x16xf32> to vector<16xf32>
        %max3A_332 = arith.maximumf %max3A_310, %get3A_331 : vector<16xf32>
        %get3A_333 = arith.index_cast %scan3A_317 : i32 to index
        %get3A_334 = arith.constant 16 : index
        %get3A_335 = tpu.vector_load %arg12[%get3A_333, %get3A_334] {strides = array<i32>} : memref<200x32xf32, #tpu.memory_space<vmem>>, vector<1x16xf32>,
        %get3A_336 = vector.shape_cast %get3A_335 : vector<1x16xf32> to vector<16xf32>
        %max3A_337 = arith.maximumf %max3A_315, %get3A_336 : vector<16xf32>
        %scan3A_338 = arith.constant 6 : i32
        %scan3A_339 = arith.addi %scan3A_204, %scan3A_338 : i32
        %get3A_340 = arith.index_cast %scan3A_339 : i32 to index
        %get3A_341 = arith.constant 0 : index
        %get3A_342 = tpu.vector_load %arg11[%get3A_340, %get3A_341] {strides = array<i32>} : memref<200x32xf32, #tpu.memory_space<vmem>>, vector<1x16xf32>,
        %get3A_343 = vector.shape_cast %get3A_342 : vector<1x16xf32> to vector<16xf32>
        %max3A_344 = arith.maximumf %max3A_322, %get3A_343 : vector<16xf32>
        %get3A_345 = arith.index_cast %scan3A_339 : i32 to index
        %get3A_346 = arith.constant 16 : index
        %get3A_347 = tpu.vector_load %arg11[%get3A_345, %get3A_346] {strides = array<i32>} : memref<200x32xf32, #tpu.memory_space<vmem>>, vector<1x16xf32>,
        %get3A_348 = vector.shape_cast %get3A_347 : vector<1x16xf32> to vector<16xf32>
        %max3A_349 = arith.maximumf %max3A_327, %get3A_348 : vector<16xf32>
        %get3A_350 = arith.index_cast %scan3A_339 : i32 to index
        %get3A_351 = arith.constant 0 : index
        %get3A_352 = tpu.vector_load %arg12[%get3A_350, %get3A_351] {strides = array<i32>} : memref<200x32xf32, #tpu.memory_space<vmem>>, vector<1x16xf32>,
        %get3A_353 = vector.shape_cast %get3A_352 : vector<1x16xf32> to vector<16xf32>
        %max3A_354 = arith.maximumf %max3A_332, %get3A_353 : vector<16xf32>
        %get3A_355 = arith.index_cast %scan3A_339 : i32 to index
        %get3A_356 = arith.constant 16 : index
        %get3A_357 = tpu.vector_load %arg12[%get3A_355, %get3A_356] {strides = array<i32>} : memref<200x32xf32, #tpu.memory_space<vmem>>, vector<1x16xf32>,
        %get3A_358 = vector.shape_cast %get3A_357 : vector<1x16xf32> to vector<16xf32>
        %max3A_359 = arith.maximumf %max3A_337, %get3A_358 : vector<16xf32>
        %scan3A_360 = arith.constant 7 : i32
        %scan3A_361 = arith.addi %scan3A_204, %scan3A_360 : i32
        %get3A_362 = arith.index_cast %scan3A_361 : i32 to index
        %get3A_363 = arith.constant 0 : index
        %get3A_364 = tpu.vector_load %arg11[%get3A_362, %get3A_363] {strides = array<i32>} : memref<200x32xf32, #tpu.memory_space<vmem>>, vector<1x16xf32>,
        %get3A_365 = vector.shape_cast %get3A_364 : vector<1x16xf32> to vector<16xf32>
        %max3A_366 = arith.maximumf %max3A_344, %get3A_365 : vector<16xf32>
        %get3A_367 = arith.index_cast %scan3A_361 : i32 to index
        %get3A_368 = arith.constant 16 : index
        %get3A_369 = tpu.vector_load %arg11[%get3A_367, %get3A_368] {strides = array<i32>} : memref<200x32xf32, #tpu.memory_space<vmem>>, vector<1x16xf32>,
        %get3A_370 = vector.shape_cast %get3A_369 : vector<1x16xf32> to vector<16xf32>
        %max3A_371 = arith.maximumf %max3A_349, %get3A_370 : vector<16xf32>
        %get3A_372 = arith.index_cast %scan3A_361 : i32 to index
        %get3A_373 = arith.constant 0 : index
        %get3A_374 = tpu.vector_load %arg12[%get3A_372, %get3A_373] {strides = array<i32>} : memref<200x32xf32, #tpu.memory_space<vmem>>, vector<1x16xf32>,
        %get3A_375 = vector.shape_cast %get3A_374 : vector<1x16xf32> to vector<16xf32>
        %max3A_376 = arith.maximumf %max3A_354, %get3A_375 : vector<16xf32>
        %get3A_377 = arith.index_cast %scan3A_361 : i32 to index
        %get3A_378 = arith.constant 16 : index
        %get3A_379 = tpu.vector_load %arg12[%get3A_377, %get3A_378] {strides = array<i32>} : memref<200x32xf32, #tpu.memory_space<vmem>>, vector<1x16xf32>,
        %get3A_380 = vector.shape_cast %get3A_379 : vector<1x16xf32> to vector<16xf32>
        %max3A_381 = arith.maximumf %max3A_359, %get3A_380 : vector<16xf32>
        scf.yield %max3A_366, %max3A_371, %max3A_376, %max3A_381 : vector<16xf32>, vector<16xf32>, vector<16xf32>, vector<16xf32>
      }
      %scan3A_158 = arith.constant 200 : i32
      %mul3A_159 = arith.mulf %scan3A_157#0, %get3A_4 : vector<16xf32>
      %mul3A_160 = arith.mulf %scan3A_157#1, %get3A_7 : vector<16xf32>
      %add3A_161 = arith.addf %mul3A_159, %mul3A_160 : vector<16xf32>
      %mul3A_162 = arith.mulf %scan3A_157#2, %get3A_10 : vector<16xf32>
      %add3A_163 = arith.addf %add3A_161, %mul3A_162 : vector<16xf32>
      %mul3A_164 = arith.mulf %scan3A_157#3, %get3A_13 : vector<16xf32>
      %add3A_165 = arith.addf %add3A_163, %mul3A_164 : vector<16xf32>
      %xor3A_166 = arith.constant 8 : i32
      %xor3A_167 = vector.broadcast %xor3A_166 : i32 to vector<16xi32>
      %xor3A_168 = arith.xori %iota3A, %xor3A_167 : vector<16xi32>
      %broadcast_in_dim3A_169 = vector.shape_cast %xor3A_168 : vector<16xi32> to vector<16x1xi32>
      %gather3A_170 = vector.shape_cast %broadcast_in_dim3A_169 : vector<16x1xi32> to vector<16xi32>
      %gather3A_171 = tpu.dynamic_gather %add3A_165[%gather3A_170] in [0] : vector<16xf32>, vector<16xi32> -> vector<16xf32>
      %add3A_172 = arith.addf %add3A_165, %gather3A_171 : vector<16xf32>
      %xor3A_173 = arith.constant 4 : i32
      %xor3A_174 = vector.broadcast %xor3A_173 : i32 to vector<16xi32>
      %xor3A_175 = arith.xori %iota3A, %xor3A_174 : vector<16xi32>
      %broadcast_in_dim3A_176 = vector.shape_cast %xor3A_175 : vector<16xi32> to vector<16x1xi32>
      %gather3A_177 = vector.shape_cast %broadcast_in_dim3A_176 : vector<16x1xi32> to vector<16xi32>
      %gather3A_178 = tpu.dynamic_gather %add3A_172[%gather3A_177] in [0] : vector<16xf32>, vector<16xi32> -> vector<16xf32>
      %add3A_179 = arith.addf %add3A_172, %gather3A_178 : vector<16xf32>
      %xor3A_180 = arith.constant 2 : i32
      %xor3A_181 = vector.broadcast %xor3A_180 : i32 to vector<16xi32>
      %xor3A_182 = arith.xori %iota3A, %xor3A_181 : vector<16xi32>
      %broadcast_in_dim3A_183 = vector.shape_cast %xor3A_182 : vector<16xi32> to vector<16x1xi32>
      %gather3A_184 = vector.shape_cast %broadcast_in_dim3A_183 : vector<16x1xi32> to vector<16xi32>
      %gather3A_185 = tpu.dynamic_gather %add3A_179[%gather3A_184] in [0] : vector<16xf32>, vector<16xi32> -> vector<16xf32>
      %add3A_186 = arith.addf %add3A_179, %gather3A_185 : vector<16xf32>
      %xor3A_187 = arith.constant 1 : i32
      %xor3A_188 = vector.broadcast %xor3A_187 : i32 to vector<16xi32>
      %xor3A_189 = arith.xori %iota3A, %xor3A_188 : vector<16xi32>
      %broadcast_in_dim3A_190 = vector.shape_cast %xor3A_189 : vector<16xi32> to vector<16x1xi32>
      %gather3A_191 = vector.shape_cast %broadcast_in_dim3A_190 : vector<16x1xi32> to vector<16xi32>
      %gather3A_192 = tpu.dynamic_gather %add3A_186[%gather3A_191] in [0] : vector<16xf32>, vector<16xi32> -> vector<16xf32>
      %add3A_193 = arith.addf %add3A_186, %gather3A_192 : vector<16xf32>
      %and3A_194 = arith.constant 15 : i32
      %and3A_195 = arith.andi %add3A_56, %and3A_194 : i32
      %eq3A_196 = vector.broadcast %and3A_195 : i32 to vector<16xi32>
      %eq3A_197 = arith.cmpi eq, %iota3A, %eq3A_196 : vector<16xi32>
      %select_n3A_198 = arith.select %eq3A_197, %add3A_193, %select_n3A : vector<16xi1>, vector<16xf32>
      %and3A_199 = arith.constant 15 : i32
      %and3A_200 = arith.andi %add3A_56, %and3A_199 : i32
      %eq3A_201 = arith.constant 15 : i32
      %eq3A_202 = arith.cmpi eq, %and3A_200, %eq3A_201 : i32
      %convert_element_type3A = arith.extui %eq3A_202 : i1 to i32
      %cond3A = arith.constant 0 : i32
      %cond3A_203 = arith.cmpi ne, %convert_element_type3A, %cond3A : i32
      scf.if %cond3A_203 {
        %add3A_204 = arith.addf %select_n3A_198, %get3A_16 : vector<16xf32>
        %neg3A = arith.constant 0.000000e+00 : f32
        %neg3A_205 = vector.broadcast %neg3A : f32 to vector<16xf32>
        %neg3A_206 = arith.subf %neg3A_205, %add3A_204 : vector<16xf32>
        %exp3A = math.exp %neg3A_206 : vector<16xf32>
        %add3A_207 = arith.constant 1.000000e+00 : f32
        %add3A_208 = vector.broadcast %add3A_207 : f32 to vector<16xf32>
        %add3A_209 = arith.addf %add3A_208, %exp3A : vector<16xf32>
        %div3A = arith.constant 1.000000e+00 : f32
        %div3A_210 = vector.broadcast %div3A : f32 to vector<16xf32>
        %div3A_211 = arith.divf %div3A_210, %add3A_209 : vector<16xf32>
        %shift_right_arithmetic3A = arith.constant 4 : i32
        %shift_right_arithmetic3A_212 = arith.shrsi %add3A_56, %shift_right_arithmetic3A : i32
        %mul3A_213 = arith.constant 16 : i32
        %mul3A_214 = arith.muli %shift_right_arithmetic3A_212, %mul3A_213 : i32
        %swap3A = arith.index_cast %mul3A_214 : i32 to index
        %swap3A_215 = tpu.vector_load %arg14[%swap3A] {strides = array<i32>} : memref<128xf32, #tpu.memory_space<vmem>>, vector<16xf32>,
        %swap3A_216 = vector.shape_cast %swap3A_215 : vector<16xf32> to vector<16xf32>
        %swap3A_217 = vector.shape_cast %div3A_211 : vector<16xf32> to vector<16xf32>
        tpu.vector_store %arg14[%swap3A], %swap3A_217 {strides = array<i32>} : memref<128xf32, #tpu.memory_space<vmem>>, vector<16xf32>,
      } else {
      }
      scf.yield %select_n3A_198 : vector<16xf32>
    }
    %scan3A_37 = arith.constant 64 : i32
    %dma_wait3A = arith.constant 0 : i32
    %dma_wait3A_38 = arith.constant 0 : i32
    %dma_wait3A_39 = tpu.memref_slice %arg7[%dma_wait3A, %dma_wait3A_38] : memref<128x200xi32, #tpu.memory_space<vmem>> -> memref<1x200xi32, #tpu.memory_space<vmem>>
    %dma_wait3A_40 = tpu.memref_squeeze %dma_wait3A_39 : memref<1x200xi32, #tpu.memory_space<vmem>> -> memref<200xi32, #tpu.memory_space<vmem>>
    %dma_wait3A_41 = arith.constant 0 : i32
    %dma_wait3A_42 = arith.constant 0 : i32
    %dma_wait3A_43 = tpu.memref_slice %arg4[%dma_wait3A_41, %dma_wait3A_42] : memref<1000000x32xf32, #tpu.memory_space<hbm>> -> memref<1000000x32xf32, #tpu.memory_space<hbm>>
    tpu.wait_indirect_dma semaphore(%arg15 : memref<!tpu.dma_semaphore, #tpu.memory_space<semaphore_mem>>) src(%dma_wait3A_43 : memref<1000000x32xf32, #tpu.memory_space<hbm>>) dst(%arg9 : memref<200x32xf32, #tpu.memory_space<vmem>>)
    %dma_wait3A_44 = arith.constant 0 : i32
    %dma_wait3A_45 = arith.constant 0 : i32
    %dma_wait3A_46 = tpu.memref_slice %arg8[%dma_wait3A_44, %dma_wait3A_45] : memref<128x200xi32, #tpu.memory_space<vmem>> -> memref<1x200xi32, #tpu.memory_space<vmem>>
    %dma_wait3A_47 = tpu.memref_squeeze %dma_wait3A_46 : memref<1x200xi32, #tpu.memory_space<vmem>> -> memref<200xi32, #tpu.memory_space<vmem>>
    %dma_wait3A_48 = arith.constant 0 : i32
    %dma_wait3A_49 = arith.constant 0 : i32
    %dma_wait3A_50 = tpu.memref_slice %arg4[%dma_wait3A_48, %dma_wait3A_49] : memref<1000000x32xf32, #tpu.memory_space<hbm>> -> memref<1000000x32xf32, #tpu.memory_space<hbm>>
    tpu.wait_indirect_dma semaphore(%arg15 : memref<!tpu.dma_semaphore, #tpu.memory_space<semaphore_mem>>) src(%dma_wait3A_50 : memref<1000000x32xf32, #tpu.memory_space<hbm>>) dst(%arg10 : memref<200x32xf32, #tpu.memory_space<vmem>>)
    "tpu.region"() ({
      %run_scoped3A = tpu.sem_alloc : memref<!tpu.dma_semaphore, #tpu.memory_space<semaphore_mem>>
      %dma_start3A_51 = tpu.memref_slice %arg6[%mul3A_2] : memref<4096xf32, #tpu.memory_space<hbm>> -> memref<128xf32, #tpu.memory_space<hbm>>
      %dma_start3A_52 = tpu.memref_slice %arg6[%mul3A_2] : memref<4096xf32, #tpu.memory_space<hbm>> -> memref<128xf32, #tpu.memory_space<hbm>>
      tpu.enqueue_dma source(%arg14 : memref<128xf32, #tpu.memory_space<vmem>>) target(%dma_start3A_52 : memref<128xf32, #tpu.memory_space<hbm>>) target_semaphore(%run_scoped3A : memref<!tpu.dma_semaphore, #tpu.memory_space<semaphore_mem>>)
      %dma_wait3A_53 = tpu.memref_slice %arg6[%mul3A_2] : memref<4096xf32, #tpu.memory_space<hbm>> -> memref<128xf32, #tpu.memory_space<hbm>>
      %dma_wait3A_54 = tpu.memref_slice %arg6[%mul3A_2] : memref<4096xf32, #tpu.memory_space<hbm>> -> memref<128xf32, #tpu.memory_space<hbm>>
      tpu.wait_dma2 semaphore(%run_scoped3A : memref<!tpu.dma_semaphore, #tpu.memory_space<semaphore_mem>>) src(%arg14 : memref<128xf32, #tpu.memory_space<vmem>>) dst(%dma_wait3A_54 : memref<128xf32, #tpu.memory_space<hbm>>)
      tpu.yield
    }) : () -> ()
    return
  }
}

</mosaic_0001>

<sc_bundles>
// kernel: _run.4.cloned.1.call-start
scs
__scs_entry_jumppad:
0x0: {  	(pc) =	sbr.rel $0x88, $3  }
0x1: {  	(tag) =	ssettag $0x0;
	lr =	simm.s32 $0x1  }
0x2: {  	[smem:$0x3F9C] =	sst lr;
	_ =	strace $0xD0000000  }
0x3: {  	_ = 	snop  }
0x4: {  	_ = 	snop  }
0x5: {  	_ = 	snop  }
0x6: {  	_ = 	snop  }
0x7: {  	_ = 	snop  }
__scs_overlays_trampoline_lowered:
0x8: {  	[smem:$0x3FAB] =	sst s0  }
0x9: {  	[smem:$0x3FAC] =	sst s1  }
0xa: {  	[smem:$0x3FAD] =	sst s2  }
0xb: {  	[smem:$0x3FAE] =	sst s3  }
0xc: {  	[smem:$0x3FAF] =	sst s4  }
0xd: {  	[smem:$0x3FB0] =	sst s5  }
0xe: {  	[smem:$0x3FB1] =	sst s6  }
0xf: {  	[smem:$0x3FB2] =	sst s7  }
0x10: {  	[smem:$0x3FB3] =	sst s8  }
0x11: {  	[smem:$0x3FB4] =	sst s9;
	s0 =	simm.s32 @!p0 $0x0  }
0x12: {  	s1 =	sld [smem:$0x3F9A];
	s0 =	simm.s32 @p0 $0x1  }
0x13: {  	[smem:$0x3FB5] =	sst s0;
	s0 =	simm.s32 @!p1 $0x0  }
0x14: {  	s2 =	sld [smem:$0x3F99];
	s0 =	simm.s32 @p1 $0x1  }
0x15: {  	[smem:$0x3FB6] =	sst s0;
	s0 =	simm.s32 @!p2 $0x0  }
0x16: {  	s3 =	sld [smem:$0x3FDB];
	s0 =	simm.s32 @p2 $0x1  }
0x17: {  	s4 =	simm.s32 $0x1BF5;
	[smem:$0x3FB8] =	sst s0  }
0x18: {  	s0 =	sld [smem:$0x3F9B];
	_ =	swait.ge [sflag:s4], $0x0  }
0x19: {  	s7 =	sld [smem:$0x3F9C]  }
0x1a: {  	s8 =	sadd.s32 $0xFFFFE003, lr  }
0x1b: {  	s9 =	sadd.s32 $0xFFFFFEF7, lr;
	s5 =	simm.s32 $0xFFFFFFFF;
	p2 =	slt.u32 s8, $0xFFFFF086  }
0x1c: {  	p1 =	slt.u32 s9, $0xF7A;
	s5 =	simm.s32 @!p2 $0x0  }
0x1d: {  	s5 =	simm.s32 @p1 $0x1;
	p0 =	seq.s32 s7, s2  }
0x1e: {  	s7 =	smul.u32 @!p0 $0xF7A, s2;
	p2 =	seq.s32 @!p0 s5, $0x0  }
0x1f: {  	s9 =	smul.u32 $0xF7A, s1;
	s8 =	simm.s32 @!p0 $0x1BF5;
	p2 =	por !p2, p0  }
0x20: {  	[sflag:s8] =	ssyncset.s32 @!p0 $0xFFFFF086;
	s6 =	sadd.s32 @!p0 s3, s7;
	s7 =	simm.s32 @!p0 $0x108  }
0x21: {  	s3 =	sadd.s32 s3, s9;
	s6 =	sadd.s32 @!p0 $0x88, s6;
	s7 =	simm.s32 @p2 $0x1082  }
0x22: {  	[simem:s7], [sflag:s8] =	dma.local @!p0 [hbm:s6], $0xF7A  }
0x23: {  	s9 =	sor.u32 $0xD0000000, s2;
	s6 =	simm.s32 $0x108;
	_ =	swait.ge @!p0 [sflag:s8], $0x0  }
0x24: {  	s3 =	sadd.s32 $0x88, s3;
	s6 =	simm.s32 @!p1 $0x1082;
	[sflag:s4] =	ssyncset.s32 $0xFFFFF086  }
0x25: {  	[simem:s6], [sflag:s4] =	dma.local [hbm:s3], $0xF7A  }
0x26: {  	[smem:$0x3F9C] =	sst s1;
	(tag) =	ssettag s2;
	_ =	strace s9  }
0x27: {  	s1 =	sld [smem:$0x3FAC]  }
0x28: {  	s2 =	sld [smem:$0x3FAD]  }
0x29: {  	s4 =	sld [smem:$0x3FAF]  }
0x2a: {  	p0 =	seq.s32 s5, $0x0;
	s5 =	sld [smem:$0x3FB0]  }
0x2b: {  	s6 =	sld [smem:$0x3FB1]  }
0x2c: {  	s7 =	sld [smem:$0x3FB2]  }
0x2d: {  	s3 =	simm.s32 $0x108;
	s8 =	sld [smem:$0x3FB3]  }
0x2e: {  	s3 =	simm.s32 @!p0 $0x1082;
	s9 =	sld [smem:$0x3FB4]  }
0x2f: {  	lr =	sadd.s32 s0, s3;
	s0 =	sld [smem:$0x3FAB]  }
0x30: {  	s3 =	sld [smem:$0x3FAE]  }
0x31: {  	[smem:$0x3FB7] =	sst s10  }
0x32: {  	s10 =	sld [smem:$0x3FB5];
	_ =	sdelay $0x3  }
0x33: {  	p0 =	seq.s32 s10, $0x1;
	s10 =	sld [smem:$0x3FB7];
	_ =	sdelay $0x3  }
0x34: {  	[smem:$0x3FB7] =	sst s10  }
0x35: {  	s10 =	sld [smem:$0x3FB6];
	_ =	sdelay $0x3  }
0x36: {  	p1 =	seq.s32 s10, $0x1;
	s10 =	sld [smem:$0x3FB7];
	_ =	sdelay $0x3  }
0x37: {  	[smem:$0x3FB7] =	sst s10  }
0x38: {  	s10 =	sld [smem:$0x3FB8]  }
0x39: {  	_ = 	snop;
	(pc) =	sbr.ind lr, $3  }
0x3a: {  	_ = 	snop  }
0x3b: {  	_ = 	snop  }
0x3c: {  	p2 =	seq.s32 s10, $0x1;
	s10 =	sld [smem:$0x3FB7]  }
0x3d: {  	_ =	shalt  }
0x3e: {  	_ =	shalt  }
0x3f: {  	_ =	shalt  }
0x40: {  	_ =	shalt  }
0x41: {  	_ =	shalt  }
0x42: {  	_ =	shalt  }
0x43: {  	_ =	shalt  }
0x44: {  	_ =	shalt  }
0x45: {  	_ =	shalt  }
0x46: {  	_ =	shalt  }
0x47: {  	_ =	shalt  }
0x48: {  	_ =	shalt  }
0x49: {  	_ =	shalt  }
0x4a: {  	_ =	shalt  }
0x4b: {  	_ =	shalt  }
0x4c: {  	_ =	shalt  }
0x4d: {  	_ =	shalt  }
0x4e: {  	_ =	shalt  }
0x4f: {  	_ =	shalt  }
0x50: {  	_ =	shalt  }
0x51: {  	_ =	shalt  }
0x52: {  	_ =	shalt  }
0x53: {  	_ =	shalt  }
0x54: {  	_ =	shalt  }
0x55: {  	_ =	shalt  }
0x56: {  	_ =	shalt  }
0x57: {  	_ =	shalt  }
0x58: {  	_ =	shalt  }
0x59: {  	_ =	shalt  }
0x5a: {  	_ =	shalt  }
0x5b: {  	_ =	shalt  }
0x5c: {  	_ =	shalt  }
0x5d: {  	_ =	shalt  }
0x5e: {  	_ =	shalt  }
0x5f: {  	_ =	shalt  }
0x60: {  	_ =	shalt  }
0x61: {  	_ =	shalt  }
0x62: {  	_ =	shalt  }
0x63: {  	_ =	shalt  }
0x64: {  	_ =	shalt  }
0x65: {  	_ =	shalt  }
0x66: {  	_ =	shalt  }
0x67: {  	_ =	shalt  }
0x68: {  	_ =	shalt  }
0x69: {  	_ =	shalt  }
0x6a: {  	_ =	shalt  }
0x6b: {  	_ =	shalt  }
0x6c: {  	_ =	shalt  }
0x6d: {  	_ =	shalt  }
0x6e: {  	_ =	shalt  }
0x6f: {  	_ =	shalt  }
0x70: {  	_ =	shalt  }
0x71: {  	_ =	shalt  }
0x72: {  	_ =	shalt  }
0x73: {  	_ =	shalt  }
0x74: {  	_ =	shalt  }
0x75: {  	_ =	shalt  }
0x76: {  	_ =	shalt  }
0x77: {  	_ =	shalt  }
0x78: {  	_ =	shalt  }
0x79: {  	_ =	shalt  }
0x7a: {  	_ =	shalt  }
0x7b: {  	_ =	shalt  }
0x7c: {  	_ =	shalt  }
0x7d: {  	_ =	shalt  }
0x7e: {  	_ =	shalt  }
0x7f: {  	_ =	shalt  }
0x80: {  	_ =	shalt  }
0x81: {  	_ =	shalt  }
0x82: {  	_ =	shalt  }
0x83: {  	_ =	shalt  }
0x84: {  	_ =	shalt  }
0x85: {  	_ =	shalt  }
0x86: {  	_ =	shalt  }
0x87: {  	_ =	shalt  }
.Lfunc_end0:
.L_simem_size_0:
called_computation_lowered:
.L_overlay_start_0:
0x88: {  	s2 =	sld [smem:$0x3FD9]  }
0x89: {  	s3 =	sld [smem:$0x3FFE];
	_ =	sdelay $0x1  }
0x8a: {  	s1 =	srdreg.scid  }
0x8b: {  	s0 =	sand.u32 $0x1, s1  }
0x8c: {  	s17 =	sshll.u32 s0, $0xA;
	s2 =	sadd.s32 s3, s2  }
0x8d: {  	s2 =	sadd.s32 s2, s17  }
0x8e: {  	[smem:$0x3FC3] =	sst s2  }
0x8f: {  	_ = 	snop  }
0x90: {  	s2 =	sld [smem:$0x3FC7]  }
0x91: {  	s18 =	sld [smem:$0x3FD0];
	(tm) =	ssettm $0x1  }
0x92: {  	s4 =	sld [smem:$0x3FFB];
	_ =	sdelay $0x3  }
0x93: {  	_ =	strace s4  }
0x94: {  	s4 =	sld [smem:$0x3FFC];
	_ =	sdelay $0x3  }
0x95: {  	_ =	strace s4  }
0x96: {  	s4 =	sld [smem:$0x3FFD];
	_ =	sdelay $0x3  }
0x97: {  	_ =	strace s4  }
0x98: {  	_ =	strace $0x8FFFFFFF  }
0x99: {  	s19 =	sld [smem:$0x3FDB];
	_ =	sdelay $0x1  }
0x9a: {  	s5 =	simm.s32 $_scs_section_size  }
0x9b: {  	s6 =	simm.s32 $_size__tile_overlayer_lowered;
	s7 =	simm.s32 $_tile_overlayer_lowered  }
0x9c: {  	s22 =	simm.s32 $0x1BFF;
	s21 =	sshll.u32 s7, $0x1;
	s4 =	sadd.s32 s5, s19  }
0x9d: {  	s8 =	simm.s32 $0x0;
	s20 =	sshll.u32 s6, $0x1;
	s6 =	sadd.s32 s21, s4  }
0x9e: {  	[timem:s8], [sflag:s22] =	dma.local [hbm:s6], s20  }
0x9f: {  	_ =	swait.ge [sflag:s22], s20  }
0xa0: {  	s5 =	ssub.s32 $0x0, s20;
	[sflag:s22] =	ssyncset.done $0x0  }
0xa1: {  	[sflag:s22] =	ssyncadd.s32 s5;
	_ =	sdelay $0x1  }
0xa2: {  	s23 =	simm.s32 $0x1B8B  }
0xa3: {  	_ =	swait.ge [sflag:s23], $0x1  }
0xa4: {  	[sflag:s23] =	ssyncset.done $0x0  }
0xa5: {  	s25 =	simm.s32 $0x1B8E;
	s24 =	sld [smem:$0x3FFE];
	[sflag:s23] =	ssyncadd.s32 $0xFFFFFFFF  }
0xa6: {  	s26 =	simm.s32 $execute0_lowered;
	[smem:$0x3FD2] =	sst s25  }
0xa7: {  	s6 =	sshll.u32 s26, $0x1;
	_ =	strace $0x80000046;
	[dreg:$0x1] =	wrdreg $0xFFFFFFFF  }
0xa8: {  	s28 =	simm.s32 $_size_execute0_lowered;
	s4 =	sadd.s32 s4, s6;
	[dreg:$0x0] =	wrdreg $0x0  }
0xa9: {  	s6 =	sshll.u32 s28, $0x1;
	[dreg:$0x2] =	wrdreg s4  }
0xaa: {  	[dreg:$0x3] =	wrdreg s6  }
0xab: {  	[dreg:$0x4] =	wrdreg $0xC0  }
0xac: {  	_ =	task [dreg:s8], $0x5FFFF  }
0xad: {  	[dreg:$0x1] =	wrdreg $0xFFFFFFFF  }
0xae: {  	[dreg:$0x0] =	wrdreg $0x60  }
0xaf: {  	[dreg:$0x2] =	wrdreg s2  }
0xb0: {  	[dreg:$0x3] =	wrdreg s18  }
0xb1: {  	[dreg:$0x4] =	wrdreg s24  }
0xb2: {  	[dreg:$0x5] =	wrdreg $0x9  }
0xb3: {  	_ =	task.clear_ibuf [dreg:s8], $0x6FFFF;
	_ =	strace $0x90000046  }
0xb4: {  	s29 =	simm.s32 $0x9;
	_ =	strace $0x80000048  }
0xb5: {  	_ =	swait.ge [sflag:s29], $0x1  }
0xb6: {  	[sflag:s29] =	ssyncadd.s32 $0xFFFFFFFF  }
0xb7: {  	_ =	strace $0x90000048  }
0xb8: {  	_ =	sfence  }
0xb9: {  	s30 =	sld [smem:$0x0];
	_ =	sdelay $0x2  }
0xba: {  	s31 =	sshll.u32 s1, $0xD;
	s1 =	sshrl.u32 s1, $0x2  }
0xbb: {  	s3 =	sand.u32 $0x4000, s31;
	s1 =	sadd.s32 s1, s30  }
0xbc: {  	s0 =	sor.u32 s3, s0;
	s1 =	sshll.u32 s1, $0x11  }
0xbd: {  	s0 =	sor.u32 s1, s0  }
0xbe: {  	s0 =	sadd.s32 $0x8F2B, s0  }
0xbf: {  	[sflag:s0] =	ssyncadd.remote.s32 $0x1  }
0xc0: {  	_ =	sfence.sel $0xFFFF  }
0xc1: {  	[dreg:$0x0] =	wrdreg $0xFFFFFFFF;
	(pc) =	sbr.abs _section_cstart, $3  }
0xc2: {  	[dreg:$0x1] =	wrdreg $0xFFFFFFFF  }
0xc3: {  	_ =	task.clear_ibuf [dreg:s8], $0x2FFFF;
	_ =	strace $0x9FFFFFFF  }
0xc4: {  	(tm) =	ssettm $0x7FFFFFFF  }
0xc5: {  	_ =	shalt  }
tec
execute0_lowered:
.L_overlay_start_1:
0x0: {  	(tag) =	ssettag $0x1  }
0x1: {  	s4 =	rddreg [dreg:$0x0]  }
0x2: {  	s0 =	rddreg [dreg:$0x2];
	s3 =	simm.s32 $0x0;
	s1 =	srdreg.scid  }
0x3: {  	s2 =	stileid.u32;
	[smem:$0x7FF] =	sst s3;
	s6 =	sadd.s32 $0xE00, s0  }
0x4: {  	s29 =	sadd.s32 $0xF4000, s4;
	_ =	strace $0x80000047;
	[dreg:$0x5] =	wrdreg s6  }
0x5: {  	s1 =	sand.u32 $0x1, s1;
	s30 =	sadd.s32 $0x3D0E00, s0;
	[dreg:$0x9] =	wrdreg s29  }
0x6: {  	s2 =	sshll.u32 s2, $0x1;
	s0 =	sadd.s32 $0x3D1600, s0;
	[dreg:$0xa] =	wrdreg s30  }
0x7: {  	s23 =	ssub.s32 $0x2, s1;
	s5 =	sor.u32 s1, s2;
	[dreg:$0xb] =	wrdreg s0  }
0x8: {  	s2 =	sshll.u32 s5, $0x9;
	s26 =	sshll.u32 s5, $0xB;
	[dreg:$0x4] =	wrdreg s5  }
.Ltmp0:
0x9: {  	s25 =	sadd.s32 s4, s2;
	s2 =	sadd.s32 s6, s26;
	(pc) =	sbr.rel .LBB2_1-.Ltmp0, $4  }
0xa: {  	s18 =	simm.s32 $0x8000;
	s24 =	sshrl.u32 s23, $0x1;
	[dreg:$0x7] =	wrdreg s2  }
0xb: {  	s1 =	ssub.s32 s23, s24;
	[dreg:$0x6] =	wrdreg s25;
	s28 =	sadd.s32 $0x8000, s25  }
0xc: {  	v0 =	vlaneseq.u32;
	s20 =	simm.s32 $0xC000;
	s31 =	smax.u32 s1, $0x1;
	[dreg:$0x8] =	wrdreg s28  }
0xd: {  	v0 =	vmul.u32 $0x20, v0;
	p0 =	sne.s32 s5, $0x0;
	s1 =	simm.s32 $0x0;
	[dreg:$0xc] =	wrdreg s31  }
.LBB2_11:
0xe: {  	s1 =	sadd.s32 $0x1, s1;
	s0 =	rddreg [dreg:$0xc]  }
0xf: {  	p1 =	sne.s32 s1, s0  }
.Ltmp1:
0x10: {  	_ = 	snop;
	(pc) =	sbr.rel @!p1 .LBB2_12-.Ltmp1, $1  }
0x11: {  	_ =	sdelay $0x3  }
.LBB2_1:
0x12: {  	[dreg:$0xd] =	wrdreg s1  }
0x13: {  	s0 =	simm.s32 $0x0;
	s31 =	rddreg [dreg:$0x6]  }
0x14: {  	s2 =	simm.s32 $0x1000;
	s3 =	simm.s32 $0x7A1400;
	s4 =	simm.s32 $0x0  }
0x15: {  	[tilespmem:s0], [sflag:$0x1] =	stream.strided.gather [hbm4b:s31+s2], $0x4000, s3, s2, $0x38;
	[tilespmem:$0x10000] =	vst v63  }
.LBB2_2:
0x16: {  	s0 =	sshllo.u32 s4, $0x1  }
0x17: {  	s0 =	smin.u32 s0, $0x3C  }
0x18: {  	s1 =	rddreg [dreg:$0x4];
	s0 =	sshll.u32 s0, $0x5  }
0x19: {  	s26 =	rddreg [dreg:$0x0];
	s28 =	simm.s32 $0x1000;
	s0 =	sor.u32 s1, s0  }
0x1a: {  	s2 =	simm.s32 $0x7A1400;
	[dreg:$0xf] =	wrdreg s0;
	s0 =	sshll.u32 s0, $0x9  }
0x1b: {  	s3 =	simm.s32 $0x4000;
	s30 =	simm.s32 $0x1;
	s0 =	sadd.s32 s26, s0  }
0x1c: {  	[tilespmem:s3], [sflag:$0x2] =	stream.strided.gather [hbm4b:s0+s28], $0x4000, s2, s28, $0x38;
	[tilespmem:$0x10000] =	vst v63  }
0x1d: {  	p1 =	seq.s32 s4, $0x0;
	_ =	swait.ge [sflag:s30], $0x4000  }
0x1e: {  	s31 =	sshll.u32 s4, $0x1;
	s29 =	simm.s32 $0x61F;
	[sflag:s30] =	ssyncset.done $0x0  }
0x1f: {  	s9 =	simm.s32 $0x0;
	s0 =	simm.s32 @!p1 $0x3;
	[sflag:s30] =	ssyncadd.s32 $0xFFFFC000  }
0x20: {  	p2 =	por $0x0, $0x0;
	s22 =	simm.s32 $0x0;
	_ =	swait.ge @!p1 [sflag:s0], $0x4000  }
0x21: {  	s17 =	simm.s32 $0x0;
	[dreg:$0xe] =	wrdreg s4;
	[sflag:s0] =	ssyncset.done @!p1 $0x0  }
0x22: {  	[dreg:$0x10] =	wrdreg s31;
	[sflag:s0] =	ssyncadd.s32 @!p1 $0xFFFFC000;
	s0 =	simm.s32 $0x0  }
.LBB2_3:
0x23: {  	s2 =	sand.u32 $0x40, s17;
	s30 =	sand.u32 $0xC00, s0  }
0x24: {  	s4 =	sor.u32 s2, s30  }
0x25: {  	v7 =	vld [tilespmem:s4+$0x0]  }
0x26: {  	v8 =	vld [tilespmem:s4+$0x80]  }
0x27: {  	s19 =	sor.u32 s0, s17;
	v9 =	vld [tilespmem:s4+$0x100]  }
0x28: {  	s21 =	sor.u32 $0x380, s19;
	s25 =	sor.u32 $0x1000, s30;
	v10 =	vld [tilespmem:s4+$0x180]  }
0x29: {  	s14 =	sor.u32 $0x1080, s30;
	v30 =	vld [tilespmem:s21+$0x0];
	s23 =	sor.u32 s2, s25  }
0x2a: {  	s28 =	sor.u32 $0x1100, s30;
	s24 =	sor.u32 s2, s14;
	v35 =	vld [tilespmem:s23+$0x0]  }
0x2b: {  	s31 =	sor.u32 $0x1180, s30;
	s26 =	sor.u32 s2, s28;
	v14 =	vld [tilespmem:s24+$0x0]  }
0x2c: {  	s1 =	simm.s32 $0x1;
	s8 =	sor.u32 $0x1200, s30;
	s3 =	sor.u32 s2, s31;
	v15 =	vld [tilespmem:s26+$0x0]  }
0x2d: {  	s1 =	simm.s32 @!p2 $0x0;
	s19 =	sor.u32 $0x1380, s30;
	s4 =	sor.u32 s2, s8;
	v16 =	vld [tilespmem:s3+$0x0]  }
0x2e: {  	s12 =	sor.u32 $0x2100, s30;
	s1 =	sshll.u32 s1, $0x6;
	s7 =	sor.u32 s2, s19;
	v17 =	vld [tilespmem:s4+$0x0]  }
0x2f: {  	s13 =	sor.u32 s2, s12;
	s1 =	sadd.s32 s1, s0;
	v20 =	vld [tilespmem:s7+$0x0]  }
0x30: {  	v23 =	vld [tilespmem:s13+$0x0];
	s15 =	sor.u32 $0x200, s1  }
0x31: {  	s16 =	sor.u32 $0x280, s1;
	v11 =	vld [tilespmem:s15+$0x0]  }
0x32: {  	s26 =	sor.u32 $0x1280, s30;
	s1 =	sor.u32 $0x300, s1;
	v12 =	vld [tilespmem:s16+$0x0]  }
0x33: {  	s23 =	sor.u32 $0x1300, s30;
	s5 =	sor.u32 s2, s26;
	v13 =	vld [tilespmem:s1+$0x0]  }
0x34: {  	[smem:$0x7FB] =	sst s12;
	s3 =	sor.u32 $0x2000, s30;
	s6 =	sor.u32 s2, s23;
	v18 =	vld [tilespmem:s5+$0x0]  }
0x35: {  	s24 =	sor.u32 $0x2200, s30;
	s4 =	sor.u32 $0x2300, s30;
	s10 =	sor.u32 s2, s3;
	v19 =	vld [tilespmem:s6+$0x0]  }
0x36: {  	[smem:$0x7F1] =	sst s24;
	s7 =	sor.u32 s2, s24;
	s24 =	sor.u32 $0x2280, s30;
	v21 =	vld [tilespmem:s10+$0x0]  }
0x37: {  	s13 =	sadd.s32 $0xFFFFF9E1, s29;
	[smem:$0x7F0] =	sst s3;
	v25 =	vld [tilespmem:s7+$0x0];
	s3 =	sor.u32 s2, s24  }
0x38: {  	[smem:$0x7F2] =	sst s4;
	s15 =	sor.u32 $0x2080, s30;
	s5 =	sor.u32 s2, s4;
	v26 =	vld [tilespmem:s3+$0x0]  }
0x39: {  	s16 =	sor.u32 $0x2180, s30;
	s6 =	sor.u32 $0x2380, s30;
	s11 =	sor.u32 s2, s15;
	v27 =	vld [tilespmem:s5+$0x0]  }
0x3a: {  	s1 =	sor.u32 $0x3080, s30;
	s7 =	sor.u32 $0x3100, s30;
	s21 =	sor.u32 s2, s16;
	v22 =	vld [tilespmem:s11+$0x0]  }
0x3b: {  	s4 =	sor.u32 $0x3300, s30;
	[smem:$0x7FC] =	sst s6;
	s10 =	sor.u32 s2, s6;
	v24 =	vld [tilespmem:s21+$0x0]  }
0x3c: {  	s3 =	sor.u32 $0x3000, s30;
	s12 =	sor.u32 s2, s7;
	s6 =	sor.u32 $0x3180, s30;
	v28 =	vld [tilespmem:s10+$0x0]  }
0x3d: {  	s5 =	sor.u32 $0x3200, s30;
	[dreg:$0x1f] =	wrdreg s4;
	s4 =	sor.u32 s2, s4;
	v34 =	vld [tilespmem:s12+$0x0]  }
0x3e: {  	s11 =	sor.u32 s2, s3;
	[smem:$0x7F3] =	sst s5;
	s21 =	sor.u32 s2, s6;
	v5 =	vld [tilespmem:s4+$0x0]  }
0x3f: {  	s10 =	sor.u32 s2, s5;
	s12 =	sadd.s32 $0xFFFFF9E2, s29;
	s5 =	sadd.s32 $0xFFFFF9E4, s29;
	v29 =	vld [tilespmem:s11+$0x0]  }
0x40: {  	v31 =	vor.u32 s13, v0;
	s4 =	sadd.s32 $0xFFFFF9E5, s29;
	s11 =	sor.u32 s2, s1;
	v3 =	vld [tilespmem:s10+$0x0];
	v32 =	vor.u32 s12, v0;
	s12 =	sadd.s32 $0xFFFFF9E3, s29  }
0x41: {  	s10 =	sor.u32 $0x3380, s30;
	v36 =	vor.u32 s5, v0;
	s5 =	sand.u32 $0x7, s22;
	v1 =	vld [tilespmem:s11+$0x0];
	s11 =	sor.u32 $0x3280, s30  }
0x42: {  	v2 =	vld [tilespmem:s21+$0x0];
	v33 =	vor.u32 s12, v0;
	s13 =	sor.u32 s2, s10;
	s12 =	sshll.u32 s5, $0x4;
	s5 =	sadd.s32 $0xFFFFF9E7, s29  }
0x43: {  	s21 =	sor.u32 s2, s11;
	v6 =	vld [tilespmem:s13+$0x0];
	v39 =	vor.u32 s5, v0;
	s5 =	sadd.s32 s0, s12;
	s13 =	sadd.s32 $0xFFFFF9E8, s29  }
0x44: {  	v37 =	vor.u32 s4, v0;
	s4 =	sadd.s32 $0xFFFFF9E6, s29;
	v4 =	vld [tilespmem:s21+$0x0];
	s21 =	sadd.s32 $0x10, s17;
	v40 =	vor.u32 s13, v0;
	s13 =	sadd.s32 $0x10, s5  }
0x45: {  	[tilespmem:v31+s18+$0x0] =	vst.idx.msk $0xffff, v7;
	[dreg:$0x1c] =	wrdreg s5;
	s2 =	sand.u32 $0x50, s21;
	s5 =	sor.u32 $0x200, s13  }
0x46: {  	[dreg:$0x12] =	wrdreg s22;
	v38 =	vor.u32 s4, v0;
	s22 =	sor.u32 s2, s30;
	[tilespmem:v32+s18+$0x0] =	vst.idx.msk $0xffff, v8;
	v8 =	vld [tilespmem:s5+$0x0]  }
0x47: {  	v31 =	vld [tilespmem:s22+$0x0]  }
0x48: {  	[smem:$0x7F4] =	sst s14;
	s4 =	sadd.s32 $0xFFFFF9E9, s29;
	v32 =	vld [tilespmem:s22+$0x80];
	[tilespmem:v33+s18+$0x0] =	vst.idx.msk $0xffff, v9  }
0x49: {  	[smem:$0x7F5] =	sst s8;
	v41 =	vor.u32 s4, v0;
	s4 =	sadd.s32 $0xFFFFF9EA, s29;
	v33 =	vld [tilespmem:s22+$0x100];
	[tilespmem:v36+s18+$0x0] =	vst.idx.msk $0xffff, v10  }
0x4a: {  	[smem:$0x7F6] =	sst s19;
	v43 =	vor.u32 s4, v0;
	s4 =	sadd.s32 $0xFFFFF9EB, s29;
	s5 =	sor.u32 $0x280, s13;
	v7 =	vld [tilespmem:s22+$0x180];
	[tilespmem:v37+s18+$0x0] =	vst.idx.msk $0xffff, v11  }
0x4b: {  	v44 =	vor.u32 s4, v0;
	s4 =	sor.u32 $0x300, s13;
	v9 =	vld [tilespmem:s5+$0x0];
	s5 =	sor.u32 s21, s0;
	s22 =	sadd.s32 $0xFFFFF9EC, s29;
	[tilespmem:v38+s18+$0x0] =	vst.idx.msk $0xffff, v12  }
0x4c: {  	[smem:$0x7F9] =	sst s24;
	v45 =	vor.u32 s22, v0;
	v10 =	vld [tilespmem:s4+$0x0];
	s4 =	sor.u32 $0x380, s5;
	s5 =	sadd.s32 $0xFFFFF9ED, s29;
	[tilespmem:v39+s18+$0x0] =	vst.idx.msk $0xffff, v13  }
0x4d: {  	[smem:$0x7F7] =	sst s15;
	s21 =	sadd.s32 $0xFFFFF9EE, s29;
	s22 =	sor.u32 s2, s25;
	v46 =	vor.u32 s5, v0;
	v11 =	vld [tilespmem:s4+$0x0];
	[tilespmem:v40+s18+$0x0] =	vst.idx.msk $0xffff, v30  }
0x4e: {  	[smem:$0x7F8] =	sst s16;
	v47 =	vor.u32 s21, v0;
	s4 =	sadd.s32 $0xFFFFF9EF, s29;
	s5 =	sor.u32 s2, s14;
	v12 =	vld [tilespmem:s22+$0x0];
	[tilespmem:v41+s18+$0x0] =	vst.idx.msk $0xffff, v35  }
0x4f: {  	s13 =	sadd.s32 $0xFFFFF9F5, s29;
	s21 =	sor.u32 s2, s28;
	s14 =	sadd.s32 $0xFFFFF9F0, s29;
	v48 =	vor.u32 s4, v0;
	v13 =	vld [tilespmem:s5+$0x0];
	[tilespmem:v43+s18+$0x0] =	vst.idx.msk $0xffff, v14  }
0x50: {  	v49 =	vor.u32 s14, v0;
	s22 =	sadd.s32 $0xFFFFF9F1, s29;
	s4 =	sor.u32 s2, s31;
	s14 =	sadd.s32 $0xFFFFF9F2, s29;
	v14 =	vld [tilespmem:s21+$0x0];
	[tilespmem:v44+s18+$0x0] =	vst.idx.msk $0xffff, v15  }
0x51: {  	s5 =	smov.u32 s28;
	s28 =	smov.u32 s31;
	v50 =	vor.u32 s22, v0;
	s21 =	sor.u32 s2, s8;
	v15 =	vld [tilespmem:s4+$0x0];
	[tilespmem:v45+s18+$0x0] =	vst.idx.msk $0xffff, v16  }
0x52: {  	v51 =	vor.u32 s14, v0;
	s22 =	sadd.s32 $0xFFFFF9F3, s29;
	s31 =	sor.u32 s2, s26;
	s8 =	sor.u32 s2, s23;
	v16 =	vld [tilespmem:s21+$0x0];
	[tilespmem:v46+s18+$0x0] =	vst.idx.msk $0xffff, v17  }
0x53: {  	v52 =	vor.u32 s22, v0;
	s4 =	sadd.s32 $0xFFFFF9F4, s29;
	v17 =	vld [tilespmem:s31+$0x0];
	s31 =	sor.u32 s2, s15;
	s15 =	sld [smem:$0x7FB];
	[tilespmem:v47+s18+$0x0] =	vst.idx.msk $0xffff, v18  }
0x54: {  	s19 =	sor.u32 s2, s19;
	s16 =	sor.u32 s2, s16;
	v54 =	vor.u32 s13, v0;
	s13 =	sadd.s32 $0xFFFFF9F9, s29;
	v53 =	vor.u32 s4, v0;
	v18 =	vld [tilespmem:s8+$0x0];
	[tilespmem:v48+s18+$0x0] =	vst.idx.msk $0xffff, v19  }
0x55: {  	s14 =	smov.u32 s26;
	s21 =	sadd.s32 $0xFFFFF9F6, s29;
	v19 =	vld [tilespmem:s19+$0x0];
	s19 =	sld [smem:$0x7F0];
	[tilespmem:v49+s18+$0x0] =	vst.idx.msk $0xffff, v20  }
0x56: {  	s26 =	smov.u32 s23;
	s23 =	sadd.s32 $0xFFFFF9F7, s29;
	v55 =	vor.u32 s21, v0;
	s8 =	sor.u32 s2, s15;
	[tilespmem:v50+s18+$0x0] =	vst.idx.msk $0xffff, v21;
	v21 =	vld [tilespmem:s31+$0x0]  }
0x57: {  	v56 =	vor.u32 s23, v0;
	s4 =	sadd.s32 $0xFFFFF9F8, s29;
	s31 =	sor.u32 s2, s24;
	s24 =	sld [smem:$0x7F2];
	[tilespmem:v51+s18+$0x0] =	vst.idx.msk $0xffff, v22;
	v22 =	vld [tilespmem:s8+$0x0]  }
0x58: {  	v57 =	vor.u32 s4, v0;
	s4 =	sadd.s32 $0xFFFFF9FC, s29;
	s22 =	sor.u32 s2, s19;
	[tilespmem:v52+s18+$0x0] =	vst.idx.msk $0xffff, v23;
	v23 =	vld [tilespmem:s16+$0x0];
	s16 =	sld [smem:$0x7F1]  }
0x59: {  	v58 =	vor.u32 s13, v0;
	s21 =	sadd.s32 $0xFFFFF9FA, s29;
	v61 =	vor.u32 s4, v0;
	s4 =	sld [smem:$0x7FC];
	v20 =	vld [tilespmem:s22+$0x0];
	[tilespmem:v53+s18+$0x0] =	vst.idx.msk $0xffff, v24  }
0x5a: {  	s23 =	sadd.s32 $0xFFFFF9FB, s29;
	v59 =	vor.u32 s21, v0;
	s8 =	sor.u32 s2, s24;
	[tilespmem:v54+s18+$0x0] =	vst.idx.msk $0xffff, v25;
	v25 =	vld [tilespmem:s31+$0x0]  }
0x5b: {  	[dreg:$0x18] =	wrdreg s7;
	v60 =	vor.u32 s23, v0;
	s22 =	sor.u32 s2, s16;
	[tilespmem:v55+s18+$0x0] =	vst.idx.msk $0xffff, v26;
	v26 =	vld [tilespmem:s8+$0x0]  }
0x5c: {  	[dreg:$0x15] =	wrdreg s3;
	s13 =	sadd.s32 $0xFFFFF9FD, s29;
	s21 =	sor.u32 s2, s4;
	v24 =	vld [tilespmem:s22+$0x0];
	[tilespmem:v56+s18+$0x0] =	vst.idx.msk $0xffff, v27  }
0x5d: {  	v62 =	vor.u32 s13, v0;
	s23 =	sor.u32 s2, s3;
	s3 =	smov.u32 s1;
	v27 =	vld [tilespmem:s21+$0x0];
	s22 =	sadd.s32 $0xFFFFF9FE, s29;
	[tilespmem:v57+s18+$0x0] =	vst.idx.msk $0xffff, v28  }
0x5e: {  	s31 =	sadd.s32 $0xFFFFF9FF, s29;
	s8 =	sor.u32 s2, s1;
	s1 =	sor.u32 s2, s6;
	v63 =	vor.u32 s22, v0;
	v28 =	vld [tilespmem:s23+$0x0];
	[tilespmem:v58+s18+$0x0] =	vst.idx.msk $0xffff, v29  }
0x5f: {  	v44 =	vor.u32 s31, v0;
	s23 =	sadd.s32 $0xFFFFFBE1, s29;
	[tilespmem:v59+s18+$0x0] =	vst.idx.msk $0xffff, v1;
	v1 =	vld [tilespmem:s1+$0x0];
	s1 =	sld [smem:$0x7F3]  }
0x60: {  	[smem:$0x7FD] =	sst s6;
	s21 =	sadd.s32 $0xFFFFFA00, s29;
	s22 =	sor.u32 s2, s7;
	v29 =	vld [tilespmem:s8+$0x0];
	v46 =	vor.u32 s23, v0;
	[tilespmem:v60+s18+$0x0] =	vst.idx.msk $0xffff, v34  }
0x61: {  	s13 =	sor.u32 s2, s11;
	s31 =	smov.u32 s6;
	v45 =	vor.u32 s21, v0;
	v30 =	vld [tilespmem:s22+$0x0];
	s8 =	sadd.s32 $0xFFFFFBE2, s29;
	[tilespmem:v61+s18+$0x0] =	vst.idx.msk $0xffff, v2  }
0x62: {  	s21 =	sadd.s32 $0xFFFFFBE3, s29;
	s23 =	rddreg [dreg:$0x1f];
	v47 =	vor.u32 s8, v0;
	s7 =	sor.u32 s2, s1;
	[tilespmem:v62+s18+$0x0] =	vst.idx.msk $0xffff, v3;
	v3 =	vld [tilespmem:s13+$0x0]  }
0x63: {  	s6 =	sadd.s32 $0xFFFFFBE4, s29;
	v48 =	vor.u32 s21, v0;
	s21 =	sadd.s32 $0x20, s17;
	s22 =	sor.u32 s2, s23;
	v2 =	vld [tilespmem:s7+$0x0];
	[tilespmem:v63+s18+$0x0] =	vst.idx.msk $0xffff, v4  }
0x64: {  	v49 =	vor.u32 s6, v0;
	s8 =	sadd.s32 $0xFFFFFBE5, s29;
	v4 =	vld [tilespmem:s22+$0x0];
	s7 =	sor.u32 s2, s10;
	s2 =	sand.u32 $0x60, s21;
	[tilespmem:v44+s18+$0x0] =	vst.idx.msk $0xffff, v5  }
0x65: {  	v50 =	vor.u32 s8, v0;
	s22 =	sadd.s32 $0xFFFFFBE6, s29;
	v5 =	vld [tilespmem:s7+$0x0];
	s7 =	sor.u32 s2, s30;
	[tilespmem:v46+s18+$0x0] =	vst.idx.msk $0xffff, v31  }
0x66: {  	s6 =	smov.u32 s10;
	s8 =	sadd.s32 $0xFFFFFBE7, s29;
	s10 =	sand.u32 $0x3, s9;
	v51 =	vor.u32 s22, v0;
	[tilespmem:v45+s18+$0x0] =	vst.idx.msk $0xffff, v6;
	v31 =	vld [tilespmem:s7+$0x0]  }
0x67: {  	[dreg:$0x14] =	wrdreg s9;
	v52 =	vor.u32 s8, v0;
	s9 =	sadd.s32 $0xFFFFFBE8, s29;
	s12 =	sshll.u32 s10, $0x5;
	[tilespmem:v47+s18+$0x0] =	vst.idx.msk $0xffff, v32;
	v34 =	vld [tilespmem:s7+$0x80]  }
0x68: {  	v53 =	vor.u32 s9, v0;
	s10 =	sadd.s32 $0xFFFFFBE9, s29;
	s12 =	sadd.s32 s0, s12;
	v6 =	vld [tilespmem:s7+$0x180];
	[tilespmem:v48+s18+$0x0] =	vst.idx.msk $0xffff, v33  }
0x69: {  	v54 =	vor.u32 s10, v0;
	v33 =	vld [tilespmem:s7+$0x100];
	s12 =	sadd.s32 $0x20, s12;
	s7 =	sadd.s32 $0xFFFFFBEA, s29;
	[tilespmem:v49+s18+$0x0] =	vst.idx.msk $0xffff, v7  }
0x6a: {  	s9 =	sadd.s32 $0xFFFFFBEB, s29;
	s8 =	sor.u32 $0x200, s12;
	v55 =	vor.u32 s7, v0;
	[tilespmem:v50+s18+$0x0] =	vst.idx.msk $0xffff, v8  }
0x6b: {  	v56 =	vor.u32 s9, v0;
	s10 =	sor.u32 $0x280, s12;
	v7 =	vld [tilespmem:s8+$0x0];
	s8 =	sadd.s32 $0xFFFFFBEC, s29;
	[tilespmem:v51+s18+$0x0] =	vst.idx.msk $0xffff, v9  }
0x6c: {  	s7 =	sor.u32 s21, s0;
	v8 =	vld [tilespmem:s10+$0x0];
	s10 =	sadd.s32 $0xFFFFFBED, s29;
	v57 =	vor.u32 s8, v0;
	s8 =	sld [smem:$0x7F4];
	[tilespmem:v52+s18+$0x0] =	vst.idx.msk $0xffff, v10  }
0x6d: {  	[smem:$0x7FA] =	sst s25;
	s21 =	sadd.s32 $0xFFFFFBEE, s29;
	s9 =	sor.u32 $0x380, s7;
	v58 =	vor.u32 s10, v0;
	[tilespmem:v53+s18+$0x0] =	vst.idx.msk $0xffff, v11  }
0x6e: {  	s22 =	sor.u32 s2, s25;
	s25 =	sadd.s32 $0xFFFFFBEF, s29;
	v59 =	vor.u32 s21, v0;
	v32 =	vld [tilespmem:s9+$0x0];
	s9 =	sadd.s32 $0xFFFFFBF0, s29;
	[tilespmem:v54+s18+$0x0] =	vst.idx.msk $0xffff, v12  }
0x6f: {  	v60 =	vor.u32 s25, v0;
	v61 =	vor.u32 s9, v0;
	s9 =	sadd.s32 $0xFFFFFBF3, s29;
	v11 =	vld [tilespmem:s22+$0x0];
	s7 =	sor.u32 s2, s8;
	[tilespmem:v55+s18+$0x0] =	vst.idx.msk $0xffff, v13  }
0x70: {  	s13 =	sadd.s32 $0xFFFFFBF1, s29;
	s10 =	sor.u32 s2, s5;
	v42 =	vor.u32 s9, v0;
	s9 =	sld [smem:$0x7F6];
	v12 =	vld [tilespmem:s7+$0x0];
	[tilespmem:v56+s18+$0x0] =	vst.idx.msk $0xffff, v14  }
0x71: {  	s25 =	smov.u32 s5;
	s21 =	sor.u32 s2, s28;
	s5 =	sld [smem:$0x7F5];
	v13 =	vld [tilespmem:s10+$0x0];
	[tilespmem:v57+s18+$0x0] =	vst.idx.msk $0xffff, v15  }
0x72: {  	v62 =	vor.u32 s13, v0;
	s22 =	sadd.s32 $0xFFFFFBF2, s29;
	s10 =	sor.u32 s2, s14;
	v14 =	vld [tilespmem:s21+$0x0];
	[tilespmem:v58+s18+$0x0] =	vst.idx.msk $0xffff, v16  }
0x73: {  	v63 =	vor.u32 s22, v0;
	v16 =	vld [tilespmem:s10+$0x0];
	s10 =	sor.u32 s2, s9;
	[tilespmem:v59+s18+$0x0] =	vst.idx.msk $0xffff, v17  }
0x74: {  	s7 =	sor.u32 s2, s5;
	s21 =	sadd.s32 $0xFFFFFBF4, s29;
	[tilespmem:v60+s18+$0x0] =	vst.idx.msk $0xffff, v18;
	v18 =	vld [tilespmem:s10+$0x0];
	s10 =	sld [smem:$0x7F7]  }
0x75: {  	s22 =	sor.u32 s2, s26;
	v15 =	vld [tilespmem:s7+$0x0];
	v43 =	vor.u32 s21, v0;
	s7 =	sadd.s32 $0xFFFFFBF5, s29  }
0x76: {  	s13 =	sadd.s32 $0xFFFFFBF6, s29;
	s21 =	sor.u32 s2, s19;
	v44 =	vor.u32 s7, v0;
	v17 =	vld [tilespmem:s22+$0x0];
	[tilespmem:v61+s18+$0x0] =	vst.idx.msk $0xffff, v19  }
0x77: {  	v45 =	vor.u32 s13, v0;
	s22 =	sadd.s32 $0xFFFFFBF7, s29;
	v19 =	vld [tilespmem:s21+$0x0];
	[tilespmem:v62+s18+$0x0] =	vst.idx.msk $0xffff, v20;
	s7 =	sor.u32 s2, s10  }
0x78: {  	s15 =	sor.u32 s2, s15;
	v46 =	vor.u32 s22, v0;
	[tilespmem:v63+s18+$0x0] =	vst.idx.msk $0xffff, v21;
	v20 =	vld [tilespmem:s7+$0x0];
	s7 =	sld [smem:$0x7F8]  }
0x79: {  	s13 =	sadd.s32 $0xFFFFFBF8, s29;
	s21 =	sadd.s32 $0xFFFFFBF9, s29;
	v21 =	vld [tilespmem:s15+$0x0];
	s15 =	sor.u32 s2, s16;
	[tilespmem:v42+s18+$0x0] =	vst.idx.msk $0xffff, v22  }
0x7a: {  	v47 =	vor.u32 s13, v0;
	s12 =	sor.u32 $0x300, s12;
	v48 =	vor.u32 s21, v0;
	s21 =	sadd.s32 $0xFFFFFBFB, s29;
	[tilespmem:v43+s18+$0x0] =	vst.idx.msk $0xffff, v23;
	v23 =	vld [tilespmem:s15+$0x0];
	s15 =	sld [smem:$0x7F9]  }
0x7b: {  	s13 =	sadd.s32 $0xFFFFFBFA, s29;
	v9 =	vld [tilespmem:s12+$0x0];
	v50 =	vor.u32 s21, v0;
	s21 =	sadd.s32 $0xFFFFFBFC, s29;
	[tilespmem:v44+s18+$0x0] =	vst.idx.msk $0xffff, v24;
	s22 =	sor.u32 s2, s7  }
0x7c: {  	v49 =	vor.u32 s13, v0;
	v51 =	vor.u32 s21, v0;
	s21 =	sor.u32 s2, s4;
	[tilespmem:v45+s18+$0x0] =	vst.idx.msk $0xffff, v25;
	v22 =	vld [tilespmem:s22+$0x0]  }
0x7d: {  	s13 =	sadd.s32 $0xFFFFFBFD, s29;
	s22 =	sor.u32 s2, s15;
	[tilespmem:v46+s18+$0x0] =	vst.idx.msk $0xffff, v26;
	v26 =	vld [tilespmem:s21+$0x0]  }
0x7e: {  	v52 =	vor.u32 s13, v0;
	s13 =	rddreg [dreg:$0x15];
	v24 =	vld [tilespmem:s22+$0x0];
	s22 =	sor.u32 s2, s24  }
0x7f: {  	s21 =	sor.u32 s2, s13;
	[tilespmem:v47+s18+$0x0] =	vst.idx.msk $0xffff, v27;
	v25 =	vld [tilespmem:s22+$0x0];
	s22 =	sadd.s32 $0xFFFFFBFE, s29  }
0x80: {  	s4 =	sor.u32 s2, s3;
	v27 =	vld [tilespmem:s21+$0x0];
	s21 =	rddreg [dreg:$0x18];
	[tilespmem:v48+s18+$0x0] =	vst.idx.msk $0xffff, v28;
	v53 =	vor.u32 s22, v0;
	s22 =	sadd.s32 $0xFFFFFBFF, s29  }
0x81: {  	v28 =	vld [tilespmem:s4+$0x0];
	s4 =	sadd.s32 $0xFFFFFDE1, s29;
	[tilespmem:v49+s18+$0x0] =	vst.idx.msk $0xffff, v29;
	v54 =	vor.u32 s22, v0;
	s22 =	sor.u32 s2, s21  }
0x82: {  	s13 =	sadd.s32 $0xFFFFFC00, s29;
	v56 =	vor.u32 s4, v0;
	[tilespmem:v50+s18+$0x0] =	vst.idx.msk $0xffff, v30;
	s21 =	sor.u32 s2, s31;
	v29 =	vld [tilespmem:s22+$0x0]  }
0x83: {  	v55 =	vor.u32 s13, v0;
	s4 =	sadd.s32 $0xFFFFFDE2, s29;
	v10 =	vld [tilespmem:s21+$0x0];
	[tilespmem:v51+s18+$0x0] =	vst.idx.msk $0xffff, v1;
	s22 =	sor.u32 s2, s1  }
0x84: {  	v57 =	vor.u32 s4, v0;
	s21 =	sor.u32 s2, s11;
	v1 =	vld [tilespmem:s22+$0x0];
	[tilespmem:v52+s18+$0x0] =	vst.idx.msk $0xffff, v2;
	s22 =	sadd.s32 $0xFFFFFDE3, s29  }
0x85: {  	s31 =	smov.u32 s1;
	s4 =	sadd.s32 $0xFFFFFDE4, s29;
	s1 =	sor.u32 s2, s23;
	v2 =	vld [tilespmem:s21+$0x0];
	v58 =	vor.u32 s22, v0;
	[tilespmem:v53+s18+$0x0] =	vst.idx.msk $0xffff, v3  }
0x86: {  	s13 =	sor.u32 s2, s6;
	v59 =	vor.u32 s4, v0;
	s21 =	sadd.s32 $0x30, s17;
	s22 =	sadd.s32 $0xFFFFFDE5, s29;
	v3 =	vld [tilespmem:s1+$0x0];
	[tilespmem:v54+s18+$0x0] =	vst.idx.msk $0xffff, v4  }
0x87: {  	s2 =	sand.u32 $0x70, s21;
	v60 =	vor.u32 s22, v0;
	v4 =	vld [tilespmem:s13+$0x0];
	[tilespmem:v56+s18+$0x0] =	vst.idx.msk $0xffff, v31  }
0x88: {  	s12 =	sor.u32 s2, s30;
	s30 =	sadd.s32 $0xFFFFFDE6, s29;
	[tilespmem:v55+s18+$0x0] =	vst.idx.msk $0xffff, v5  }
0x89: {  	s1 =	sadd.s32 $0xFFFFFDE7, s29;
	s22 =	rddreg [dreg:$0x1c];
	v61 =	vor.u32 s30, v0;
	v30 =	vld [tilespmem:s12+$0x80];
	[tilespmem:v57+s18+$0x0] =	vst.idx.msk $0xffff, v34  }
0x8a: {  	s4 =	sadd.s32 $0xFFFFFDE8, s29;
	v62 =	vor.u32 s1, v0;
	v31 =	vld [tilespmem:s12+$0x100];
	s13 =	sadd.s32 $0x30, s22;
	s30 =	sadd.s32 $0xFFFFFDE9, s29;
	[tilespmem:v58+s18+$0x0] =	vst.idx.msk $0xffff, v33  }
0x8b: {  	v63 =	vor.u32 s4, v0;
	v5 =	vld [tilespmem:s12+$0x0];
	v42 =	vor.u32 s30, v0;
	s30 =	sor.u32 $0x280, s13;
	[tilespmem:v59+s18+$0x0] =	vst.idx.msk $0xffff, v6  }
0x8c: {  	s1 =	sadd.s32 $0xFFFFFDEA, s29;
	[tilespmem:v60+s18+$0x0] =	vst.idx.msk $0xffff, v7;
	v7 =	vld [tilespmem:s30+$0x0];
	s30 =	sadd.s32 $0xFFFFFDEC, s29  }
0x8d: {  	s22 =	sadd.s32 $0xFFFFFDEB, s29;
	s4 =	sor.u32 $0x200, s13;
	v43 =	vor.u32 s1, v0;
	v33 =	vld [tilespmem:s12+$0x180];
	v45 =	vor.u32 s30, v0;
	s30 =	sld [smem:$0x7FA]  }
0x8e: {  	v44 =	vor.u32 s22, v0;
	s1 =	sor.u32 $0x300, s13;
	v6 =	vld [tilespmem:s4+$0x0];
	s4 =	sor.u32 s21, s0;
	[tilespmem:v61+s18+$0x0] =	vst.idx.msk $0xffff, v8  }
0x8f: {  	v8 =	vld [tilespmem:s1+$0x0];
	s1 =	sor.u32 $0x380, s4;
	s4 =	sadd.s32 $0xFFFFFDED, s29;
	[tilespmem:v62+s18+$0x0] =	vst.idx.msk $0xffff, v9  }
0x90: {  	s21 =	sadd.s32 $0xFFFFFDEE, s29;
	v46 =	vor.u32 s4, v0;
	v9 =	vld [tilespmem:s1+$0x0];
	[tilespmem:v63+s18+$0x0] =	vst.idx.msk $0xffff, v32;
	s1 =	sor.u32 s2, s30  }
0x91: {  	s8 =	sor.u32 s2, s8;
	s28 =	sor.u32 s2, s28;
	v47 =	vor.u32 s21, v0;
	s4 =	sadd.s32 $0xFFFFFDEF, s29;
	[tilespmem:v42+s18+$0x0] =	vst.idx.msk $0xffff, v11;
	v11 =	vld [tilespmem:s1+$0x0]  }
0x92: {  	s13 =	sadd.s32 $0xFFFFFDF0, s29;
	s12 =	sor.u32 s2, s7;
	s7 =	sor.u32 s2, s3;
	v48 =	vor.u32 s4, v0;
	[tilespmem:v43+s18+$0x0] =	vst.idx.msk $0xffff, v12;
	v12 =	vld [tilespmem:s8+$0x0]  }
0x93: {  	v49 =	vor.u32 s13, v0;
	s21 =	sor.u32 s2, s25;
	s25 =	sadd.s32 $0xFFFFFDF1, s29;
	s30 =	sadd.s32 $0xFFFFFDF2, s29;
	v43 =	vld [tilespmem:s7+$0x0];
	[tilespmem:v44+s18+$0x0] =	vst.idx.msk $0xffff, v13  }
0x94: {  	v50 =	vor.u32 s25, v0;
	s8 =	sor.u32 s2, s14;
	s14 =	sor.u32 s2, s26;
	s26 =	sadd.s32 $0xFFFFFDF6, s29;
	v13 =	vld [tilespmem:s21+$0x0];
	[tilespmem:v45+s18+$0x0] =	vst.idx.msk $0xffff, v14  }
0x95: {  	s1 =	sor.u32 s2, s5;
	v51 =	vor.u32 s30, v0;
	s5 =	sadd.s32 $0xFFFFFDF3, s29;
	v55 =	vor.u32 s26, v0;
	s26 =	sld [smem:$0x7FC];
	v14 =	vld [tilespmem:s28+$0x0];
	[tilespmem:v46+s18+$0x0] =	vst.idx.msk $0xffff, v15  }
0x96: {  	s13 =	sadd.s32 $0xFFFFFDF4, s29;
	v52 =	vor.u32 s5, v0;
	v15 =	vld [tilespmem:s1+$0x0];
	[tilespmem:v47+s18+$0x0] =	vst.idx.msk $0xffff, v16  }
0x97: {  	v53 =	vor.u32 s13, v0;
	s21 =	sadd.s32 $0xFFFFFDF5, s29;
	v16 =	vld [tilespmem:s8+$0x0];
	[tilespmem:v48+s18+$0x0] =	vst.idx.msk $0xffff, v17  }
0x98: {  	s25 =	sor.u32 s2, s9;
	s30 =	sadd.s32 $0xFFFFFDF7, s29;
	v54 =	vor.u32 s21, v0;
	s4 =	sor.u32 s2, s26;
	v17 =	vld [tilespmem:s14+$0x0];
	[tilespmem:v49+s18+$0x0] =	vst.idx.msk $0xffff, v18  }
0x99: {  	s28 =	sor.u32 s2, s19;
	s19 =	sor.u32 s2, s15;
	s15 =	sor.u32 s2, s31;
	v63 =	vld [tilespmem:s4+$0x0];
	[tilespmem:v50+s18+$0x0] =	vst.idx.msk $0xffff, v19  }
0x9a: {  	v56 =	vor.u32 s30, v0;
	s5 =	sadd.s32 $0xFFFFFDF8, s29;
	s30 =	rddreg [dreg:$0x15];
	s1 =	sor.u32 s2, s10;
	v48 =	vld [tilespmem:s15+$0x0];
	[tilespmem:v51+s18+$0x0] =	vst.idx.msk $0xffff, v20  }
0x9b: {  	v57 =	vor.u32 s5, v0;
	s10 =	sadd.s32 $0xFFFFFDF9, s29;
	s8 =	sld [smem:$0x7FB];
	s4 =	sor.u32 s2, s30;
	v18 =	vld [tilespmem:s25+$0x0];
	[tilespmem:v52+s18+$0x0] =	vst.idx.msk $0xffff, v21  }
0x9c: {  	s13 =	sadd.s32 $0xFFFFFDFA, s29;
	v58 =	vor.u32 s10, v0;
	v41 =	vld [tilespmem:s4+$0x0];
	[tilespmem:v53+s18+$0x0] =	vst.idx.msk $0xffff, v22  }
0x9d: {  	v59 =	vor.u32 s13, v0;
	s14 =	sor.u32 s2, s16;
	s16 =	sadd.s32 $0xFFFFFDFB, s29;
	v19 =	vld [tilespmem:s28+$0x0];
	[tilespmem:v54+s18+$0x0] =	vst.idx.msk $0xffff, v23  }
0x9e: {  	s21 =	sadd.s32 $0xFFFFFDFC, s29;
	v60 =	vor.u32 s16, v0;
	s9 =	sor.u32 s2, s8;
	v20 =	vld [tilespmem:s1+$0x0];
	[tilespmem:v55+s18+$0x0] =	vst.idx.msk $0xffff, v24  }
0x9f: {  	s13 =	sld [smem:$0x7FD];
	v61 =	vor.u32 s21, v0;
	s25 =	sadd.s32 $0xFFFFFDFD, s29;
	v21 =	vld [tilespmem:s9+$0x0];
	[tilespmem:v56+s18+$0x0] =	vst.idx.msk $0xffff, v25  }
0xa0: {  	v62 =	vor.u32 s25, v0;
	s28 =	sadd.s32 $0xFFFFFDFE, s29;
	s9 =	rddreg [dreg:$0x18];
	v22 =	vld [tilespmem:s12+$0x0];
	[tilespmem:v57+s18+$0x0] =	vst.idx.msk $0xffff, v26  }
0xa1: {  	s5 =	sadd.s32 $0xFFFFFDFF, s29;
	v40 =	vor.u32 s28, v0;
	s10 =	sor.u32 s2, s9;
	v23 =	vld [tilespmem:s14+$0x0];
	[tilespmem:v58+s18+$0x0] =	vst.idx.msk $0xffff, v27  }
0xa2: {  	v42 =	vor.u32 s5, v0;
	s12 =	sadd.s32 $0xFFFFFFE1, s29;
	v45 =	vld [tilespmem:s10+$0x0];
	[tilespmem:v59+s18+$0x0] =	vst.idx.msk $0xffff, v28  }
0xa3: {  	s8 =	sadd.s32 $0xFFFFFE00, s29;
	s14 =	sor.u32 s2, s13;
	v47 =	vor.u32 s12, v0;
	v24 =	vld [tilespmem:s19+$0x0];
	[tilespmem:v60+s18+$0x0] =	vst.idx.msk $0xffff, v29  }
0xa4: {  	s24 =	sor.u32 s2, s24;
	s16 =	sadd.s32 $0xFFFFFFE2, s29;
	v44 =	vor.u32 s8, v0;
	v46 =	vld [tilespmem:s14+$0x0];
	[tilespmem:v61+s18+$0x0] =	vst.idx.msk $0xffff, v10  }
0xa5: {  	s21 =	sadd.s32 $0xFFFFFFE3, s29;
	s19 =	sor.u32 s2, s11;
	v25 =	vld [tilespmem:s24+$0x0];
	[tilespmem:v62+s18+$0x0] =	vst.idx.msk $0xffff, v1;
	v1 =	vor.u32 s16, v0  }
0xa6: {  	s25 =	sadd.s32 $0xFFFFFFE4, s29;
	v49 =	vld [tilespmem:s19+$0x0];
	s24 =	sor.u32 s2, s23;
	[tilespmem:v40+s18+$0x0] =	vst.idx.msk $0xffff, v2;
	v2 =	vor.u32 s21, v0  }
0xa7: {  	s26 =	sadd.s32 $0xFFFFFFE5, s29;
	s2 =	sor.u32 s2, s6;
	v50 =	vld [tilespmem:s24+$0x0];
	[tilespmem:v42+s18+$0x0] =	vst.idx.msk $0xffff, v3;
	v3 =	vor.u32 s25, v0  }
0xa8: {  	s28 =	sadd.s32 $0xFFFFFFE6, s29;
	v52 =	vor.u32 s26, v0;
	v51 =	vld [tilespmem:s2+$0x0];
	[tilespmem:v47+s18+$0x0] =	vst.idx.msk $0xffff, v5  }
0xa9: {  	s30 =	sadd.s32 $0xFFFFFFE7, s29;
	v53 =	vor.u32 s28, v0;
	[tilespmem:v44+s18+$0x0] =	vst.idx.msk $0xffff, v4  }
0xaa: {  	s31 =	sadd.s32 $0xFFFFFFE8, s29;
	[tilespmem:v1+s18+$0x0] =	vst.idx.msk $0xffff, v30;
	v1 =	vor.u32 s30, v0  }
0xab: {  	s2 =	sadd.s32 $0xFFFFFFE9, s29;
	[tilespmem:v2+s18+$0x0] =	vst.idx.msk $0xffff, v31;
	v2 =	vor.u32 s31, v0  }
0xac: {  	s3 =	sadd.s32 $0xFFFFFFEA, s29;
	[tilespmem:v3+s18+$0x0] =	vst.idx.msk $0xffff, v33;
	v3 =	vor.u32 s2, v0  }
0xad: {  	s4 =	sadd.s32 $0xFFFFFFEB, s29;
	v54 =	vor.u32 s3, v0;
	[tilespmem:v52+s18+$0x0] =	vst.idx.msk $0xffff, v6  }
0xae: {  	s5 =	sadd.s32 $0xFFFFFFEC, s29;
	v55 =	vor.u32 s4, v0;
	[tilespmem:v53+s18+$0x0] =	vst.idx.msk $0xffff, v7  }
0xaf: {  	s6 =	sadd.s32 $0xFFFFFFED, s29;
	[tilespmem:v1+s18+$0x0] =	vst.idx.msk $0xffff, v8;
	v1 =	vor.u32 s5, v0  }
0xb0: {  	s7 =	sadd.s32 $0xFFFFFFEE, s29;
	[tilespmem:v2+s18+$0x0] =	vst.idx.msk $0xffff, v9;
	v2 =	vor.u32 s6, v0  }
0xb1: {  	s8 =	sadd.s32 $0xFFFFFFEF, s29;
	[tilespmem:v3+s18+$0x0] =	vst.idx.msk $0xffff, v11;
	v3 =	vor.u32 s7, v0  }
0xb2: {  	s9 =	sadd.s32 $0xFFFFFFF0, s29;
	v56 =	vor.u32 s8, v0;
	[tilespmem:v54+s18+$0x0] =	vst.idx.msk $0xffff, v12  }
0xb3: {  	s10 =	sadd.s32 $0xFFFFFFF1, s29;
	v57 =	vor.u32 s9, v0;
	[tilespmem:v55+s18+$0x0] =	vst.idx.msk $0xffff, v13  }
0xb4: {  	s11 =	sadd.s32 $0xFFFFFFF2, s29;
	[tilespmem:v1+s18+$0x0] =	vst.idx.msk $0xffff, v14;
	v1 =	vor.u32 s10, v0  }
0xb5: {  	s12 =	sadd.s32 $0xFFFFFFF3, s29;
	[tilespmem:v2+s18+$0x0] =	vst.idx.msk $0xffff, v15;
	v2 =	vor.u32 s11, v0  }
0xb6: {  	s13 =	sadd.s32 $0xFFFFFFF4, s29;
	[tilespmem:v3+s18+$0x0] =	vst.idx.msk $0xffff, v16;
	v3 =	vor.u32 s12, v0  }
0xb7: {  	s14 =	sadd.s32 $0xFFFFFFF5, s29;
	v58 =	vor.u32 s13, v0;
	[tilespmem:v56+s18+$0x0] =	vst.idx.msk $0xffff, v17  }
0xb8: {  	s15 =	sadd.s32 $0xFFFFFFF6, s29;
	v59 =	vor.u32 s14, v0;
	[tilespmem:v57+s18+$0x0] =	vst.idx.msk $0xffff, v18  }
0xb9: {  	s16 =	sadd.s32 $0xFFFFFFF7, s29;
	[tilespmem:v1+s18+$0x0] =	vst.idx.msk $0xffff, v19;
	v1 =	vor.u32 s15, v0  }
0xba: {  	s19 =	sadd.s32 $0xFFFFFFF8, s29;
	[tilespmem:v2+s18+$0x0] =	vst.idx.msk $0xffff, v20;
	v2 =	vor.u32 s16, v0  }
0xbb: {  	s21 =	sadd.s32 $0xFFFFFFF9, s29;
	[tilespmem:v3+s18+$0x0] =	vst.idx.msk $0xffff, v21;
	v3 =	vor.u32 s19, v0  }
0xbc: {  	s23 =	sadd.s32 $0xFFFFFFFA, s29;
	v60 =	vor.u32 s21, v0;
	[tilespmem:v58+s18+$0x0] =	vst.idx.msk $0xffff, v22  }
0xbd: {  	s24 =	sadd.s32 $0xFFFFFFFB, s29;
	v61 =	vor.u32 s23, v0;
	[tilespmem:v59+s18+$0x0] =	vst.idx.msk $0xffff, v23  }
0xbe: {  	s25 =	sadd.s32 $0xFFFFFFFC, s29;
	[tilespmem:v1+s18+$0x0] =	vst.idx.msk $0xffff, v24;
	v1 =	vor.u32 s24, v0  }
0xbf: {  	s26 =	sadd.s32 $0xFFFFFFFD, s29;
	[tilespmem:v2+s18+$0x0] =	vst.idx.msk $0xffff, v25;
	v2 =	vor.u32 s25, v0  }
0xc0: {  	s28 =	sadd.s32 $0xFFFFFFFE, s29;
	[tilespmem:v3+s18+$0x0] =	vst.idx.msk $0xffff, v63;
	v3 =	vor.u32 s26, v0  }
0xc1: {  	v62 =	vor.u32 s28, v0;
	s30 =	sadd.s32 $0xFFFFFFFF, s29;
	[tilespmem:v60+s18+$0x0] =	vst.idx.msk $0xffff, v41  }
0xc2: {  	v63 =	vor.u32 s30, v0;
	[tilespmem:v61+s18+$0x0] =	vst.idx.msk $0xffff, v43  }
0xc3: {  	p3 =	slt.u32 s17, $0x1C0;
	[tilespmem:v1+s18+$0x0] =	vst.idx.msk $0xffff, v45;
	v1 =	vor.u32 s29, v0  }
.Ltmp2:
0xc4: {  	[tilespmem:v2+s18+$0x0] =	vst.idx.msk $0xffff, v46;
	(pc) =	sbr.rel @p3 .LBB2_3-.Ltmp2, $4  }
0xc5: {  	[tilespmem:v3+s18+$0x0] =	vst.idx.msk $0xffff, v48  }
0xc6: {  	p2 =	por !p2, !p2;
	s22 =	rddreg [dreg:$0x12];
	[tilespmem:v62+s18+$0x0] =	vst.idx.msk $0xffff, v49  }
0xc7: {  	s17 =	sadd.s32 $0x40, s17;
	s22 =	sadd.s32 $0x4, s22;
	s31 =	rddreg [dreg:$0x14];
	[tilespmem:v63+s18+$0x0] =	vst.idx.msk $0xffff, v50  }
0xc8: {  	s0 =	sadd.s32 $0x200, s0;
	s9 =	sadd.s32 $0x2, s31;
	s29 =	sadd.s32 $0x800, s29;
	[tilespmem:v1+s18+$0x0] =	vst.idx.msk $0xffff, v51  }
0xc9: {  	s0 =	rddreg [dreg:$0xe]  }
0xca: {  	s1 =	rddreg [dreg:$0x7];
	s0 =	sshll.u32 s0, $0x11  }
0xcb: {  	s25 =	simm.s32 $0x0;
	s26 =	rddreg [dreg:$0x10];
	s0 =	sadd.s32 s0, s1  }
0xcc: {  	[hbm4b:s0+s25] =	stream.linear.scatter [tilespmem:s18], [sflag:$0x3], $0x4000, $0x38;
	[tilespmem:$0x10000] =	vst v63  }
0xcd: {  	s0 =	smin.u32 s26, $0x3A  }
0xce: {  	s2 =	rddreg [dreg:$0x8];
	s29 =	simm.s32 $0x1000;
	s0 =	sshll.u32 s0, $0xE  }
0xcf: {  	s3 =	simm.s32 $0x7A1400;
	s30 =	simm.s32 $0x2;
	s0 =	sadd.s32 s0, s2  }
0xd0: {  	[tilespmem:s25], [sflag:$0x1] =	stream.strided.gather [hbm4b:s0+s29], $0x4000, s3, s29, $0x38;
	[tilespmem:$0x10000] =	vst v63  }
0xd1: {  	_ =	swait.ge [sflag:s30], $0x4000  }
0xd2: {  	[sflag:s30] =	ssyncset.done $0x0  }
0xd3: {  	s0 =	simm.s32 @!p1 $0x4;
	[sflag:s30] =	ssyncadd.s32 $0xFFFFC000  }
0xd4: {  	s28 =	simm.s32 $0x61F;
	s8 =	simm.s32 $0x0;
	_ =	swait.ge @!p1 [sflag:s0], $0x4000  }
0xd5: {  	s21 =	simm.s32 $0x0;
	s31 =	simm.s32 $0x0;
	[sflag:s0] =	ssyncset.done @!p1 $0x0  }
0xd6: {  	s17 =	simm.s32 $0x0;
	[sflag:s0] =	ssyncadd.s32 @!p1 $0xFFFFC000;
	p1 =	por $0x0, $0x0  }
.LBB2_5:
0xd7: {  	s3 =	sand.u32 $0xC00, s31;
	s19 =	sor.u32 s31, s17  }
0xd8: {  	s2 =	sand.u32 $0x40, s17;
	s29 =	sor.u32 $0x4000, s3;
	s22 =	sor.u32 $0x380, s19  }
0xd9: {  	s4 =	sor.u32 s2, s29;
	v30 =	vld [tilespmem:s22+$0x4000]  }
0xda: {  	v7 =	vld [tilespmem:s4+$0x0]  }
0xdb: {  	v8 =	vld [tilespmem:s4+$0x80]  }
0xdc: {  	s25 =	sor.u32 $0x5080, s3;
	v9 =	vld [tilespmem:s4+$0x100]  }
0xdd: {  	s9 =	sor.u32 $0x5100, s3;
	s24 =	sor.u32 s2, s25;
	v10 =	vld [tilespmem:s4+$0x180]  }
0xde: {  	s1 =	simm.s32 $0x1;
	s6 =	sor.u32 $0x5180, s3;
	s26 =	sor.u32 s2, s9;
	v14 =	vld [tilespmem:s24+$0x0]  }
0xdf: {  	s1 =	simm.s32 @!p1 $0x0;
	s14 =	sor.u32 $0x5380, s3;
	s30 =	sor.u32 s2, s6;
	v15 =	vld [tilespmem:s26+$0x0]  }
0xe0: {  	s19 =	sor.u32 $0x6000, s3;
	s1 =	sshll.u32 s1, $0x6;
	s10 =	sor.u32 s2, s14;
	v16 =	vld [tilespmem:s30+$0x0]  }
0xe1: {  	s11 =	sor.u32 s2, s19;
	s1 =	sadd.s32 s1, s31;
	v20 =	vld [tilespmem:s10+$0x0]  }
0xe2: {  	v21 =	vld [tilespmem:s11+$0x0];
	s15 =	sor.u32 $0x200, s1  }
0xe3: {  	s16 =	sor.u32 $0x280, s1;
	v11 =	vld [tilespmem:s15+$0x4000]  }
0xe4: {  	s4 =	sor.u32 $0x5000, s3;
	s1 =	sor.u32 $0x300, s1;
	v12 =	vld [tilespmem:s16+$0x4000]  }
0xe5: {  	s26 =	sor.u32 $0x5200, s3;
	s23 =	sor.u32 s2, s4;
	v13 =	vld [tilespmem:s1+$0x4000]  }
0xe6: {  	s30 =	sor.u32 $0x5280, s3;
	s0 =	sor.u32 s2, s26;
	v35 =	vld [tilespmem:s23+$0x0]  }
0xe7: {  	s24 =	sor.u32 $0x5300, s3;
	s5 =	sor.u32 s2, s30;
	v17 =	vld [tilespmem:s0+$0x0]  }
0xe8: {  	s7 =	sor.u32 s2, s24;
	v18 =	vld [tilespmem:s5+$0x0];
	s0 =	sor.u32 $0x6080, s3  }
0xe9: {  	v19 =	vld [tilespmem:s7+$0x0];
	s15 =	sor.u32 $0x6100, s3;
	s12 =	sor.u32 s2, s0  }
0xea: {  	[dreg:$0x11] =	wrdreg s21;
	s16 =	sor.u32 $0x6180, s3;
	s13 =	sor.u32 s2, s15;
	v22 =	vld [tilespmem:s12+$0x0]  }
0xeb: {  	s23 =	sor.u32 $0x6280, s3;
	[smem:$0x7E2] =	sst s0;
	s22 =	sor.u32 s2, s16;
	v23 =	vld [tilespmem:s13+$0x0]  }
0xec: {  	s5 =	sor.u32 $0x6380, s3;
	[smem:$0x7E3] =	sst s16;
	s0 =	sor.u32 s2, s23;
	v24 =	vld [tilespmem:s22+$0x0]  }
0xed: {  	s16 =	sor.u32 $0x6200, s3;
	[smem:$0x7E4] =	sst s23;
	s10 =	sor.u32 s2, s5;
	v26 =	vld [tilespmem:s0+$0x0]  }
0xee: {  	s23 =	sor.u32 $0x6300, s3;
	[smem:$0x7E5] =	sst s5;
	s7 =	sor.u32 s2, s16;
	v28 =	vld [tilespmem:s10+$0x0]  }
0xef: {  	s1 =	sor.u32 s2, s23;
	s22 =	sor.u32 $0x7000, s3;
	s12 =	sor.u32 $0x7080, s3;
	v25 =	vld [tilespmem:s7+$0x0]  }
0xf0: {  	s13 =	sor.u32 $0x7100, s3;
	s10 =	sadd.s32 $0xFFFFF9E1, s28;
	v27 =	vld [tilespmem:s1+$0x0];
	s11 =	sor.u32 s2, s22  }
0xf1: {  	[smem:$0x7EF] =	sst s13;
	s1 =	sor.u32 $0x7200, s3;
	v29 =	vld [tilespmem:s11+$0x0];
	s11 =	sor.u32 s2, s12  }
0xf2: {  	s7 =	smov.u32 s12;
	s12 =	sor.u32 s2, s13;
	[smem:$0x7E6] =	sst s1;
	v1 =	vld [tilespmem:s11+$0x0]  }
0xf3: {  	s13 =	sor.u32 s2, s1;
	s1 =	sor.u32 $0x7300, s3;
	s11 =	sor.u32 $0x7180, s3;
	v34 =	vld [tilespmem:s12+$0x0]  }
0xf4: {  	s12 =	sor.u32 $0x7280, s3;
	[smem:$0x7E7] =	sst s1;
	v3 =	vld [tilespmem:s13+$0x0];
	s5 =	sor.u32 s2, s11  }
0xf5: {  	v31 =	vor.u32 s10, v0;
	s13 =	sadd.s32 $0xFFFFF9E3, s28;
	s0 =	sor.u32 s2, s1;
	v2 =	vld [tilespmem:s5+$0x0];
	s5 =	sadd.s32 $0xFFFFF9E2, s28  }
0xf6: {  	s1 =	sadd.s32 $0xFFFFF9E4, s28;
	s10 =	sor.u32 s2, s12;
	v33 =	vor.u32 s13, v0;
	s13 =	sadd.s32 $0x10, s17;
	v32 =	vor.u32 s5, v0  }
0xf7: {  	v5 =	vld [tilespmem:s0+$0x0];
	v36 =	vor.u32 s1, v0;
	s0 =	sadd.s32 $0xFFFFF9E5, s28;
	s1 =	sadd.s32 $0xFFFFF9E6, s28;
	s5 =	sor.u32 $0x7380, s3  }
0xf8: {  	v4 =	vld [tilespmem:s10+$0x0];
	s3 =	sand.u32 $0x7, s21;
	s10 =	sor.u32 s2, s5;
	s2 =	sand.u32 $0x50, s13  }
0xf9: {  	v37 =	vor.u32 s0, v0;
	v38 =	vor.u32 s1, v0;
	s1 =	sadd.s32 $0xFFFFF9E7, s28;
	s3 =	sshll.u32 s3, $0x4;
	v6 =	vld [tilespmem:s10+$0x0];
	s21 =	sor.u32 s2, s29  }
0xfa: {  	v39 =	vor.u32 s1, v0;
	[tilespmem:v31+s20+$0x0] =	vst.idx.msk $0xffff, v7;
	s1 =	sadd.s32 s31, s3;
	s10 =	sadd.s32 $0xFFFFF9E8, s28;
	v31 =	vld [tilespmem:s21+$0x0]  }
0xfb: {  	[smem:$0x7EC] =	sst s29;
	s0 =	smov.u32 s29;
	v40 =	vor.u32 s10, v0;
	s10 =	sadd.s32 $0x10, s1;
	v7 =	vld [tilespmem:s21+$0x180];
	[tilespmem:v32+s20+$0x0] =	vst.idx.msk $0xffff, v8  }
0xfc: {  	s29 =	sadd.s32 $0xFFFFF9E9, s28;
	[dreg:$0x1d] =	wrdreg s1;
	s1 =	sor.u32 $0x200, s10;
	v32 =	vld [tilespmem:s21+$0x80];
	[tilespmem:v33+s20+$0x0] =	vst.idx.msk $0xffff, v9  }
0xfd: {  	v41 =	vor.u32 s29, v0;
	s29 =	sadd.s32 $0xFFFFF9EA, s28;
	v8 =	vld [tilespmem:s1+$0x4000];
	[tilespmem:v36+s20+$0x0] =	vst.idx.msk $0xffff, v10  }
0xfe: {  	[smem:$0x7E8] =	sst s25;
	v43 =	vor.u32 s29, v0;
	s29 =	sadd.s32 $0xFFFFF9EB, s28;
	s1 =	sor.u32 $0x280, s10;
	v33 =	vld [tilespmem:s21+$0x100];
	[tilespmem:v37+s20+$0x0] =	vst.idx.msk $0xffff, v11  }
0xff: {  	v44 =	vor.u32 s29, v0;
	s29 =	sor.u32 s13, s31;
	v9 =	vld [tilespmem:s1+$0x4000];
	s21 =	sor.u32 $0x300, s10;
	s1 =	sadd.s32 $0xFFFFF9EC, s28;
	[tilespmem:v38+s20+$0x0] =	vst.idx.msk $0xffff, v12  }
0x100: {  	[smem:$0x7EA] =	sst s19;
	v45 =	vor.u32 s1, v0;
	v10 =	vld [tilespmem:s21+$0x4000];
	s21 =	sor.u32 $0x380, s29;
	s29 =	sadd.s32 $0xFFFFF9ED, s28;
	[tilespmem:v39+s20+$0x0] =	vst.idx.msk $0xffff, v13  }
0x101: {  	[smem:$0x7ED] =	sst s14;
	s1 =	sadd.s32 $0xFFFFF9EE, s28;
	v46 =	vor.u32 s29, v0;
	[tilespmem:v40+s20+$0x0] =	vst.idx.msk $0xffff, v30  }
0x102: {  	[smem:$0x7E9] =	sst s24;
	s10 =	sadd.s32 $0xFFFFF9EF, s28;
	v47 =	vor.u32 s1, v0;
	[tilespmem:v41+s20+$0x0] =	vst.idx.msk $0xffff, v35  }
0x103: {  	v48 =	vor.u32 s10, v0;
	v11 =	vld [tilespmem:s21+$0x4000];
	s29 =	smov.u32 s4;
	s4 =	sor.u32 s2, s4;
	s21 =	sadd.s32 $0xFFFFF9F0, s28;
	[tilespmem:v43+s20+$0x0] =	vst.idx.msk $0xffff, v14  }
0x104: {  	[dreg:$0x1b] =	wrdreg s15;
	s13 =	sor.u32 s2, s25;
	v12 =	vld [tilespmem:s4+$0x0];
	v49 =	vor.u32 s21, v0;
	s4 =	sadd.s32 $0xFFFFF9F1, s28;
	[tilespmem:v44+s20+$0x0] =	vst.idx.msk $0xffff, v15  }
0x105: {  	[smem:$0x7EB] =	sst s23;
	s1 =	sor.u32 s2, s9;
	v13 =	vld [tilespmem:s13+$0x0];
	v50 =	vor.u32 s4, v0;
	s13 =	sadd.s32 $0xFFFFF9F2, s28;
	[tilespmem:v45+s20+$0x0] =	vst.idx.msk $0xffff, v16  }
0x106: {  	[smem:$0x7EE] =	sst s16;
	s25 =	smov.u32 s9;
	s9 =	sor.u32 s2, s6;
	v51 =	vor.u32 s13, v0;
	v14 =	vld [tilespmem:s1+$0x0];
	[tilespmem:v46+s20+$0x0] =	vst.idx.msk $0xffff, v17  }
0x107: {  	s10 =	sadd.s32 $0xFFFFF9F4, s28;
	s21 =	sor.u32 s2, s26;
	s1 =	sadd.s32 $0xFFFFF9F3, s28;
	v15 =	vld [tilespmem:s9+$0x0];
	[tilespmem:v47+s20+$0x0] =	vst.idx.msk $0xffff, v18  }
0x108: {  	s15 =	sor.u32 s2, s15;
	v53 =	vor.u32 s10, v0;
	s10 =	sadd.s32 $0xFFFFF9F7, s28;
	s4 =	sor.u32 s2, s30;
	v52 =	vor.u32 s1, v0;
	v16 =	vld [tilespmem:s21+$0x0];
	[tilespmem:v48+s20+$0x0] =	vst.idx.msk $0xffff, v19  }
0x109: {  	s13 =	sor.u32 s2, s24;
	s9 =	smov.u32 s26;
	s21 =	sadd.s32 $0xFFFFF9F5, s28;
	v17 =	vld [tilespmem:s4+$0x0];
	[tilespmem:v49+s20+$0x0] =	vst.idx.msk $0xffff, v20  }
0x10a: {  	s1 =	sadd.s32 $0xFFFFF9F6, s28;
	v54 =	vor.u32 s21, v0;
	s4 =	sor.u32 s2, s19;
	s19 =	sld [smem:$0x7E2];
	v18 =	vld [tilespmem:s13+$0x0];
	[tilespmem:v50+s20+$0x0] =	vst.idx.msk $0xffff, v21  }
0x10b: {  	s26 =	smov.u32 s30;
	s30 =	sor.u32 s2, s14;
	v55 =	vor.u32 s1, v0;
	[tilespmem:v51+s20+$0x0] =	vst.idx.msk $0xffff, v22;
	v22 =	vld [tilespmem:s15+$0x0];
	s15 =	sld [smem:$0x7E3]  }
0x10c: {  	[dreg:$0x19] =	wrdreg s22;
	v56 =	vor.u32 s10, v0;
	s24 =	smov.u32 s14;
	s14 =	sadd.s32 $0xFFFFF9F8, s28;
	v19 =	vld [tilespmem:s30+$0x0]  }
0x10d: {  	s23 =	sor.u32 s2, s23;
	v57 =	vor.u32 s14, v0;
	s21 =	sadd.s32 $0xFFFFF9F9, s28;
	v20 =	vld [tilespmem:s4+$0x0];
	s13 =	sor.u32 s2, s19;
	[tilespmem:v52+s20+$0x0] =	vst.idx.msk $0xffff, v23  }
0x10e: {  	s1 =	sadd.s32 $0xFFFFF9FA, s28;
	v58 =	vor.u32 s21, v0;
	s21 =	sadd.s32 $0xFFFFF9FC, s28;
	v21 =	vld [tilespmem:s13+$0x0];
	[tilespmem:v53+s20+$0x0] =	vst.idx.msk $0xffff, v24;
	s30 =	sor.u32 s2, s15  }
0x10f: {  	s4 =	sor.u32 s2, s16;
	[tilespmem:v54+s20+$0x0] =	vst.idx.msk $0xffff, v25;
	v23 =	vld [tilespmem:s30+$0x0];
	s30 =	smov.u32 s16;
	s16 =	sld [smem:$0x7E4]  }
0x110: {  	v59 =	vor.u32 s1, v0;
	v61 =	vor.u32 s21, v0;
	s21 =	sor.u32 s2, s7;
	s13 =	sadd.s32 $0xFFFFF9FB, s28;
	[tilespmem:v55+s20+$0x0] =	vst.idx.msk $0xffff, v26;
	v26 =	vld [tilespmem:s23+$0x0];
	s23 =	sld [smem:$0x7E5]  }
0x111: {  	v60 =	vor.u32 s13, v0;
	s13 =	sor.u32 s2, s22;
	s22 =	smov.u32 s7;
	s7 =	sld [smem:$0x7EF];
	v24 =	vld [tilespmem:s4+$0x0];
	[tilespmem:v56+s20+$0x0] =	vst.idx.msk $0xffff, v27  }
0x112: {  	s1 =	sadd.s32 $0xFFFFF9FD, s28;
	[tilespmem:v57+s20+$0x0] =	vst.idx.msk $0xffff, v28;
	v28 =	vld [tilespmem:s13+$0x0];
	s14 =	sor.u32 s2, s16  }
0x113: {  	s10 =	sadd.s32 $0xFFFFF9FE, s28;
	v62 =	vor.u32 s1, v0;
	s4 =	sor.u32 s2, s23;
	v25 =	vld [tilespmem:s14+$0x0]  }
0x114: {  	v63 =	vor.u32 s10, v0;
	s1 =	sadd.s32 $0xFFFFFA00, s28;
	[tilespmem:v58+s20+$0x0] =	vst.idx.msk $0xffff, v29;
	v27 =	vld [tilespmem:s4+$0x0];
	s14 =	sadd.s32 $0xFFFFF9FF, s28;
	s4 =	sor.u32 s2, s7  }
0x115: {  	v45 =	vor.u32 s1, v0;
	s1 =	sadd.s32 $0xFFFFFBE2, s28;
	s13 =	sadd.s32 $0xFFFFFBE1, s28;
	[tilespmem:v59+s20+$0x0] =	vst.idx.msk $0xffff, v1;
	v44 =	vor.u32 s14, v0;
	v30 =	vld [tilespmem:s4+$0x0];
	s4 =	sld [smem:$0x7E6]  }
0x116: {  	v47 =	vor.u32 s1, v0;
	s1 =	sld [smem:$0x7E7];
	v29 =	vld [tilespmem:s21+$0x0];
	v46 =	vor.u32 s13, v0;
	[tilespmem:v60+s20+$0x0] =	vst.idx.msk $0xffff, v34;
	s14 =	sor.u32 s2, s11  }
0x117: {  	s10 =	sor.u32 s2, s12;
	v1 =	vld [tilespmem:s14+$0x0];
	[tilespmem:v61+s20+$0x0] =	vst.idx.msk $0xffff, v2  }
0x118: {  	[dreg:$0x16] =	wrdreg s8;
	s13 =	sadd.s32 $0xFFFFFBE3, s28;
	[tilespmem:v62+s20+$0x0] =	vst.idx.msk $0xffff, v3;
	v3 =	vld [tilespmem:s10+$0x0];
	s21 =	sor.u32 s2, s4  }
0x119: {  	v48 =	vor.u32 s13, v0;
	s13 =	sadd.s32 $0x20, s17;
	s14 =	sor.u32 s2, s1;
	[tilespmem:v63+s20+$0x0] =	vst.idx.msk $0xffff, v4;
	v2 =	vld [tilespmem:s21+$0x0];
	s21 =	sadd.s32 $0xFFFFFBE4, s28  }
0x11a: {  	v4 =	vld [tilespmem:s14+$0x0];
	s14 =	sor.u32 s2, s5;
	s2 =	sand.u32 $0x60, s13;
	v49 =	vor.u32 s21, v0;
	[tilespmem:v44+s20+$0x0] =	vst.idx.msk $0xffff, v5;
	s21 =	sadd.s32 $0xFFFFFBE5, s28  }
0x11b: {  	s8 =	sand.u32 $0x3, s8;
	v5 =	vld [tilespmem:s14+$0x0];
	s14 =	sadd.s32 $0xFFFFFBE6, s28;
	[tilespmem:v46+s20+$0x0] =	vst.idx.msk $0xffff, v31;
	v50 =	vor.u32 s21, v0;
	s21 =	sor.u32 s2, s0  }
0x11c: {  	s3 =	sshll.u32 s8, $0x5;
	[tilespmem:v45+s20+$0x0] =	vst.idx.msk $0xffff, v6;
	v51 =	vor.u32 s14, v0;
	s0 =	sadd.s32 $0xFFFFFBE7, s28;
	v31 =	vld [tilespmem:s21+$0x0]  }
0x11d: {  	s8 =	sadd.s32 $0xFFFFFBE8, s28;
	s3 =	sadd.s32 s31, s3;
	[tilespmem:v47+s20+$0x0] =	vst.idx.msk $0xffff, v32;
	v52 =	vor.u32 s0, v0;
	v34 =	vld [tilespmem:s21+$0x80]  }
0x11e: {  	s3 =	sadd.s32 $0x20, s3;
	v53 =	vor.u32 s8, v0;
	s14 =	sadd.s32 $0xFFFFFBE9, s28;
	[tilespmem:v48+s20+$0x0] =	vst.idx.msk $0xffff, v33;
	v33 =	vld [tilespmem:s21+$0x100]  }
0x11f: {  	v54 =	vor.u32 s14, v0;
	v6 =	vld [tilespmem:s21+$0x180];
	s21 =	sadd.s32 $0xFFFFFBEA, s28;
	s0 =	sor.u32 $0x200, s3;
	[tilespmem:v49+s20+$0x0] =	vst.idx.msk $0xffff, v7  }
0x120: {  	s8 =	sadd.s32 $0xFFFFFBEB, s28;
	s14 =	sor.u32 $0x280, s3;
	v55 =	vor.u32 s21, v0;
	v7 =	vld [tilespmem:s0+$0x4000];
	[tilespmem:v50+s20+$0x0] =	vst.idx.msk $0xffff, v8  }
0x121: {  	v56 =	vor.u32 s8, v0;
	s0 =	sadd.s32 $0xFFFFFBEC, s28;
	v8 =	vld [tilespmem:s14+$0x4000];
	s14 =	sadd.s32 $0xFFFFFBEE, s28;
	[tilespmem:v51+s20+$0x0] =	vst.idx.msk $0xffff, v9  }
0x122: {  	s21 =	sor.u32 s13, s31;
	s13 =	sadd.s32 $0xFFFFFBED, s28;
	v57 =	vor.u32 s0, v0;
	v59 =	vor.u32 s14, v0;
	s14 =	sld [smem:$0x7E8];
	[tilespmem:v52+s20+$0x0] =	vst.idx.msk $0xffff, v10  }
0x123: {  	s8 =	sor.u32 $0x380, s21;
	v58 =	vor.u32 s13, v0;
	[tilespmem:v53+s20+$0x0] =	vst.idx.msk $0xffff, v11  }
0x124: {  	s21 =	sor.u32 s2, s29;
	v32 =	vld [tilespmem:s8+$0x4000];
	[tilespmem:v54+s20+$0x0] =	vst.idx.msk $0xffff, v12  }
0x125: {  	s0 =	sadd.s32 $0xFFFFFBEF, s28;
	v11 =	vld [tilespmem:s21+$0x0];
	s8 =	sor.u32 s2, s14;
	[tilespmem:v55+s20+$0x0] =	vst.idx.msk $0xffff, v13  }
0x126: {  	s13 =	sadd.s32 $0xFFFFFBF0, s28;
	v60 =	vor.u32 s0, v0;
	v12 =	vld [tilespmem:s8+$0x0];
	s8 =	sor.u32 s2, s6;
	[tilespmem:v56+s20+$0x0] =	vst.idx.msk $0xffff, v14  }
0x127: {  	v61 =	vor.u32 s13, v0;
	s0 =	sadd.s32 $0xFFFFFBF1, s28;
	v14 =	vld [tilespmem:s8+$0x0];
	s8 =	sor.u32 s2, s26;
	[tilespmem:v57+s20+$0x0] =	vst.idx.msk $0xffff, v15  }
0x128: {  	s13 =	sadd.s32 $0xFFFFFBF2, s28;
	v62 =	vor.u32 s0, v0;
	s21 =	sor.u32 s2, s25;
	[tilespmem:v58+s20+$0x0] =	vst.idx.msk $0xffff, v16;
	v16 =	vld [tilespmem:s8+$0x0];
	s8 =	sld [smem:$0x7E9]  }
0x129: {  	v63 =	vor.u32 s13, v0;
	s0 =	sadd.s32 $0xFFFFFBF3, s28;
	v13 =	vld [tilespmem:s21+$0x0];
	s21 =	sor.u32 s2, s9  }
0x12a: {  	s10 =	sadd.s32 $0xFFFFFBF4, s28;
	v42 =	vor.u32 s0, v0;
	s0 =	sor.u32 s2, s24;
	s24 =	sld [smem:$0x7EA];
	v15 =	vld [tilespmem:s21+$0x0];
	[tilespmem:v59+s20+$0x0] =	vst.idx.msk $0xffff, v17  }
0x12b: {  	v43 =	vor.u32 s10, v0;
	s21 =	sadd.s32 $0xFFFFFBF5, s28;
	[tilespmem:v60+s20+$0x0] =	vst.idx.msk $0xffff, v18;
	v18 =	vld [tilespmem:s0+$0x0];
	s13 =	sor.u32 s2, s8  }
0x12c: {  	s10 =	sadd.s32 $0xFFFFFBF6, s28;
	v44 =	vor.u32 s21, v0;
	s21 =	sadd.s32 $0xFFFFFBF7, s28;
	s0 =	sor.u32 s2, s19;
	[tilespmem:v61+s20+$0x0] =	vst.idx.msk $0xffff, v19;
	v17 =	vld [tilespmem:s13+$0x0]  }
0x12d: {  	v45 =	vor.u32 s10, v0;
	v46 =	vor.u32 s21, v0;
	s21 =	rddreg [dreg:$0x1b];
	s13 =	sor.u32 s2, s24;
	[tilespmem:v62+s20+$0x0] =	vst.idx.msk $0xffff, v20;
	v20 =	vld [tilespmem:s0+$0x0]  }
0x12e: {  	s0 =	sor.u32 s2, s21;
	v19 =	vld [tilespmem:s13+$0x0];
	[tilespmem:v63+s20+$0x0] =	vst.idx.msk $0xffff, v21;
	s13 =	sadd.s32 $0xFFFFFBF8, s28  }
0x12f: {  	s10 =	sadd.s32 $0xFFFFFBF9, s28;
	v21 =	vld [tilespmem:s0+$0x0];
	s0 =	sor.u32 s2, s30;
	v47 =	vor.u32 s13, v0;
	[tilespmem:v42+s20+$0x0] =	vst.idx.msk $0xffff, v22  }
0x130: {  	s3 =	sor.u32 $0x300, s3;
	v48 =	vor.u32 s10, v0;
	s21 =	sadd.s32 $0xFFFFFBFA, s28;
	[tilespmem:v43+s20+$0x0] =	vst.idx.msk $0xffff, v23;
	v23 =	vld [tilespmem:s0+$0x0];
	s0 =	sld [smem:$0x7EB]  }
0x131: {  	s10 =	sadd.s32 $0xFFFFFBFB, s28;
	v9 =	vld [tilespmem:s3+$0x4000];
	v49 =	vor.u32 s21, v0;
	s13 =	sor.u32 s2, s15;
	[tilespmem:v44+s20+$0x0] =	vst.idx.msk $0xffff, v24  }
0x132: {  	v50 =	vor.u32 s10, v0;
	s21 =	sadd.s32 $0xFFFFFBFC, s28;
	v22 =	vld [tilespmem:s13+$0x0];
	s13 =	sor.u32 s2, s16;
	[tilespmem:v45+s20+$0x0] =	vst.idx.msk $0xffff, v25  }
0x133: {  	v51 =	vor.u32 s21, v0;
	v24 =	vld [tilespmem:s13+$0x0];
	s13 =	sadd.s32 $0xFFFFFBFD, s28;
	s30 =	sor.u32 s2, s0;
	[tilespmem:v46+s20+$0x0] =	vst.idx.msk $0xffff, v26  }
0x134: {  	s21 =	sor.u32 s2, s23;
	v52 =	vor.u32 s13, v0;
	s13 =	rddreg [dreg:$0x19];
	v25 =	vld [tilespmem:s30+$0x0];
	[tilespmem:v47+s20+$0x0] =	vst.idx.msk $0xffff, v27;
	s30 =	sadd.s32 $0xFFFFFBFE, s28  }
0x135: {  	v26 =	vld [tilespmem:s21+$0x0];
	s10 =	sor.u32 s2, s13;
	s21 =	sadd.s32 $0xFFFFFBFF, s28;
	v53 =	vor.u32 s30, v0;
	[tilespmem:v48+s20+$0x0] =	vst.idx.msk $0xffff, v28  }
0x136: {  	v27 =	vld [tilespmem:s10+$0x0];
	v54 =	vor.u32 s21, v0;
	s21 =	sor.u32 s2, s7;
	s7 =	sor.u32 s2, s11;
	[tilespmem:v49+s20+$0x0] =	vst.idx.msk $0xffff, v29  }
0x137: {  	s13 =	sadd.s32 $0xFFFFFC00, s28;
	s30 =	sor.u32 s2, s22;
	v10 =	vld [tilespmem:s7+$0x0];
	[tilespmem:v50+s20+$0x0] =	vst.idx.msk $0xffff, v30  }
0x138: {  	v55 =	vor.u32 s13, v0;
	s13 =	sor.u32 s2, s4;
	s10 =	sor.u32 s2, s1;
	v28 =	vld [tilespmem:s30+$0x0];
	s30 =	sadd.s32 $0xFFFFFDE1, s28;
	[tilespmem:v51+s20+$0x0] =	vst.idx.msk $0xffff, v1  }
0x139: {  	s7 =	smov.u32 s4;
	s4 =	sadd.s32 $0xFFFFFDE3, s28;
	v29 =	vld [tilespmem:s21+$0x0];
	s21 =	sadd.s32 $0xFFFFFDE2, s28;
	v56 =	vor.u32 s30, v0;
	[tilespmem:v52+s20+$0x0] =	vst.idx.msk $0xffff, v2  }
0x13a: {  	v58 =	vor.u32 s4, v0;
	s4 =	sadd.s32 $0xFFFFFDE5, s28;
	v57 =	vor.u32 s21, v0;
	[tilespmem:v53+s20+$0x0] =	vst.idx.msk $0xffff, v3;
	v3 =	vld [tilespmem:s10+$0x0];
	s10 =	sld [smem:$0x7EC]  }
0x13b: {  	s30 =	sor.u32 s2, s12;
	s21 =	sadd.s32 $0xFFFFFDE4, s28;
	v1 =	vld [tilespmem:s13+$0x0];
	s13 =	sadd.s32 $0x30, s17  }
0x13c: {  	v59 =	vor.u32 s21, v0;
	v2 =	vld [tilespmem:s30+$0x0];
	s30 =	smov.u32 s1;
	s1 =	sor.u32 s2, s5;
	s2 =	sand.u32 $0x70, s13;
	[tilespmem:v54+s20+$0x0] =	vst.idx.msk $0xffff, v4  }
0x13d: {  	v60 =	vor.u32 s4, v0;
	s21 =	sadd.s32 $0xFFFFFDE6, s28;
	v4 =	vld [tilespmem:s1+$0x0];
	[tilespmem:v55+s20+$0x0] =	vst.idx.msk $0xffff, v5;
	s3 =	sor.u32 s2, s10  }
0x13e: {  	v61 =	vor.u32 s21, v0;
	s1 =	sadd.s32 $0xFFFFFDE7, s28;
	[tilespmem:v56+s20+$0x0] =	vst.idx.msk $0xffff, v31;
	v5 =	vld [tilespmem:s3+$0x0]  }
0x13f: {  	s4 =	sadd.s32 $0xFFFFFDE8, s28;
	s21 =	rddreg [dreg:$0x1d];
	v62 =	vor.u32 s1, v0;
	[tilespmem:v57+s20+$0x0] =	vst.idx.msk $0xffff, v34;
	v30 =	vld [tilespmem:s3+$0x80]  }
0x140: {  	v63 =	vor.u32 s4, v0;
	s4 =	sadd.s32 $0xFFFFFDE9, s28;
	s10 =	sadd.s32 $0x30, s21;
	[tilespmem:v58+s20+$0x0] =	vst.idx.msk $0xffff, v33;
	v31 =	vld [tilespmem:s3+$0x100]  }
0x141: {  	v42 =	vor.u32 s4, v0;
	s1 =	sadd.s32 $0xFFFFFDEA, s28;
	v33 =	vld [tilespmem:s3+$0x180];
	s4 =	sor.u32 $0x200, s10;
	[tilespmem:v59+s20+$0x0] =	vst.idx.msk $0xffff, v6  }
0x142: {  	v43 =	vor.u32 s1, v0;
	s1 =	sadd.s32 $0xFFFFFDEB, s28;
	v6 =	vld [tilespmem:s4+$0x4000];
	s4 =	sor.u32 $0x280, s10;
	[tilespmem:v60+s20+$0x0] =	vst.idx.msk $0xffff, v7  }
0x143: {  	v44 =	vor.u32 s1, v0;
	s1 =	sadd.s32 $0xFFFFFDEC, s28;
	s10 =	sor.u32 $0x300, s10;
	v7 =	vld [tilespmem:s4+$0x4000];
	s4 =	sor.u32 s13, s31;
	[tilespmem:v61+s20+$0x0] =	vst.idx.msk $0xffff, v8  }
0x144: {  	v45 =	vor.u32 s1, v0;
	s13 =	sadd.s32 $0xFFFFFDED, s28;
	v8 =	vld [tilespmem:s10+$0x4000];
	s4 =	sor.u32 $0x380, s4;
	[tilespmem:v62+s20+$0x0] =	vst.idx.msk $0xffff, v9  }
0x145: {  	s1 =	sadd.s32 $0xFFFFFDEE, s28;
	v46 =	vor.u32 s13, v0;
	v9 =	vld [tilespmem:s4+$0x4000];
	s4 =	sor.u32 s2, s29;
	[tilespmem:v63+s20+$0x0] =	vst.idx.msk $0xffff, v32  }
0x146: {  	v47 =	vor.u32 s1, v0;
	s13 =	sadd.s32 $0xFFFFFDEF, s28;
	s29 =	sor.u32 s2, s14;
	[tilespmem:v42+s20+$0x0] =	vst.idx.msk $0xffff, v11;
	v11 =	vld [tilespmem:s4+$0x0]  }
0x147: {  	s1 =	sadd.s32 $0xFFFFFDF0, s28;
	s10 =	sadd.s32 $0xFFFFFDF1, s28;
	v48 =	vor.u32 s13, v0;
	s4 =	sor.u32 s2, s25;
	[tilespmem:v43+s20+$0x0] =	vst.idx.msk $0xffff, v12;
	v12 =	vld [tilespmem:s29+$0x0]  }
0x148: {  	v49 =	vor.u32 s1, v0;
	s13 =	sor.u32 s2, s6;
	s25 =	sor.u32 s2, s9;
	s9 =	sld [smem:$0x7ED];
	[tilespmem:v44+s20+$0x0] =	vst.idx.msk $0xffff, v13;
	v13 =	vld [tilespmem:s4+$0x0]  }
0x149: {  	s1 =	sor.u32 s2, s26;
	v50 =	vor.u32 s10, v0;
	s14 =	sadd.s32 $0xFFFFFDF2, s28;
	[tilespmem:v45+s20+$0x0] =	vst.idx.msk $0xffff, v14;
	v14 =	vld [tilespmem:s13+$0x0]  }
0x14a: {  	s6 =	sor.u32 s2, s8;
	s8 =	sadd.s32 $0xFFFFFDF5, s28;
	v51 =	vor.u32 s14, v0;
	s29 =	sadd.s32 $0xFFFFFDF3, s28;
	[tilespmem:v46+s20+$0x0] =	vst.idx.msk $0xffff, v15;
	v15 =	vld [tilespmem:s25+$0x0]  }
0x14b: {  	v52 =	vor.u32 s29, v0;
	s4 =	sadd.s32 $0xFFFFFDF4, s28;
	s29 =	rddreg [dreg:$0x1b];
	s10 =	sor.u32 s2, s9;
	[tilespmem:v47+s20+$0x0] =	vst.idx.msk $0xffff, v16;
	v16 =	vld [tilespmem:s1+$0x0]  }
0x14c: {  	v53 =	vor.u32 s4, v0;
	s13 =	sadd.s32 $0xFFFFFDF6, s28;
	s1 =	sor.u32 s2, s29;
	s29 =	rddreg [dreg:$0x19];
	[tilespmem:v48+s20+$0x0] =	vst.idx.msk $0xffff, v17;
	v17 =	vld [tilespmem:s6+$0x0]  }
0x14d: {  	v54 =	vor.u32 s8, v0;
	s25 =	sor.u32 s2, s19;
	s19 =	sor.u32 s2, s0;
	s0 =	sor.u32 s2, s29;
	[tilespmem:v49+s20+$0x0] =	vst.idx.msk $0xffff, v18;
	v18 =	vld [tilespmem:s10+$0x0]  }
0x14e: {  	s14 =	sor.u32 s2, s24;
	s24 =	sadd.s32 $0xFFFFFDF7, s28;
	v55 =	vor.u32 s13, v0;
	s6 =	sadd.s32 $0xFFFFFDF9, s28;
	v41 =	vld [tilespmem:s0+$0x0];
	[tilespmem:v50+s20+$0x0] =	vst.idx.msk $0xffff, v19  }
0x14f: {  	s26 =	sadd.s32 $0xFFFFFDF8, s28;
	v56 =	vor.u32 s24, v0;
	v58 =	vor.u32 s6, v0;
	s6 =	sor.u32 s2, s22;
	v19 =	vld [tilespmem:s14+$0x0];
	[tilespmem:v51+s20+$0x0] =	vst.idx.msk $0xffff, v20  }
0x150: {  	v57 =	vor.u32 s26, v0;
	v43 =	vld [tilespmem:s6+$0x0];
	[tilespmem:v52+s20+$0x0] =	vst.idx.msk $0xffff, v21  }
0x151: {  	s8 =	sor.u32 s2, s15;
	s9 =	sadd.s32 $0xFFFFFDFA, s28;
	v20 =	vld [tilespmem:s25+$0x0];
	[tilespmem:v53+s20+$0x0] =	vst.idx.msk $0xffff, v22  }
0x152: {  	s15 =	sor.u32 s2, s16;
	v59 =	vor.u32 s9, v0;
	s14 =	sadd.s32 $0xFFFFFDFB, s28;
	s25 =	sor.u32 s2, s23;
	v21 =	vld [tilespmem:s1+$0x0];
	[tilespmem:v54+s20+$0x0] =	vst.idx.msk $0xffff, v23  }
0x153: {  	s16 =	sadd.s32 $0xFFFFFDFC, s28;
	s10 =	sld [smem:$0x7EE];
	v60 =	vor.u32 s14, v0;
	s14 =	sor.u32 s2, s11;
	v63 =	vld [tilespmem:s25+$0x0];
	[tilespmem:v55+s20+$0x0] =	vst.idx.msk $0xffff, v24  }
0x154: {  	v61 =	vor.u32 s16, v0;
	s24 =	sadd.s32 $0xFFFFFDFD, s28;
	s9 =	sld [smem:$0x7EF];
	s23 =	sor.u32 s2, s30;
	v46 =	vld [tilespmem:s14+$0x0];
	[tilespmem:v56+s20+$0x0] =	vst.idx.msk $0xffff, v25  }
0x155: {  	s26 =	sadd.s32 $0xFFFFFDFE, s28;
	v62 =	vor.u32 s24, v0;
	v50 =	vld [tilespmem:s23+$0x0];
	[tilespmem:v57+s20+$0x0] =	vst.idx.msk $0xffff, v26  }
0x156: {  	v40 =	vor.u32 s26, v0;
	s4 =	sadd.s32 $0xFFFFFDFF, s28;
	s13 =	sor.u32 s2, s10;
	v22 =	vld [tilespmem:s8+$0x0];
	[tilespmem:v58+s20+$0x0] =	vst.idx.msk $0xffff, v27  }
0x157: {  	v42 =	vor.u32 s4, v0;
	s10 =	sor.u32 s2, s9;
	v23 =	vld [tilespmem:s13+$0x0];
	s13 =	sadd.s32 $0xFFFFFFE1, s28;
	[tilespmem:v59+s20+$0x0] =	vst.idx.msk $0xffff, v28  }
0x158: {  	s8 =	sadd.s32 $0xFFFFFE00, s28;
	v45 =	vld [tilespmem:s10+$0x0];
	v47 =	vor.u32 s13, v0;
	[tilespmem:v60+s20+$0x0] =	vst.idx.msk $0xffff, v29  }
0x159: {  	s16 =	sadd.s32 $0xFFFFFFE2, s28;
	v44 =	vor.u32 s8, v0;
	v24 =	vld [tilespmem:s15+$0x0];
	[tilespmem:v61+s20+$0x0] =	vst.idx.msk $0xffff, v10  }
0x15a: {  	s22 =	sadd.s32 $0xFFFFFFE3, s28;
	s15 =	sor.u32 s2, s7;
	v25 =	vld [tilespmem:s19+$0x0];
	[tilespmem:v62+s20+$0x0] =	vst.idx.msk $0xffff, v1;
	v1 =	vor.u32 s16, v0  }
0x15b: {  	s24 =	sadd.s32 $0xFFFFFFE4, s28;
	v48 =	vld [tilespmem:s15+$0x0];
	s19 =	sor.u32 s2, s12;
	[tilespmem:v40+s20+$0x0] =	vst.idx.msk $0xffff, v2;
	v2 =	vor.u32 s22, v0  }
0x15c: {  	s25 =	sadd.s32 $0xFFFFFFE5, s28;
	s2 =	sor.u32 s2, s5;
	v49 =	vld [tilespmem:s19+$0x0];
	[tilespmem:v42+s20+$0x0] =	vst.idx.msk $0xffff, v3;
	v3 =	vor.u32 s24, v0  }
0x15d: {  	s26 =	sadd.s32 $0xFFFFFFE6, s28;
	v52 =	vor.u32 s25, v0;
	v51 =	vld [tilespmem:s2+$0x0];
	[tilespmem:v47+s20+$0x0] =	vst.idx.msk $0xffff, v5  }
0x15e: {  	s29 =	sadd.s32 $0xFFFFFFE7, s28;
	v53 =	vor.u32 s26, v0;
	[tilespmem:v44+s20+$0x0] =	vst.idx.msk $0xffff, v4  }
0x15f: {  	s30 =	sadd.s32 $0xFFFFFFE8, s28;
	[tilespmem:v1+s20+$0x0] =	vst.idx.msk $0xffff, v30;
	v1 =	vor.u32 s29, v0  }
0x160: {  	s0 =	sadd.s32 $0xFFFFFFE9, s28;
	[tilespmem:v2+s20+$0x0] =	vst.idx.msk $0xffff, v31;
	v2 =	vor.u32 s30, v0  }
0x161: {  	s2 =	sadd.s32 $0xFFFFFFEA, s28;
	[tilespmem:v3+s20+$0x0] =	vst.idx.msk $0xffff, v33;
	v3 =	vor.u32 s0, v0  }
0x162: {  	s3 =	sadd.s32 $0xFFFFFFEB, s28;
	v54 =	vor.u32 s2, v0;
	[tilespmem:v52+s20+$0x0] =	vst.idx.msk $0xffff, v6  }
0x163: {  	s4 =	sadd.s32 $0xFFFFFFEC, s28;
	v55 =	vor.u32 s3, v0;
	[tilespmem:v53+s20+$0x0] =	vst.idx.msk $0xffff, v7  }
0x164: {  	s5 =	sadd.s32 $0xFFFFFFED, s28;
	[tilespmem:v1+s20+$0x0] =	vst.idx.msk $0xffff, v8;
	v1 =	vor.u32 s4, v0  }
0x165: {  	s6 =	sadd.s32 $0xFFFFFFEE, s28;
	[tilespmem:v2+s20+$0x0] =	vst.idx.msk $0xffff, v9;
	v2 =	vor.u32 s5, v0  }
0x166: {  	s7 =	sadd.s32 $0xFFFFFFEF, s28;
	[tilespmem:v3+s20+$0x0] =	vst.idx.msk $0xffff, v11;
	v3 =	vor.u32 s6, v0  }
0x167: {  	s8 =	sadd.s32 $0xFFFFFFF0, s28;
	v56 =	vor.u32 s7, v0;
	[tilespmem:v54+s20+$0x0] =	vst.idx.msk $0xffff, v12  }
0x168: {  	s9 =	sadd.s32 $0xFFFFFFF1, s28;
	v57 =	vor.u32 s8, v0;
	[tilespmem:v55+s20+$0x0] =	vst.idx.msk $0xffff, v13  }
0x169: {  	s10 =	sadd.s32 $0xFFFFFFF2, s28;
	[tilespmem:v1+s20+$0x0] =	vst.idx.msk $0xffff, v14;
	v1 =	vor.u32 s9, v0  }
0x16a: {  	s11 =	sadd.s32 $0xFFFFFFF3, s28;
	[tilespmem:v2+s20+$0x0] =	vst.idx.msk $0xffff, v15;
	v2 =	vor.u32 s10, v0  }
0x16b: {  	s12 =	sadd.s32 $0xFFFFFFF4, s28;
	[tilespmem:v3+s20+$0x0] =	vst.idx.msk $0xffff, v16;
	v3 =	vor.u32 s11, v0  }
0x16c: {  	s13 =	sadd.s32 $0xFFFFFFF5, s28;
	v58 =	vor.u32 s12, v0;
	[tilespmem:v56+s20+$0x0] =	vst.idx.msk $0xffff, v17  }
0x16d: {  	s14 =	sadd.s32 $0xFFFFFFF6, s28;
	v59 =	vor.u32 s13, v0;
	[tilespmem:v57+s20+$0x0] =	vst.idx.msk $0xffff, v18  }
0x16e: {  	s15 =	sadd.s32 $0xFFFFFFF7, s28;
	[tilespmem:v1+s20+$0x0] =	vst.idx.msk $0xffff, v19;
	v1 =	vor.u32 s14, v0  }
0x16f: {  	s16 =	sadd.s32 $0xFFFFFFF8, s28;
	[tilespmem:v2+s20+$0x0] =	vst.idx.msk $0xffff, v20;
	v2 =	vor.u32 s15, v0  }
0x170: {  	s19 =	sadd.s32 $0xFFFFFFF9, s28;
	[tilespmem:v3+s20+$0x0] =	vst.idx.msk $0xffff, v21;
	v3 =	vor.u32 s16, v0  }
0x171: {  	v60 =	vor.u32 s19, v0;
	s22 =	sadd.s32 $0xFFFFFFFA, s28;
	[tilespmem:v58+s20+$0x0] =	vst.idx.msk $0xffff, v22  }
0x172: {  	s23 =	sadd.s32 $0xFFFFFFFB, s28;
	v61 =	vor.u32 s22, v0;
	[tilespmem:v59+s20+$0x0] =	vst.idx.msk $0xffff, v23  }
0x173: {  	s24 =	sadd.s32 $0xFFFFFFFC, s28;
	[tilespmem:v1+s20+$0x0] =	vst.idx.msk $0xffff, v24;
	v1 =	vor.u32 s23, v0  }
0x174: {  	s25 =	sadd.s32 $0xFFFFFFFD, s28;
	[tilespmem:v2+s20+$0x0] =	vst.idx.msk $0xffff, v25;
	v2 =	vor.u32 s24, v0  }
0x175: {  	s26 =	sadd.s32 $0xFFFFFFFE, s28;
	[tilespmem:v3+s20+$0x0] =	vst.idx.msk $0xffff, v63;
	v3 =	vor.u32 s25, v0  }
0x176: {  	v62 =	vor.u32 s26, v0;
	s29 =	sadd.s32 $0xFFFFFFFF, s28;
	[tilespmem:v60+s20+$0x0] =	vst.idx.msk $0xffff, v41  }
0x177: {  	v63 =	vor.u32 s29, v0;
	[tilespmem:v61+s20+$0x0] =	vst.idx.msk $0xffff, v43  }
0x178: {  	p2 =	slt.u32 s17, $0x1C0;
	[tilespmem:v1+s20+$0x0] =	vst.idx.msk $0xffff, v45;
	v1 =	vor.u32 s28, v0  }
.Ltmp3:
0x179: {  	[tilespmem:v2+s20+$0x0] =	vst.idx.msk $0xffff, v46;
	(pc) =	sbr.rel @p2 .LBB2_5-.Ltmp3, $4  }
0x17a: {  	[tilespmem:v3+s20+$0x0] =	vst.idx.msk $0xffff, v48  }
0x17b: {  	p1 =	por !p1, !p1;
	s21 =	rddreg [dreg:$0x11];
	[tilespmem:v62+s20+$0x0] =	vst.idx.msk $0xffff, v49  }
0x17c: {  	s17 =	sadd.s32 $0x40, s17;
	s21 =	sadd.s32 $0x4, s21;
	s30 =	rddreg [dreg:$0x16];
	[tilespmem:v63+s20+$0x0] =	vst.idx.msk $0xffff, v50  }
0x17d: {  	s31 =	sadd.s32 $0x200, s31;
	s8 =	sadd.s32 $0x2, s30;
	s28 =	sadd.s32 $0x800, s28;
	[tilespmem:v1+s20+$0x0] =	vst.idx.msk $0xffff, v51  }
0x17e: {  	s4 =	rddreg [dreg:$0xe]  }
0x17f: {  	s4 =	sadd.s32 $0x1, s4  }
0x180: {  	p1 =	sne.s32 s4, $0x1F  }
.Ltmp4:
0x181: {  	_ = 	snop;
	(pc) =	sbr.rel @p1 .LBB2_2-.Ltmp4, $4  }
0x182: {  	s0 =	rddreg [dreg:$0xf]  }
0x183: {  	s1 =	rddreg [dreg:$0x5];
	s0 =	sshll.u32 s0, $0xB  }
0x184: {  	s31 =	simm.s32 $0x0;
	s0 =	sadd.s32 s1, s0  }
0x185: {  	[hbm4b:s0+s31] =	stream.linear.scatter [tilespmem:s20], [sflag:$0x4], $0x4000, $0x38;
	[tilespmem:$0x10000] =	vst v63  }
0x186: {  	s0 =	simm.s32 $0x1  }
0x187: {  	_ =	swait.ge [sflag:s0], $0x4000  }
0x188: {  	[sflag:s0] =	ssyncset.done $0x0  }
0x189: {  	s30 =	simm.s32 $0x3;
	[sflag:s0] =	ssyncadd.s32 $0xFFFFC000  }
0x18a: {  	_ =	swait.ge [sflag:s30], $0x4000  }
.Ltmp5:
0x18b: {  	[sflag:s30] =	ssyncset.done $0x0;
	(pc) =	sbr.rel @p0 .LBB2_11-.Ltmp5, $4  }
0x18c: {  	s31 =	simm.s32 $0x4;
	[sflag:s30] =	ssyncadd.s32 $0xFFFFC000  }
0x18d: {  	_ =	swait.ge [sflag:s31], $0x4000  }
0x18e: {  	[sflag:s31] =	ssyncset.done $0x0  }
0x18f: {  	s1 =	rddreg [dreg:$0xd];
	[sflag:s31] =	ssyncadd.s32 $0xFFFFC000  }
0x190: {  	s3 =	simm.s32 $0x0;
	s0 =	rddreg [dreg:$0x9]  }
0x191: {  	s1 =	simm.s32 $0x1000;
	s2 =	simm.s32 $0x7A1400;
	s31 =	simm.s32 $0x5  }
0x192: {  	[tilespmem:s3], [sflag:$0x5] =	stream.strided.gather [hbm4b:s0+s1], $0x4000, s2, s1, $0x38;
	[tilespmem:$0x10000] =	vst v63  }
0x193: {  	s9 =	simm.s32 $0x0;
	s26 =	simm.s32 $0x61F;
	_ =	swait.ge [sflag:s31], $0x4000  }
0x194: {  	p1 =	por $0x0, $0x0;
	s28 =	simm.s32 $0x0;
	[sflag:s31] =	ssyncset.done $0x0  }
0x195: {  	s17 =	simm.s32 $0x0;
	s0 =	simm.s32 $0x0;
	[sflag:s31] =	ssyncadd.s32 $0xFFFFC000  }
.LBB2_9:
0x196: {  	s2 =	sand.u32 $0x40, s17;
	s25 =	sand.u32 $0xC00, s0  }
0x197: {  	s4 =	sor.u32 s2, s25  }
0x198: {  	v7 =	vld [tilespmem:s4+$0x0]  }
0x199: {  	v8 =	vld [tilespmem:s4+$0x80]  }
0x19a: {  	s12 =	sor.u32 s0, s17;
	v9 =	vld [tilespmem:s4+$0x100]  }
0x19b: {  	s13 =	sor.u32 $0x380, s12;
	s31 =	sor.u32 $0x1000, s25;
	v10 =	vld [tilespmem:s4+$0x180]  }
0x19c: {  	s8 =	sor.u32 $0x1080, s25;
	v30 =	vld [tilespmem:s13+$0x0];
	s14 =	sor.u32 s2, s31  }
0x19d: {  	s30 =	sor.u32 $0x1180, s25;
	s15 =	sor.u32 s2, s8;
	v35 =	vld [tilespmem:s14+$0x0]  }
0x19e: {  	s1 =	simm.s32 $0x1;
	s29 =	sor.u32 $0x1200, s25;
	s19 =	sor.u32 s2, s30;
	v14 =	vld [tilespmem:s15+$0x0]  }
0x19f: {  	s1 =	simm.s32 @!p1 $0x0;
	s12 =	sor.u32 $0x2300, s25;
	s21 =	sor.u32 s2, s29;
	v16 =	vld [tilespmem:s19+$0x0]  }
0x1a0: {  	s1 =	sshll.u32 s1, $0x6;
	s4 =	sor.u32 $0x1100, s25;
	s13 =	sor.u32 s2, s12;
	v17 =	vld [tilespmem:s21+$0x0]  }
0x1a1: {  	s1 =	sadd.s32 s1, s0;
	s16 =	sor.u32 s2, s4;
	v27 =	vld [tilespmem:s13+$0x0]  }
0x1a2: {  	s10 =	sor.u32 $0x200, s1;
	v15 =	vld [tilespmem:s16+$0x0]  }
0x1a3: {  	s11 =	sor.u32 $0x280, s1;
	v11 =	vld [tilespmem:s10+$0x0]  }
0x1a4: {  	s14 =	sor.u32 $0x1280, s25;
	s1 =	sor.u32 $0x300, s1;
	v12 =	vld [tilespmem:s11+$0x0]  }
0x1a5: {  	s19 =	sor.u32 $0x1300, s25;
	s22 =	sor.u32 s2, s14;
	v13 =	vld [tilespmem:s1+$0x0]  }
0x1a6: {  	s15 =	sor.u32 $0x2000, s25;
	s23 =	sor.u32 s2, s19;
	v18 =	vld [tilespmem:s22+$0x0]  }
0x1a7: {  	s3 =	sor.u32 s2, s15;
	s16 =	sor.u32 $0x2100, s25;
	v19 =	vld [tilespmem:s23+$0x0]  }
0x1a8: {  	s22 =	sor.u32 $0x1380, s25;
	v21 =	vld [tilespmem:s3+$0x0];
	s6 =	sor.u32 s2, s16  }
0x1a9: {  	s23 =	sor.u32 $0x2080, s25;
	s24 =	sor.u32 s2, s22;
	v23 =	vld [tilespmem:s6+$0x0]  }
0x1aa: {  	[dreg:$0x13] =	wrdreg s28;
	s3 =	sor.u32 $0x2180, s25;
	s5 =	sor.u32 s2, s23;
	v20 =	vld [tilespmem:s24+$0x0]  }
0x1ab: {  	[smem:$0x7D8] =	sst s30;
	s10 =	sor.u32 $0x2280, s25;
	s7 =	sor.u32 s2, s3;
	v22 =	vld [tilespmem:s5+$0x0]  }
0x1ac: {  	[smem:$0x7D3] =	sst s3;
	s11 =	sor.u32 s2, s10;
	s3 =	sor.u32 $0x2380, s25;
	v24 =	vld [tilespmem:s7+$0x0]  }
0x1ad: {  	[smem:$0x7E0] =	sst s12;
	s1 =	sor.u32 $0x3000, s25;
	v26 =	vld [tilespmem:s11+$0x0];
	s21 =	sor.u32 s2, s3  }
0x1ae: {  	s12 =	sor.u32 $0x3200, s25;
	s6 =	sor.u32 $0x3080, s25;
	s5 =	sor.u32 s2, s1;
	v28 =	vld [tilespmem:s21+$0x0]  }
0x1af: {  	[smem:$0x7D6] =	sst s12;
	s24 =	sor.u32 $0x2200, s25;
	s11 =	sor.u32 s2, s6;
	v29 =	vld [tilespmem:s5+$0x0]  }
0x1b0: {  	[smem:$0x7D4] =	sst s10;
	s10 =	sor.u32 $0x3180, s25;
	s7 =	sor.u32 s2, s24;
	v1 =	vld [tilespmem:s11+$0x0]  }
0x1b1: {  	s13 =	sadd.s32 $0xFFFFF9E1, s26;
	[smem:$0x7D5] =	sst s10;
	s21 =	sor.u32 s2, s10;
	v25 =	vld [tilespmem:s7+$0x0]  }
0x1b2: {  	s5 =	sor.u32 $0x3100, s25;
	s10 =	sor.u32 s2, s12;
	s11 =	sor.u32 $0x3280, s25;
	v2 =	vld [tilespmem:s21+$0x0]  }
0x1b3: {  	v31 =	vor.u32 s13, v0;
	s12 =	sadd.s32 $0xFFFFF9E2, s26;
	[smem:$0x7E1] =	sst s5;
	s7 =	sor.u32 s2, s5;
	v3 =	vld [tilespmem:s10+$0x0]  }
0x1b4: {  	v32 =	vor.u32 s12, v0;
	s21 =	sor.u32 s2, s11;
	s12 =	sadd.s32 $0xFFFFF9E3, s26;
	v34 =	vld [tilespmem:s7+$0x0];
	s7 =	sor.u32 $0x3300, s25  }
0x1b5: {  	v4 =	vld [tilespmem:s21+$0x0];
	v33 =	vor.u32 s12, v0;
	[smem:$0x7D7] =	sst s7;
	s5 =	sor.u32 s2, s7;
	s7 =	sadd.s32 $0xFFFFF9E4, s26  }
0x1b6: {  	s10 =	sor.u32 $0x3380, s25;
	s21 =	sadd.s32 $0x10, s17;
	v5 =	vld [tilespmem:s5+$0x0];
	v36 =	vor.u32 s7, v0;
	s5 =	sadd.s32 $0xFFFFF9E5, s26  }
0x1b7: {  	s13 =	sor.u32 s2, s10;
	s7 =	sand.u32 $0x7, s28;
	v37 =	vor.u32 s5, v0;
	s5 =	sadd.s32 $0xFFFFF9E6, s26  }
0x1b8: {  	s2 =	sand.u32 $0x50, s21;
	v6 =	vld [tilespmem:s13+$0x0];
	[tilespmem:v31+s18+$0x0] =	vst.idx.msk $0xffff, v7;
	s12 =	sshll.u32 s7, $0x4;
	s7 =	sadd.s32 $0xFFFFF9E7, s26;
	v38 =	vor.u32 s5, v0  }
0x1b9: {  	[smem:$0x7D9] =	sst s29;
	s13 =	sadd.s32 $0xFFFFF9E8, s26;
	s28 =	sor.u32 s2, s25;
	v39 =	vor.u32 s7, v0;
	[tilespmem:v32+s18+$0x0] =	vst.idx.msk $0xffff, v8  }
0x1ba: {  	[smem:$0x7DE] =	sst s31;
	v40 =	vor.u32 s13, v0;
	v31 =	vld [tilespmem:s28+$0x0];
	s5 =	sadd.s32 s0, s12;
	s7 =	sadd.s32 $0xFFFFF9E9, s26;
	[tilespmem:v33+s18+$0x0] =	vst.idx.msk $0xffff, v9  }
0x1bb: {  	v7 =	vld [tilespmem:s28+$0x180];
	[dreg:$0x1e] =	wrdreg s5;
	s13 =	sadd.s32 $0x10, s5;
	v41 =	vor.u32 s7, v0;
	s5 =	sadd.s32 $0xFFFFF9EA, s26;
	[tilespmem:v36+s18+$0x0] =	vst.idx.msk $0xffff, v10  }
0x1bc: {  	[smem:$0x7DA] =	sst s19;
	v32 =	vld [tilespmem:s28+$0x80];
	s7 =	sadd.s32 $0xFFFFF9EB, s26;
	v43 =	vor.u32 s5, v0;
	[tilespmem:v37+s18+$0x0] =	vst.idx.msk $0xffff, v11  }
0x1bd: {  	v33 =	vld [tilespmem:s28+$0x100];
	s28 =	sor.u32 $0x200, s13;
	v44 =	vor.u32 s7, v0;
	s5 =	sor.u32 s21, s0;
	s7 =	sadd.s32 $0xFFFFF9EC, s26;
	[tilespmem:v38+s18+$0x0] =	vst.idx.msk $0xffff, v12  }
0x1be: {  	v8 =	vld [tilespmem:s28+$0x0];
	s28 =	sor.u32 $0x280, s13;
	s13 =	sor.u32 $0x300, s13;
	v45 =	vor.u32 s7, v0;
	s7 =	sadd.s32 $0xFFFFF9ED, s26;
	[tilespmem:v39+s18+$0x0] =	vst.idx.msk $0xffff, v13  }
0x1bf: {  	[smem:$0x7DB] =	sst s15;
	s5 =	sor.u32 $0x380, s5;
	v10 =	vld [tilespmem:s13+$0x0];
	v46 =	vor.u32 s7, v0;
	s13 =	sadd.s32 $0xFFFFF9EE, s26;
	[tilespmem:v40+s18+$0x0] =	vst.idx.msk $0xffff, v30  }
0x1c0: {  	s21 =	sor.u32 s2, s31;
	v11 =	vld [tilespmem:s5+$0x0];
	s5 =	smov.u32 s31;
	s7 =	sadd.s32 $0xFFFFF9EF, s26;
	v47 =	vor.u32 s13, v0;
	[tilespmem:v41+s18+$0x0] =	vst.idx.msk $0xffff, v35  }
0x1c1: {  	s31 =	smov.u32 s8;
	s8 =	sor.u32 s2, s8;
	v12 =	vld [tilespmem:s21+$0x0];
	v48 =	vor.u32 s7, v0;
	s21 =	sadd.s32 $0xFFFFF9F0, s26;
	[tilespmem:v43+s18+$0x0] =	vst.idx.msk $0xffff, v14  }
0x1c2: {  	[smem:$0x7DF] =	sst s16;
	s7 =	sor.u32 s2, s4;
	v13 =	vld [tilespmem:s8+$0x0];
	v49 =	vor.u32 s21, v0;
	s21 =	sadd.s32 $0xFFFFF9F1, s26;
	[tilespmem:v44+s18+$0x0] =	vst.idx.msk $0xffff, v15  }
0x1c3: {  	s30 =	sor.u32 s2, s30;
	s8 =	smov.u32 s4;
	s4 =	sadd.s32 $0xFFFFF9F2, s26;
	v50 =	vor.u32 s21, v0;
	v14 =	vld [tilespmem:s7+$0x0];
	[tilespmem:v45+s18+$0x0] =	vst.idx.msk $0xffff, v16  }
0x1c4: {  	[smem:$0x7DC] =	sst s3;
	v51 =	vor.u32 s4, v0;
	s21 =	sadd.s32 $0xFFFFF9F3, s26;
	s7 =	sor.u32 s2, s29;
	v15 =	vld [tilespmem:s30+$0x0];
	[tilespmem:v46+s18+$0x0] =	vst.idx.msk $0xffff, v17  }
0x1c5: {  	s13 =	sadd.s32 $0xFFFFF9F8, s26;
	s4 =	sadd.s32 $0xFFFFF9F4, s26;
	v52 =	vor.u32 s21, v0;
	s30 =	sor.u32 s2, s14;
	v16 =	vld [tilespmem:s7+$0x0];
	[tilespmem:v47+s18+$0x0] =	vst.idx.msk $0xffff, v18  }
0x1c6: {  	v53 =	vor.u32 s4, v0;
	s21 =	sor.u32 s2, s22;
	s4 =	sadd.s32 $0xFFFFF9F7, s26;
	s7 =	sor.u32 s2, s19;
	v17 =	vld [tilespmem:s30+$0x0];
	[tilespmem:v48+s18+$0x0] =	vst.idx.msk $0xffff, v19  }
0x1c7: {  	s29 =	smov.u32 s14;
	s14 =	sadd.s32 $0xFFFFF9F5, s26;
	s19 =	smov.u32 s22;
	v18 =	vld [tilespmem:s7+$0x0];
	[tilespmem:v49+s18+$0x0] =	vst.idx.msk $0xffff, v20  }
0x1c8: {  	v54 =	vor.u32 s14, v0;
	s22 =	sadd.s32 $0xFFFFF9F6, s26;
	s14 =	sor.u32 s2, s16;
	s30 =	sor.u32 s2, s15;
	v19 =	vld [tilespmem:s21+$0x0];
	[tilespmem:v50+s18+$0x0] =	vst.idx.msk $0xffff, v21  }
0x1c9: {  	v55 =	vor.u32 s22, v0;
	s7 =	sor.u32 s2, s23;
	v20 =	vld [tilespmem:s30+$0x0];
	s30 =	smov.u32 s16;
	s16 =	sld [smem:$0x7D3];
	[tilespmem:v51+s18+$0x0] =	vst.idx.msk $0xffff, v22  }
0x1ca: {  	v56 =	vor.u32 s4, v0;
	s4 =	sor.u32 s2, s24;
	v21 =	vld [tilespmem:s7+$0x0];
	s7 =	smov.u32 s24;
	s24 =	sld [smem:$0x7D4];
	[tilespmem:v52+s18+$0x0] =	vst.idx.msk $0xffff, v23  }
0x1cb: {  	v57 =	vor.u32 s13, v0;
	s15 =	smov.u32 s23;
	s21 =	sadd.s32 $0xFFFFF9F9, s26;
	[tilespmem:v53+s18+$0x0] =	vst.idx.msk $0xffff, v24;
	v24 =	vld [tilespmem:s4+$0x0];
	s4 =	sld [smem:$0x7E0]  }
0x1cc: {  	s23 =	sadd.s32 $0xFFFFF9FA, s26;
	v58 =	vor.u32 s21, v0;
	v22 =	vld [tilespmem:s14+$0x0];
	s14 =	sadd.s32 $0xFFFFF9FB, s26;
	s22 =	sor.u32 s2, s16  }
0x1cd: {  	[dreg:$0x1a] =	wrdreg s6;
	v59 =	vor.u32 s23, v0;
	v60 =	vor.u32 s14, v0;
	s14 =	sadd.s32 $0xFFFFF9FD, s26;
	v23 =	vld [tilespmem:s22+$0x0];
	s21 =	sor.u32 s2, s24;
	[tilespmem:v54+s18+$0x0] =	vst.idx.msk $0xffff, v25  }
0x1ce: {  	s22 =	sadd.s32 $0xFFFFF9FC, s26;
	v25 =	vld [tilespmem:s21+$0x0];
	s21 =	sor.u32 s2, s3;
	[tilespmem:v55+s18+$0x0] =	vst.idx.msk $0xffff, v26;
	s23 =	sor.u32 s2, s4  }
0x1cf: {  	v61 =	vor.u32 s22, v0;
	s3 =	smov.u32 s1;
	[tilespmem:v56+s18+$0x0] =	vst.idx.msk $0xffff, v27;
	v26 =	vld [tilespmem:s23+$0x0];
	s23 =	sor.u32 s2, s1;
	s1 =	sadd.s32 $0xFFFFF9FF, s26  }
0x1d0: {  	s6 =	sor.u32 s2, s6;
	v9 =	vld [tilespmem:s28+$0x0];
	v62 =	vor.u32 s14, v0;
	s22 =	sadd.s32 $0xFFFFF9FE, s26;
	[tilespmem:v57+s18+$0x0] =	vst.idx.msk $0xffff, v28;
	v44 =	vor.u32 s1, v0;
	s1 =	sld [smem:$0x7D5]  }
0x1d1: {  	v63 =	vor.u32 s22, v0;
	[tilespmem:v58+s18+$0x0] =	vst.idx.msk $0xffff, v29;
	v29 =	vld [tilespmem:s6+$0x0];
	s6 =	sld [smem:$0x7E1]  }
0x1d2: {  	s14 =	sadd.s32 $0xFFFFFA00, s26;
	v27 =	vld [tilespmem:s21+$0x0];
	[tilespmem:v59+s18+$0x0] =	vst.idx.msk $0xffff, v1  }
0x1d3: {  	v45 =	vor.u32 s14, v0;
	s14 =	sadd.s32 $0xFFFFFBE2, s26;
	s22 =	sadd.s32 $0xFFFFFBE1, s26;
	v28 =	vld [tilespmem:s23+$0x0];
	[tilespmem:v60+s18+$0x0] =	vst.idx.msk $0xffff, v34;
	s23 =	sor.u32 s2, s1  }
0x1d4: {  	v46 =	vor.u32 s22, v0;
	s22 =	sadd.s32 $0xFFFFFBE3, s26;
	s21 =	sor.u32 s2, s6;
	[tilespmem:v61+s18+$0x0] =	vst.idx.msk $0xffff, v2;
	v1 =	vld [tilespmem:s23+$0x0];
	s23 =	sld [smem:$0x7D6]  }
0x1d5: {  	v47 =	vor.u32 s14, v0;
	s14 =	sadd.s32 $0xFFFFFBE4, s26;
	v48 =	vor.u32 s22, v0;
	s22 =	sld [smem:$0x7D7];
	v30 =	vld [tilespmem:s21+$0x0];
	[tilespmem:v62+s18+$0x0] =	vst.idx.msk $0xffff, v3;
	s21 =	sor.u32 s2, s11  }
0x1d6: {  	[dreg:$0x17] =	wrdreg s9;
	v49 =	vor.u32 s14, v0;
	s14 =	sor.u32 s2, s10;
	v3 =	vld [tilespmem:s21+$0x0];
	[tilespmem:v63+s18+$0x0] =	vst.idx.msk $0xffff, v4  }
0x1d7: {  	[smem:$0x7DD] =	sst s10;
	s10 =	sadd.s32 $0xFFFFFBE5, s26;
	[tilespmem:v44+s18+$0x0] =	vst.idx.msk $0xffff, v5;
	v5 =	vld [tilespmem:s14+$0x0];
	s13 =	sor.u32 s2, s23  }
0x1d8: {  	v50 =	vor.u32 s10, v0;
	s14 =	sand.u32 $0x3, s9;
	s9 =	sadd.s32 $0xFFFFFBE6, s26;
	v2 =	vld [tilespmem:s13+$0x0];
	s13 =	sor.u32 s2, s22  }
0x1d9: {  	s10 =	sadd.s32 $0xFFFFFBE7, s26;
	v51 =	vor.u32 s9, v0;
	v4 =	vld [tilespmem:s13+$0x0];
	[tilespmem:v46+s18+$0x0] =	vst.idx.msk $0xffff, v31  }
0x1da: {  	v52 =	vor.u32 s10, v0;
	s12 =	sshll.u32 s14, $0x5;
	s14 =	sadd.s32 $0xFFFFFBE8, s26;
	[tilespmem:v47+s18+$0x0] =	vst.idx.msk $0xffff, v32  }
0x1db: {  	s9 =	sadd.s32 $0xFFFFFBE9, s26;
	v53 =	vor.u32 s14, v0;
	[tilespmem:v48+s18+$0x0] =	vst.idx.msk $0xffff, v33  }
0x1dc: {  	s10 =	sadd.s32 $0xFFFFFBEA, s26;
	v54 =	vor.u32 s9, v0;
	[tilespmem:v49+s18+$0x0] =	vst.idx.msk $0xffff, v7  }
0x1dd: {  	v55 =	vor.u32 s10, v0;
	[tilespmem:v50+s18+$0x0] =	vst.idx.msk $0xffff, v8  }
0x1de: {  	[tilespmem:v51+s18+$0x0] =	vst.idx.msk $0xffff, v9  }
0x1df: {  	s21 =	sadd.s32 $0x20, s17;
	s14 =	sadd.s32 $0xFFFFFBEB, s26;
	[tilespmem:v52+s18+$0x0] =	vst.idx.msk $0xffff, v10  }
0x1e0: {  	s10 =	sadd.s32 $0xFFFFFBEC, s26;
	s2 =	sand.u32 $0x60, s21;
	s9 =	sor.u32 s21, s0;
	v56 =	vor.u32 s14, v0;
	[tilespmem:v53+s18+$0x0] =	vst.idx.msk $0xffff, v11  }
0x1e1: {  	v57 =	vor.u32 s10, v0;
	s21 =	sadd.s32 $0xFFFFFBED, s26;
	s10 =	sor.u32 s2, s5;
	s5 =	sor.u32 s2, s8;
	[tilespmem:v54+s18+$0x0] =	vst.idx.msk $0xffff, v12  }
0x1e2: {  	v58 =	vor.u32 s21, v0;
	[tilespmem:v55+s18+$0x0] =	vst.idx.msk $0xffff, v13;
	v13 =	vld [tilespmem:s5+$0x0];
	s5 =	sld [smem:$0x7D8]  }
0x1e3: {  	s28 =	sor.u32 s2, s25  }
0x1e4: {  	v31 =	vld [tilespmem:s28+$0x0]  }
0x1e5: {  	s14 =	sor.u32 $0x380, s9;
	s9 =	sadd.s32 $0xFFFFFBEE, s26;
	v11 =	vld [tilespmem:s10+$0x0];
	[tilespmem:v56+s18+$0x0] =	vst.idx.msk $0xffff, v14;
	s10 =	sor.u32 s2, s5  }
0x1e6: {  	s13 =	sadd.s32 $0xFFFFFBEF, s26;
	v59 =	vor.u32 s9, v0;
	[tilespmem:v57+s18+$0x0] =	vst.idx.msk $0xffff, v15;
	v14 =	vld [tilespmem:s10+$0x0];
	s10 =	sor.u32 s2, s29  }
0x1e7: {  	v60 =	vor.u32 s13, v0;
	[tilespmem:v58+s18+$0x0] =	vst.idx.msk $0xffff, v16;
	v16 =	vld [tilespmem:s10+$0x0];
	s10 =	sld [smem:$0x7DA]  }
0x1e8: {  	v32 =	vld [tilespmem:s14+$0x0];
	s14 =	sor.u32 s2, s31;
	s9 =	sadd.s32 $0xFFFFFBF1, s26  }
0x1e9: {  	v62 =	vor.u32 s9, v0;
	s9 =	sadd.s32 $0xFFFFFBF3, s26;
	v12 =	vld [tilespmem:s14+$0x0];
	s14 =	sld [smem:$0x7D9]  }
0x1ea: {  	s21 =	sadd.s32 $0xFFFFFBF0, s26;
	v34 =	vld [tilespmem:s28+$0x80];
	v42 =	vor.u32 s9, v0;
	s9 =	sor.u32 s2, s10  }
0x1eb: {  	v61 =	vor.u32 s21, v0;
	[tilespmem:v59+s18+$0x0] =	vst.idx.msk $0xffff, v17;
	v17 =	vld [tilespmem:s9+$0x0];
	s9 =	sor.u32 s2, s19  }
0x1ec: {  	s13 =	sadd.s32 $0xFFFFFBF2, s26;
	s21 =	sor.u32 s2, s14;
	[tilespmem:v60+s18+$0x0] =	vst.idx.msk $0xffff, v18;
	v18 =	vld [tilespmem:s9+$0x0];
	s9 =	sld [smem:$0x7DB]  }
0x1ed: {  	v63 =	vor.u32 s13, v0;
	v15 =	vld [tilespmem:s21+$0x0];
	s21 =	sadd.s32 $0xFFFFFBF4, s26  }
0x1ee: {  	[tilespmem:v45+s18+$0x0] =	vst.idx.msk $0xffff, v6;
	v6 =	vld [tilespmem:s28+$0x180];
	v43 =	vor.u32 s21, v0;
	s21 =	sadd.s32 $0xFFFFFBF5, s26  }
0x1ef: {  	v33 =	vld [tilespmem:s28+$0x100];
	v44 =	vor.u32 s21, v0;
	s21 =	sor.u32 s2, s9  }
0x1f0: {  	s13 =	sadd.s32 $0xFFFFFBF6, s26;
	[tilespmem:v61+s18+$0x0] =	vst.idx.msk $0xffff, v19;
	v19 =	vld [tilespmem:s21+$0x0];
	s21 =	sor.u32 s2, s15  }
0x1f1: {  	s30 =	sor.u32 s2, s30;
	v45 =	vor.u32 s13, v0;
	[tilespmem:v62+s18+$0x0] =	vst.idx.msk $0xffff, v20;
	v20 =	vld [tilespmem:s21+$0x0];
	s21 =	sadd.s32 $0xFFFFFBF8, s26  }
0x1f2: {  	s13 =	sadd.s32 $0xFFFFFBF7, s26;
	[tilespmem:v63+s18+$0x0] =	vst.idx.msk $0xffff, v21;
	v21 =	vld [tilespmem:s30+$0x0];
	s30 =	sor.u32 s2, s16;
	v47 =	vor.u32 s21, v0;
	s21 =	sadd.s32 $0xFFFFFBF9, s26  }
0x1f3: {  	v46 =	vor.u32 s13, v0;
	[tilespmem:v42+s18+$0x0] =	vst.idx.msk $0xffff, v22;
	v22 =	vld [tilespmem:s30+$0x0];
	v48 =	vor.u32 s21, v0;
	s21 =	sor.u32 s2, s7  }
0x1f4: {  	s12 =	sadd.s32 s0, s12;
	s30 =	smov.u32 s7;
	[tilespmem:v43+s18+$0x0] =	vst.idx.msk $0xffff, v23;
	s7 =	sor.u32 s2, s24;
	v23 =	vld [tilespmem:s21+$0x0]  }
0x1f5: {  	s12 =	sadd.s32 $0x20, s12;
	s13 =	sadd.s32 $0xFFFFFBFA, s26;
	[tilespmem:v44+s18+$0x0] =	vst.idx.msk $0xffff, v24;
	v24 =	vld [tilespmem:s7+$0x0];
	s7 =	sor.u32 s2, s4  }
0x1f6: {  	s28 =	sor.u32 $0x200, s12;
	v49 =	vor.u32 s13, v0;
	[tilespmem:v45+s18+$0x0] =	vst.idx.msk $0xffff, v25;
	s21 =	sadd.s32 $0xFFFFFBFB, s26;
	v25 =	vld [tilespmem:s7+$0x0];
	s7 =	sld [smem:$0x7DC]  }
0x1f7: {  	v7 =	vld [tilespmem:s28+$0x0];
	s28 =	sor.u32 $0x280, s12;
	v50 =	vor.u32 s21, v0;
	s21 =	sadd.s32 $0xFFFFFBFC, s26  }
0x1f8: {  	s12 =	sor.u32 $0x300, s12;
	v8 =	vld [tilespmem:s28+$0x0];
	[tilespmem:v46+s18+$0x0] =	vst.idx.msk $0xffff, v26;
	v51 =	vor.u32 s21, v0;
	s21 =	sadd.s32 $0xFFFFFBFD, s26  }
0x1f9: {  	v9 =	vld [tilespmem:s12+$0x0];
	s13 =	rddreg [dreg:$0x1a];
	v52 =	vor.u32 s21, v0;
	[tilespmem:v47+s18+$0x0] =	vst.idx.msk $0xffff, v27;
	s21 =	sadd.s32 $0xFFFFFBFE, s26;
	s4 =	sor.u32 s2, s7  }
0x1fa: {  	v53 =	vor.u32 s21, v0;
	[tilespmem:v48+s18+$0x0] =	vst.idx.msk $0xffff, v28;
	s21 =	sor.u32 s2, s13;
	v26 =	vld [tilespmem:s4+$0x0]  }
0x1fb: {  	s6 =	sor.u32 s2, s6;
	s12 =	sadd.s32 $0xFFFFFBFF, s26;
	s4 =	sor.u32 s2, s3;
	v28 =	vld [tilespmem:s21+$0x0];
	[tilespmem:v49+s18+$0x0] =	vst.idx.msk $0xffff, v29  }
0x1fc: {  	s28 =	smov.u32 s22;
	v54 =	vor.u32 s12, v0;
	s13 =	sor.u32 s2, s23;
	v27 =	vld [tilespmem:s4+$0x0];
	s4 =	sadd.s32 $0xFFFFFC00, s26;
	[tilespmem:v50+s18+$0x0] =	vst.idx.msk $0xffff, v30  }
0x1fd: {  	s21 =	sadd.s32 $0xFFFFFDE1, s26;
	v55 =	vor.u32 s4, v0;
	[tilespmem:v51+s18+$0x0] =	vst.idx.msk $0xffff, v1;
	v1 =	vld [tilespmem:s13+$0x0];
	s13 =	sor.u32 s2, s22;
	s22 =	sadd.s32 $0xFFFFFDE4, s26  }
0x1fe: {  	v29 =	vld [tilespmem:s6+$0x0];
	v56 =	vor.u32 s21, v0;
	s21 =	sadd.s32 $0xFFFFFDE2, s26;
	s4 =	sor.u32 s2, s1;
	v59 =	vor.u32 s22, v0;
	s22 =	sld [smem:$0x7DD]  }
0x1ff: {  	s6 =	smov.u32 s1;
	v57 =	vor.u32 s21, v0;
	s1 =	sor.u32 s2, s11;
	v10 =	vld [tilespmem:s4+$0x0];
	[tilespmem:v52+s18+$0x0] =	vst.idx.msk $0xffff, v2;
	s4 =	sadd.s32 $0xFFFFFDE3, s26  }
0x200: {  	s21 =	sadd.s32 $0x30, s17;
	v2 =	vld [tilespmem:s1+$0x0];
	v58 =	vor.u32 s4, v0;
	[tilespmem:v53+s18+$0x0] =	vst.idx.msk $0xffff, v3  }
0x201: {  	v3 =	vld [tilespmem:s13+$0x0];
	s4 =	sadd.s32 $0xFFFFFDE5, s26;
	[tilespmem:v54+s18+$0x0] =	vst.idx.msk $0xffff, v4;
	s1 =	sor.u32 s2, s22;
	s2 =	sand.u32 $0x70, s21  }
0x202: {  	v60 =	vor.u32 s4, v0;
	v4 =	vld [tilespmem:s1+$0x0];
	[tilespmem:v55+s18+$0x0] =	vst.idx.msk $0xffff, v5;
	s12 =	sor.u32 s2, s25;
	s25 =	sadd.s32 $0xFFFFFDE6, s26  }
0x203: {  	s4 =	sadd.s32 $0xFFFFFDE8, s26;
	[tilespmem:v56+s18+$0x0] =	vst.idx.msk $0xffff, v31;
	s1 =	sadd.s32 $0xFFFFFDE7, s26;
	v61 =	vor.u32 s25, v0;
	v5 =	vld [tilespmem:s12+$0x0]  }
0x204: {  	v63 =	vor.u32 s4, v0;
	s4 =	sadd.s32 $0xFFFFFDE9, s26;
	v62 =	vor.u32 s1, v0;
	[tilespmem:v57+s18+$0x0] =	vst.idx.msk $0xffff, v34;
	v30 =	vld [tilespmem:s12+$0x80];
	s25 =	rddreg [dreg:$0x1e]  }
0x205: {  	s3 =	sor.u32 s2, s3;
	v31 =	vld [tilespmem:s12+$0x100];
	s1 =	sadd.s32 $0xFFFFFDEA, s26;
	[tilespmem:v58+s18+$0x0] =	vst.idx.msk $0xffff, v33;
	s13 =	sadd.s32 $0x30, s25  }
0x206: {  	v42 =	vor.u32 s4, v0;
	v41 =	vld [tilespmem:s3+$0x0];
	v43 =	vor.u32 s1, v0;
	s1 =	sadd.s32 $0xFFFFFDEB, s26;
	s25 =	sadd.s32 $0xFFFFFDEC, s26;
	[tilespmem:v59+s18+$0x0] =	vst.idx.msk $0xffff, v6;
	s4 =	sor.u32 $0x200, s13  }
0x207: {  	v44 =	vor.u32 s1, v0;
	s1 =	sor.u32 $0x300, s13;
	v45 =	vor.u32 s25, v0;
	s25 =	sld [smem:$0x7DE];
	v6 =	vld [tilespmem:s4+$0x0];
	[tilespmem:v60+s18+$0x0] =	vst.idx.msk $0xffff, v7;
	s4 =	sor.u32 $0x280, s13  }
0x208: {  	s13 =	sadd.s32 $0xFFFFFDEF, s26;
	v7 =	vld [tilespmem:s4+$0x0];
	s4 =	sor.u32 s21, s0;
	s21 =	sadd.s32 $0xFFFFFDEE, s26;
	[tilespmem:v61+s18+$0x0] =	vst.idx.msk $0xffff, v8  }
0x209: {  	v8 =	vld [tilespmem:s1+$0x0];
	s1 =	sor.u32 $0x380, s4;
	s4 =	sadd.s32 $0xFFFFFDED, s26;
	v47 =	vor.u32 s21, v0;
	s21 =	sor.u32 s2, s31;
	[tilespmem:v62+s18+$0x0] =	vst.idx.msk $0xffff, v9  }
0x20a: {  	v33 =	vld [tilespmem:s12+$0x180];
	s31 =	sor.u32 s2, s8;
	s8 =	sor.u32 s2, s14;
	s14 =	sadd.s32 $0xFFFFFDF4, s26;
	v46 =	vor.u32 s4, v0;
	[tilespmem:v63+s18+$0x0] =	vst.idx.msk $0xffff, v32  }
0x20b: {  	v9 =	vld [tilespmem:s1+$0x0];
	v53 =	vor.u32 s14, v0;
	s14 =	sor.u32 s2, s16;
	s16 =	sor.u32 s2, s30;
	s30 =	sor.u32 s2, s7;
	[tilespmem:v42+s18+$0x0] =	vst.idx.msk $0xffff, v11  }
0x20c: {  	v48 =	vor.u32 s13, v0;
	s4 =	sor.u32 s2, s25;
	s25 =	sadd.s32 $0xFFFFFDF0, s26;
	v63 =	vld [tilespmem:s30+$0x0];
	[tilespmem:v43+s18+$0x0] =	vst.idx.msk $0xffff, v12  }
0x20d: {  	s1 =	sadd.s32 $0xFFFFFDF1, s26;
	v49 =	vor.u32 s25, v0;
	v11 =	vld [tilespmem:s4+$0x0];
	[tilespmem:v44+s18+$0x0] =	vst.idx.msk $0xffff, v13  }
0x20e: {  	v50 =	vor.u32 s1, v0;
	s4 =	sor.u32 s2, s5;
	s5 =	sadd.s32 $0xFFFFFDF2, s26;
	v12 =	vld [tilespmem:s21+$0x0];
	[tilespmem:v45+s18+$0x0] =	vst.idx.msk $0xffff, v14  }
0x20f: {  	s12 =	sadd.s32 $0xFFFFFDF3, s26;
	v51 =	vor.u32 s5, v0;
	v13 =	vld [tilespmem:s31+$0x0];
	[tilespmem:v46+s18+$0x0] =	vst.idx.msk $0xffff, v15  }
0x210: {  	v52 =	vor.u32 s12, v0;
	v14 =	vld [tilespmem:s4+$0x0];
	[tilespmem:v47+s18+$0x0] =	vst.idx.msk $0xffff, v16  }
0x211: {  	s13 =	sor.u32 s2, s29;
	s7 =	rddreg [dreg:$0x1a];
	s25 =	sadd.s32 $0xFFFFFDF5, s26;
	v15 =	vld [tilespmem:s8+$0x0];
	[tilespmem:v48+s18+$0x0] =	vst.idx.msk $0xffff, v17  }
0x212: {  	v54 =	vor.u32 s25, v0;
	s31 =	sadd.s32 $0xFFFFFDF6, s26;
	s8 =	sor.u32 s2, s7;
	v16 =	vld [tilespmem:s13+$0x0];
	[tilespmem:v49+s18+$0x0] =	vst.idx.msk $0xffff, v18  }
0x213: {  	s9 =	sor.u32 s2, s9;
	s1 =	sadd.s32 $0xFFFFFDF7, s26;
	s21 =	sor.u32 s2, s10;
	v55 =	vor.u32 s31, v0;
	v43 =	vld [tilespmem:s8+$0x0];
	[tilespmem:v50+s18+$0x0] =	vst.idx.msk $0xffff, v19  }
0x214: {  	v56 =	vor.u32 s1, v0;
	s5 =	sor.u32 s2, s15;
	s15 =	sadd.s32 $0xFFFFFDFA, s26;
	v19 =	vld [tilespmem:s9+$0x0];
	s9 =	sadd.s32 $0xFFFFFDF8, s26;
	[tilespmem:v51+s18+$0x0] =	vst.idx.msk $0xffff, v20  }
0x215: {  	v59 =	vor.u32 s15, v0;
	s15 =	sor.u32 s2, s23;
	s13 =	sadd.s32 $0xFFFFFDF9, s26;
	v17 =	vld [tilespmem:s21+$0x0];
	v57 =	vor.u32 s9, v0;
	[tilespmem:v52+s18+$0x0] =	vst.idx.msk $0xffff, v21  }
0x216: {  	s29 =	sor.u32 s2, s19;
	s19 =	sadd.s32 $0xFFFFFDFB, s26;
	s10 =	sld [smem:$0x7DF];
	v58 =	vor.u32 s13, v0;
	v48 =	vld [tilespmem:s15+$0x0];
	[tilespmem:v53+s18+$0x0] =	vst.idx.msk $0xffff, v22  }
0x217: {  	v60 =	vor.u32 s19, v0;
	s19 =	sor.u32 s2, s11;
	v18 =	vld [tilespmem:s29+$0x0];
	[tilespmem:v54+s18+$0x0] =	vst.idx.msk $0xffff, v23  }
0x218: {  	s23 =	sor.u32 s2, s28;
	s21 =	sor.u32 s2, s24;
	s24 =	sadd.s32 $0xFFFFFDFC, s26;
	v49 =	vld [tilespmem:s19+$0x0];
	[tilespmem:v55+s18+$0x0] =	vst.idx.msk $0xffff, v24  }
0x219: {  	s12 =	sor.u32 s2, s10;
	s10 =	sld [smem:$0x7E1];
	v61 =	vor.u32 s24, v0;
	s29 =	sadd.s32 $0xFFFFFDFD, s26;
	v50 =	vld [tilespmem:s23+$0x0];
	[tilespmem:v56+s18+$0x0] =	vst.idx.msk $0xffff, v25  }
0x21a: {  	s31 =	sadd.s32 $0xFFFFFDFE, s26;
	v62 =	vor.u32 s29, v0;
	v20 =	vld [tilespmem:s5+$0x0];
	[tilespmem:v57+s18+$0x0] =	vst.idx.msk $0xffff, v26  }
0x21b: {  	v40 =	vor.u32 s31, v0;
	s5 =	sadd.s32 $0xFFFFFDFF, s26;
	v21 =	vld [tilespmem:s12+$0x0];
	[tilespmem:v58+s18+$0x0] =	vst.idx.msk $0xffff, v27  }
0x21c: {  	s13 =	sadd.s32 $0xFFFFFFE1, s26;
	v42 =	vor.u32 s5, v0;
	s12 =	sor.u32 s2, s10;
	v22 =	vld [tilespmem:s14+$0x0];
	[tilespmem:v59+s18+$0x0] =	vst.idx.msk $0xffff, v28  }
0x21d: {  	s25 =	sld [smem:$0x7E0];
	v47 =	vor.u32 s13, v0;
	s9 =	sadd.s32 $0xFFFFFE00, s26;
	v45 =	vld [tilespmem:s12+$0x0];
	[tilespmem:v60+s18+$0x0] =	vst.idx.msk $0xffff, v29  }
0x21e: {  	v44 =	vor.u32 s9, v0;
	v23 =	vld [tilespmem:s16+$0x0];
	s16 =	sadd.s32 $0xFFFFFFE2, s26;
	[tilespmem:v61+s18+$0x0] =	vst.idx.msk $0xffff, v10  }
0x21f: {  	s14 =	sor.u32 s2, s6;
	v24 =	vld [tilespmem:s21+$0x0];
	s21 =	sadd.s32 $0xFFFFFFE3, s26;
	[tilespmem:v62+s18+$0x0] =	vst.idx.msk $0xffff, v1;
	v1 =	vor.u32 s16, v0  }
0x220: {  	s4 =	sor.u32 s2, s25;
	s24 =	sadd.s32 $0xFFFFFFE4, s26;
	s2 =	sor.u32 s2, s22;
	v46 =	vld [tilespmem:s14+$0x0];
	[tilespmem:v40+s18+$0x0] =	vst.idx.msk $0xffff, v2;
	v2 =	vor.u32 s21, v0  }
0x221: {  	s25 =	sadd.s32 $0xFFFFFFE5, s26;
	v51 =	vld [tilespmem:s2+$0x0];
	[tilespmem:v42+s18+$0x0] =	vst.idx.msk $0xffff, v3;
	v3 =	vor.u32 s24, v0  }
0x222: {  	s29 =	sadd.s32 $0xFFFFFFE6, s26;
	v52 =	vor.u32 s25, v0;
	v25 =	vld [tilespmem:s4+$0x0];
	[tilespmem:v47+s18+$0x0] =	vst.idx.msk $0xffff, v5  }
0x223: {  	s30 =	sadd.s32 $0xFFFFFFE7, s26;
	v53 =	vor.u32 s29, v0;
	[tilespmem:v44+s18+$0x0] =	vst.idx.msk $0xffff, v4  }
0x224: {  	s31 =	sadd.s32 $0xFFFFFFE8, s26;
	[tilespmem:v1+s18+$0x0] =	vst.idx.msk $0xffff, v30;
	v1 =	vor.u32 s30, v0  }
0x225: {  	s2 =	sadd.s32 $0xFFFFFFE9, s26;
	[tilespmem:v2+s18+$0x0] =	vst.idx.msk $0xffff, v31;
	v2 =	vor.u32 s31, v0  }
0x226: {  	s3 =	sadd.s32 $0xFFFFFFEA, s26;
	[tilespmem:v3+s18+$0x0] =	vst.idx.msk $0xffff, v33;
	v3 =	vor.u32 s2, v0  }
0x227: {  	v54 =	vor.u32 s3, v0;
	s4 =	sadd.s32 $0xFFFFFFEB, s26;
	[tilespmem:v52+s18+$0x0] =	vst.idx.msk $0xffff, v6  }
0x228: {  	s5 =	sadd.s32 $0xFFFFFFEC, s26;
	v55 =	vor.u32 s4, v0;
	[tilespmem:v53+s18+$0x0] =	vst.idx.msk $0xffff, v7  }
0x229: {  	s6 =	sadd.s32 $0xFFFFFFED, s26;
	[tilespmem:v1+s18+$0x0] =	vst.idx.msk $0xffff, v8;
	v1 =	vor.u32 s5, v0  }
0x22a: {  	s7 =	sadd.s32 $0xFFFFFFEE, s26;
	[tilespmem:v2+s18+$0x0] =	vst.idx.msk $0xffff, v9;
	v2 =	vor.u32 s6, v0  }
0x22b: {  	s8 =	sadd.s32 $0xFFFFFFEF, s26;
	[tilespmem:v3+s18+$0x0] =	vst.idx.msk $0xffff, v11;
	v3 =	vor.u32 s7, v0  }
0x22c: {  	s9 =	sadd.s32 $0xFFFFFFF0, s26;
	v56 =	vor.u32 s8, v0;
	[tilespmem:v54+s18+$0x0] =	vst.idx.msk $0xffff, v12  }
0x22d: {  	s10 =	sadd.s32 $0xFFFFFFF1, s26;
	v57 =	vor.u32 s9, v0;
	[tilespmem:v55+s18+$0x0] =	vst.idx.msk $0xffff, v13  }
0x22e: {  	s11 =	sadd.s32 $0xFFFFFFF2, s26;
	[tilespmem:v1+s18+$0x0] =	vst.idx.msk $0xffff, v14;
	v1 =	vor.u32 s10, v0  }
0x22f: {  	s12 =	sadd.s32 $0xFFFFFFF3, s26;
	[tilespmem:v2+s18+$0x0] =	vst.idx.msk $0xffff, v15;
	v2 =	vor.u32 s11, v0  }
0x230: {  	s13 =	sadd.s32 $0xFFFFFFF4, s26;
	[tilespmem:v3+s18+$0x0] =	vst.idx.msk $0xffff, v16;
	v3 =	vor.u32 s12, v0  }
0x231: {  	s14 =	sadd.s32 $0xFFFFFFF5, s26;
	v58 =	vor.u32 s13, v0;
	[tilespmem:v56+s18+$0x0] =	vst.idx.msk $0xffff, v17  }
0x232: {  	s15 =	sadd.s32 $0xFFFFFFF6, s26;
	v59 =	vor.u32 s14, v0;
	[tilespmem:v57+s18+$0x0] =	vst.idx.msk $0xffff, v18  }
0x233: {  	s16 =	sadd.s32 $0xFFFFFFF7, s26;
	[tilespmem:v1+s18+$0x0] =	vst.idx.msk $0xffff, v19;
	v1 =	vor.u32 s15, v0  }
0x234: {  	s19 =	sadd.s32 $0xFFFFFFF8, s26;
	[tilespmem:v2+s18+$0x0] =	vst.idx.msk $0xffff, v20;
	v2 =	vor.u32 s16, v0  }
0x235: {  	s21 =	sadd.s32 $0xFFFFFFF9, s26;
	[tilespmem:v3+s18+$0x0] =	vst.idx.msk $0xffff, v21;
	v3 =	vor.u32 s19, v0  }
0x236: {  	s22 =	sadd.s32 $0xFFFFFFFA, s26;
	v60 =	vor.u32 s21, v0;
	[tilespmem:v58+s18+$0x0] =	vst.idx.msk $0xffff, v22  }
0x237: {  	s23 =	sadd.s32 $0xFFFFFFFB, s26;
	v61 =	vor.u32 s22, v0;
	[tilespmem:v59+s18+$0x0] =	vst.idx.msk $0xffff, v23  }
0x238: {  	s24 =	sadd.s32 $0xFFFFFFFC, s26;
	[tilespmem:v1+s18+$0x0] =	vst.idx.msk $0xffff, v24;
	v1 =	vor.u32 s23, v0  }
0x239: {  	s25 =	sadd.s32 $0xFFFFFFFD, s26;
	[tilespmem:v2+s18+$0x0] =	vst.idx.msk $0xffff, v25;
	v2 =	vor.u32 s24, v0  }
0x23a: {  	s29 =	sadd.s32 $0xFFFFFFFE, s26;
	[tilespmem:v3+s18+$0x0] =	vst.idx.msk $0xffff, v63;
	v3 =	vor.u32 s25, v0  }
0x23b: {  	v62 =	vor.u32 s29, v0;
	s30 =	sadd.s32 $0xFFFFFFFF, s26;
	[tilespmem:v60+s18+$0x0] =	vst.idx.msk $0xffff, v41  }
0x23c: {  	v63 =	vor.u32 s30, v0;
	[tilespmem:v61+s18+$0x0] =	vst.idx.msk $0xffff, v43  }
0x23d: {  	p2 =	slt.u32 s17, $0x1C0;
	[tilespmem:v1+s18+$0x0] =	vst.idx.msk $0xffff, v45;
	v1 =	vor.u32 s26, v0  }
.Ltmp6:
0x23e: {  	[tilespmem:v2+s18+$0x0] =	vst.idx.msk $0xffff, v46;
	(pc) =	sbr.rel @p2 .LBB2_9-.Ltmp6, $4  }
0x23f: {  	[tilespmem:v3+s18+$0x0] =	vst.idx.msk $0xffff, v48  }
0x240: {  	p1 =	por !p1, !p1;
	s28 =	rddreg [dreg:$0x13];
	[tilespmem:v62+s18+$0x0] =	vst.idx.msk $0xffff, v49  }
0x241: {  	s17 =	sadd.s32 $0x40, s17;
	s0 =	sadd.s32 $0x200, s0;
	s31 =	rddreg [dreg:$0x17];
	[tilespmem:v63+s18+$0x0] =	vst.idx.msk $0xffff, v50  }
0x242: {  	s28 =	sadd.s32 $0x4, s28;
	s9 =	sadd.s32 $0x2, s31;
	s26 =	sadd.s32 $0x800, s26;
	[tilespmem:v1+s18+$0x0] =	vst.idx.msk $0xffff, v51  }
0x243: {  	s1 =	simm.s32 $0x0;
	s0 =	rddreg [dreg:$0xa];
	s2 =	simm.s32 $0x5  }
0x244: {  	[hbm4b:s0+s1] =	stream.linear.scatter [tilespmem:s18], [sflag:$0x5], $0x4000, $0x38;
	[tilespmem:$0x10000] =	vst v63  }
0x245: {  	_ =	swait.ge [sflag:s2], $0x4000  }
0x246: {  	[sflag:s2] =	ssyncset.done $0x0  }
0x247: {  	[sflag:s2] =	ssyncadd.s32 $0xFFFFC000  }
0x248: {  	s30 =	rddreg [dreg:$0x1]  }
0x249: {  	[tilespmem:s20], [sflag:$0x5] =	stream.linear.gather [hbm4b:s30+s1], $0x800, $0x38;
	[tilespmem:$0x10000] =	vst v63  }
0x24a: {  	_ =	swait.ge [sflag:s2], $0x800  }
0x24b: {  	[sflag:s2] =	ssyncset.done $0x0  }
.Ltmp7:
0x24c: {  	s31 =	rddreg [dreg:$0xb];
	[sflag:s2] =	ssyncadd.s32 $0xFFFFF800;
	(pc) =	sbr.rel .LBB2_11-.Ltmp7, $4  }
0x24d: {  	[hbm4b:s31+s1] =	stream.linear.scatter [tilespmem:s20], [sflag:$0x5], $0x800, $0x38;
	[tilespmem:$0x10000] =	vst v63  }
0x24e: {  	_ =	swait.ge [sflag:s2], $0x800  }
0x24f: {  	[sflag:s2] =	ssyncset.done $0x0  }
0x250: {  	s1 =	rddreg [dreg:$0xd];
	[sflag:s2] =	ssyncadd.s32 $0xFFFFF800  }
.LBB2_12:
0x251: {  	_ =	sfence.sel $0x180000  }
0x252: {  	[bflag:$0x0] =	sbarrier.arrive $0xFFFF  }
0x253: {  	_ =	strace $0x90000047  }
0x254: {  	s0 =	stileid.u32;
	[bflag:$0x2] =	sbarrier.arrive $0xFFFF  }
0x255: {  	p0 =	sne.s32 s0, $0x0;
	s0 =	rddreg [dreg:$0x3]  }
0x256: {  	s0 =	sadd.s32 @!p0 $0x100000, s0  }
0x257: {  	[sflag:s0] =	ssyncadd.tile.s32 @!p0 $0x1;
	_ =	shalt  }
.Lfunc_end2:
_tile_overlayer_lowered:
.L_overlay_start_2:
0x258: {  	(tag) =	ssettag $0x2  }
0x259: {  	s0 =	rddreg [dreg:$0x0];
	s2 =	stileid.u32  }
0x25a: {  	s1 =	rddreg [dreg:$0x1];
	p0 =	sne.s32 s2, $0x0  }
0x25b: {  	s3 =	rddreg [dreg:$0x2];
	[bflag:$0x3] =	sbarrier.arrive $0xFFFF;
	s2 =	simm.s32 @!p0 $0x1C05  }
0x25c: {  	[timem:s3], [sflag:s2] =	dma.local @!p0 [hbm:s0], s1  }
0x25d: {  	s0 =	simm.s32 @!p0 $0x5  }
0x25e: {  	_ =	swait.ge @!p0 [sflag:s0], s1  }
0x25f: {  	s1 =	ssub.s32 @!p0 $0x0, s1;
	[sflag:s0] =	ssyncset.done @!p0 $0x0  }
0x260: {  	[sflag:s0] =	ssyncadd.s32 @!p0 s1  }
0x261: {  	[bflag:$0x3] =	sbarrier.arrive $0xFFFF  }
0x262: {  	_ =	shalt  }

// kernel: _run.7.cloned.1.call-start
scs
__scs_entry_jumppad:
0x0: {  	(pc) =	sbr.rel $0x88, $3  }
0x1: {  	(tag) =	ssettag $0x0;
	lr =	simm.s32 $0x1  }
0x2: {  	[smem:$0x3F9C] =	sst lr;
	_ =	strace $0xD0000000  }
0x3: {  	_ = 	snop  }
0x4: {  	_ = 	snop  }
0x5: {  	_ = 	snop  }
0x6: {  	_ = 	snop  }
0x7: {  	_ = 	snop  }
__scs_overlays_trampoline_lowered:
0x8: {  	[smem:$0x3FAB] =	sst s0  }
0x9: {  	[smem:$0x3FAC] =	sst s1  }
0xa: {  	[smem:$0x3FAD] =	sst s2  }
0xb: {  	[smem:$0x3FAE] =	sst s3  }
0xc: {  	[smem:$0x3FAF] =	sst s4  }
0xd: {  	[smem:$0x3FB0] =	sst s5  }
0xe: {  	[smem:$0x3FB1] =	sst s6  }
0xf: {  	[smem:$0x3FB2] =	sst s7  }
0x10: {  	[smem:$0x3FB3] =	sst s8  }
0x11: {  	[smem:$0x3FB4] =	sst s9;
	s0 =	simm.s32 @!p0 $0x0  }
0x12: {  	s1 =	sld [smem:$0x3F9A];
	s0 =	simm.s32 @p0 $0x1  }
0x13: {  	[smem:$0x3FB5] =	sst s0;
	s0 =	simm.s32 @!p1 $0x0  }
0x14: {  	s2 =	sld [smem:$0x3F99];
	s0 =	simm.s32 @p1 $0x1  }
0x15: {  	[smem:$0x3FB6] =	sst s0;
	s0 =	simm.s32 @!p2 $0x0  }
0x16: {  	s3 =	sld [smem:$0x3FDB];
	s0 =	simm.s32 @p2 $0x1  }
0x17: {  	s4 =	simm.s32 $0x1BF5;
	[smem:$0x3FB8] =	sst s0  }
0x18: {  	s0 =	sld [smem:$0x3F9B];
	_ =	swait.ge [sflag:s4], $0x0  }
0x19: {  	s7 =	sld [smem:$0x3F9C]  }
0x1a: {  	s8 =	sadd.s32 $0xFFFFE003, lr  }
0x1b: {  	s9 =	sadd.s32 $0xFFFFFEF7, lr;
	s5 =	simm.s32 $0xFFFFFFFF;
	p2 =	slt.u32 s8, $0xFFFFF086  }
0x1c: {  	p1 =	slt.u32 s9, $0xF7A;
	s5 =	simm.s32 @!p2 $0x0  }
0x1d: {  	s5 =	simm.s32 @p1 $0x1;
	p0 =	seq.s32 s7, s2  }
0x1e: {  	s7 =	smul.u32 @!p0 $0xF7A, s2;
	p2 =	seq.s32 @!p0 s5, $0x0  }
0x1f: {  	s9 =	smul.u32 $0xF7A, s1;
	s8 =	simm.s32 @!p0 $0x1BF5;
	p2 =	por !p2, p0  }
0x20: {  	[sflag:s8] =	ssyncset.s32 @!p0 $0xFFFFF086;
	s6 =	sadd.s32 @!p0 s3, s7;
	s7 =	simm.s32 @!p0 $0x108  }
0x21: {  	s3 =	sadd.s32 s3, s9;
	s6 =	sadd.s32 @!p0 $0x88, s6;
	s7 =	simm.s32 @p2 $0x1082  }
0x22: {  	[simem:s7], [sflag:s8] =	dma.local @!p0 [hbm:s6], $0xF7A  }
0x23: {  	s9 =	sor.u32 $0xD0000000, s2;
	s6 =	simm.s32 $0x108;
	_ =	swait.ge @!p0 [sflag:s8], $0x0  }
0x24: {  	s3 =	sadd.s32 $0x88, s3;
	s6 =	simm.s32 @!p1 $0x1082;
	[sflag:s4] =	ssyncset.s32 $0xFFFFF086  }
0x25: {  	[simem:s6], [sflag:s4] =	dma.local [hbm:s3], $0xF7A  }
0x26: {  	[smem:$0x3F9C] =	sst s1;
	(tag) =	ssettag s2;
	_ =	strace s9  }
0x27: {  	s1 =	sld [smem:$0x3FAC]  }
0x28: {  	s2 =	sld [smem:$0x3FAD]  }
0x29: {  	s4 =	sld [smem:$0x3FAF]  }
0x2a: {  	p0 =	seq.s32 s5, $0x0;
	s5 =	sld [smem:$0x3FB0]  }
0x2b: {  	s6 =	sld [smem:$0x3FB1]  }
0x2c: {  	s7 =	sld [smem:$0x3FB2]  }
0x2d: {  	s3 =	simm.s32 $0x108;
	s8 =	sld [smem:$0x3FB3]  }
0x2e: {  	s3 =	simm.s32 @!p0 $0x1082;
	s9 =	sld [smem:$0x3FB4]  }
0x2f: {  	lr =	sadd.s32 s0, s3;
	s0 =	sld [smem:$0x3FAB]  }
0x30: {  	s3 =	sld [smem:$0x3FAE]  }
0x31: {  	[smem:$0x3FB7] =	sst s10  }
0x32: {  	s10 =	sld [smem:$0x3FB5];
	_ =	sdelay $0x3  }
0x33: {  	p0 =	seq.s32 s10, $0x1;
	s10 =	sld [smem:$0x3FB7];
	_ =	sdelay $0x3  }
0x34: {  	[smem:$0x3FB7] =	sst s10  }
0x35: {  	s10 =	sld [smem:$0x3FB6];
	_ =	sdelay $0x3  }
0x36: {  	p1 =	seq.s32 s10, $0x1;
	s10 =	sld [smem:$0x3FB7];
	_ =	sdelay $0x3  }
0x37: {  	[smem:$0x3FB7] =	sst s10  }
0x38: {  	s10 =	sld [smem:$0x3FB8]  }
0x39: {  	_ = 	snop;
	(pc) =	sbr.ind lr, $3  }
0x3a: {  	_ = 	snop  }
0x3b: {  	_ = 	snop  }
0x3c: {  	p2 =	seq.s32 s10, $0x1;
	s10 =	sld [smem:$0x3FB7]  }
0x3d: {  	_ =	shalt  }
0x3e: {  	_ =	shalt  }
0x3f: {  	_ =	shalt  }
0x40: {  	_ =	shalt  }
0x41: {  	_ =	shalt  }
0x42: {  	_ =	shalt  }
0x43: {  	_ =	shalt  }
0x44: {  	_ =	shalt  }
0x45: {  	_ =	shalt  }
0x46: {  	_ =	shalt  }
0x47: {  	_ =	shalt  }
0x48: {  	_ =	shalt  }
0x49: {  	_ =	shalt  }
0x4a: {  	_ =	shalt  }
0x4b: {  	_ =	shalt  }
0x4c: {  	_ =	shalt  }
0x4d: {  	_ =	shalt  }
0x4e: {  	_ =	shalt  }
0x4f: {  	_ =	shalt  }
0x50: {  	_ =	shalt  }
0x51: {  	_ =	shalt  }
0x52: {  	_ =	shalt  }
0x53: {  	_ =	shalt  }
0x54: {  	_ =	shalt  }
0x55: {  	_ =	shalt  }
0x56: {  	_ =	shalt  }
0x57: {  	_ =	shalt  }
0x58: {  	_ =	shalt  }
0x59: {  	_ =	shalt  }
0x5a: {  	_ =	shalt  }
0x5b: {  	_ =	shalt  }
0x5c: {  	_ =	shalt  }
0x5d: {  	_ =	shalt  }
0x5e: {  	_ =	shalt  }
0x5f: {  	_ =	shalt  }
0x60: {  	_ =	shalt  }
0x61: {  	_ =	shalt  }
0x62: {  	_ =	shalt  }
0x63: {  	_ =	shalt  }
0x64: {  	_ =	shalt  }
0x65: {  	_ =	shalt  }
0x66: {  	_ =	shalt  }
0x67: {  	_ =	shalt  }
0x68: {  	_ =	shalt  }
0x69: {  	_ =	shalt  }
0x6a: {  	_ =	shalt  }
0x6b: {  	_ =	shalt  }
0x6c: {  	_ =	shalt  }
0x6d: {  	_ =	shalt  }
0x6e: {  	_ =	shalt  }
0x6f: {  	_ =	shalt  }
0x70: {  	_ =	shalt  }
0x71: {  	_ =	shalt  }
0x72: {  	_ =	shalt  }
0x73: {  	_ =	shalt  }
0x74: {  	_ =	shalt  }
0x75: {  	_ =	shalt  }
0x76: {  	_ =	shalt  }
0x77: {  	_ =	shalt  }
0x78: {  	_ =	shalt  }
0x79: {  	_ =	shalt  }
0x7a: {  	_ =	shalt  }
0x7b: {  	_ =	shalt  }
0x7c: {  	_ =	shalt  }
0x7d: {  	_ =	shalt  }
0x7e: {  	_ =	shalt  }
0x7f: {  	_ =	shalt  }
0x80: {  	_ =	shalt  }
0x81: {  	_ =	shalt  }
0x82: {  	_ =	shalt  }
0x83: {  	_ =	shalt  }
0x84: {  	_ =	shalt  }
0x85: {  	_ =	shalt  }
0x86: {  	_ =	shalt  }
0x87: {  	_ =	shalt  }
.Lfunc_end0:
.L_simem_size_0:
called_computation.1_lowered:
.L_overlay_start_0:
0x88: {  	s2 =	sld [smem:$0x3FD9]  }
0x89: {  	s3 =	sld [smem:$0x3FFE];
	_ =	sdelay $0x1  }
0x8a: {  	s1 =	srdreg.scid  }
0x8b: {  	s0 =	sand.u32 $0x1, s1  }
0x8c: {  	s17 =	sshll.u32 s0, $0xA;
	s2 =	sadd.s32 s3, s2  }
0x8d: {  	s2 =	sadd.s32 s2, s17  }
0x8e: {  	[smem:$0x3FC3] =	sst s2  }
0x8f: {  	_ = 	snop  }
0x90: {  	s2 =	sld [smem:$0x3FD0];
	(tm) =	ssettm $0x1  }
0x91: {  	s18 =	sld [smem:$0x3FFB];
	_ =	sdelay $0x3  }
0x92: {  	_ =	strace s18  }
0x93: {  	s3 =	sld [smem:$0x3FFC];
	_ =	sdelay $0x3  }
0x94: {  	_ =	strace s3  }
0x95: {  	s3 =	sld [smem:$0x3FFD];
	_ =	sdelay $0x3  }
0x96: {  	_ =	strace s3  }
0x97: {  	_ =	strace $0x8FFFFFFF  }
0x98: {  	s19 =	sld [smem:$0x3FDB];
	_ =	sdelay $0x1  }
0x99: {  	s4 =	simm.s32 $_scs_section_size  }
0x9a: {  	s5 =	simm.s32 $_size__tile_overlayer_lowered;
	s6 =	simm.s32 $_tile_overlayer_lowered  }
0x9b: {  	s22 =	simm.s32 $0x1BFF;
	s21 =	sshll.u32 s6, $0x1;
	s3 =	sadd.s32 s4, s19  }
0x9c: {  	s7 =	simm.s32 $0x0;
	s20 =	sshll.u32 s5, $0x1;
	s5 =	sadd.s32 s21, s3  }
0x9d: {  	[timem:s7], [sflag:s22] =	dma.local [hbm:s5], s20  }
0x9e: {  	_ =	swait.ge [sflag:s22], s20  }
0x9f: {  	s4 =	ssub.s32 $0x0, s20;
	[sflag:s22] =	ssyncset.done $0x0  }
0xa0: {  	[sflag:s22] =	ssyncadd.s32 s4;
	_ =	sdelay $0x1  }
0xa1: {  	s23 =	simm.s32 $0x1B8B  }
0xa2: {  	_ =	swait.ge [sflag:s23], $0x1  }
0xa3: {  	[sflag:s23] =	ssyncset.done $0x0  }
0xa4: {  	s25 =	simm.s32 $0x1B8E;
	s24 =	sld [smem:$0x3FFE];
	[sflag:s23] =	ssyncadd.s32 $0xFFFFFFFF  }
0xa5: {  	s26 =	simm.s32 $execute0_lowered;
	[smem:$0x3FD2] =	sst s25  }
0xa6: {  	s5 =	sshll.u32 s26, $0x1;
	_ =	strace $0x80000049;
	[dreg:$0x1] =	wrdreg $0xFFFFFFFF  }
0xa7: {  	s28 =	simm.s32 $_size_execute0_lowered;
	s3 =	sadd.s32 s3, s5;
	[dreg:$0x0] =	wrdreg $0x0  }
0xa8: {  	s5 =	sshll.u32 s28, $0x1;
	[dreg:$0x2] =	wrdreg s3  }
0xa9: {  	[dreg:$0x3] =	wrdreg s5  }
0xaa: {  	[dreg:$0x4] =	wrdreg $0xC0  }
0xab: {  	_ =	task [dreg:s7], $0x5FFFF  }
0xac: {  	[dreg:$0x1] =	wrdreg $0xFFFFFFFF  }
0xad: {  	[dreg:$0x0] =	wrdreg $0x60  }
0xae: {  	[dreg:$0x2] =	wrdreg s24  }
0xaf: {  	[dreg:$0x3] =	wrdreg s2  }
0xb0: {  	[dreg:$0x4] =	wrdreg $0x9  }
0xb1: {  	_ =	task.clear_ibuf [dreg:s7], $0x5FFFF;
	_ =	strace $0x90000049  }
0xb2: {  	s29 =	simm.s32 $0x9;
	_ =	strace $0x8000004B  }
0xb3: {  	_ =	swait.ge [sflag:s29], $0x1  }
0xb4: {  	[sflag:s29] =	ssyncadd.s32 $0xFFFFFFFF  }
0xb5: {  	_ =	strace $0x9000004B  }
0xb6: {  	_ =	sfence  }
0xb7: {  	s30 =	sld [smem:$0x0];
	_ =	sdelay $0x2  }
0xb8: {  	s31 =	sshll.u32 s1, $0xD;
	s1 =	sshrl.u32 s1, $0x2  }
0xb9: {  	s3 =	sand.u32 $0x4000, s31;
	s1 =	sadd.s32 s1, s30  }
0xba: {  	s0 =	sor.u32 s3, s0;
	s1 =	sshll.u32 s1, $0x11  }
0xbb: {  	s0 =	sor.u32 s1, s0  }
0xbc: {  	s0 =	sadd.s32 $0x8F2B, s0  }
0xbd: {  	[sflag:s0] =	ssyncadd.remote.s32 $0x1  }
0xbe: {  	_ =	sfence.sel $0xFFFF  }
0xbf: {  	[dreg:$0x0] =	wrdreg $0xFFFFFFFF;
	(pc) =	sbr.abs _section_cstart, $3  }
0xc0: {  	[dreg:$0x1] =	wrdreg $0xFFFFFFFF  }
0xc1: {  	_ =	task.clear_ibuf [dreg:s7], $0x2FFFF;
	_ =	strace $0x9FFFFFFF  }
0xc2: {  	(tm) =	ssettm $0x7FFFFFFF  }
0xc3: {  	_ =	shalt  }
tec
execute0_lowered:
.L_overlay_start_1:
0x0: {  	(tag) =	ssettag $0x1  }
0x1: {  	s1 =	srdreg.scid  }
0x2: {  	v0 =	vimm.s32 $0xFEDCBA98;
	s4 =	rddreg [dreg:$0x0];
	s0 =	stileid.u32;
	v1 =	vimm.s32 $0x76543210  }
0x3: {  	s7 =	rddreg [dreg:$0x1];
	s2 =	simm.s32 $0x0;
	v2 =	vimm.s32 $0xBA98FEDC;
	v3 =	vimm.s32 $0x32107654;
	s11 =	simm.s32 $0x12C00  }
0x4: {  	v4 =	vimm.s32 $0xDCFE98BA;
	s12 =	simm.s32 $0xC8;
	s13 =	simm.s32 $0xC800;
	s14 =	simm.s32 $0xE100  }
0x5: {  	v5 =	vimm.s32 $0x54761032;
	v6 =	vimm.s32 $0xEFCDAB89;
	s15 =	simm.s32 $0xFA00;
	s16 =	simm.s32 $0x11300;
	s17 =	simm.s32 $0x1  }
0x6: {  	v7 =	vimm.s32 $0x67452301;
	s18 =	simm.s32 $0x2;
	s19 =	simm.s32 $0x12C50;
	s5 =	sand.u32 $0x1, s1;
	v0 =	vunpack.c.l.s4.s8 v0;
	v1 =	vunpack.c.l.s4.s8 v1  }
0x7: {  	s20 =	simm.s32 $0x0;
	s3 =	sshll.u32 s0, $0x8;
	v2 =	vunpack.c.l.s4.s8 v2;
	v3 =	vunpack.c.l.s4.s8 v3;
	v4 =	vunpack.c.l.s4.s8 v4;
	s6 =	sshll.u32 s5, $0x7  }
0x8: {  	s1 =	rddreg [dreg:$0x2];
	v5 =	vunpack.c.l.s4.s8 v5;
	v6 =	vunpack.c.l.s4.s8 v6;
	v7 =	vunpack.c.l.s4.s8 v7;
	s9 =	ssub.s32 $0x2, s5;
	s6 =	sor.u32 s6, s3  }
0x9: {  	[smem:$0x7FF] =	sst s2;
	v0 =	vunpack.c.0.s8.s32 v0;
	v1 =	vunpack.c.0.s8.s32 v1;
	s10 =	sshrl.u32 s9, $0x1;
	v2 =	vunpack.c.0.s8.s32 v2;
	s8 =	smul.u32 $0x19, s6  }
0xa: {  	_ =	strace $0x8000004A;
	s3 =	sadd.s32 $0xE00, s4;
	v3 =	vunpack.c.0.s8.s32 v3;
	v4 =	vunpack.c.0.s8.s32 v4;
	v5 =	vunpack.c.0.s8.s32 v5;
	s9 =	ssub.s32 s9, s10  }
0xb: {  	v6 =	vunpack.c.0.s8.s32 v6;
	v7 =	vunpack.c.0.s8.s32 v7;
	s31 =	sshrl.u32 s6, $0x3;
	s10 =	simm.s32 $0x6400;
	v0 =	vand.u32 $0xF, v0;
	s8 =	sadd.s32 s8, s4  }
0xc: {  	s7 =	sadd.s32 s7, s31;
	s4 =	sadd.s32 $0x403A00, s4;
	v0 =	vcombine.low v0, v1;
	v1 =	vcombine.low v3, v2;
	s5 =	sadd.s32 $0x3D1A00, s8  }
0xd: {  	v2 =	vcombine.low v5, v4;
	v3 =	vcombine.low v7, v6;
	v4 =	vlaneseq.u32;
	s6 =	sadd.s32 $0x3EAA00, s8;
	s8 =	smax.u32 s9, $0x1;
	s9 =	simm.s32 $0x3  }
.LBB2_1:
0xe: {  	[tilespmem:s2], [sflag:$0x3] =	stream.linear.gather [hbm4b:s5+s2], $0x6400, $0x38;
	[tilespmem:$0x12CD0] =	vst v63  }
0xf: {  	_ =	swait.ge [sflag:s9], $0x6400  }
0x10: {  	[sflag:s9] =	ssyncset.done $0x0  }
0x11: {  	[sflag:s9] =	ssyncadd.s32 $0xFFFF9C00  }
0x12: {  	[tilespmem:s10], [sflag:$0x3] =	stream.linear.gather [hbm4b:s6+s2], $0x6400, $0x38;
	[tilespmem:$0x12CD0] =	vst v63  }
0x13: {  	_ =	swait.ge [sflag:s9], $0x6400  }
0x14: {  	[sflag:s9] =	ssyncset.done $0x0  }
0x15: {  	[sflag:s9] =	ssyncadd.s32 $0xFFFF9C00  }
0x16: {  	[tilespmem:s11], [sflag:$0x3] =	stream.linear.gather [hbm4b:s4+s2], $0x50, $0x38;
	[tilespmem:$0x12CD0] =	vst v63  }
0x17: {  	_ =	swait.ge [sflag:s9], $0x50  }
0x18: {  	[sflag:s9] =	ssyncset.done $0x0  }
0x19: {  	[sflag:s9] =	ssyncadd.s32 $0xFFFFFFB0  }
0x1a: {  	v5 =	vld [tilespmem:$0x12C00]  }
0x1b: {  	v6 =	vld [tilespmem:$0x12C10]  }
0x1c: {  	v7 =	vld [tilespmem:$0x12C20]  }
0x1d: {  	v8 =	vld [tilespmem:$0x12C30]  }
0x1e: {  	v9 =	vld [tilespmem:$0x12C40];
	[tilespmem:s13], [sflag:$0x1] =	stream.indirect.gather [hbm4b:s3+s12], $0x20, s2, s12, $0xb8  }
0x1f: {  	s21 =	simm.s32 $0x0  }
0x20: {  	v10 =	vimm.f32 $0.0e+00;
	[tilespmem:s14], [sflag:$0x1] =	stream.indirect.gather [hbm4b:s3+s12], $0x20, s10, s12, $0xb8;
	[tilespmem:$0x12CD0] =	vst v63  }
.LBB2_2:
0x21: {  	s22 =	sshllo.u32 s21, $0x1  }
0x22: {  	s23 =	smul.u32 $0xC8, s22;
	_ =	sdelay $0x1  }
0x23: {  	[tilespmem:s15], [sflag:$0x2] =	stream.indirect.gather [hbm4b:s3+s12], $0x20, s23, s12, $0xb8;
	[tilespmem:$0x12CD0] =	vst v63  }
0x24: {  	s23 =	sadd.s32 $0x6400, s23  }
0x25: {  	[tilespmem:s16], [sflag:$0x2] =	stream.indirect.gather [hbm4b:s3+s12], $0x20, s23, s12, $0xb8;
	[tilespmem:$0x12CD0] =	vst v63  }
0x26: {  	_ =	swait.ge [sflag:s17], $0x1900  }
0x27: {  	[sflag:s17] =	ssyncset.done $0x0  }
0x28: {  	[sflag:s17] =	ssyncadd.s32 $0xFFFFE700  }
0x29: {  	_ =	swait.ge [sflag:s17], $0x1900  }
0x2a: {  	[sflag:s17] =	ssyncset.done $0x0  }
0x2b: {  	s31 =	simm.s32 $0xE180;
	[sflag:s17] =	ssyncadd.s32 $0xFFFFE700  }
0x2c: {  	v16 =	vld [tilespmem:s31+$0x60]  }
0x2d: {  	v14 =	vld [tilespmem:s31+$0x70]  }
0x2e: {  	v22 =	vld [tilespmem:s31+$0x40]  }
0x2f: {  	v15 =	vld [tilespmem:s31+$0x50]  }
0x30: {  	v21 =	vld [tilespmem:s31+$0x20]  }
0x31: {  	v20 =	vld [tilespmem:s31+$0x30]  }
0x32: {  	v23 =	vld [tilespmem:s31+$0x0]  }
0x33: {  	v24 =	vld [tilespmem:s31+$0x10]  }
0x34: {  	v19 =	vld [tilespmem:s31+$0xFFFFFFE0]  }
0x35: {  	v25 =	vld [tilespmem:s31+$0xFFFFFFF0]  }
0x36: {  	v11 =	vld [tilespmem:s31+$0xFFFFFFC0]  }
0x37: {  	v12 =	vld [tilespmem:s31+$0xFFFFFFD0]  }
0x38: {  	v18 =	vld [tilespmem:s31+$0xFFFFFFA0]  }
0x39: {  	v28 =	vld [tilespmem:s31+$0xFFFFFFB0]  }
0x3a: {  	v27 =	vld [tilespmem:s31+$0xFFFFFF80]  }
0x3b: {  	s24 =	simm.s32 $0xC880;
	v29 =	vld [tilespmem:s31+$0xFFFFFF90]  }
0x3c: {  	v13 =	vld [tilespmem:s24+$0xFFFFFF80]  }
0x3d: {  	v17 =	vld [tilespmem:s24+$0xFFFFFFA0]  }
0x3e: {  	v26 =	vld [tilespmem:s24+$0xFFFFFFC0]  }
0x3f: {  	v30 =	vld [tilespmem:s24+$0xFFFFFFE0]  }
0x40: {  	v32 =	vld [tilespmem:s24+$0x0]  }
0x41: {  	v31 =	vimm.f32 $-Inf;
	v33 =	vld [tilespmem:s24+$0x20]  }
0x42: {  	v34 =	vld [tilespmem:s24+$0xFFFFFF90];
	v13 =	vmax.f32 v31, v13  }
0x43: {  	v13 =	vmax.f32 v13, v17;
	v17 =	vld [tilespmem:s24+$0x40]  }
0x44: {  	v61 =	vld [tilespmem:s24+$0xFFFFFFD0];
	v13 =	vmax.f32 v13, v26  }
0x45: {  	v13 =	vmax.f32 v13, v30;
	v30 =	vld [tilespmem:s24+$0xFFFFFFB0]  }
0x46: {  	v26 =	vld [tilespmem:s24+$0x60];
	v13 =	vmax.f32 v13, v32  }
0x47: {  	v33 =	vmax.f32 v13, v33;
	v13 =	vld [tilespmem:s24+$0xFFFFFFF0]  }
0x48: {  	v63 =	vmax.f32 v31, v27;
	v33 =	vmax.f32 v33, v17;
	v17 =	vld [tilespmem:s24+$0x10]  }
0x49: {  	v62 =	vmax.f32 v31, v34;
	v29 =	vmax.f32 v31, v29;
	v27 =	vld [tilespmem:s24+$0x30];
	v18 =	vmax.f32 v63, v18  }
0x4a: {  	v29 =	vmax.f32 v29, v28;
	v28 =	vld [tilespmem:s24+$0x50];
	v31 =	vmax.f32 v18, v11;
	v30 =	vmax.f32 v62, v30  }
0x4b: {  	s25 =	simm.s32 $0x0;
	s26 =	simm.s32 $0xE280;
	s23 =	sshll.u32 s21, $0x1;
	v26 =	vmax.f32 v33, v26;
	v32 =	vmax.f32 v30, v61;
	v30 =	vmax.f32 v29, v12;
	v29 =	vld [tilespmem:s24+$0x70]  }
.LBB2_3:
0x4c: {  	v11 =	vld [tilespmem:s26+$0x60];
	v12 =	vmax.f32 v32, v13;
	v13 =	vmax.f32 v31, v19;
	v18 =	vmax.f32 v30, v25  }
0x4d: {  	v19 =	vld [tilespmem:s26+$0x70];
	v12 =	vmax.f32 v12, v17;
	v13 =	vmax.f32 v13, v23;
	v17 =	vmax.f32 v18, v24  }
0x4e: {  	v18 =	vld [tilespmem:s26+$0x40];
	v12 =	vmax.f32 v12, v27;
	v13 =	vmax.f32 v13, v21;
	v17 =	vmax.f32 v17, v20  }
0x4f: {  	v12 =	vmax.f32 v12, v28;
	v13 =	vmax.f32 v13, v22;
	v17 =	vmax.f32 v17, v15;
	v15 =	vld [tilespmem:s26+$0x50]  }
0x50: {  	v21 =	vld [tilespmem:s26+$0x20];
	v12 =	vmax.f32 v12, v29;
	v27 =	vmax.f32 v13, v16;
	v28 =	vmax.f32 v17, v14  }
0x51: {  	v20 =	vld [tilespmem:s26+$0x30];
	v16 =	vmov v11  }
0x52: {  	v23 =	vld [tilespmem:s26+$0x0];
	v14 =	vmov v19  }
0x53: {  	v24 =	vld [tilespmem:s26+$0x10];
	v22 =	vmov v18  }
0x54: {  	v19 =	vld [tilespmem:s26+$0xFFFFFFE0]  }
0x55: {  	v25 =	vld [tilespmem:s26+$0xFFFFFFF0]  }
0x56: {  	v11 =	vld [tilespmem:s26+$0xFFFFFFC0]  }
0x57: {  	v18 =	vld [tilespmem:s26+$0xFFFFFFD0]  }
0x58: {  	v29 =	vld [tilespmem:s26+$0xFFFFFFA0]  }
0x59: {  	v30 =	vld [tilespmem:s26+$0xFFFFFFB0]  }
0x5a: {  	v31 =	vld [tilespmem:s26+$0xFFFFFF80]  }
0x5b: {  	s24 =	sadd.s32 $0x100, s24;
	v32 =	vld [tilespmem:s26+$0xFFFFFF90]  }
0x5c: {  	v13 =	vld [tilespmem:s24+$0xFFFFFF80]  }
0x5d: {  	v17 =	vld [tilespmem:s24+$0xFFFFFFA0]  }
0x5e: {  	v33 =	vld [tilespmem:s24+$0xFFFFFFC0]  }
0x5f: {  	v34 =	vld [tilespmem:s24+$0xFFFFFFE0]  }
0x60: {  	v35 =	vld [tilespmem:s24+$0x0]  }
0x61: {  	v13 =	vmax.f32 v26, v13;
	v26 =	vld [tilespmem:s24+$0x20]  }
0x62: {  	v13 =	vmax.f32 v13, v17;
	v17 =	vld [tilespmem:s24+$0x40]  }
0x63: {  	v13 =	vmax.f32 v13, v33;
	v33 =	vld [tilespmem:s24+$0x60]  }
0x64: {  	s25 =	sadd.s32 $0x8, s25;
	v36 =	vld [tilespmem:s24+$0xFFFFFF90];
	v13 =	vmax.f32 v13, v34  }
0x65: {  	p0 =	slt.u32 s25, $0xC0;
	v34 =	vld [tilespmem:s24+$0xFFFFFFB0];
	v13 =	vmax.f32 v13, v35  }
0x66: {  	v35 =	vld [tilespmem:s24+$0xFFFFFFD0];
	v26 =	vmax.f32 v13, v26  }
.Ltmp0:
0x67: {  	v13 =	vld [tilespmem:s24+$0xFFFFFFF0];
	v26 =	vmax.f32 v26, v17;
	(pc) =	sbr.rel @p0 .LBB2_3-.Ltmp0, $4  }
0x68: {  	v17 =	vld [tilespmem:s24+$0x10];
	v26 =	vmax.f32 v26, v33  }
0x69: {  	v31 =	vmax.f32 v27, v31;
	v28 =	vmax.f32 v28, v32;
	v12 =	vmax.f32 v12, v36;
	v27 =	vld [tilespmem:s24+$0x30]  }
0x6a: {  	v29 =	vmax.f32 v31, v29;
	v30 =	vmax.f32 v28, v30;
	v12 =	vmax.f32 v12, v34;
	v28 =	vld [tilespmem:s24+$0x50]  }
0x6b: {  	s26 =	sadd.s32 $0x100, s26;
	v31 =	vmax.f32 v29, v11;
	v30 =	vmax.f32 v30, v18;
	v32 =	vmax.f32 v12, v35;
	v29 =	vld [tilespmem:s24+$0x70]  }
0x6c: {  	s24 =	smin.u32 s23, $0x7D  }
0x6d: {  	s24 =	smul.u32 $0xC8, s24;
	_ =	sdelay $0x1  }
0x6e: {  	s25 =	sadd.s32 $0x190, s24  }
0x6f: {  	[tilespmem:s13], [sflag:$0x1] =	stream.indirect.gather [hbm4b:s3+s12], $0x20, s25, s12, $0xb8;
	[tilespmem:$0x12CD0] =	vst v63  }
0x70: {  	s24 =	sadd.s32 $0x6590, s24  }
0x71: {  	[tilespmem:s14], [sflag:$0x1] =	stream.indirect.gather [hbm4b:s3+s12], $0x20, s24, s12, $0xb8;
	[tilespmem:$0x12CD0] =	vst v63  }
0x72: {  	_ =	swait.ge [sflag:s18], $0x1900  }
0x73: {  	[sflag:s18] =	ssyncset.done $0x0  }
0x74: {  	[sflag:s18] =	ssyncadd.s32 $0xFFFFE700  }
0x75: {  	_ =	swait.ge [sflag:s18], $0x1900  }
0x76: {  	[sflag:s18] =	ssyncset.done $0x0  }
0x77: {  	s31 =	simm.s32 $0x11380;
	[sflag:s18] =	ssyncadd.s32 $0xFFFFE700  }
0x78: {  	v12 =	vld [tilespmem:s31+$0x60]  }
0x79: {  	v11 =	vld [tilespmem:s31+$0x70]  }
0x7a: {  	v18 =	vld [tilespmem:s31+$0x40]  }
0x7b: {  	v32 =	vmax.f32 v32, v13;
	v13 =	vld [tilespmem:s31+$0x50]  }
0x7c: {  	v32 =	vmax.f32 v32, v17;
	v17 =	vld [tilespmem:s31+$0x20]  }
0x7d: {  	v31 =	vmax.f32 v31, v19;
	v19 =	vld [tilespmem:s31+$0x30]  }
0x7e: {  	v25 =	vmax.f32 v30, v25;
	v30 =	vmax.f32 v31, v23;
	v27 =	vmax.f32 v32, v27;
	v23 =	vld [tilespmem:s31+$0x0]  }
0x7f: {  	v24 =	vmax.f32 v25, v24;
	v25 =	vmax.f32 v30, v21;
	v27 =	vmax.f32 v27, v28;
	v21 =	vld [tilespmem:s31+$0x10]  }
0x80: {  	v26 =	vmul.f32 v26, v5;
	v25 =	vmax.f32 v25, v22;
	v27 =	vmax.f32 v27, v29;
	v22 =	vld [tilespmem:s31+$0xFFFFFFE0]  }
0x81: {  	v20 =	vmax.f32 v24, v20;
	v24 =	vmax.f32 v25, v16;
	v27 =	vmul.f32 v27, v6;
	v16 =	vld [tilespmem:s31+$0xFFFFFFF0]  }
0x82: {  	v28 =	vld [tilespmem:s31+$0xFFFFFFC0]  }
0x83: {  	v15 =	vmax.f32 v20, v15;
	v24 =	vmul.f32 v24, v7;
	v20 =	vadd.f32 v27, v26;
	v29 =	vld [tilespmem:s31+$0xFFFFFFD0]  }
0x84: {  	v14 =	vmax.f32 v15, v14;
	v27 =	vld [tilespmem:s31+$0xFFFFFFA0]  }
0x85: {  	v14 =	vmul.f32 v14, v8;
	v15 =	vadd.f32 v24, v20;
	v30 =	vld [tilespmem:s31+$0xFFFFFFB0]  }
0x86: {  	v26 =	vld [tilespmem:s31+$0xFFFFFF80]  }
0x87: {  	s24 =	simm.s32 $0xFA80;
	v14 =	vadd.f32 v14, v15;
	v31 =	vld [tilespmem:s31+$0xFFFFFF90]  }
0x88: {  	v20 =	vld [tilespmem:s24+$0xFFFFFF80]  }
0x89: {  	v15 =	vperm.xlane v14, v0;
	v24 =	vld [tilespmem:s24+$0xFFFFFFA0]  }
0x8a: {  	v25 =	vld [tilespmem:s24+$0xFFFFFFE0]  }
0x8b: {  	v34 =	vld [tilespmem:s24+$0x0];
	v14 =	vadd.f32 v15, v14  }
0x8c: {  	v15 =	vld [tilespmem:s24+$0xFFFFFFC0]  }
0x8d: {  	v35 =	vld [tilespmem:s24+$0x20];
	v57 =	vperm.xlane v14, v1  }
0x8e: {  	v33 =	vimm.f32 $-Inf;
	v36 =	vld [tilespmem:s24+$0xFFFFFF90]  }
0x8f: {  	v58 =	vld [tilespmem:s24+$0x40];
	v20 =	vmax.f32 v33, v20;
	v14 =	vadd.f32 v57, v14  }
0x90: {  	v37 =	vld [tilespmem:s24+$0xFFFFFFB0];
	v20 =	vmax.f32 v20, v24  }
0x91: {  	v15 =	vmax.f32 v20, v15;
	v20 =	vld [tilespmem:s24+$0x60];
	v24 =	vperm.xlane v14, v2  }
0x92: {  	v59 =	vld [tilespmem:s24+$0xFFFFFFD0];
	v15 =	vmax.f32 v15, v25  }
0x93: {  	v60 =	vmax.f32 v33, v36;
	v15 =	vmax.f32 v15, v34;
	v14 =	vadd.f32 v24, v14;
	v24 =	vld [tilespmem:s24+$0xFFFFFFF0]  }
0x94: {  	v61 =	vmax.f32 v33, v26;
	v31 =	vmax.f32 v33, v31;
	v25 =	vld [tilespmem:s24+$0x10];
	v15 =	vmax.f32 v15, v35  }
0x95: {  	v26 =	vld [tilespmem:s24+$0x30];
	v62 =	vmax.f32 v61, v27;
	v63 =	vmax.f32 v31, v30;
	v32 =	vmax.f32 v15, v58  }
0x96: {  	v27 =	vld [tilespmem:s24+$0x50];
	v30 =	vmax.f32 v62, v28;
	v20 =	vmax.f32 v32, v20;
	v32 =	vmax.f32 v60, v37  }
0x97: {  	s26 =	simm.s32 $0x11480;
	s25 =	simm.s32 $0x0;
	v29 =	vmax.f32 v63, v29;
	v28 =	vld [tilespmem:s24+$0x70];
	v15 =	vperm.xlane v14, v3;
	v31 =	vmax.f32 v32, v59  }
.LBB2_5:
0x98: {  	v32 =	vld [tilespmem:s26+$0x60];
	v24 =	vmax.f32 v31, v24;
	v22 =	vmax.f32 v30, v22;
	v16 =	vmax.f32 v29, v16  }
0x99: {  	v29 =	vld [tilespmem:s26+$0x70];
	v24 =	vmax.f32 v24, v25;
	v22 =	vmax.f32 v22, v23;
	v16 =	vmax.f32 v16, v21  }
0x9a: {  	v25 =	vld [tilespmem:s26+$0x40];
	v21 =	vmax.f32 v24, v26;
	v17 =	vmax.f32 v22, v17;
	v16 =	vmax.f32 v16, v19  }
0x9b: {  	v19 =	vmax.f32 v21, v27;
	v18 =	vmax.f32 v17, v18;
	v16 =	vmax.f32 v16, v13;
	v13 =	vld [tilespmem:s26+$0x50]  }
0x9c: {  	v17 =	vld [tilespmem:s26+$0x20];
	v26 =	vmax.f32 v19, v28;
	v27 =	vmax.f32 v18, v12;
	v28 =	vmax.f32 v16, v11  }
0x9d: {  	v19 =	vld [tilespmem:s26+$0x30];
	v12 =	vmov v32  }
0x9e: {  	v23 =	vld [tilespmem:s26+$0x0];
	v11 =	vmov v29  }
0x9f: {  	v21 =	vld [tilespmem:s26+$0x10];
	v18 =	vmov v25  }
0xa0: {  	v22 =	vld [tilespmem:s26+$0xFFFFFFE0]  }
0xa1: {  	v16 =	vld [tilespmem:s26+$0xFFFFFFF0]  }
0xa2: {  	v29 =	vld [tilespmem:s26+$0xFFFFFFC0]  }
0xa3: {  	v32 =	vld [tilespmem:s26+$0xFFFFFFD0]  }
0xa4: {  	v30 =	vld [tilespmem:s26+$0xFFFFFFA0]  }
0xa5: {  	v31 =	vld [tilespmem:s26+$0xFFFFFFB0]  }
0xa6: {  	v33 =	vld [tilespmem:s26+$0xFFFFFF80]  }
0xa7: {  	s24 =	sadd.s32 $0x100, s24;
	v34 =	vld [tilespmem:s26+$0xFFFFFF90]  }
0xa8: {  	v24 =	vld [tilespmem:s24+$0xFFFFFF80]  }
0xa9: {  	v25 =	vld [tilespmem:s24+$0xFFFFFFA0]  }
0xaa: {  	v35 =	vld [tilespmem:s24+$0xFFFFFFC0]  }
0xab: {  	v36 =	vld [tilespmem:s24+$0xFFFFFFE0]  }
0xac: {  	v37 =	vld [tilespmem:s24+$0x0]  }
0xad: {  	v20 =	vmax.f32 v20, v24;
	v24 =	vld [tilespmem:s24+$0x20]  }
0xae: {  	v20 =	vmax.f32 v20, v25;
	v25 =	vld [tilespmem:s24+$0x40]  }
0xaf: {  	v20 =	vmax.f32 v20, v35;
	v35 =	vld [tilespmem:s24+$0x60]  }
0xb0: {  	s25 =	sadd.s32 $0x8, s25;
	v38 =	vld [tilespmem:s24+$0xFFFFFF90];
	v20 =	vmax.f32 v20, v36  }
0xb1: {  	p0 =	slt.u32 s25, $0xC0;
	v36 =	vld [tilespmem:s24+$0xFFFFFFB0];
	v20 =	vmax.f32 v20, v37  }
0xb2: {  	v37 =	vld [tilespmem:s24+$0xFFFFFFD0];
	v20 =	vmax.f32 v20, v24  }
.Ltmp1:
0xb3: {  	v24 =	vld [tilespmem:s24+$0xFFFFFFF0];
	v20 =	vmax.f32 v20, v25;
	(pc) =	sbr.rel @p0 .LBB2_5-.Ltmp1, $4  }
0xb4: {  	v25 =	vld [tilespmem:s24+$0x10];
	v20 =	vmax.f32 v20, v35  }
0xb5: {  	v27 =	vmax.f32 v27, v33;
	v28 =	vmax.f32 v28, v34;
	v35 =	vmax.f32 v26, v38;
	v26 =	vld [tilespmem:s24+$0x30]  }
0xb6: {  	v30 =	vmax.f32 v27, v30;
	v28 =	vmax.f32 v28, v31;
	v33 =	vmax.f32 v35, v36;
	v27 =	vld [tilespmem:s24+$0x50]  }
0xb7: {  	s26 =	sadd.s32 $0x100, s26;
	v30 =	vmax.f32 v30, v29;
	v29 =	vmax.f32 v28, v32;
	v31 =	vmax.f32 v33, v37;
	v28 =	vld [tilespmem:s24+$0x70]  }
0xb8: {  	v24 =	vmax.f32 v31, v24  }
0xb9: {  	v24 =	vmax.f32 v24, v25  }
0xba: {  	v22 =	vmax.f32 v30, v22;
	v24 =	vmax.f32 v24, v26  }
0xbb: {  	v16 =	vmax.f32 v29, v16;
	v22 =	vmax.f32 v22, v23;
	v56 =	vmax.f32 v24, v27  }
0xbc: {  	v58 =	vmul.f32 v20, v5;
	v17 =	vmax.f32 v22, v17;
	v57 =	vmax.f32 v56, v28  }
0xbd: {  	v16 =	vmax.f32 v16, v21;
	v17 =	vmax.f32 v17, v18;
	v59 =	vmul.f32 v57, v6  }
0xbe: {  	v16 =	vmax.f32 v16, v19;
	v12 =	vmax.f32 v17, v12  }
0xbf: {  	v13 =	vmax.f32 v16, v13;
	v12 =	vmul.f32 v12, v7;
	v60 =	vadd.f32 v59, v58  }
0xc0: {  	v11 =	vmax.f32 v13, v11  }
0xc1: {  	v11 =	vmul.f32 v11, v8;
	v12 =	vadd.f32 v12, v60;
	_ =	sdelay $0x1  }
0xc2: {  	v11 =	vadd.f32 v11, v12;
	_ =	sdelay $0x1  }
0xc3: {  	v12 =	vperm.xlane v11, v0;
	_ =	sdelay $0x1  }
0xc4: {  	v11 =	vadd.f32 v12, v11;
	_ =	sdelay $0x1  }
0xc5: {  	v12 =	vperm.xlane v11, v1;
	_ =	sdelay $0x1  }
0xc6: {  	v11 =	vadd.f32 v12, v11;
	_ =	sdelay $0x1  }
0xc7: {  	v12 =	vperm.xlane v11, v2;
	_ =	sdelay $0x1  }
0xc8: {  	v11 =	vadd.f32 v12, v11;
	_ =	sdelay $0x1  }
0xc9: {  	s24 =	sand.u32 $0xE, s23;
	v12 =	vperm.xlane v11, v3  }
0xca: {  	v61 =	vadd.f32 v15, v14;
	s22 =	sand.u32 $0xF, s22;
	v62 =	vmov s24  }
0xcb: {  	v63 =	vmov s22;
	vm0 =	veq.s32 v62, v4;
	v11 =	vadd.f32 v12, v11  }
0xcc: {  	vm15 =	veq.s32 v63, v4;
	v10 =	vsel vm0, v61, v10  }
0xcd: {  	p0 =	sne.s32 s22, $0xF;
	v10 =	vsel vm15, v11, v10  }
0xce: {  	v11 =	vadd.f32 @!p0 v10, v9;
	_ =	sdelay $0x1  }
0xcf: {  	v11 =	vsub.f32 @!p0 $0.0e+00, v11;
	_ =	sdelay $0x1  }
0xd0: {  	v11 =	vmul.f32 @!p0 $1.442695020e+00, v11;
	_ =	sdelay $0x1  }
0xd1: {  	(erf) = vpow2.f32 @!p0 v11;
	_ =	sdelay $0x8  }
0xd2: {  	v11 =	vpop @!p0 (erf)  }
0xd3: {  	v11 =	vadd.f32 @!p0 $1.000000000e+00, v11;
	_ =	sdelay $0x1  }
0xd4: {  	(erf) = vrcp.f32 @!p0 v11;
	_ =	sdelay $0x3  }
0xd5: {  	s21 =	sadd.s32 $0x1, s21  }
0xd6: {  	p1 =	sne.s32 s21, $0x40  }
.Ltmp2:
0xd7: {  	_ = 	snop;
	(pc) =	sbr.rel @p1 .LBB2_2-.Ltmp2, $3  }
0xd8: {  	_ =	sdelay $0x1  }
0xd9: {  	s22 =	sand.u32 @!p0 $0x70, s23;
	v11 =	vpop @!p0 (erf)  }
0xda: {  	[tilespmem:s22+$0x12C50] =	vst @!p0 v11  }
0xdb: {  	_ =	swait.ge [sflag:s17], $0x1900  }
0xdc: {  	[sflag:s17] =	ssyncset.done $0x0  }
0xdd: {  	[sflag:s17] =	ssyncadd.s32 $0xFFFFE700  }
0xde: {  	s20 =	sadd.s32 $0x1, s20;
	_ =	swait.ge [sflag:s17], $0x1900  }
0xdf: {  	p0 =	sne.s32 s20, s8;
	[sflag:s17] =	ssyncset.done $0x0  }
.Ltmp3:
0xe0: {  	[sflag:s17] =	ssyncadd.s32 $0xFFFFE700;
	(pc) =	sbr.rel @p0 .LBB2_1-.Ltmp3, $4  }
0xe1: {  	[hbm4b:s7+s2] =	stream.linear.scatter [tilespmem:s19], [sflag:$0x3], $0x80, $0x38;
	[tilespmem:$0x12CD0] =	vst v63  }
0xe2: {  	_ =	swait.ge [sflag:s9], $0x80  }
0xe3: {  	[sflag:s9] =	ssyncset.done $0x0  }
0xe4: {  	[sflag:s9] =	ssyncadd.s32 $0xFFFFFF80  }
0xe5: {  	_ =	sfence.sel $0x180000  }
0xe6: {  	[bflag:$0x0] =	sbarrier.arrive $0xFFFF  }
0xe7: {  	p0 =	sne.s32 s0, $0x0;
	_ =	strace $0x9000004A  }
0xe8: {  	s0 =	sadd.s32 @!p0 $0x100000, s1;
	[bflag:$0x2] =	sbarrier.arrive $0xFFFF  }
0xe9: {  	[sflag:s0] =	ssyncadd.tile.s32 @!p0 $0x1;
	_ =	shalt  }
.Lfunc_end2:
_tile_overlayer_lowered:
.L_overlay_start_2:
0xea: {  	(tag) =	ssettag $0x2  }
0xeb: {  	s0 =	rddreg [dreg:$0x0];
	s2 =	stileid.u32  }
0xec: {  	s1 =	rddreg [dreg:$0x1];
	p0 =	sne.s32 s2, $0x0  }
0xed: {  	s3 =	rddreg [dreg:$0x2];
	[bflag:$0x3] =	sbarrier.arrive $0xFFFF;
	s2 =	simm.s32 @!p0 $0x1C03  }
0xee: {  	[timem:s3], [sflag:s2] =	dma.local @!p0 [hbm:s0], s1  }
0xef: {  	s0 =	simm.s32 @!p0 $0x3  }
0xf0: {  	_ =	swait.ge @!p0 [sflag:s0], s1  }
0xf1: {  	s1 =	ssub.s32 @!p0 $0x0, s1;
	[sflag:s0] =	ssyncset.done @!p0 $0x0  }
0xf2: {  	[sflag:s0] =	ssyncadd.s32 @!p0 s1  }
0xf3: {  	[bflag:$0x3] =	sbarrier.arrive $0xFFFF  }
0xf4: {  	_ =	shalt  }

</sc_bundles>
